<compile_context>
chip_gen: v7x
topology: tpu7x:2x2x1
jax: 0.10.2.dev20260603
libtpu: 0.0.44.dev20260713+nightly
codegen_flags: <defaults>
</compile_context>

<pallas_src>
import functools

import jax
import jax.numpy as jnp
from jax import lax
from jax.experimental import pallas as pl
from jax.experimental.pallas import tpu as pltpu
from jax.experimental.pallas import tpu_sc as plsc

_NUM_EXPERTS = 64
_TOP_K = 2
_HIDDEN = 4096
_BT = 1024
_N_TOKENS = 32768
_NW = 32
_TPW = _N_TOKENS // 2 // _NW
_L = 16


def _matmul_body(x_ref, w_ref, lg_ref):
    lg_ref[...] = jax.lax.dot_general(
        x_ref[...], w_ref[...],
        dimension_numbers=(((1,), (1,)), ((), ())),
        preferred_element_type=jnp.float32,
        precision=jax.lax.Precision.DEFAULT,
    )


def _tc_logits(input, weight, n_tokens, block_offset):
    nb = n_tokens // _BT
    return pl.pallas_call(
        _matmul_body,
        grid=(nb,),
        in_specs=[
            pl.BlockSpec((_BT, _HIDDEN), lambda i: (i + block_offset, 0)),
            pl.BlockSpec((_NUM_EXPERTS, _HIDDEN), lambda i: (0, 0)),
        ],
        out_specs=pl.BlockSpec((_BT, _NUM_EXPERTS), lambda i: (i, 0)),
        out_shape=jax.ShapeDtypeStruct((n_tokens, _NUM_EXPERTS), jnp.float32),
        compiler_params=pltpu.CompilerParams(
            dimension_semantics=("arbitrary",),
            vmem_limit_bytes=60 * 1024 * 1024,
        ),
    )(input, weight)


@functools.partial(
    pl.kernel,
    mesh=plsc.VectorSubcoreMesh(core_axis_name="c", subcore_axis_name="s"),
    out_type=[
        jax.ShapeDtypeStruct((_N_TOKENS // 2 * _TOP_K,), jnp.float32),
        jax.ShapeDtypeStruct((_N_TOKENS // 2 * _TOP_K,), jnp.int32),
    ],
    scratch_types=[
        pltpu.VMEM((_TPW * _NUM_EXPERTS,), jnp.float32),
        pltpu.VMEM((_TPW * _TOP_K,), jnp.float32),
        pltpu.VMEM((_TPW * _TOP_K,), jnp.int32),
    ],
    compiler_params=pltpu.CompilerParams(needs_layout_passes=False),
)
def _sc_route_half(lg_hbm, tp_hbm, ti_hbm, slab, tp_buf, ti_buf):
    wid = lax.axis_index("s") * 2 + lax.axis_index("c")
    base = wid * _TPW
    pltpu.sync_copy(lg_hbm.at[pl.ds(base * _NUM_EXPERTS, _TPW * _NUM_EXPERTS)],
                    slab)

    lanes = lax.iota(jnp.int32, _L)
    neg_inf = jnp.full((_L,), -jnp.inf, jnp.float32)
    zero_i = jnp.zeros((_L,), jnp.int32)

    def group(g, carry):
        tok0 = (g * _L + lanes) * _NUM_EXPERTS
        rows = g * _L + lanes
        m1, i1, m2, i2 = neg_inf, zero_i, neg_inf, zero_i
        for e in range(_NUM_EXPERTS):
            v = plsc.load_gather(slab, [tok0 + e])
            gt1 = v > m1
            gt2 = v > m2
            e_vec = jnp.full((_L,), e, jnp.int32)
            i2 = jnp.where(gt1, i1, jnp.where(gt2, e_vec, i2))
            m2 = jnp.where(gt1, m1, jnp.where(gt2, v, m2))
            i1 = jnp.where(gt1, e_vec, i1)
            m1 = jnp.where(gt1, v, m1)
        z = jnp.zeros((_L,), jnp.float32)
        for e in range(_NUM_EXPERTS):
            v = plsc.load_gather(slab, [tok0 + e])
            z = z + jnp.exp(v - m1)
        p1 = jnp.exp(m1 - m1) / z
        p2 = jnp.exp(m2 - m1) / z
        out0 = (g * _L + lanes) * _TOP_K
        plsc.store_scatter(tp_buf, [out0], p1)
        plsc.store_scatter(tp_buf, [out0 + 1], p2)
        plsc.store_scatter(ti_buf, [out0], i1)
        plsc.store_scatter(ti_buf, [out0 + 1], i2)
        return carry

    lax.fori_loop(0, _TPW // _L, group, jnp.int32(0))

    pltpu.sync_copy(tp_buf, tp_hbm.at[pl.ds(base * _TOP_K, _TPW * _TOP_K)])
    pltpu.sync_copy(ti_buf, ti_hbm.at[pl.ds(base * _TOP_K, _TPW * _TOP_K)])


@jax.jit
def kernel(input, weight):
    half = _N_TOKENS // 2
    lg0 = _tc_logits(input, weight, half, 0)
    lg1 = _tc_logits(input, weight, half, half // _BT)
    tp0, ti0 = _sc_route_half(lg0.reshape(-1))
    tp1, ti1 = _sc_route_half(lg1.reshape(-1))
    lg = jnp.concatenate([lg0, lg1], axis=0)
    tp = jnp.concatenate([tp0, tp1], axis=0).reshape(half * 2, _TOP_K)
    ti = jnp.concatenate([ti0, ti1], axis=0).reshape(half * 2, _TOP_K)
    return tp, ti, lg

# --- scband reference (transcript-rebuilt; emitter-appended) ---
"""Pipeline reference for scband-router-944892805465 (READ-ONLY COPY).

The authoritative reference and input builder live on the scoring server;
editing this copy changes nothing except your own understanding.
"""

import jax, jax.numpy as jnp
import numpy as np

HIDDEN_DIM = 4096
NUM_EXPERTS = 64
TOP_K = 2
NUM_TOKENS = 32768  # batch=4 * seq_len=8192


def _xavier_normal(key, shape):
    fan_out, fan_in = shape
    std = np.sqrt(2.0 / (fan_in + fan_out))
    return jax.random.normal(key, shape, dtype=jnp.float32) * std


def setup_inputs(seed: int = 0) -> dict:
    key = jax.random.key(seed)
    k_x, k_w = jax.random.split(key)
    x = jax.random.normal(k_x, (NUM_TOKENS, HIDDEN_DIM), dtype=jnp.float32)
    weight = _xavier_normal(k_w, (NUM_EXPERTS, HIDDEN_DIM))
    return {"input": x, "weight": weight}


def reference(input, weight):
    # gating: logits = F.linear(input, weight) -> input @ weight.T
    logits = jnp.dot(input, weight.T)
    # routing: top-k softmax routing (standard concrete Router.routing/forward)
    probs = jax.nn.softmax(logits.astype(jnp.float32), axis=-1)
    top_probs, top_indices = jax.lax.top_k(probs, TOP_K)
    return top_probs, top_indices, logits

if __name__ == "__main__":
    import jax
    _d = setup_inputs()
    print(jax.jit(kernel)(*tuple(_d.values())))

</pallas_src>

<mosaic_0001>
#map = affine_map<(d0, d1) -> (0)>
module attributes {stable_mosaic.version = 14 : i64} {
  func.func @_sc_route_half(%arg0: i32, %arg1: i32, %arg2: memref<1048576xf32, #tpu.memory_space<hbm>>, %arg3: memref<32768xf32, #tpu.memory_space<hbm>>, %arg4: memref<32768xi32, #tpu.memory_space<hbm>>, %arg5: memref<32768xf32, #tpu.memory_space<vmem>>, %arg6: memref<1024xf32, #tpu.memory_space<vmem>>, %arg7: memref<1024xi32, #tpu.memory_space<vmem>>) attributes {dimension_semantics = [#tpu.dimension_semantics<core_parallel>, #tpu.dimension_semantics<subcore_parallel>], iteration_bounds = array<i64: 2, 16>, scalar_prefetch = 0 : i64, scratch_operands = 3 : i64, tpu.core_type = #tpu.core_type<sc_vector_subcore>, window_params = [{transform_indices = #map}, {transform_indices = #map}, {transform_indices = #map}]} {
    %mul3A = arith.constant 2 : i32
    %mul3A_0 = arith.muli %arg1, %mul3A : i32
    %add3A = arith.addi %mul3A_0, %arg0 : i32
    %mul3A_1 = arith.constant 512 : i32
    %mul3A_2 = arith.muli %add3A, %mul3A_1 : i32
    %mul3A_3 = arith.constant 64 : i32
    %mul3A_4 = arith.muli %mul3A_2, %mul3A_3 : i32
    "tpu.region"() ({
      %run_scoped3A = tpu.sem_alloc : memref<!tpu.dma_semaphore, #tpu.memory_space<semaphore_mem>>
      %dma_start3A = tpu.memref_slice %arg2[%mul3A_4] : memref<1048576xf32, #tpu.memory_space<hbm>> -> memref<32768xf32, #tpu.memory_space<hbm>>
      %dma_start3A_17 = tpu.memref_slice %arg2[%mul3A_4] : memref<1048576xf32, #tpu.memory_space<hbm>> -> memref<32768xf32, #tpu.memory_space<hbm>>
      tpu.enqueue_dma source(%dma_start3A_17 : memref<32768xf32, #tpu.memory_space<hbm>>) target(%arg5 : memref<32768xf32, #tpu.memory_space<vmem>>) target_semaphore(%run_scoped3A : memref<!tpu.dma_semaphore, #tpu.memory_space<semaphore_mem>>)
      %dma_wait3A = tpu.memref_slice %arg2[%mul3A_4] : memref<1048576xf32, #tpu.memory_space<hbm>> -> memref<32768xf32, #tpu.memory_space<hbm>>
      %dma_wait3A_18 = tpu.memref_slice %arg2[%mul3A_4] : memref<1048576xf32, #tpu.memory_space<hbm>> -> memref<32768xf32, #tpu.memory_space<hbm>>
      tpu.wait_dma2 semaphore(%run_scoped3A : memref<!tpu.dma_semaphore, #tpu.memory_space<semaphore_mem>>) src(%dma_wait3A_18 : memref<32768xf32, #tpu.memory_space<hbm>>) dst(%arg5 : memref<32768xf32, #tpu.memory_space<vmem>>)
      tpu.yield
    }) : () -> ()
    %iota3A = tpu.iota {dimensions = array<i32: 0>} : vector<16xi32>
    %broadcast_in_dim3A = arith.constant 0xFF800000 : f32
    %broadcast_in_dim3A_5 = vector.broadcast %broadcast_in_dim3A : f32 to vector<16xf32>
    %broadcast_in_dim3A_6 = arith.constant 0 : i32
    %broadcast_in_dim3A_7 = vector.broadcast %broadcast_in_dim3A_6 : i32 to vector<16xi32>
    %scan3A = arith.constant 0 : i32
    %scan3A_8 = arith.constant 0 : i32
    %scan3A_9 = arith.constant 32 : i32
    %scan3A_10 = arith.addi %scan3A_8, %scan3A_9 : i32
    %scan3A_11 = arith.constant 1 : i32
    scf.for %scan3A_17 = %scan3A_8 to %scan3A_10 step %scan3A_11  : i32 {
      %mul3A_18 = arith.constant 16 : i32
      %mul3A_19 = arith.muli %scan3A_17, %mul3A_18 : i32
      %add3A_20 = vector.broadcast %mul3A_19 : i32 to vector<16xi32>
      %add3A_21 = arith.addi %add3A_20, %iota3A : vector<16xi32>
      %mul3A_22 = arith.constant 64 : i32
      %mul3A_23 = vector.broadcast %mul3A_22 : i32 to vector<16xi32>
      %mul3A_24 = arith.muli %add3A_21, %mul3A_23 : vector<16xi32>
      %mul3A_25 = arith.constant 16 : i32
      %mul3A_26 = arith.muli %scan3A_17, %mul3A_25 : i32
      %add3A_27 = vector.broadcast %mul3A_26 : i32 to vector<16xi32>
      %add3A_28 = arith.addi %add3A_27, %iota3A : vector<16xi32>
      %add3A_29 = arith.constant 0 : i32
      %add3A_30 = vector.broadcast %add3A_29 : i32 to vector<16xi32>
      %add3A_31 = arith.addi %mul3A_24, %add3A_30 : vector<16xi32>
      %gather3A = tpu.vector_load_idx %arg5[%add3A_31] : memref<32768xf32, #tpu.memory_space<vmem>>[vector<16xi32>], vector<16xf32>,
      %gt3A = arith.cmpf ogt, %gather3A, %broadcast_in_dim3A_5 : vector<16xf32>
      %gt3A_32 = arith.cmpf ogt, %gather3A, %broadcast_in_dim3A_5 : vector<16xf32>
      %broadcast_in_dim3A_33 = arith.constant 0 : i32
      %broadcast_in_dim3A_34 = vector.broadcast %broadcast_in_dim3A_33 : i32 to vector<16xi32>
      %select_n3A = arith.select %gt3A_32, %broadcast_in_dim3A_34, %broadcast_in_dim3A_7 : vector<16xi1>, vector<16xi32>
      %select_n3A_35 = arith.select %gt3A, %broadcast_in_dim3A_7, %select_n3A : vector<16xi1>, vector<16xi32>
      %select_n3A_36 = arith.select %gt3A_32, %gather3A, %broadcast_in_dim3A_5 : vector<16xi1>, vector<16xf32>
      %select_n3A_37 = arith.select %gt3A, %broadcast_in_dim3A_5, %select_n3A_36 : vector<16xi1>, vector<16xf32>
      %select_n3A_38 = arith.select %gt3A, %broadcast_in_dim3A_34, %broadcast_in_dim3A_7 : vector<16xi1>, vector<16xi32>
      %select_n3A_39 = arith.select %gt3A, %gather3A, %broadcast_in_dim3A_5 : vector<16xi1>, vector<16xf32>
      %add3A_40 = arith.constant 1 : i32
      %add3A_41 = vector.broadcast %add3A_40 : i32 to vector<16xi32>
      %add3A_42 = arith.addi %mul3A_24, %add3A_41 : vector<16xi32>
      %gather3A_43 = tpu.vector_load_idx %arg5[%add3A_42] : memref<32768xf32, #tpu.memory_space<vmem>>[vector<16xi32>], vector<16xf32>,
      %gt3A_44 = arith.cmpf ogt, %gather3A_43, %select_n3A_39 : vector<16xf32>
      %gt3A_45 = arith.cmpf ogt, %gather3A_43, %select_n3A_37 : vector<16xf32>
      %broadcast_in_dim3A_46 = arith.constant 1 : i32
      %broadcast_in_dim3A_47 = vector.broadcast %broadcast_in_dim3A_46 : i32 to vector<16xi32>
      %select_n3A_48 = arith.select %gt3A_45, %broadcast_in_dim3A_47, %select_n3A_35 : vector<16xi1>, vector<16xi32>
      %select_n3A_49 = arith.select %gt3A_44, %select_n3A_38, %select_n3A_48 : vector<16xi1>, vector<16xi32>
      %select_n3A_50 = arith.select %gt3A_45, %gather3A_43, %select_n3A_37 : vector<16xi1>, vector<16xf32>
      %select_n3A_51 = arith.select %gt3A_44, %select_n3A_39, %select_n3A_50 : vector<16xi1>, vector<16xf32>
      %select_n3A_52 = arith.select %gt3A_44, %broadcast_in_dim3A_47, %select_n3A_38 : vector<16xi1>, vector<16xi32>
      %select_n3A_53 = arith.select %gt3A_44, %gather3A_43, %select_n3A_39 : vector<16xi1>, vector<16xf32>
      %add3A_54 = arith.constant 2 : i32
      %add3A_55 = vector.broadcast %add3A_54 : i32 to vector<16xi32>
      %add3A_56 = arith.addi %mul3A_24, %add3A_55 : vector<16xi32>
      %gather3A_57 = tpu.vector_load_idx %arg5[%add3A_56] : memref<32768xf32, #tpu.memory_space<vmem>>[vector<16xi32>], vector<16xf32>,
      %gt3A_58 = arith.cmpf ogt, %gather3A_57, %select_n3A_53 : vector<16xf32>
      %gt3A_59 = arith.cmpf ogt, %gather3A_57, %select_n3A_51 : vector<16xf32>
      %broadcast_in_dim3A_60 = arith.constant 2 : i32
      %broadcast_in_dim3A_61 = vector.broadcast %broadcast_in_dim3A_60 : i32 to vector<16xi32>
      %select_n3A_62 = arith.select %gt3A_59, %broadcast_in_dim3A_61, %select_n3A_49 : vector<16xi1>, vector<16xi32>
      %select_n3A_63 = arith.select %gt3A_58, %select_n3A_52, %select_n3A_62 : vector<16xi1>, vector<16xi32>
      %select_n3A_64 = arith.select %gt3A_59, %gather3A_57, %select_n3A_51 : vector<16xi1>, vector<16xf32>
      %select_n3A_65 = arith.select %gt3A_58, %select_n3A_53, %select_n3A_64 : vector<16xi1>, vector<16xf32>
      %select_n3A_66 = arith.select %gt3A_58, %broadcast_in_dim3A_61, %select_n3A_52 : vector<16xi1>, vector<16xi32>
      %select_n3A_67 = arith.select %gt3A_58, %gather3A_57, %select_n3A_53 : vector<16xi1>, vector<16xf32>
      %add3A_68 = arith.constant 3 : i32
      %add3A_69 = vector.broadcast %add3A_68 : i32 to vector<16xi32>
      %add3A_70 = arith.addi %mul3A_24, %add3A_69 : vector<16xi32>
      %gather3A_71 = tpu.vector_load_idx %arg5[%add3A_70] : memref<32768xf32, #tpu.memory_space<vmem>>[vector<16xi32>], vector<16xf32>,
      %gt3A_72 = arith.cmpf ogt, %gather3A_71, %select_n3A_67 : vector<16xf32>
      %gt3A_73 = arith.cmpf ogt, %gather3A_71, %select_n3A_65 : vector<16xf32>
      %broadcast_in_dim3A_74 = arith.constant 3 : i32
      %broadcast_in_dim3A_75 = vector.broadcast %broadcast_in_dim3A_74 : i32 to vector<16xi32>
      %select_n3A_76 = arith.select %gt3A_73, %broadcast_in_dim3A_75, %select_n3A_63 : vector<16xi1>, vector<16xi32>
      %select_n3A_77 = arith.select %gt3A_72, %select_n3A_66, %select_n3A_76 : vector<16xi1>, vector<16xi32>
      %select_n3A_78 = arith.select %gt3A_73, %gather3A_71, %select_n3A_65 : vector<16xi1>, vector<16xf32>
      %select_n3A_79 = arith.select %gt3A_72, %select_n3A_67, %select_n3A_78 : vector<16xi1>, vector<16xf32>
      %select_n3A_80 = arith.select %gt3A_72, %broadcast_in_dim3A_75, %select_n3A_66 : vector<16xi1>, vector<16xi32>
      %select_n3A_81 = arith.select %gt3A_72, %gather3A_71, %select_n3A_67 : vector<16xi1>, vector<16xf32>
      %add3A_82 = arith.constant 4 : i32
      %add3A_83 = vector.broadcast %add3A_82 : i32 to vector<16xi32>
      %add3A_84 = arith.addi %mul3A_24, %add3A_83 : vector<16xi32>
      %gather3A_85 = tpu.vector_load_idx %arg5[%add3A_84] : memref<32768xf32, #tpu.memory_space<vmem>>[vector<16xi32>], vector<16xf32>,
      %gt3A_86 = arith.cmpf ogt, %gather3A_85, %select_n3A_81 : vector<16xf32>
      %gt3A_87 = arith.cmpf ogt, %gather3A_85, %select_n3A_79 : vector<16xf32>
      %broadcast_in_dim3A_88 = arith.constant 4 : i32
      %broadcast_in_dim3A_89 = vector.broadcast %broadcast_in_dim3A_88 : i32 to vector<16xi32>
      %select_n3A_90 = arith.select %gt3A_87, %broadcast_in_dim3A_89, %select_n3A_77 : vector<16xi1>, vector<16xi32>
      %select_n3A_91 = arith.select %gt3A_86, %select_n3A_80, %select_n3A_90 : vector<16xi1>, vector<16xi32>
      %select_n3A_92 = arith.select %gt3A_87, %gather3A_85, %select_n3A_79 : vector<16xi1>, vector<16xf32>
      %select_n3A_93 = arith.select %gt3A_86, %select_n3A_81, %select_n3A_92 : vector<16xi1>, vector<16xf32>
      %select_n3A_94 = arith.select %gt3A_86, %broadcast_in_dim3A_89, %select_n3A_80 : vector<16xi1>, vector<16xi32>
      %select_n3A_95 = arith.select %gt3A_86, %gather3A_85, %select_n3A_81 : vector<16xi1>, vector<16xf32>
      %add3A_96 = arith.constant 5 : i32
      %add3A_97 = vector.broadcast %add3A_96 : i32 to vector<16xi32>
      %add3A_98 = arith.addi %mul3A_24, %add3A_97 : vector<16xi32>
      %gather3A_99 = tpu.vector_load_idx %arg5[%add3A_98] : memref<32768xf32, #tpu.memory_space<vmem>>[vector<16xi32>], vector<16xf32>,
      %gt3A_100 = arith.cmpf ogt, %gather3A_99, %select_n3A_95 : vector<16xf32>
      %gt3A_101 = arith.cmpf ogt, %gather3A_99, %select_n3A_93 : vector<16xf32>
      %broadcast_in_dim3A_102 = arith.constant 5 : i32
      %broadcast_in_dim3A_103 = vector.broadcast %broadcast_in_dim3A_102 : i32 to vector<16xi32>
      %select_n3A_104 = arith.select %gt3A_101, %broadcast_in_dim3A_103, %select_n3A_91 : vector<16xi1>, vector<16xi32>
      %select_n3A_105 = arith.select %gt3A_100, %select_n3A_94, %select_n3A_104 : vector<16xi1>, vector<16xi32>
      %select_n3A_106 = arith.select %gt3A_101, %gather3A_99, %select_n3A_93 : vector<16xi1>, vector<16xf32>
      %select_n3A_107 = arith.select %gt3A_100, %select_n3A_95, %select_n3A_106 : vector<16xi1>, vector<16xf32>
      %select_n3A_108 = arith.select %gt3A_100, %broadcast_in_dim3A_103, %select_n3A_94 : vector<16xi1>, vector<16xi32>
      %select_n3A_109 = arith.select %gt3A_100, %gather3A_99, %select_n3A_95 : vector<16xi1>, vector<16xf32>
      %add3A_110 = arith.constant 6 : i32
      %add3A_111 = vector.broadcast %add3A_110 : i32 to vector<16xi32>
      %add3A_112 = arith.addi %mul3A_24, %add3A_111 : vector<16xi32>
      %gather3A_113 = tpu.vector_load_idx %arg5[%add3A_112] : memref<32768xf32, #tpu.memory_space<vmem>>[vector<16xi32>], vector<16xf32>,
      %gt3A_114 = arith.cmpf ogt, %gather3A_113, %select_n3A_109 : vector<16xf32>
      %gt3A_115 = arith.cmpf ogt, %gather3A_113, %select_n3A_107 : vector<16xf32>
      %broadcast_in_dim3A_116 = arith.constant 6 : i32
      %broadcast_in_dim3A_117 = vector.broadcast %broadcast_in_dim3A_116 : i32 to vector<16xi32>
      %select_n3A_118 = arith.select %gt3A_115, %broadcast_in_dim3A_117, %select_n3A_105 : vector<16xi1>, vector<16xi32>
      %select_n3A_119 = arith.select %gt3A_114, %select_n3A_108, %select_n3A_118 : vector<16xi1>, vector<16xi32>
      %select_n3A_120 = arith.select %gt3A_115, %gather3A_113, %select_n3A_107 : vector<16xi1>, vector<16xf32>
      %select_n3A_121 = arith.select %gt3A_114, %select_n3A_109, %select_n3A_120 : vector<16xi1>, vector<16xf32>
      %select_n3A_122 = arith.select %gt3A_114, %broadcast_in_dim3A_117, %select_n3A_108 : vector<16xi1>, vector<16xi32>
      %select_n3A_123 = arith.select %gt3A_114, %gather3A_113, %select_n3A_109 : vector<16xi1>, vector<16xf32>
      %add3A_124 = arith.constant 7 : i32
      %add3A_125 = vector.broadcast %add3A_124 : i32 to vector<16xi32>
      %add3A_126 = arith.addi %mul3A_24, %add3A_125 : vector<16xi32>
      %gather3A_127 = tpu.vector_load_idx %arg5[%add3A_126] : memref<32768xf32, #tpu.memory_space<vmem>>[vector<16xi32>], vector<16xf32>,
      %gt3A_128 = arith.cmpf ogt, %gather3A_127, %select_n3A_123 : vector<16xf32>
      %gt3A_129 = arith.cmpf ogt, %gather3A_127, %select_n3A_121 : vector<16xf32>
      %broadcast_in_dim3A_130 = arith.constant 7 : i32
      %broadcast_in_dim3A_131 = vector.broadcast %broadcast_in_dim3A_130 : i32 to vector<16xi32>
      %select_n3A_132 = arith.select %gt3A_129, %broadcast_in_dim3A_131, %select_n3A_119 : vector<16xi1>, vector<16xi32>
      %select_n3A_133 = arith.select %gt3A_128, %select_n3A_122, %select_n3A_132 : vector<16xi1>, vector<16xi32>
      %select_n3A_134 = arith.select %gt3A_129, %gather3A_127, %select_n3A_121 : vector<16xi1>, vector<16xf32>
      %select_n3A_135 = arith.select %gt3A_128, %select_n3A_123, %select_n3A_134 : vector<16xi1>, vector<16xf32>
      %select_n3A_136 = arith.select %gt3A_128, %broadcast_in_dim3A_131, %select_n3A_122 : vector<16xi1>, vector<16xi32>
      %select_n3A_137 = arith.select %gt3A_128, %gather3A_127, %select_n3A_123 : vector<16xi1>, vector<16xf32>
      %add3A_138 = arith.constant 8 : i32
      %add3A_139 = vector.broadcast %add3A_138 : i32 to vector<16xi32>
      %add3A_140 = arith.addi %mul3A_24, %add3A_139 : vector<16xi32>
      %gather3A_141 = tpu.vector_load_idx %arg5[%add3A_140] : memref<32768xf32, #tpu.memory_space<vmem>>[vector<16xi32>], vector<16xf32>,
      %gt3A_142 = arith.cmpf ogt, %gather3A_141, %select_n3A_137 : vector<16xf32>
      %gt3A_143 = arith.cmpf ogt, %gather3A_141, %select_n3A_135 : vector<16xf32>
      %broadcast_in_dim3A_144 = arith.constant 8 : i32
      %broadcast_in_dim3A_145 = vector.broadcast %broadcast_in_dim3A_144 : i32 to vector<16xi32>
      %select_n3A_146 = arith.select %gt3A_143, %broadcast_in_dim3A_145, %select_n3A_133 : vector<16xi1>, vector<16xi32>
      %select_n3A_147 = arith.select %gt3A_142, %select_n3A_136, %select_n3A_146 : vector<16xi1>, vector<16xi32>
      %select_n3A_148 = arith.select %gt3A_143, %gather3A_141, %select_n3A_135 : vector<16xi1>, vector<16xf32>
      %select_n3A_149 = arith.select %gt3A_142, %select_n3A_137, %select_n3A_148 : vector<16xi1>, vector<16xf32>
      %select_n3A_150 = arith.select %gt3A_142, %broadcast_in_dim3A_145, %select_n3A_136 : vector<16xi1>, vector<16xi32>
      %select_n3A_151 = arith.select %gt3A_142, %gather3A_141, %select_n3A_137 : vector<16xi1>, vector<16xf32>
      %add3A_152 = arith.constant 9 : i32
      %add3A_153 = vector.broadcast %add3A_152 : i32 to vector<16xi32>
      %add3A_154 = arith.addi %mul3A_24, %add3A_153 : vector<16xi32>
      %gather3A_155 = tpu.vector_load_idx %arg5[%add3A_154] : memref<32768xf32, #tpu.memory_space<vmem>>[vector<16xi32>], vector<16xf32>,
      %gt3A_156 = arith.cmpf ogt, %gather3A_155, %select_n3A_151 : vector<16xf32>
      %gt3A_157 = arith.cmpf ogt, %gather3A_155, %select_n3A_149 : vector<16xf32>
      %broadcast_in_dim3A_158 = arith.constant 9 : i32
      %broadcast_in_dim3A_159 = vector.broadcast %broadcast_in_dim3A_158 : i32 to vector<16xi32>
      %select_n3A_160 = arith.select %gt3A_157, %broadcast_in_dim3A_159, %select_n3A_147 : vector<16xi1>, vector<16xi32>
      %select_n3A_161 = arith.select %gt3A_156, %select_n3A_150, %select_n3A_160 : vector<16xi1>, vector<16xi32>
      %select_n3A_162 = arith.select %gt3A_157, %gather3A_155, %select_n3A_149 : vector<16xi1>, vector<16xf32>
      %select_n3A_163 = arith.select %gt3A_156, %select_n3A_151, %select_n3A_162 : vector<16xi1>, vector<16xf32>
      %select_n3A_164 = arith.select %gt3A_156, %broadcast_in_dim3A_159, %select_n3A_150 : vector<16xi1>, vector<16xi32>
      %select_n3A_165 = arith.select %gt3A_156, %gather3A_155, %select_n3A_151 : vector<16xi1>, vector<16xf32>
      %add3A_166 = arith.constant 10 : i32
      %add3A_167 = vector.broadcast %add3A_166 : i32 to vector<16xi32>
      %add3A_168 = arith.addi %mul3A_24, %add3A_167 : vector<16xi32>
      %gather3A_169 = tpu.vector_load_idx %arg5[%add3A_168] : memref<32768xf32, #tpu.memory_space<vmem>>[vector<16xi32>], vector<16xf32>,
      %gt3A_170 = arith.cmpf ogt, %gather3A_169, %select_n3A_165 : vector<16xf32>
      %gt3A_171 = arith.cmpf ogt, %gather3A_169, %select_n3A_163 : vector<16xf32>
      %broadcast_in_dim3A_172 = arith.constant 10 : i32
      %broadcast_in_dim3A_173 = vector.broadcast %broadcast_in_dim3A_172 : i32 to vector<16xi32>
      %select_n3A_174 = arith.select %gt3A_171, %broadcast_in_dim3A_173, %select_n3A_161 : vector<16xi1>, vector<16xi32>
      %select_n3A_175 = arith.select %gt3A_170, %select_n3A_164, %select_n3A_174 : vector<16xi1>, vector<16xi32>
      %select_n3A_176 = arith.select %gt3A_171, %gather3A_169, %select_n3A_163 : vector<16xi1>, vector<16xf32>
      %select_n3A_177 = arith.select %gt3A_170, %select_n3A_165, %select_n3A_176 : vector<16xi1>, vector<16xf32>
      %select_n3A_178 = arith.select %gt3A_170, %broadcast_in_dim3A_173, %select_n3A_164 : vector<16xi1>, vector<16xi32>
      %select_n3A_179 = arith.select %gt3A_170, %gather3A_169, %select_n3A_165 : vector<16xi1>, vector<16xf32>
      %add3A_180 = arith.constant 11 : i32
      %add3A_181 = vector.broadcast %add3A_180 : i32 to vector<16xi32>
      %add3A_182 = arith.addi %mul3A_24, %add3A_181 : vector<16xi32>
      %gather3A_183 = tpu.vector_load_idx %arg5[%add3A_182] : memref<32768xf32, #tpu.memory_space<vmem>>[vector<16xi32>], vector<16xf32>,
      %gt3A_184 = arith.cmpf ogt, %gather3A_183, %select_n3A_179 : vector<16xf32>
      %gt3A_185 = arith.cmpf ogt, %gather3A_183, %select_n3A_177 : vector<16xf32>
      %broadcast_in_dim3A_186 = arith.constant 11 : i32
      %broadcast_in_dim3A_187 = vector.broadcast %broadcast_in_dim3A_186 : i32 to vector<16xi32>
      %select_n3A_188 = arith.select %gt3A_185, %broadcast_in_dim3A_187, %select_n3A_175 : vector<16xi1>, vector<16xi32>
      %select_n3A_189 = arith.select %gt3A_184, %select_n3A_178, %select_n3A_188 : vector<16xi1>, vector<16xi32>
      %select_n3A_190 = arith.select %gt3A_185, %gather3A_183, %select_n3A_177 : vector<16xi1>, vector<16xf32>
      %select_n3A_191 = arith.select %gt3A_184, %select_n3A_179, %select_n3A_190 : vector<16xi1>, vector<16xf32>
      %select_n3A_192 = arith.select %gt3A_184, %broadcast_in_dim3A_187, %select_n3A_178 : vector<16xi1>, vector<16xi32>
      %select_n3A_193 = arith.select %gt3A_184, %gather3A_183, %select_n3A_179 : vector<16xi1>, vector<16xf32>
      %add3A_194 = arith.constant 12 : i32
      %add3A_195 = vector.broadcast %add3A_194 : i32 to vector<16xi32>
      %add3A_196 = arith.addi %mul3A_24, %add3A_195 : vector<16xi32>
      %gather3A_197 = tpu.vector_load_idx %arg5[%add3A_196] : memref<32768xf32, #tpu.memory_space<vmem>>[vector<16xi32>], vector<16xf32>,
      %gt3A_198 = arith.cmpf ogt, %gather3A_197, %select_n3A_193 : vector<16xf32>
      %gt3A_199 = arith.cmpf ogt, %gather3A_197, %select_n3A_191 : vector<16xf32>
      %broadcast_in_dim3A_200 = arith.constant 12 : i32
      %broadcast_in_dim3A_201 = vector.broadcast %broadcast_in_dim3A_200 : i32 to vector<16xi32>
      %select_n3A_202 = arith.select %gt3A_199, %broadcast_in_dim3A_201, %select_n3A_189 : vector<16xi1>, vector<16xi32>
      %select_n3A_203 = arith.select %gt3A_198, %select_n3A_192, %select_n3A_202 : vector<16xi1>, vector<16xi32>
      %select_n3A_204 = arith.select %gt3A_199, %gather3A_197, %select_n3A_191 : vector<16xi1>, vector<16xf32>
      %select_n3A_205 = arith.select %gt3A_198, %select_n3A_193, %select_n3A_204 : vector<16xi1>, vector<16xf32>
      %select_n3A_206 = arith.select %gt3A_198, %broadcast_in_dim3A_201, %select_n3A_192 : vector<16xi1>, vector<16xi32>
      %select_n3A_207 = arith.select %gt3A_198, %gather3A_197, %select_n3A_193 : vector<16xi1>, vector<16xf32>
      %add3A_208 = arith.constant 13 : i32
      %add3A_209 = vector.broadcast %add3A_208 : i32 to vector<16xi32>
      %add3A_210 = arith.addi %mul3A_24, %add3A_209 : vector<16xi32>
      %gather3A_211 = tpu.vector_load_idx %arg5[%add3A_210] : memref<32768xf32, #tpu.memory_space<vmem>>[vector<16xi32>], vector<16xf32>,
      %gt3A_212 = arith.cmpf ogt, %gather3A_211, %select_n3A_207 : vector<16xf32>
      %gt3A_213 = arith.cmpf ogt, %gather3A_211, %select_n3A_205 : vector<16xf32>
      %broadcast_in_dim3A_214 = arith.constant 13 : i32
      %broadcast_in_dim3A_215 = vector.broadcast %broadcast_in_dim3A_214 : i32 to vector<16xi32>
      %select_n3A_216 = arith.select %gt3A_213, %broadcast_in_dim3A_215, %select_n3A_203 : vector<16xi1>, vector<16xi32>
      %select_n3A_217 = arith.select %gt3A_212, %select_n3A_206, %select_n3A_216 : vector<16xi1>, vector<16xi32>
      %select_n3A_218 = arith.select %gt3A_213, %gather3A_211, %select_n3A_205 : vector<16xi1>, vector<16xf32>
      %select_n3A_219 = arith.select %gt3A_212, %select_n3A_207, %select_n3A_218 : vector<16xi1>, vector<16xf32>
      %select_n3A_220 = arith.select %gt3A_212, %broadcast_in_dim3A_215, %select_n3A_206 : vector<16xi1>, vector<16xi32>
      %select_n3A_221 = arith.select %gt3A_212, %gather3A_211, %select_n3A_207 : vector<16xi1>, vector<16xf32>
      %add3A_222 = arith.constant 14 : i32
      %add3A_223 = vector.broadcast %add3A_222 : i32 to vector<16xi32>
      %add3A_224 = arith.addi %mul3A_24, %add3A_223 : vector<16xi32>
      %gather3A_225 = tpu.vector_load_idx %arg5[%add3A_224] : memref<32768xf32, #tpu.memory_space<vmem>>[vector<16xi32>], vector<16xf32>,
      %gt3A_226 = arith.cmpf ogt, %gather3A_225, %select_n3A_221 : vector<16xf32>
      %gt3A_227 = arith.cmpf ogt, %gather3A_225, %select_n3A_219 : vector<16xf32>
      %broadcast_in_dim3A_228 = arith.constant 14 : i32
      %broadcast_in_dim3A_229 = vector.broadcast %broadcast_in_dim3A_228 : i32 to vector<16xi32>
      %select_n3A_230 = arith.select %gt3A_227, %broadcast_in_dim3A_229, %select_n3A_217 : vector<16xi1>, vector<16xi32>
      %select_n3A_231 = arith.select %gt3A_226, %select_n3A_220, %select_n3A_230 : vector<16xi1>, vector<16xi32>
      %select_n3A_232 = arith.select %gt3A_227, %gather3A_225, %select_n3A_219 : vector<16xi1>, vector<16xf32>
      %select_n3A_233 = arith.select %gt3A_226, %select_n3A_221, %select_n3A_232 : vector<16xi1>, vector<16xf32>
      %select_n3A_234 = arith.select %gt3A_226, %broadcast_in_dim3A_229, %select_n3A_220 : vector<16xi1>, vector<16xi32>
      %select_n3A_235 = arith.select %gt3A_226, %gather3A_225, %select_n3A_221 : vector<16xi1>, vector<16xf32>
      %add3A_236 = arith.constant 15 : i32
      %add3A_237 = vector.broadcast %add3A_236 : i32 to vector<16xi32>
      %add3A_238 = arith.addi %mul3A_24, %add3A_237 : vector<16xi32>
      %gather3A_239 = tpu.vector_load_idx %arg5[%add3A_238] : memref<32768xf32, #tpu.memory_space<vmem>>[vector<16xi32>], vector<16xf32>,
      %gt3A_240 = arith.cmpf ogt, %gather3A_239, %select_n3A_235 : vector<16xf32>
      %gt3A_241 = arith.cmpf ogt, %gather3A_239, %select_n3A_233 : vector<16xf32>
      %broadcast_in_dim3A_242 = arith.constant 15 : i32
      %broadcast_in_dim3A_243 = vector.broadcast %broadcast_in_dim3A_242 : i32 to vector<16xi32>
      %select_n3A_244 = arith.select %gt3A_241, %broadcast_in_dim3A_243, %select_n3A_231 : vector<16xi1>, vector<16xi32>
      %select_n3A_245 = arith.select %gt3A_240, %select_n3A_234, %select_n3A_244 : vector<16xi1>, vector<16xi32>
      %select_n3A_246 = arith.select %gt3A_241, %gather3A_239, %select_n3A_233 : vector<16xi1>, vector<16xf32>
      %select_n3A_247 = arith.select %gt3A_240, %select_n3A_235, %select_n3A_246 : vector<16xi1>, vector<16xf32>
      %select_n3A_248 = arith.select %gt3A_240, %broadcast_in_dim3A_243, %select_n3A_234 : vector<16xi1>, vector<16xi32>
      %select_n3A_249 = arith.select %gt3A_240, %gather3A_239, %select_n3A_235 : vector<16xi1>, vector<16xf32>
      %add3A_250 = arith.constant 16 : i32
      %add3A_251 = vector.broadcast %add3A_250 : i32 to vector<16xi32>
      %add3A_252 = arith.addi %mul3A_24, %add3A_251 : vector<16xi32>
      %gather3A_253 = tpu.vector_load_idx %arg5[%add3A_252] : memref<32768xf32, #tpu.memory_space<vmem>>[vector<16xi32>], vector<16xf32>,
      %gt3A_254 = arith.cmpf ogt, %gather3A_253, %select_n3A_249 : vector<16xf32>
      %gt3A_255 = arith.cmpf ogt, %gather3A_253, %select_n3A_247 : vector<16xf32>
      %broadcast_in_dim3A_256 = arith.constant 16 : i32
      %broadcast_in_dim3A_257 = vector.broadcast %broadcast_in_dim3A_256 : i32 to vector<16xi32>
      %select_n3A_258 = arith.select %gt3A_255, %broadcast_in_dim3A_257, %select_n3A_245 : vector<16xi1>, vector<16xi32>
      %select_n3A_259 = arith.select %gt3A_254, %select_n3A_248, %select_n3A_258 : vector<16xi1>, vector<16xi32>
      %select_n3A_260 = arith.select %gt3A_255, %gather3A_253, %select_n3A_247 : vector<16xi1>, vector<16xf32>
      %select_n3A_261 = arith.select %gt3A_254, %select_n3A_249, %select_n3A_260 : vector<16xi1>, vector<16xf32>
      %select_n3A_262 = arith.select %gt3A_254, %broadcast_in_dim3A_257, %select_n3A_248 : vector<16xi1>, vector<16xi32>
      %select_n3A_263 = arith.select %gt3A_254, %gather3A_253, %select_n3A_249 : vector<16xi1>, vector<16xf32>
      %add3A_264 = arith.constant 17 : i32
      %add3A_265 = vector.broadcast %add3A_264 : i32 to vector<16xi32>
      %add3A_266 = arith.addi %mul3A_24, %add3A_265 : vector<16xi32>
      %gather3A_267 = tpu.vector_load_idx %arg5[%add3A_266] : memref<32768xf32, #tpu.memory_space<vmem>>[vector<16xi32>], vector<16xf32>,
      %gt3A_268 = arith.cmpf ogt, %gather3A_267, %select_n3A_263 : vector<16xf32>
      %gt3A_269 = arith.cmpf ogt, %gather3A_267, %select_n3A_261 : vector<16xf32>
      %broadcast_in_dim3A_270 = arith.constant 17 : i32
      %broadcast_in_dim3A_271 = vector.broadcast %broadcast_in_dim3A_270 : i32 to vector<16xi32>
      %select_n3A_272 = arith.select %gt3A_269, %broadcast_in_dim3A_271, %select_n3A_259 : vector<16xi1>, vector<16xi32>
      %select_n3A_273 = arith.select %gt3A_268, %select_n3A_262, %select_n3A_272 : vector<16xi1>, vector<16xi32>
      %select_n3A_274 = arith.select %gt3A_269, %gather3A_267, %select_n3A_261 : vector<16xi1>, vector<16xf32>
      %select_n3A_275 = arith.select %gt3A_268, %select_n3A_263, %select_n3A_274 : vector<16xi1>, vector<16xf32>
      %select_n3A_276 = arith.select %gt3A_268, %broadcast_in_dim3A_271, %select_n3A_262 : vector<16xi1>, vector<16xi32>
      %select_n3A_277 = arith.select %gt3A_268, %gather3A_267, %select_n3A_263 : vector<16xi1>, vector<16xf32>
      %add3A_278 = arith.constant 18 : i32
      %add3A_279 = vector.broadcast %add3A_278 : i32 to vector<16xi32>
      %add3A_280 = arith.addi %mul3A_24, %add3A_279 : vector<16xi32>
      %gather3A_281 = tpu.vector_load_idx %arg5[%add3A_280] : memref<32768xf32, #tpu.memory_space<vmem>>[vector<16xi32>], vector<16xf32>,
      %gt3A_282 = arith.cmpf ogt, %gather3A_281, %select_n3A_277 : vector<16xf32>
      %gt3A_283 = arith.cmpf ogt, %gather3A_281, %select_n3A_275 : vector<16xf32>
      %broadcast_in_dim3A_284 = arith.constant 18 : i32
      %broadcast_in_dim3A_285 = vector.broadcast %broadcast_in_dim3A_284 : i32 to vector<16xi32>
      %select_n3A_286 = arith.select %gt3A_283, %broadcast_in_dim3A_285, %select_n3A_273 : vector<16xi1>, vector<16xi32>
      %select_n3A_287 = arith.select %gt3A_282, %select_n3A_276, %select_n3A_286 : vector<16xi1>, vector<16xi32>
      %select_n3A_288 = arith.select %gt3A_283, %gather3A_281, %select_n3A_275 : vector<16xi1>, vector<16xf32>
      %select_n3A_289 = arith.select %gt3A_282, %select_n3A_277, %select_n3A_288 : vector<16xi1>, vector<16xf32>
      %select_n3A_290 = arith.select %gt3A_282, %broadcast_in_dim3A_285, %select_n3A_276 : vector<16xi1>, vector<16xi32>
      %select_n3A_291 = arith.select %gt3A_282, %gather3A_281, %select_n3A_277 : vector<16xi1>, vector<16xf32>
      %add3A_292 = arith.constant 19 : i32
      %add3A_293 = vector.broadcast %add3A_292 : i32 to vector<16xi32>
      %add3A_294 = arith.addi %mul3A_24, %add3A_293 : vector<16xi32>
      %gather3A_295 = tpu.vector_load_idx %arg5[%add3A_294] : memref<32768xf32, #tpu.memory_space<vmem>>[vector<16xi32>], vector<16xf32>,
      %gt3A_296 = arith.cmpf ogt, %gather3A_295, %select_n3A_291 : vector<16xf32>
      %gt3A_297 = arith.cmpf ogt, %gather3A_295, %select_n3A_289 : vector<16xf32>
      %broadcast_in_dim3A_298 = arith.constant 19 : i32
      %broadcast_in_dim3A_299 = vector.broadcast %broadcast_in_dim3A_298 : i32 to vector<16xi32>
      %select_n3A_300 = arith.select %gt3A_297, %broadcast_in_dim3A_299, %select_n3A_287 : vector<16xi1>, vector<16xi32>
      %select_n3A_301 = arith.select %gt3A_296, %select_n3A_290, %select_n3A_300 : vector<16xi1>, vector<16xi32>
      %select_n3A_302 = arith.select %gt3A_297, %gather3A_295, %select_n3A_289 : vector<16xi1>, vector<16xf32>
      %select_n3A_303 = arith.select %gt3A_296, %select_n3A_291, %select_n3A_302 : vector<16xi1>, vector<16xf32>
      %select_n3A_304 = arith.select %gt3A_296, %broadcast_in_dim3A_299, %select_n3A_290 : vector<16xi1>, vector<16xi32>
      %select_n3A_305 = arith.select %gt3A_296, %gather3A_295, %select_n3A_291 : vector<16xi1>, vector<16xf32>
      %add3A_306 = arith.constant 20 : i32
      %add3A_307 = vector.broadcast %add3A_306 : i32 to vector<16xi32>
      %add3A_308 = arith.addi %mul3A_24, %add3A_307 : vector<16xi32>
      %gather3A_309 = tpu.vector_load_idx %arg5[%add3A_308] : memref<32768xf32, #tpu.memory_space<vmem>>[vector<16xi32>], vector<16xf32>,
      %gt3A_310 = arith.cmpf ogt, %gather3A_309, %select_n3A_305 : vector<16xf32>
      %gt3A_311 = arith.cmpf ogt, %gather3A_309, %select_n3A_303 : vector<16xf32>
      %broadcast_in_dim3A_312 = arith.constant 20 : i32
      %broadcast_in_dim3A_313 = vector.broadcast %broadcast_in_dim3A_312 : i32 to vector<16xi32>
      %select_n3A_314 = arith.select %gt3A_311, %broadcast_in_dim3A_313, %select_n3A_301 : vector<16xi1>, vector<16xi32>
      %select_n3A_315 = arith.select %gt3A_310, %select_n3A_304, %select_n3A_314 : vector<16xi1>, vector<16xi32>
      %select_n3A_316 = arith.select %gt3A_311, %gather3A_309, %select_n3A_303 : vector<16xi1>, vector<16xf32>
      %select_n3A_317 = arith.select %gt3A_310, %select_n3A_305, %select_n3A_316 : vector<16xi1>, vector<16xf32>
      %select_n3A_318 = arith.select %gt3A_310, %broadcast_in_dim3A_313, %select_n3A_304 : vector<16xi1>, vector<16xi32>
      %select_n3A_319 = arith.select %gt3A_310, %gather3A_309, %select_n3A_305 : vector<16xi1>, vector<16xf32>
      %add3A_320 = arith.constant 21 : i32
      %add3A_321 = vector.broadcast %add3A_320 : i32 to vector<16xi32>
      %add3A_322 = arith.addi %mul3A_24, %add3A_321 : vector<16xi32>
      %gather3A_323 = tpu.vector_load_idx %arg5[%add3A_322] : memref<32768xf32, #tpu.memory_space<vmem>>[vector<16xi32>], vector<16xf32>,
      %gt3A_324 = arith.cmpf ogt, %gather3A_323, %select_n3A_319 : vector<16xf32>
      %gt3A_325 = arith.cmpf ogt, %gather3A_323, %select_n3A_317 : vector<16xf32>
      %broadcast_in_dim3A_326 = arith.constant 21 : i32
      %broadcast_in_dim3A_327 = vector.broadcast %broadcast_in_dim3A_326 : i32 to vector<16xi32>
      %select_n3A_328 = arith.select %gt3A_325, %broadcast_in_dim3A_327, %select_n3A_315 : vector<16xi1>, vector<16xi32>
      %select_n3A_329 = arith.select %gt3A_324, %select_n3A_318, %select_n3A_328 : vector<16xi1>, vector<16xi32>
      %select_n3A_330 = arith.select %gt3A_325, %gather3A_323, %select_n3A_317 : vector<16xi1>, vector<16xf32>
      %select_n3A_331 = arith.select %gt3A_324, %select_n3A_319, %select_n3A_330 : vector<16xi1>, vector<16xf32>
      %select_n3A_332 = arith.select %gt3A_324, %broadcast_in_dim3A_327, %select_n3A_318 : vector<16xi1>, vector<16xi32>
      %select_n3A_333 = arith.select %gt3A_324, %gather3A_323, %select_n3A_319 : vector<16xi1>, vector<16xf32>
      %add3A_334 = arith.constant 22 : i32
      %add3A_335 = vector.broadcast %add3A_334 : i32 to vector<16xi32>
      %add3A_336 = arith.addi %mul3A_24, %add3A_335 : vector<16xi32>
      %gather3A_337 = tpu.vector_load_idx %arg5[%add3A_336] : memref<32768xf32, #tpu.memory_space<vmem>>[vector<16xi32>], vector<16xf32>,
      %gt3A_338 = arith.cmpf ogt, %gather3A_337, %select_n3A_333 : vector<16xf32>
      %gt3A_339 = arith.cmpf ogt, %gather3A_337, %select_n3A_331 : vector<16xf32>
      %broadcast_in_dim3A_340 = arith.constant 22 : i32
      %broadcast_in_dim3A_341 = vector.broadcast %broadcast_in_dim3A_340 : i32 to vector<16xi32>
      %select_n3A_342 = arith.select %gt3A_339, %broadcast_in_dim3A_341, %select_n3A_329 : vector<16xi1>, vector<16xi32>
      %select_n3A_343 = arith.select %gt3A_338, %select_n3A_332, %select_n3A_342 : vector<16xi1>, vector<16xi32>
      %select_n3A_344 = arith.select %gt3A_339, %gather3A_337, %select_n3A_331 : vector<16xi1>, vector<16xf32>
      %select_n3A_345 = arith.select %gt3A_338, %select_n3A_333, %select_n3A_344 : vector<16xi1>, vector<16xf32>
      %select_n3A_346 = arith.select %gt3A_338, %broadcast_in_dim3A_341, %select_n3A_332 : vector<16xi1>, vector<16xi32>
      %select_n3A_347 = arith.select %gt3A_338, %gather3A_337, %select_n3A_333 : vector<16xi1>, vector<16xf32>
      %add3A_348 = arith.constant 23 : i32
      %add3A_349 = vector.broadcast %add3A_348 : i32 to vector<16xi32>
      %add3A_350 = arith.addi %mul3A_24, %add3A_349 : vector<16xi32>
      %gather3A_351 = tpu.vector_load_idx %arg5[%add3A_350] : memref<32768xf32, #tpu.memory_space<vmem>>[vector<16xi32>], vector<16xf32>,
      %gt3A_352 = arith.cmpf ogt, %gather3A_351, %select_n3A_347 : vector<16xf32>
      %gt3A_353 = arith.cmpf ogt, %gather3A_351, %select_n3A_345 : vector<16xf32>
      %broadcast_in_dim3A_354 = arith.constant 23 : i32
      %broadcast_in_dim3A_355 = vector.broadcast %broadcast_in_dim3A_354 : i32 to vector<16xi32>
      %select_n3A_356 = arith.select %gt3A_353, %broadcast_in_dim3A_355, %select_n3A_343 : vector<16xi1>, vector<16xi32>
      %select_n3A_357 = arith.select %gt3A_352, %select_n3A_346, %select_n3A_356 : vector<16xi1>, vector<16xi32>
      %select_n3A_358 = arith.select %gt3A_353, %gather3A_351, %select_n3A_345 : vector<16xi1>, vector<16xf32>
      %select_n3A_359 = arith.select %gt3A_352, %select_n3A_347, %select_n3A_358 : vector<16xi1>, vector<16xf32>
      %select_n3A_360 = arith.select %gt3A_352, %broadcast_in_dim3A_355, %select_n3A_346 : vector<16xi1>, vector<16xi32>
      %select_n3A_361 = arith.select %gt3A_352, %gather3A_351, %select_n3A_347 : vector<16xi1>, vector<16xf32>
      %add3A_362 = arith.constant 24 : i32
      %add3A_363 = vector.broadcast %add3A_362 : i32 to vector<16xi32>
      %add3A_364 = arith.addi %mul3A_24, %add3A_363 : vector<16xi32>
      %gather3A_365 = tpu.vector_load_idx %arg5[%add3A_364] : memref<32768xf32, #tpu.memory_space<vmem>>[vector<16xi32>], vector<16xf32>,
      %gt3A_366 = arith.cmpf ogt, %gather3A_365, %select_n3A_361 : vector<16xf32>
      %gt3A_367 = arith.cmpf ogt, %gather3A_365, %select_n3A_359 : vector<16xf32>
      %broadcast_in_dim3A_368 = arith.constant 24 : i32
      %broadcast_in_dim3A_369 = vector.broadcast %broadcast_in_dim3A_368 : i32 to vector<16xi32>
      %select_n3A_370 = arith.select %gt3A_367, %broadcast_in_dim3A_369, %select_n3A_357 : vector<16xi1>, vector<16xi32>
      %select_n3A_371 = arith.select %gt3A_366, %select_n3A_360, %select_n3A_370 : vector<16xi1>, vector<16xi32>
      %select_n3A_372 = arith.select %gt3A_367, %gather3A_365, %select_n3A_359 : vector<16xi1>, vector<16xf32>
      %select_n3A_373 = arith.select %gt3A_366, %select_n3A_361, %select_n3A_372 : vector<16xi1>, vector<16xf32>
      %select_n3A_374 = arith.select %gt3A_366, %broadcast_in_dim3A_369, %select_n3A_360 : vector<16xi1>, vector<16xi32>
      %select_n3A_375 = arith.select %gt3A_366, %gather3A_365, %select_n3A_361 : vector<16xi1>, vector<16xf32>
      %add3A_376 = arith.constant 25 : i32
      %add3A_377 = vector.broadcast %add3A_376 : i32 to vector<16xi32>
      %add3A_378 = arith.addi %mul3A_24, %add3A_377 : vector<16xi32>
      %gather3A_379 = tpu.vector_load_idx %arg5[%add3A_378] : memref<32768xf32, #tpu.memory_space<vmem>>[vector<16xi32>], vector<16xf32>,
      %gt3A_380 = arith.cmpf ogt, %gather3A_379, %select_n3A_375 : vector<16xf32>
      %gt3A_381 = arith.cmpf ogt, %gather3A_379, %select_n3A_373 : vector<16xf32>
      %broadcast_in_dim3A_382 = arith.constant 25 : i32
      %broadcast_in_dim3A_383 = vector.broadcast %broadcast_in_dim3A_382 : i32 to vector<16xi32>
      %select_n3A_384 = arith.select %gt3A_381, %broadcast_in_dim3A_383, %select_n3A_371 : vector<16xi1>, vector<16xi32>
      %select_n3A_385 = arith.select %gt3A_380, %select_n3A_374, %select_n3A_384 : vector<16xi1>, vector<16xi32>
      %select_n3A_386 = arith.select %gt3A_381, %gather3A_379, %select_n3A_373 : vector<16xi1>, vector<16xf32>
      %select_n3A_387 = arith.select %gt3A_380, %select_n3A_375, %select_n3A_386 : vector<16xi1>, vector<16xf32>
      %select_n3A_388 = arith.select %gt3A_380, %broadcast_in_dim3A_383, %select_n3A_374 : vector<16xi1>, vector<16xi32>
      %select_n3A_389 = arith.select %gt3A_380, %gather3A_379, %select_n3A_375 : vector<16xi1>, vector<16xf32>
      %add3A_390 = arith.constant 26 : i32
      %add3A_391 = vector.broadcast %add3A_390 : i32 to vector<16xi32>
      %add3A_392 = arith.addi %mul3A_24, %add3A_391 : vector<16xi32>
      %gather3A_393 = tpu.vector_load_idx %arg5[%add3A_392] : memref<32768xf32, #tpu.memory_space<vmem>>[vector<16xi32>], vector<16xf32>,
      %gt3A_394 = arith.cmpf ogt, %gather3A_393, %select_n3A_389 : vector<16xf32>
      %gt3A_395 = arith.cmpf ogt, %gather3A_393, %select_n3A_387 : vector<16xf32>
      %broadcast_in_dim3A_396 = arith.constant 26 : i32
      %broadcast_in_dim3A_397 = vector.broadcast %broadcast_in_dim3A_396 : i32 to vector<16xi32>
      %select_n3A_398 = arith.select %gt3A_395, %broadcast_in_dim3A_397, %select_n3A_385 : vector<16xi1>, vector<16xi32>
      %select_n3A_399 = arith.select %gt3A_394, %select_n3A_388, %select_n3A_398 : vector<16xi1>, vector<16xi32>
      %select_n3A_400 = arith.select %gt3A_395, %gather3A_393, %select_n3A_387 : vector<16xi1>, vector<16xf32>
      %select_n3A_401 = arith.select %gt3A_394, %select_n3A_389, %select_n3A_400 : vector<16xi1>, vector<16xf32>
      %select_n3A_402 = arith.select %gt3A_394, %broadcast_in_dim3A_397, %select_n3A_388 : vector<16xi1>, vector<16xi32>
      %select_n3A_403 = arith.select %gt3A_394, %gather3A_393, %select_n3A_389 : vector<16xi1>, vector<16xf32>
      %add3A_404 = arith.constant 27 : i32
      %add3A_405 = vector.broadcast %add3A_404 : i32 to vector<16xi32>
      %add3A_406 = arith.addi %mul3A_24, %add3A_405 : vector<16xi32>
      %gather3A_407 = tpu.vector_load_idx %arg5[%add3A_406] : memref<32768xf32, #tpu.memory_space<vmem>>[vector<16xi32>], vector<16xf32>,
      %gt3A_408 = arith.cmpf ogt, %gather3A_407, %select_n3A_403 : vector<16xf32>
      %gt3A_409 = arith.cmpf ogt, %gather3A_407, %select_n3A_401 : vector<16xf32>
      %broadcast_in_dim3A_410 = arith.constant 27 : i32
      %broadcast_in_dim3A_411 = vector.broadcast %broadcast_in_dim3A_410 : i32 to vector<16xi32>
      %select_n3A_412 = arith.select %gt3A_409, %broadcast_in_dim3A_411, %select_n3A_399 : vector<16xi1>, vector<16xi32>
      %select_n3A_413 = arith.select %gt3A_408, %select_n3A_402, %select_n3A_412 : vector<16xi1>, vector<16xi32>
      %select_n3A_414 = arith.select %gt3A_409, %gather3A_407, %select_n3A_401 : vector<16xi1>, vector<16xf32>
      %select_n3A_415 = arith.select %gt3A_408, %select_n3A_403, %select_n3A_414 : vector<16xi1>, vector<16xf32>
      %select_n3A_416 = arith.select %gt3A_408, %broadcast_in_dim3A_411, %select_n3A_402 : vector<16xi1>, vector<16xi32>
      %select_n3A_417 = arith.select %gt3A_408, %gather3A_407, %select_n3A_403 : vector<16xi1>, vector<16xf32>
      %add3A_418 = arith.constant 28 : i32
      %add3A_419 = vector.broadcast %add3A_418 : i32 to vector<16xi32>
      %add3A_420 = arith.addi %mul3A_24, %add3A_419 : vector<16xi32>
      %gather3A_421 = tpu.vector_load_idx %arg5[%add3A_420] : memref<32768xf32, #tpu.memory_space<vmem>>[vector<16xi32>], vector<16xf32>,
      %gt3A_422 = arith.cmpf ogt, %gather3A_421, %select_n3A_417 : vector<16xf32>
      %gt3A_423 = arith.cmpf ogt, %gather3A_421, %select_n3A_415 : vector<16xf32>
      %broadcast_in_dim3A_424 = arith.constant 28 : i32
      %broadcast_in_dim3A_425 = vector.broadcast %broadcast_in_dim3A_424 : i32 to vector<16xi32>
      %select_n3A_426 = arith.select %gt3A_423, %broadcast_in_dim3A_425, %select_n3A_413 : vector<16xi1>, vector<16xi32>
      %select_n3A_427 = arith.select %gt3A_422, %select_n3A_416, %select_n3A_426 : vector<16xi1>, vector<16xi32>
      %select_n3A_428 = arith.select %gt3A_423, %gather3A_421, %select_n3A_415 : vector<16xi1>, vector<16xf32>
      %select_n3A_429 = arith.select %gt3A_422, %select_n3A_417, %select_n3A_428 : vector<16xi1>, vector<16xf32>
      %select_n3A_430 = arith.select %gt3A_422, %broadcast_in_dim3A_425, %select_n3A_416 : vector<16xi1>, vector<16xi32>
      %select_n3A_431 = arith.select %gt3A_422, %gather3A_421, %select_n3A_417 : vector<16xi1>, vector<16xf32>
      %add3A_432 = arith.constant 29 : i32
      %add3A_433 = vector.broadcast %add3A_432 : i32 to vector<16xi32>
      %add3A_434 = arith.addi %mul3A_24, %add3A_433 : vector<16xi32>
      %gather3A_435 = tpu.vector_load_idx %arg5[%add3A_434] : memref<32768xf32, #tpu.memory_space<vmem>>[vector<16xi32>], vector<16xf32>,
      %gt3A_436 = arith.cmpf ogt, %gather3A_435, %select_n3A_431 : vector<16xf32>
      %gt3A_437 = arith.cmpf ogt, %gather3A_435, %select_n3A_429 : vector<16xf32>
      %broadcast_in_dim3A_438 = arith.constant 29 : i32
      %broadcast_in_dim3A_439 = vector.broadcast %broadcast_in_dim3A_438 : i32 to vector<16xi32>
      %select_n3A_440 = arith.select %gt3A_437, %broadcast_in_dim3A_439, %select_n3A_427 : vector<16xi1>, vector<16xi32>
      %select_n3A_441 = arith.select %gt3A_436, %select_n3A_430, %select_n3A_440 : vector<16xi1>, vector<16xi32>
      %select_n3A_442 = arith.select %gt3A_437, %gather3A_435, %select_n3A_429 : vector<16xi1>, vector<16xf32>
      %select_n3A_443 = arith.select %gt3A_436, %select_n3A_431, %select_n3A_442 : vector<16xi1>, vector<16xf32>
      %select_n3A_444 = arith.select %gt3A_436, %broadcast_in_dim3A_439, %select_n3A_430 : vector<16xi1>, vector<16xi32>
      %select_n3A_445 = arith.select %gt3A_436, %gather3A_435, %select_n3A_431 : vector<16xi1>, vector<16xf32>
      %add3A_446 = arith.constant 30 : i32
      %add3A_447 = vector.broadcast %add3A_446 : i32 to vector<16xi32>
      %add3A_448 = arith.addi %mul3A_24, %add3A_447 : vector<16xi32>
      %gather3A_449 = tpu.vector_load_idx %arg5[%add3A_448] : memref<32768xf32, #tpu.memory_space<vmem>>[vector<16xi32>], vector<16xf32>,
      %gt3A_450 = arith.cmpf ogt, %gather3A_449, %select_n3A_445 : vector<16xf32>
      %gt3A_451 = arith.cmpf ogt, %gather3A_449, %select_n3A_443 : vector<16xf32>
      %broadcast_in_dim3A_452 = arith.constant 30 : i32
      %broadcast_in_dim3A_453 = vector.broadcast %broadcast_in_dim3A_452 : i32 to vector<16xi32>
      %select_n3A_454 = arith.select %gt3A_451, %broadcast_in_dim3A_453, %select_n3A_441 : vector<16xi1>, vector<16xi32>
      %select_n3A_455 = arith.select %gt3A_450, %select_n3A_444, %select_n3A_454 : vector<16xi1>, vector<16xi32>
      %select_n3A_456 = arith.select %gt3A_451, %gather3A_449, %select_n3A_443 : vector<16xi1>, vector<16xf32>
      %select_n3A_457 = arith.select %gt3A_450, %select_n3A_445, %select_n3A_456 : vector<16xi1>, vector<16xf32>
      %select_n3A_458 = arith.select %gt3A_450, %broadcast_in_dim3A_453, %select_n3A_444 : vector<16xi1>, vector<16xi32>
      %select_n3A_459 = arith.select %gt3A_450, %gather3A_449, %select_n3A_445 : vector<16xi1>, vector<16xf32>
      %add3A_460 = arith.constant 31 : i32
      %add3A_461 = vector.broadcast %add3A_460 : i32 to vector<16xi32>
      %add3A_462 = arith.addi %mul3A_24, %add3A_461 : vector<16xi32>
      %gather3A_463 = tpu.vector_load_idx %arg5[%add3A_462] : memref<32768xf32, #tpu.memory_space<vmem>>[vector<16xi32>], vector<16xf32>,
      %gt3A_464 = arith.cmpf ogt, %gather3A_463, %select_n3A_459 : vector<16xf32>
      %gt3A_465 = arith.cmpf ogt, %gather3A_463, %select_n3A_457 : vector<16xf32>
      %broadcast_in_dim3A_466 = arith.constant 31 : i32
      %broadcast_in_dim3A_467 = vector.broadcast %broadcast_in_dim3A_466 : i32 to vector<16xi32>
      %select_n3A_468 = arith.select %gt3A_465, %broadcast_in_dim3A_467, %select_n3A_455 : vector<16xi1>, vector<16xi32>
      %select_n3A_469 = arith.select %gt3A_464, %select_n3A_458, %select_n3A_468 : vector<16xi1>, vector<16xi32>
      %select_n3A_470 = arith.select %gt3A_465, %gather3A_463, %select_n3A_457 : vector<16xi1>, vector<16xf32>
      %select_n3A_471 = arith.select %gt3A_464, %select_n3A_459, %select_n3A_470 : vector<16xi1>, vector<16xf32>
      %select_n3A_472 = arith.select %gt3A_464, %broadcast_in_dim3A_467, %select_n3A_458 : vector<16xi1>, vector<16xi32>
      %select_n3A_473 = arith.select %gt3A_464, %gather3A_463, %select_n3A_459 : vector<16xi1>, vector<16xf32>
      %add3A_474 = arith.constant 32 : i32
      %add3A_475 = vector.broadcast %add3A_474 : i32 to vector<16xi32>
      %add3A_476 = arith.addi %mul3A_24, %add3A_475 : vector<16xi32>
      %gather3A_477 = tpu.vector_load_idx %arg5[%add3A_476] : memref<32768xf32, #tpu.memory_space<vmem>>[vector<16xi32>], vector<16xf32>,
      %gt3A_478 = arith.cmpf ogt, %gather3A_477, %select_n3A_473 : vector<16xf32>
      %gt3A_479 = arith.cmpf ogt, %gather3A_477, %select_n3A_471 : vector<16xf32>
      %broadcast_in_dim3A_480 = arith.constant 32 : i32
      %broadcast_in_dim3A_481 = vector.broadcast %broadcast_in_dim3A_480 : i32 to vector<16xi32>
      %select_n3A_482 = arith.select %gt3A_479, %broadcast_in_dim3A_481, %select_n3A_469 : vector<16xi1>, vector<16xi32>
      %select_n3A_483 = arith.select %gt3A_478, %select_n3A_472, %select_n3A_482 : vector<16xi1>, vector<16xi32>
      %select_n3A_484 = arith.select %gt3A_479, %gather3A_477, %select_n3A_471 : vector<16xi1>, vector<16xf32>
      %select_n3A_485 = arith.select %gt3A_478, %select_n3A_473, %select_n3A_484 : vector<16xi1>, vector<16xf32>
      %select_n3A_486 = arith.select %gt3A_478, %broadcast_in_dim3A_481, %select_n3A_472 : vector<16xi1>, vector<16xi32>
      %select_n3A_487 = arith.select %gt3A_478, %gather3A_477, %select_n3A_473 : vector<16xi1>, vector<16xf32>
      %add3A_488 = arith.constant 33 : i32
      %add3A_489 = vector.broadcast %add3A_488 : i32 to vector<16xi32>
      %add3A_490 = arith.addi %mul3A_24, %add3A_489 : vector<16xi32>
      %gather3A_491 = tpu.vector_load_idx %arg5[%add3A_490] : memref<32768xf32, #tpu.memory_space<vmem>>[vector<16xi32>], vector<16xf32>,
      %gt3A_492 = arith.cmpf ogt, %gather3A_491, %select_n3A_487 : vector<16xf32>
      %gt3A_493 = arith.cmpf ogt, %gather3A_491, %select_n3A_485 : vector<16xf32>
      %broadcast_in_dim3A_494 = arith.constant 33 : i32
      %broadcast_in_dim3A_495 = vector.broadcast %broadcast_in_dim3A_494 : i32 to vector<16xi32>
      %select_n3A_496 = arith.select %gt3A_493, %broadcast_in_dim3A_495, %select_n3A_483 : vector<16xi1>, vector<16xi32>
      %select_n3A_497 = arith.select %gt3A_492, %select_n3A_486, %select_n3A_496 : vector<16xi1>, vector<16xi32>
      %select_n3A_498 = arith.select %gt3A_493, %gather3A_491, %select_n3A_485 : vector<16xi1>, vector<16xf32>
      %select_n3A_499 = arith.select %gt3A_492, %select_n3A_487, %select_n3A_498 : vector<16xi1>, vector<16xf32>
      %select_n3A_500 = arith.select %gt3A_492, %broadcast_in_dim3A_495, %select_n3A_486 : vector<16xi1>, vector<16xi32>
      %select_n3A_501 = arith.select %gt3A_492, %gather3A_491, %select_n3A_487 : vector<16xi1>, vector<16xf32>
      %add3A_502 = arith.constant 34 : i32
      %add3A_503 = vector.broadcast %add3A_502 : i32 to vector<16xi32>
      %add3A_504 = arith.addi %mul3A_24, %add3A_503 : vector<16xi32>
      %gather3A_505 = tpu.vector_load_idx %arg5[%add3A_504] : memref<32768xf32, #tpu.memory_space<vmem>>[vector<16xi32>], vector<16xf32>,
      %gt3A_506 = arith.cmpf ogt, %gather3A_505, %select_n3A_501 : vector<16xf32>
      %gt3A_507 = arith.cmpf ogt, %gather3A_505, %select_n3A_499 : vector<16xf32>
      %broadcast_in_dim3A_508 = arith.constant 34 : i32
      %broadcast_in_dim3A_509 = vector.broadcast %broadcast_in_dim3A_508 : i32 to vector<16xi32>
      %select_n3A_510 = arith.select %gt3A_507, %broadcast_in_dim3A_509, %select_n3A_497 : vector<16xi1>, vector<16xi32>
      %select_n3A_511 = arith.select %gt3A_506, %select_n3A_500, %select_n3A_510 : vector<16xi1>, vector<16xi32>
      %select_n3A_512 = arith.select %gt3A_507, %gather3A_505, %select_n3A_499 : vector<16xi1>, vector<16xf32>
      %select_n3A_513 = arith.select %gt3A_506, %select_n3A_501, %select_n3A_512 : vector<16xi1>, vector<16xf32>
      %select_n3A_514 = arith.select %gt3A_506, %broadcast_in_dim3A_509, %select_n3A_500 : vector<16xi1>, vector<16xi32>
      %select_n3A_515 = arith.select %gt3A_506, %gather3A_505, %select_n3A_501 : vector<16xi1>, vector<16xf32>
      %add3A_516 = arith.constant 35 : i32
      %add3A_517 = vector.broadcast %add3A_516 : i32 to vector<16xi32>
      %add3A_518 = arith.addi %mul3A_24, %add3A_517 : vector<16xi32>
      %gather3A_519 = tpu.vector_load_idx %arg5[%add3A_518] : memref<32768xf32, #tpu.memory_space<vmem>>[vector<16xi32>], vector<16xf32>,
      %gt3A_520 = arith.cmpf ogt, %gather3A_519, %select_n3A_515 : vector<16xf32>
      %gt3A_521 = arith.cmpf ogt, %gather3A_519, %select_n3A_513 : vector<16xf32>
      %broadcast_in_dim3A_522 = arith.constant 35 : i32
      %broadcast_in_dim3A_523 = vector.broadcast %broadcast_in_dim3A_522 : i32 to vector<16xi32>
      %select_n3A_524 = arith.select %gt3A_521, %broadcast_in_dim3A_523, %select_n3A_511 : vector<16xi1>, vector<16xi32>
      %select_n3A_525 = arith.select %gt3A_520, %select_n3A_514, %select_n3A_524 : vector<16xi1>, vector<16xi32>
      %select_n3A_526 = arith.select %gt3A_521, %gather3A_519, %select_n3A_513 : vector<16xi1>, vector<16xf32>
      %select_n3A_527 = arith.select %gt3A_520, %select_n3A_515, %select_n3A_526 : vector<16xi1>, vector<16xf32>
      %select_n3A_528 = arith.select %gt3A_520, %broadcast_in_dim3A_523, %select_n3A_514 : vector<16xi1>, vector<16xi32>
      %select_n3A_529 = arith.select %gt3A_520, %gather3A_519, %select_n3A_515 : vector<16xi1>, vector<16xf32>
      %add3A_530 = arith.constant 36 : i32
      %add3A_531 = vector.broadcast %add3A_530 : i32 to vector<16xi32>
      %add3A_532 = arith.addi %mul3A_24, %add3A_531 : vector<16xi32>
      %gather3A_533 = tpu.vector_load_idx %arg5[%add3A_532] : memref<32768xf32, #tpu.memory_space<vmem>>[vector<16xi32>], vector<16xf32>,
      %gt3A_534 = arith.cmpf ogt, %gather3A_533, %select_n3A_529 : vector<16xf32>
      %gt3A_535 = arith.cmpf ogt, %gather3A_533, %select_n3A_527 : vector<16xf32>
      %broadcast_in_dim3A_536 = arith.constant 36 : i32
      %broadcast_in_dim3A_537 = vector.broadcast %broadcast_in_dim3A_536 : i32 to vector<16xi32>
      %select_n3A_538 = arith.select %gt3A_535, %broadcast_in_dim3A_537, %select_n3A_525 : vector<16xi1>, vector<16xi32>
      %select_n3A_539 = arith.select %gt3A_534, %select_n3A_528, %select_n3A_538 : vector<16xi1>, vector<16xi32>
      %select_n3A_540 = arith.select %gt3A_535, %gather3A_533, %select_n3A_527 : vector<16xi1>, vector<16xf32>
      %select_n3A_541 = arith.select %gt3A_534, %select_n3A_529, %select_n3A_540 : vector<16xi1>, vector<16xf32>
      %select_n3A_542 = arith.select %gt3A_534, %broadcast_in_dim3A_537, %select_n3A_528 : vector<16xi1>, vector<16xi32>
      %select_n3A_543 = arith.select %gt3A_534, %gather3A_533, %select_n3A_529 : vector<16xi1>, vector<16xf32>
      %add3A_544 = arith.constant 37 : i32
      %add3A_545 = vector.broadcast %add3A_544 : i32 to vector<16xi32>
      %add3A_546 = arith.addi %mul3A_24, %add3A_545 : vector<16xi32>
      %gather3A_547 = tpu.vector_load_idx %arg5[%add3A_546] : memref<32768xf32, #tpu.memory_space<vmem>>[vector<16xi32>], vector<16xf32>,
      %gt3A_548 = arith.cmpf ogt, %gather3A_547, %select_n3A_543 : vector<16xf32>
      %gt3A_549 = arith.cmpf ogt, %gather3A_547, %select_n3A_541 : vector<16xf32>
      %broadcast_in_dim3A_550 = arith.constant 37 : i32
      %broadcast_in_dim3A_551 = vector.broadcast %broadcast_in_dim3A_550 : i32 to vector<16xi32>
      %select_n3A_552 = arith.select %gt3A_549, %broadcast_in_dim3A_551, %select_n3A_539 : vector<16xi1>, vector<16xi32>
      %select_n3A_553 = arith.select %gt3A_548, %select_n3A_542, %select_n3A_552 : vector<16xi1>, vector<16xi32>
      %select_n3A_554 = arith.select %gt3A_549, %gather3A_547, %select_n3A_541 : vector<16xi1>, vector<16xf32>
      %select_n3A_555 = arith.select %gt3A_548, %select_n3A_543, %select_n3A_554 : vector<16xi1>, vector<16xf32>
      %select_n3A_556 = arith.select %gt3A_548, %broadcast_in_dim3A_551, %select_n3A_542 : vector<16xi1>, vector<16xi32>
      %select_n3A_557 = arith.select %gt3A_548, %gather3A_547, %select_n3A_543 : vector<16xi1>, vector<16xf32>
      %add3A_558 = arith.constant 38 : i32
      %add3A_559 = vector.broadcast %add3A_558 : i32 to vector<16xi32>
      %add3A_560 = arith.addi %mul3A_24, %add3A_559 : vector<16xi32>
      %gather3A_561 = tpu.vector_load_idx %arg5[%add3A_560] : memref<32768xf32, #tpu.memory_space<vmem>>[vector<16xi32>], vector<16xf32>,
      %gt3A_562 = arith.cmpf ogt, %gather3A_561, %select_n3A_557 : vector<16xf32>
      %gt3A_563 = arith.cmpf ogt, %gather3A_561, %select_n3A_555 : vector<16xf32>
      %broadcast_in_dim3A_564 = arith.constant 38 : i32
      %broadcast_in_dim3A_565 = vector.broadcast %broadcast_in_dim3A_564 : i32 to vector<16xi32>
      %select_n3A_566 = arith.select %gt3A_563, %broadcast_in_dim3A_565, %select_n3A_553 : vector<16xi1>, vector<16xi32>
      %select_n3A_567 = arith.select %gt3A_562, %select_n3A_556, %select_n3A_566 : vector<16xi1>, vector<16xi32>
      %select_n3A_568 = arith.select %gt3A_563, %gather3A_561, %select_n3A_555 : vector<16xi1>, vector<16xf32>
      %select_n3A_569 = arith.select %gt3A_562, %select_n3A_557, %select_n3A_568 : vector<16xi1>, vector<16xf32>
      %select_n3A_570 = arith.select %gt3A_562, %broadcast_in_dim3A_565, %select_n3A_556 : vector<16xi1>, vector<16xi32>
      %select_n3A_571 = arith.select %gt3A_562, %gather3A_561, %select_n3A_557 : vector<16xi1>, vector<16xf32>
      %add3A_572 = arith.constant 39 : i32
      %add3A_573 = vector.broadcast %add3A_572 : i32 to vector<16xi32>
      %add3A_574 = arith.addi %mul3A_24, %add3A_573 : vector<16xi32>
      %gather3A_575 = tpu.vector_load_idx %arg5[%add3A_574] : memref<32768xf32, #tpu.memory_space<vmem>>[vector<16xi32>], vector<16xf32>,
      %gt3A_576 = arith.cmpf ogt, %gather3A_575, %select_n3A_571 : vector<16xf32>
      %gt3A_577 = arith.cmpf ogt, %gather3A_575, %select_n3A_569 : vector<16xf32>
      %broadcast_in_dim3A_578 = arith.constant 39 : i32
      %broadcast_in_dim3A_579 = vector.broadcast %broadcast_in_dim3A_578 : i32 to vector<16xi32>
      %select_n3A_580 = arith.select %gt3A_577, %broadcast_in_dim3A_579, %select_n3A_567 : vector<16xi1>, vector<16xi32>
      %select_n3A_581 = arith.select %gt3A_576, %select_n3A_570, %select_n3A_580 : vector<16xi1>, vector<16xi32>
      %select_n3A_582 = arith.select %gt3A_577, %gather3A_575, %select_n3A_569 : vector<16xi1>, vector<16xf32>
      %select_n3A_583 = arith.select %gt3A_576, %select_n3A_571, %select_n3A_582 : vector<16xi1>, vector<16xf32>
      %select_n3A_584 = arith.select %gt3A_576, %broadcast_in_dim3A_579, %select_n3A_570 : vector<16xi1>, vector<16xi32>
      %select_n3A_585 = arith.select %gt3A_576, %gather3A_575, %select_n3A_571 : vector<16xi1>, vector<16xf32>
      %add3A_586 = arith.constant 40 : i32
      %add3A_587 = vector.broadcast %add3A_586 : i32 to vector<16xi32>
      %add3A_588 = arith.addi %mul3A_24, %add3A_587 : vector<16xi32>
      %gather3A_589 = tpu.vector_load_idx %arg5[%add3A_588] : memref<32768xf32, #tpu.memory_space<vmem>>[vector<16xi32>], vector<16xf32>,
      %gt3A_590 = arith.cmpf ogt, %gather3A_589, %select_n3A_585 : vector<16xf32>
      %gt3A_591 = arith.cmpf ogt, %gather3A_589, %select_n3A_583 : vector<16xf32>
      %broadcast_in_dim3A_592 = arith.constant 40 : i32
      %broadcast_in_dim3A_593 = vector.broadcast %broadcast_in_dim3A_592 : i32 to vector<16xi32>
      %select_n3A_594 = arith.select %gt3A_591, %broadcast_in_dim3A_593, %select_n3A_581 : vector<16xi1>, vector<16xi32>
      %select_n3A_595 = arith.select %gt3A_590, %select_n3A_584, %select_n3A_594 : vector<16xi1>, vector<16xi32>
      %select_n3A_596 = arith.select %gt3A_591, %gather3A_589, %select_n3A_583 : vector<16xi1>, vector<16xf32>
      %select_n3A_597 = arith.select %gt3A_590, %select_n3A_585, %select_n3A_596 : vector<16xi1>, vector<16xf32>
      %select_n3A_598 = arith.select %gt3A_590, %broadcast_in_dim3A_593, %select_n3A_584 : vector<16xi1>, vector<16xi32>
      %select_n3A_599 = arith.select %gt3A_590, %gather3A_589, %select_n3A_585 : vector<16xi1>, vector<16xf32>
      %add3A_600 = arith.constant 41 : i32
      %add3A_601 = vector.broadcast %add3A_600 : i32 to vector<16xi32>
      %add3A_602 = arith.addi %mul3A_24, %add3A_601 : vector<16xi32>
      %gather3A_603 = tpu.vector_load_idx %arg5[%add3A_602] : memref<32768xf32, #tpu.memory_space<vmem>>[vector<16xi32>], vector<16xf32>,
      %gt3A_604 = arith.cmpf ogt, %gather3A_603, %select_n3A_599 : vector<16xf32>
      %gt3A_605 = arith.cmpf ogt, %gather3A_603, %select_n3A_597 : vector<16xf32>
      %broadcast_in_dim3A_606 = arith.constant 41 : i32
      %broadcast_in_dim3A_607 = vector.broadcast %broadcast_in_dim3A_606 : i32 to vector<16xi32>
      %select_n3A_608 = arith.select %gt3A_605, %broadcast_in_dim3A_607, %select_n3A_595 : vector<16xi1>, vector<16xi32>
      %select_n3A_609 = arith.select %gt3A_604, %select_n3A_598, %select_n3A_608 : vector<16xi1>, vector<16xi32>
      %select_n3A_610 = arith.select %gt3A_605, %gather3A_603, %select_n3A_597 : vector<16xi1>, vector<16xf32>
      %select_n3A_611 = arith.select %gt3A_604, %select_n3A_599, %select_n3A_610 : vector<16xi1>, vector<16xf32>
      %select_n3A_612 = arith.select %gt3A_604, %broadcast_in_dim3A_607, %select_n3A_598 : vector<16xi1>, vector<16xi32>
      %select_n3A_613 = arith.select %gt3A_604, %gather3A_603, %select_n3A_599 : vector<16xi1>, vector<16xf32>
      %add3A_614 = arith.constant 42 : i32
      %add3A_615 = vector.broadcast %add3A_614 : i32 to vector<16xi32>
      %add3A_616 = arith.addi %mul3A_24, %add3A_615 : vector<16xi32>
      %gather3A_617 = tpu.vector_load_idx %arg5[%add3A_616] : memref<32768xf32, #tpu.memory_space<vmem>>[vector<16xi32>], vector<16xf32>,
      %gt3A_618 = arith.cmpf ogt, %gather3A_617, %select_n3A_613 : vector<16xf32>
      %gt3A_619 = arith.cmpf ogt, %gather3A_617, %select_n3A_611 : vector<16xf32>
      %broadcast_in_dim3A_620 = arith.constant 42 : i32
      %broadcast_in_dim3A_621 = vector.broadcast %broadcast_in_dim3A_620 : i32 to vector<16xi32>
      %select_n3A_622 = arith.select %gt3A_619, %broadcast_in_dim3A_621, %select_n3A_609 : vector<16xi1>, vector<16xi32>
      %select_n3A_623 = arith.select %gt3A_618, %select_n3A_612, %select_n3A_622 : vector<16xi1>, vector<16xi32>
      %select_n3A_624 = arith.select %gt3A_619, %gather3A_617, %select_n3A_611 : vector<16xi1>, vector<16xf32>
      %select_n3A_625 = arith.select %gt3A_618, %select_n3A_613, %select_n3A_624 : vector<16xi1>, vector<16xf32>
      %select_n3A_626 = arith.select %gt3A_618, %broadcast_in_dim3A_621, %select_n3A_612 : vector<16xi1>, vector<16xi32>
      %select_n3A_627 = arith.select %gt3A_618, %gather3A_617, %select_n3A_613 : vector<16xi1>, vector<16xf32>
      %add3A_628 = arith.constant 43 : i32
      %add3A_629 = vector.broadcast %add3A_628 : i32 to vector<16xi32>
      %add3A_630 = arith.addi %mul3A_24, %add3A_629 : vector<16xi32>
      %gather3A_631 = tpu.vector_load_idx %arg5[%add3A_630] : memref<32768xf32, #tpu.memory_space<vmem>>[vector<16xi32>], vector<16xf32>,
      %gt3A_632 = arith.cmpf ogt, %gather3A_631, %select_n3A_627 : vector<16xf32>
      %gt3A_633 = arith.cmpf ogt, %gather3A_631, %select_n3A_625 : vector<16xf32>
      %broadcast_in_dim3A_634 = arith.constant 43 : i32
      %broadcast_in_dim3A_635 = vector.broadcast %broadcast_in_dim3A_634 : i32 to vector<16xi32>
      %select_n3A_636 = arith.select %gt3A_633, %broadcast_in_dim3A_635, %select_n3A_623 : vector<16xi1>, vector<16xi32>
      %select_n3A_637 = arith.select %gt3A_632, %select_n3A_626, %select_n3A_636 : vector<16xi1>, vector<16xi32>
      %select_n3A_638 = arith.select %gt3A_633, %gather3A_631, %select_n3A_625 : vector<16xi1>, vector<16xf32>
      %select_n3A_639 = arith.select %gt3A_632, %select_n3A_627, %select_n3A_638 : vector<16xi1>, vector<16xf32>
      %select_n3A_640 = arith.select %gt3A_632, %broadcast_in_dim3A_635, %select_n3A_626 : vector<16xi1>, vector<16xi32>
      %select_n3A_641 = arith.select %gt3A_632, %gather3A_631, %select_n3A_627 : vector<16xi1>, vector<16xf32>
      %add3A_642 = arith.constant 44 : i32
      %add3A_643 = vector.broadcast %add3A_642 : i32 to vector<16xi32>
      %add3A_644 = arith.addi %mul3A_24, %add3A_643 : vector<16xi32>
      %gather3A_645 = tpu.vector_load_idx %arg5[%add3A_644] : memref<32768xf32, #tpu.memory_space<vmem>>[vector<16xi32>], vector<16xf32>,
      %gt3A_646 = arith.cmpf ogt, %gather3A_645, %select_n3A_641 : vector<16xf32>
      %gt3A_647 = arith.cmpf ogt, %gather3A_645, %select_n3A_639 : vector<16xf32>
      %broadcast_in_dim3A_648 = arith.constant 44 : i32
      %broadcast_in_dim3A_649 = vector.broadcast %broadcast_in_dim3A_648 : i32 to vector<16xi32>
      %select_n3A_650 = arith.select %gt3A_647, %broadcast_in_dim3A_649, %select_n3A_637 : vector<16xi1>, vector<16xi32>
      %select_n3A_651 = arith.select %gt3A_646, %select_n3A_640, %select_n3A_650 : vector<16xi1>, vector<16xi32>
      %select_n3A_652 = arith.select %gt3A_647, %gather3A_645, %select_n3A_639 : vector<16xi1>, vector<16xf32>
      %select_n3A_653 = arith.select %gt3A_646, %select_n3A_641, %select_n3A_652 : vector<16xi1>, vector<16xf32>
      %select_n3A_654 = arith.select %gt3A_646, %broadcast_in_dim3A_649, %select_n3A_640 : vector<16xi1>, vector<16xi32>
      %select_n3A_655 = arith.select %gt3A_646, %gather3A_645, %select_n3A_641 : vector<16xi1>, vector<16xf32>
      %add3A_656 = arith.constant 45 : i32
      %add3A_657 = vector.broadcast %add3A_656 : i32 to vector<16xi32>
      %add3A_658 = arith.addi %mul3A_24, %add3A_657 : vector<16xi32>
      %gather3A_659 = tpu.vector_load_idx %arg5[%add3A_658] : memref<32768xf32, #tpu.memory_space<vmem>>[vector<16xi32>], vector<16xf32>,
      %gt3A_660 = arith.cmpf ogt, %gather3A_659, %select_n3A_655 : vector<16xf32>
      %gt3A_661 = arith.cmpf ogt, %gather3A_659, %select_n3A_653 : vector<16xf32>
      %broadcast_in_dim3A_662 = arith.constant 45 : i32
      %broadcast_in_dim3A_663 = vector.broadcast %broadcast_in_dim3A_662 : i32 to vector<16xi32>
      %select_n3A_664 = arith.select %gt3A_661, %broadcast_in_dim3A_663, %select_n3A_651 : vector<16xi1>, vector<16xi32>
      %select_n3A_665 = arith.select %gt3A_660, %select_n3A_654, %select_n3A_664 : vector<16xi1>, vector<16xi32>
      %select_n3A_666 = arith.select %gt3A_661, %gather3A_659, %select_n3A_653 : vector<16xi1>, vector<16xf32>
      %select_n3A_667 = arith.select %gt3A_660, %select_n3A_655, %select_n3A_666 : vector<16xi1>, vector<16xf32>
      %select_n3A_668 = arith.select %gt3A_660, %broadcast_in_dim3A_663, %select_n3A_654 : vector<16xi1>, vector<16xi32>
      %select_n3A_669 = arith.select %gt3A_660, %gather3A_659, %select_n3A_655 : vector<16xi1>, vector<16xf32>
      %add3A_670 = arith.constant 46 : i32
      %add3A_671 = vector.broadcast %add3A_670 : i32 to vector<16xi32>
      %add3A_672 = arith.addi %mul3A_24, %add3A_671 : vector<16xi32>
      %gather3A_673 = tpu.vector_load_idx %arg5[%add3A_672] : memref<32768xf32, #tpu.memory_space<vmem>>[vector<16xi32>], vector<16xf32>,
      %gt3A_674 = arith.cmpf ogt, %gather3A_673, %select_n3A_669 : vector<16xf32>
      %gt3A_675 = arith.cmpf ogt, %gather3A_673, %select_n3A_667 : vector<16xf32>
      %broadcast_in_dim3A_676 = arith.constant 46 : i32
      %broadcast_in_dim3A_677 = vector.broadcast %broadcast_in_dim3A_676 : i32 to vector<16xi32>
      %select_n3A_678 = arith.select %gt3A_675, %broadcast_in_dim3A_677, %select_n3A_665 : vector<16xi1>, vector<16xi32>
      %select_n3A_679 = arith.select %gt3A_674, %select_n3A_668, %select_n3A_678 : vector<16xi1>, vector<16xi32>
      %select_n3A_680 = arith.select %gt3A_675, %gather3A_673, %select_n3A_667 : vector<16xi1>, vector<16xf32>
      %select_n3A_681 = arith.select %gt3A_674, %select_n3A_669, %select_n3A_680 : vector<16xi1>, vector<16xf32>
      %select_n3A_682 = arith.select %gt3A_674, %broadcast_in_dim3A_677, %select_n3A_668 : vector<16xi1>, vector<16xi32>
      %select_n3A_683 = arith.select %gt3A_674, %gather3A_673, %select_n3A_669 : vector<16xi1>, vector<16xf32>
      %add3A_684 = arith.constant 47 : i32
      %add3A_685 = vector.broadcast %add3A_684 : i32 to vector<16xi32>
      %add3A_686 = arith.addi %mul3A_24, %add3A_685 : vector<16xi32>
      %gather3A_687 = tpu.vector_load_idx %arg5[%add3A_686] : memref<32768xf32, #tpu.memory_space<vmem>>[vector<16xi32>], vector<16xf32>,
      %gt3A_688 = arith.cmpf ogt, %gather3A_687, %select_n3A_683 : vector<16xf32>
      %gt3A_689 = arith.cmpf ogt, %gather3A_687, %select_n3A_681 : vector<16xf32>
      %broadcast_in_dim3A_690 = arith.constant 47 : i32
      %broadcast_in_dim3A_691 = vector.broadcast %broadcast_in_dim3A_690 : i32 to vector<16xi32>
      %select_n3A_692 = arith.select %gt3A_689, %broadcast_in_dim3A_691, %select_n3A_679 : vector<16xi1>, vector<16xi32>
      %select_n3A_693 = arith.select %gt3A_688, %select_n3A_682, %select_n3A_692 : vector<16xi1>, vector<16xi32>
      %select_n3A_694 = arith.select %gt3A_689, %gather3A_687, %select_n3A_681 : vector<16xi1>, vector<16xf32>
      %select_n3A_695 = arith.select %gt3A_688, %select_n3A_683, %select_n3A_694 : vector<16xi1>, vector<16xf32>
      %select_n3A_696 = arith.select %gt3A_688, %broadcast_in_dim3A_691, %select_n3A_682 : vector<16xi1>, vector<16xi32>
      %select_n3A_697 = arith.select %gt3A_688, %gather3A_687, %select_n3A_683 : vector<16xi1>, vector<16xf32>
      %add3A_698 = arith.constant 48 : i32
      %add3A_699 = vector.broadcast %add3A_698 : i32 to vector<16xi32>
      %add3A_700 = arith.addi %mul3A_24, %add3A_699 : vector<16xi32>
      %gather3A_701 = tpu.vector_load_idx %arg5[%add3A_700] : memref<32768xf32, #tpu.memory_space<vmem>>[vector<16xi32>], vector<16xf32>,
      %gt3A_702 = arith.cmpf ogt, %gather3A_701, %select_n3A_697 : vector<16xf32>
      %gt3A_703 = arith.cmpf ogt, %gather3A_701, %select_n3A_695 : vector<16xf32>
      %broadcast_in_dim3A_704 = arith.constant 48 : i32
      %broadcast_in_dim3A_705 = vector.broadcast %broadcast_in_dim3A_704 : i32 to vector<16xi32>
      %select_n3A_706 = arith.select %gt3A_703, %broadcast_in_dim3A_705, %select_n3A_693 : vector<16xi1>, vector<16xi32>
      %select_n3A_707 = arith.select %gt3A_702, %select_n3A_696, %select_n3A_706 : vector<16xi1>, vector<16xi32>
      %select_n3A_708 = arith.select %gt3A_703, %gather3A_701, %select_n3A_695 : vector<16xi1>, vector<16xf32>
      %select_n3A_709 = arith.select %gt3A_702, %select_n3A_697, %select_n3A_708 : vector<16xi1>, vector<16xf32>
      %select_n3A_710 = arith.select %gt3A_702, %broadcast_in_dim3A_705, %select_n3A_696 : vector<16xi1>, vector<16xi32>
      %select_n3A_711 = arith.select %gt3A_702, %gather3A_701, %select_n3A_697 : vector<16xi1>, vector<16xf32>
      %add3A_712 = arith.constant 49 : i32
      %add3A_713 = vector.broadcast %add3A_712 : i32 to vector<16xi32>
      %add3A_714 = arith.addi %mul3A_24, %add3A_713 : vector<16xi32>
      %gather3A_715 = tpu.vector_load_idx %arg5[%add3A_714] : memref<32768xf32, #tpu.memory_space<vmem>>[vector<16xi32>], vector<16xf32>,
      %gt3A_716 = arith.cmpf ogt, %gather3A_715, %select_n3A_711 : vector<16xf32>
      %gt3A_717 = arith.cmpf ogt, %gather3A_715, %select_n3A_709 : vector<16xf32>
      %broadcast_in_dim3A_718 = arith.constant 49 : i32
      %broadcast_in_dim3A_719 = vector.broadcast %broadcast_in_dim3A_718 : i32 to vector<16xi32>
      %select_n3A_720 = arith.select %gt3A_717, %broadcast_in_dim3A_719, %select_n3A_707 : vector<16xi1>, vector<16xi32>
      %select_n3A_721 = arith.select %gt3A_716, %select_n3A_710, %select_n3A_720 : vector<16xi1>, vector<16xi32>
      %select_n3A_722 = arith.select %gt3A_717, %gather3A_715, %select_n3A_709 : vector<16xi1>, vector<16xf32>
      %select_n3A_723 = arith.select %gt3A_716, %select_n3A_711, %select_n3A_722 : vector<16xi1>, vector<16xf32>
      %select_n3A_724 = arith.select %gt3A_716, %broadcast_in_dim3A_719, %select_n3A_710 : vector<16xi1>, vector<16xi32>
      %select_n3A_725 = arith.select %gt3A_716, %gather3A_715, %select_n3A_711 : vector<16xi1>, vector<16xf32>
      %add3A_726 = arith.constant 50 : i32
      %add3A_727 = vector.broadcast %add3A_726 : i32 to vector<16xi32>
      %add3A_728 = arith.addi %mul3A_24, %add3A_727 : vector<16xi32>
      %gather3A_729 = tpu.vector_load_idx %arg5[%add3A_728] : memref<32768xf32, #tpu.memory_space<vmem>>[vector<16xi32>], vector<16xf32>,
      %gt3A_730 = arith.cmpf ogt, %gather3A_729, %select_n3A_725 : vector<16xf32>
      %gt3A_731 = arith.cmpf ogt, %gather3A_729, %select_n3A_723 : vector<16xf32>
      %broadcast_in_dim3A_732 = arith.constant 50 : i32
      %broadcast_in_dim3A_733 = vector.broadcast %broadcast_in_dim3A_732 : i32 to vector<16xi32>
      %select_n3A_734 = arith.select %gt3A_731, %broadcast_in_dim3A_733, %select_n3A_721 : vector<16xi1>, vector<16xi32>
      %select_n3A_735 = arith.select %gt3A_730, %select_n3A_724, %select_n3A_734 : vector<16xi1>, vector<16xi32>
      %select_n3A_736 = arith.select %gt3A_731, %gather3A_729, %select_n3A_723 : vector<16xi1>, vector<16xf32>
      %select_n3A_737 = arith.select %gt3A_730, %select_n3A_725, %select_n3A_736 : vector<16xi1>, vector<16xf32>
      %select_n3A_738 = arith.select %gt3A_730, %broadcast_in_dim3A_733, %select_n3A_724 : vector<16xi1>, vector<16xi32>
      %select_n3A_739 = arith.select %gt3A_730, %gather3A_729, %select_n3A_725 : vector<16xi1>, vector<16xf32>
      %add3A_740 = arith.constant 51 : i32
      %add3A_741 = vector.broadcast %add3A_740 : i32 to vector<16xi32>
      %add3A_742 = arith.addi %mul3A_24, %add3A_741 : vector<16xi32>
      %gather3A_743 = tpu.vector_load_idx %arg5[%add3A_742] : memref<32768xf32, #tpu.memory_space<vmem>>[vector<16xi32>], vector<16xf32>,
      %gt3A_744 = arith.cmpf ogt, %gather3A_743, %select_n3A_739 : vector<16xf32>
      %gt3A_745 = arith.cmpf ogt, %gather3A_743, %select_n3A_737 : vector<16xf32>
      %broadcast_in_dim3A_746 = arith.constant 51 : i32
      %broadcast_in_dim3A_747 = vector.broadcast %broadcast_in_dim3A_746 : i32 to vector<16xi32>
      %select_n3A_748 = arith.select %gt3A_745, %broadcast_in_dim3A_747, %select_n3A_735 : vector<16xi1>, vector<16xi32>
      %select_n3A_749 = arith.select %gt3A_744, %select_n3A_738, %select_n3A_748 : vector<16xi1>, vector<16xi32>
      %select_n3A_750 = arith.select %gt3A_745, %gather3A_743, %select_n3A_737 : vector<16xi1>, vector<16xf32>
      %select_n3A_751 = arith.select %gt3A_744, %select_n3A_739, %select_n3A_750 : vector<16xi1>, vector<16xf32>
      %select_n3A_752 = arith.select %gt3A_744, %broadcast_in_dim3A_747, %select_n3A_738 : vector<16xi1>, vector<16xi32>
      %select_n3A_753 = arith.select %gt3A_744, %gather3A_743, %select_n3A_739 : vector<16xi1>, vector<16xf32>
      %add3A_754 = arith.constant 52 : i32
      %add3A_755 = vector.broadcast %add3A_754 : i32 to vector<16xi32>
      %add3A_756 = arith.addi %mul3A_24, %add3A_755 : vector<16xi32>
      %gather3A_757 = tpu.vector_load_idx %arg5[%add3A_756] : memref<32768xf32, #tpu.memory_space<vmem>>[vector<16xi32>], vector<16xf32>,
      %gt3A_758 = arith.cmpf ogt, %gather3A_757, %select_n3A_753 : vector<16xf32>
      %gt3A_759 = arith.cmpf ogt, %gather3A_757, %select_n3A_751 : vector<16xf32>
      %broadcast_in_dim3A_760 = arith.constant 52 : i32
      %broadcast_in_dim3A_761 = vector.broadcast %broadcast_in_dim3A_760 : i32 to vector<16xi32>
      %select_n3A_762 = arith.select %gt3A_759, %broadcast_in_dim3A_761, %select_n3A_749 : vector<16xi1>, vector<16xi32>
      %select_n3A_763 = arith.select %gt3A_758, %select_n3A_752, %select_n3A_762 : vector<16xi1>, vector<16xi32>
      %select_n3A_764 = arith.select %gt3A_759, %gather3A_757, %select_n3A_751 : vector<16xi1>, vector<16xf32>
      %select_n3A_765 = arith.select %gt3A_758, %select_n3A_753, %select_n3A_764 : vector<16xi1>, vector<16xf32>
      %select_n3A_766 = arith.select %gt3A_758, %broadcast_in_dim3A_761, %select_n3A_752 : vector<16xi1>, vector<16xi32>
      %select_n3A_767 = arith.select %gt3A_758, %gather3A_757, %select_n3A_753 : vector<16xi1>, vector<16xf32>
      %add3A_768 = arith.constant 53 : i32
      %add3A_769 = vector.broadcast %add3A_768 : i32 to vector<16xi32>
      %add3A_770 = arith.addi %mul3A_24, %add3A_769 : vector<16xi32>
      %gather3A_771 = tpu.vector_load_idx %arg5[%add3A_770] : memref<32768xf32, #tpu.memory_space<vmem>>[vector<16xi32>], vector<16xf32>,
      %gt3A_772 = arith.cmpf ogt, %gather3A_771, %select_n3A_767 : vector<16xf32>
      %gt3A_773 = arith.cmpf ogt, %gather3A_771, %select_n3A_765 : vector<16xf32>
      %broadcast_in_dim3A_774 = arith.constant 53 : i32
      %broadcast_in_dim3A_775 = vector.broadcast %broadcast_in_dim3A_774 : i32 to vector<16xi32>
      %select_n3A_776 = arith.select %gt3A_773, %broadcast_in_dim3A_775, %select_n3A_763 : vector<16xi1>, vector<16xi32>
      %select_n3A_777 = arith.select %gt3A_772, %select_n3A_766, %select_n3A_776 : vector<16xi1>, vector<16xi32>
      %select_n3A_778 = arith.select %gt3A_773, %gather3A_771, %select_n3A_765 : vector<16xi1>, vector<16xf32>
      %select_n3A_779 = arith.select %gt3A_772, %select_n3A_767, %select_n3A_778 : vector<16xi1>, vector<16xf32>
      %select_n3A_780 = arith.select %gt3A_772, %broadcast_in_dim3A_775, %select_n3A_766 : vector<16xi1>, vector<16xi32>
      %select_n3A_781 = arith.select %gt3A_772, %gather3A_771, %select_n3A_767 : vector<16xi1>, vector<16xf32>
      %add3A_782 = arith.constant 54 : i32
      %add3A_783 = vector.broadcast %add3A_782 : i32 to vector<16xi32>
      %add3A_784 = arith.addi %mul3A_24, %add3A_783 : vector<16xi32>
      %gather3A_785 = tpu.vector_load_idx %arg5[%add3A_784] : memref<32768xf32, #tpu.memory_space<vmem>>[vector<16xi32>], vector<16xf32>,
      %gt3A_786 = arith.cmpf ogt, %gather3A_785, %select_n3A_781 : vector<16xf32>
      %gt3A_787 = arith.cmpf ogt, %gather3A_785, %select_n3A_779 : vector<16xf32>
      %broadcast_in_dim3A_788 = arith.constant 54 : i32
      %broadcast_in_dim3A_789 = vector.broadcast %broadcast_in_dim3A_788 : i32 to vector<16xi32>
      %select_n3A_790 = arith.select %gt3A_787, %broadcast_in_dim3A_789, %select_n3A_777 : vector<16xi1>, vector<16xi32>
      %select_n3A_791 = arith.select %gt3A_786, %select_n3A_780, %select_n3A_790 : vector<16xi1>, vector<16xi32>
      %select_n3A_792 = arith.select %gt3A_787, %gather3A_785, %select_n3A_779 : vector<16xi1>, vector<16xf32>
      %select_n3A_793 = arith.select %gt3A_786, %select_n3A_781, %select_n3A_792 : vector<16xi1>, vector<16xf32>
      %select_n3A_794 = arith.select %gt3A_786, %broadcast_in_dim3A_789, %select_n3A_780 : vector<16xi1>, vector<16xi32>
      %select_n3A_795 = arith.select %gt3A_786, %gather3A_785, %select_n3A_781 : vector<16xi1>, vector<16xf32>
      %add3A_796 = arith.constant 55 : i32
      %add3A_797 = vector.broadcast %add3A_796 : i32 to vector<16xi32>
      %add3A_798 = arith.addi %mul3A_24, %add3A_797 : vector<16xi32>
      %gather3A_799 = tpu.vector_load_idx %arg5[%add3A_798] : memref<32768xf32, #tpu.memory_space<vmem>>[vector<16xi32>], vector<16xf32>,
      %gt3A_800 = arith.cmpf ogt, %gather3A_799, %select_n3A_795 : vector<16xf32>
      %gt3A_801 = arith.cmpf ogt, %gather3A_799, %select_n3A_793 : vector<16xf32>
      %broadcast_in_dim3A_802 = arith.constant 55 : i32
      %broadcast_in_dim3A_803 = vector.broadcast %broadcast_in_dim3A_802 : i32 to vector<16xi32>
      %select_n3A_804 = arith.select %gt3A_801, %broadcast_in_dim3A_803, %select_n3A_791 : vector<16xi1>, vector<16xi32>
      %select_n3A_805 = arith.select %gt3A_800, %select_n3A_794, %select_n3A_804 : vector<16xi1>, vector<16xi32>
      %select_n3A_806 = arith.select %gt3A_801, %gather3A_799, %select_n3A_793 : vector<16xi1>, vector<16xf32>
      %select_n3A_807 = arith.select %gt3A_800, %select_n3A_795, %select_n3A_806 : vector<16xi1>, vector<16xf32>
      %select_n3A_808 = arith.select %gt3A_800, %broadcast_in_dim3A_803, %select_n3A_794 : vector<16xi1>, vector<16xi32>
      %select_n3A_809 = arith.select %gt3A_800, %gather3A_799, %select_n3A_795 : vector<16xi1>, vector<16xf32>
      %add3A_810 = arith.constant 56 : i32
      %add3A_811 = vector.broadcast %add3A_810 : i32 to vector<16xi32>
      %add3A_812 = arith.addi %mul3A_24, %add3A_811 : vector<16xi32>
      %gather3A_813 = tpu.vector_load_idx %arg5[%add3A_812] : memref<32768xf32, #tpu.memory_space<vmem>>[vector<16xi32>], vector<16xf32>,
      %gt3A_814 = arith.cmpf ogt, %gather3A_813, %select_n3A_809 : vector<16xf32>
      %gt3A_815 = arith.cmpf ogt, %gather3A_813, %select_n3A_807 : vector<16xf32>
      %broadcast_in_dim3A_816 = arith.constant 56 : i32
      %broadcast_in_dim3A_817 = vector.broadcast %broadcast_in_dim3A_816 : i32 to vector<16xi32>
      %select_n3A_818 = arith.select %gt3A_815, %broadcast_in_dim3A_817, %select_n3A_805 : vector<16xi1>, vector<16xi32>
      %select_n3A_819 = arith.select %gt3A_814, %select_n3A_808, %select_n3A_818 : vector<16xi1>, vector<16xi32>
      %select_n3A_820 = arith.select %gt3A_815, %gather3A_813, %select_n3A_807 : vector<16xi1>, vector<16xf32>
      %select_n3A_821 = arith.select %gt3A_814, %select_n3A_809, %select_n3A_820 : vector<16xi1>, vector<16xf32>
      %select_n3A_822 = arith.select %gt3A_814, %broadcast_in_dim3A_817, %select_n3A_808 : vector<16xi1>, vector<16xi32>
      %select_n3A_823 = arith.select %gt3A_814, %gather3A_813, %select_n3A_809 : vector<16xi1>, vector<16xf32>
      %add3A_824 = arith.constant 57 : i32
      %add3A_825 = vector.broadcast %add3A_824 : i32 to vector<16xi32>
      %add3A_826 = arith.addi %mul3A_24, %add3A_825 : vector<16xi32>
      %gather3A_827 = tpu.vector_load_idx %arg5[%add3A_826] : memref<32768xf32, #tpu.memory_space<vmem>>[vector<16xi32>], vector<16xf32>,
      %gt3A_828 = arith.cmpf ogt, %gather3A_827, %select_n3A_823 : vector<16xf32>
      %gt3A_829 = arith.cmpf ogt, %gather3A_827, %select_n3A_821 : vector<16xf32>
      %broadcast_in_dim3A_830 = arith.constant 57 : i32
      %broadcast_in_dim3A_831 = vector.broadcast %broadcast_in_dim3A_830 : i32 to vector<16xi32>
      %select_n3A_832 = arith.select %gt3A_829, %broadcast_in_dim3A_831, %select_n3A_819 : vector<16xi1>, vector<16xi32>
      %select_n3A_833 = arith.select %gt3A_828, %select_n3A_822, %select_n3A_832 : vector<16xi1>, vector<16xi32>
      %select_n3A_834 = arith.select %gt3A_829, %gather3A_827, %select_n3A_821 : vector<16xi1>, vector<16xf32>
      %select_n3A_835 = arith.select %gt3A_828, %select_n3A_823, %select_n3A_834 : vector<16xi1>, vector<16xf32>
      %select_n3A_836 = arith.select %gt3A_828, %broadcast_in_dim3A_831, %select_n3A_822 : vector<16xi1>, vector<16xi32>
      %select_n3A_837 = arith.select %gt3A_828, %gather3A_827, %select_n3A_823 : vector<16xi1>, vector<16xf32>
      %add3A_838 = arith.constant 58 : i32
      %add3A_839 = vector.broadcast %add3A_838 : i32 to vector<16xi32>
      %add3A_840 = arith.addi %mul3A_24, %add3A_839 : vector<16xi32>
      %gather3A_841 = tpu.vector_load_idx %arg5[%add3A_840] : memref<32768xf32, #tpu.memory_space<vmem>>[vector<16xi32>], vector<16xf32>,
      %gt3A_842 = arith.cmpf ogt, %gather3A_841, %select_n3A_837 : vector<16xf32>
      %gt3A_843 = arith.cmpf ogt, %gather3A_841, %select_n3A_835 : vector<16xf32>
      %broadcast_in_dim3A_844 = arith.constant 58 : i32
      %broadcast_in_dim3A_845 = vector.broadcast %broadcast_in_dim3A_844 : i32 to vector<16xi32>
      %select_n3A_846 = arith.select %gt3A_843, %broadcast_in_dim3A_845, %select_n3A_833 : vector<16xi1>, vector<16xi32>
      %select_n3A_847 = arith.select %gt3A_842, %select_n3A_836, %select_n3A_846 : vector<16xi1>, vector<16xi32>
      %select_n3A_848 = arith.select %gt3A_843, %gather3A_841, %select_n3A_835 : vector<16xi1>, vector<16xf32>
      %select_n3A_849 = arith.select %gt3A_842, %select_n3A_837, %select_n3A_848 : vector<16xi1>, vector<16xf32>
      %select_n3A_850 = arith.select %gt3A_842, %broadcast_in_dim3A_845, %select_n3A_836 : vector<16xi1>, vector<16xi32>
      %select_n3A_851 = arith.select %gt3A_842, %gather3A_841, %select_n3A_837 : vector<16xi1>, vector<16xf32>
      %add3A_852 = arith.constant 59 : i32
      %add3A_853 = vector.broadcast %add3A_852 : i32 to vector<16xi32>
      %add3A_854 = arith.addi %mul3A_24, %add3A_853 : vector<16xi32>
      %gather3A_855 = tpu.vector_load_idx %arg5[%add3A_854] : memref<32768xf32, #tpu.memory_space<vmem>>[vector<16xi32>], vector<16xf32>,
      %gt3A_856 = arith.cmpf ogt, %gather3A_855, %select_n3A_851 : vector<16xf32>
      %gt3A_857 = arith.cmpf ogt, %gather3A_855, %select_n3A_849 : vector<16xf32>
      %broadcast_in_dim3A_858 = arith.constant 59 : i32
      %broadcast_in_dim3A_859 = vector.broadcast %broadcast_in_dim3A_858 : i32 to vector<16xi32>
      %select_n3A_860 = arith.select %gt3A_857, %broadcast_in_dim3A_859, %select_n3A_847 : vector<16xi1>, vector<16xi32>
      %select_n3A_861 = arith.select %gt3A_856, %select_n3A_850, %select_n3A_860 : vector<16xi1>, vector<16xi32>
      %select_n3A_862 = arith.select %gt3A_857, %gather3A_855, %select_n3A_849 : vector<16xi1>, vector<16xf32>
      %select_n3A_863 = arith.select %gt3A_856, %select_n3A_851, %select_n3A_862 : vector<16xi1>, vector<16xf32>
      %select_n3A_864 = arith.select %gt3A_856, %broadcast_in_dim3A_859, %select_n3A_850 : vector<16xi1>, vector<16xi32>
      %select_n3A_865 = arith.select %gt3A_856, %gather3A_855, %select_n3A_851 : vector<16xi1>, vector<16xf32>
      %add3A_866 = arith.constant 60 : i32
      %add3A_867 = vector.broadcast %add3A_866 : i32 to vector<16xi32>
      %add3A_868 = arith.addi %mul3A_24, %add3A_867 : vector<16xi32>
      %gather3A_869 = tpu.vector_load_idx %arg5[%add3A_868] : memref<32768xf32, #tpu.memory_space<vmem>>[vector<16xi32>], vector<16xf32>,
      %gt3A_870 = arith.cmpf ogt, %gather3A_869, %select_n3A_865 : vector<16xf32>
      %gt3A_871 = arith.cmpf ogt, %gather3A_869, %select_n3A_863 : vector<16xf32>
      %broadcast_in_dim3A_872 = arith.constant 60 : i32
      %broadcast_in_dim3A_873 = vector.broadcast %broadcast_in_dim3A_872 : i32 to vector<16xi32>
      %select_n3A_874 = arith.select %gt3A_871, %broadcast_in_dim3A_873, %select_n3A_861 : vector<16xi1>, vector<16xi32>
      %select_n3A_875 = arith.select %gt3A_870, %select_n3A_864, %select_n3A_874 : vector<16xi1>, vector<16xi32>
      %select_n3A_876 = arith.select %gt3A_871, %gather3A_869, %select_n3A_863 : vector<16xi1>, vector<16xf32>
      %select_n3A_877 = arith.select %gt3A_870, %select_n3A_865, %select_n3A_876 : vector<16xi1>, vector<16xf32>
      %select_n3A_878 = arith.select %gt3A_870, %broadcast_in_dim3A_873, %select_n3A_864 : vector<16xi1>, vector<16xi32>
      %select_n3A_879 = arith.select %gt3A_870, %gather3A_869, %select_n3A_865 : vector<16xi1>, vector<16xf32>
      %add3A_880 = arith.constant 61 : i32
      %add3A_881 = vector.broadcast %add3A_880 : i32 to vector<16xi32>
      %add3A_882 = arith.addi %mul3A_24, %add3A_881 : vector<16xi32>
      %gather3A_883 = tpu.vector_load_idx %arg5[%add3A_882] : memref<32768xf32, #tpu.memory_space<vmem>>[vector<16xi32>], vector<16xf32>,
      %gt3A_884 = arith.cmpf ogt, %gather3A_883, %select_n3A_879 : vector<16xf32>
      %gt3A_885 = arith.cmpf ogt, %gather3A_883, %select_n3A_877 : vector<16xf32>
      %broadcast_in_dim3A_886 = arith.constant 61 : i32
      %broadcast_in_dim3A_887 = vector.broadcast %broadcast_in_dim3A_886 : i32 to vector<16xi32>
      %select_n3A_888 = arith.select %gt3A_885, %broadcast_in_dim3A_887, %select_n3A_875 : vector<16xi1>, vector<16xi32>
      %select_n3A_889 = arith.select %gt3A_884, %select_n3A_878, %select_n3A_888 : vector<16xi1>, vector<16xi32>
      %select_n3A_890 = arith.select %gt3A_885, %gather3A_883, %select_n3A_877 : vector<16xi1>, vector<16xf32>
      %select_n3A_891 = arith.select %gt3A_884, %select_n3A_879, %select_n3A_890 : vector<16xi1>, vector<16xf32>
      %select_n3A_892 = arith.select %gt3A_884, %broadcast_in_dim3A_887, %select_n3A_878 : vector<16xi1>, vector<16xi32>
      %select_n3A_893 = arith.select %gt3A_884, %gather3A_883, %select_n3A_879 : vector<16xi1>, vector<16xf32>
      %add3A_894 = arith.constant 62 : i32
      %add3A_895 = vector.broadcast %add3A_894 : i32 to vector<16xi32>
      %add3A_896 = arith.addi %mul3A_24, %add3A_895 : vector<16xi32>
      %gather3A_897 = tpu.vector_load_idx %arg5[%add3A_896] : memref<32768xf32, #tpu.memory_space<vmem>>[vector<16xi32>], vector<16xf32>,
      %gt3A_898 = arith.cmpf ogt, %gather3A_897, %select_n3A_893 : vector<16xf32>
      %gt3A_899 = arith.cmpf ogt, %gather3A_897, %select_n3A_891 : vector<16xf32>
      %broadcast_in_dim3A_900 = arith.constant 62 : i32
      %broadcast_in_dim3A_901 = vector.broadcast %broadcast_in_dim3A_900 : i32 to vector<16xi32>
      %select_n3A_902 = arith.select %gt3A_899, %broadcast_in_dim3A_901, %select_n3A_889 : vector<16xi1>, vector<16xi32>
      %select_n3A_903 = arith.select %gt3A_898, %select_n3A_892, %select_n3A_902 : vector<16xi1>, vector<16xi32>
      %select_n3A_904 = arith.select %gt3A_899, %gather3A_897, %select_n3A_891 : vector<16xi1>, vector<16xf32>
      %select_n3A_905 = arith.select %gt3A_898, %select_n3A_893, %select_n3A_904 : vector<16xi1>, vector<16xf32>
      %select_n3A_906 = arith.select %gt3A_898, %broadcast_in_dim3A_901, %select_n3A_892 : vector<16xi1>, vector<16xi32>
      %select_n3A_907 = arith.select %gt3A_898, %gather3A_897, %select_n3A_893 : vector<16xi1>, vector<16xf32>
      %add3A_908 = arith.constant 63 : i32
      %add3A_909 = vector.broadcast %add3A_908 : i32 to vector<16xi32>
      %add3A_910 = arith.addi %mul3A_24, %add3A_909 : vector<16xi32>
      %gather3A_911 = tpu.vector_load_idx %arg5[%add3A_910] : memref<32768xf32, #tpu.memory_space<vmem>>[vector<16xi32>], vector<16xf32>,
      %gt3A_912 = arith.cmpf ogt, %gather3A_911, %select_n3A_907 : vector<16xf32>
      %gt3A_913 = arith.cmpf ogt, %gather3A_911, %select_n3A_905 : vector<16xf32>
      %broadcast_in_dim3A_914 = arith.constant 63 : i32
      %broadcast_in_dim3A_915 = vector.broadcast %broadcast_in_dim3A_914 : i32 to vector<16xi32>
      %select_n3A_916 = arith.select %gt3A_913, %broadcast_in_dim3A_915, %select_n3A_903 : vector<16xi1>, vector<16xi32>
      %select_n3A_917 = arith.select %gt3A_912, %select_n3A_906, %select_n3A_916 : vector<16xi1>, vector<16xi32>
      %select_n3A_918 = arith.select %gt3A_913, %gather3A_911, %select_n3A_905 : vector<16xi1>, vector<16xf32>
      %select_n3A_919 = arith.select %gt3A_912, %select_n3A_907, %select_n3A_918 : vector<16xi1>, vector<16xf32>
      %select_n3A_920 = arith.select %gt3A_912, %broadcast_in_dim3A_915, %select_n3A_906 : vector<16xi1>, vector<16xi32>
      %select_n3A_921 = arith.select %gt3A_912, %gather3A_911, %select_n3A_907 : vector<16xi1>, vector<16xf32>
      %broadcast_in_dim3A_922 = arith.constant 0.000000e+00 : f32
      %broadcast_in_dim3A_923 = vector.broadcast %broadcast_in_dim3A_922 : f32 to vector<16xf32>
      %add3A_924 = arith.constant 0 : i32
      %add3A_925 = vector.broadcast %add3A_924 : i32 to vector<16xi32>
      %add3A_926 = arith.addi %mul3A_24, %add3A_925 : vector<16xi32>
      %gather3A_927 = tpu.vector_load_idx %arg5[%add3A_926] : memref<32768xf32, #tpu.memory_space<vmem>>[vector<16xi32>], vector<16xf32>,
      %sub3A = arith.subf %gather3A_927, %select_n3A_921 : vector<16xf32>
      %exp3A = math.exp %sub3A : vector<16xf32>
      %add3A_928 = arith.addf %broadcast_in_dim3A_923, %exp3A : vector<16xf32>
      %add3A_929 = arith.constant 1 : i32
      %add3A_930 = vector.broadcast %add3A_929 : i32 to vector<16xi32>
      %add3A_931 = arith.addi %mul3A_24, %add3A_930 : vector<16xi32>
      %gather3A_932 = tpu.vector_load_idx %arg5[%add3A_931] : memref<32768xf32, #tpu.memory_space<vmem>>[vector<16xi32>], vector<16xf32>,
      %sub3A_933 = arith.subf %gather3A_932, %select_n3A_921 : vector<16xf32>
      %exp3A_934 = math.exp %sub3A_933 : vector<16xf32>
      %add3A_935 = arith.addf %add3A_928, %exp3A_934 : vector<16xf32>
      %add3A_936 = arith.constant 2 : i32
      %add3A_937 = vector.broadcast %add3A_936 : i32 to vector<16xi32>
      %add3A_938 = arith.addi %mul3A_24, %add3A_937 : vector<16xi32>
      %gather3A_939 = tpu.vector_load_idx %arg5[%add3A_938] : memref<32768xf32, #tpu.memory_space<vmem>>[vector<16xi32>], vector<16xf32>,
      %sub3A_940 = arith.subf %gather3A_939, %select_n3A_921 : vector<16xf32>
      %exp3A_941 = math.exp %sub3A_940 : vector<16xf32>
      %add3A_942 = arith.addf %add3A_935, %exp3A_941 : vector<16xf32>
      %add3A_943 = arith.constant 3 : i32
      %add3A_944 = vector.broadcast %add3A_943 : i32 to vector<16xi32>
      %add3A_945 = arith.addi %mul3A_24, %add3A_944 : vector<16xi32>
      %gather3A_946 = tpu.vector_load_idx %arg5[%add3A_945] : memref<32768xf32, #tpu.memory_space<vmem>>[vector<16xi32>], vector<16xf32>,
      %sub3A_947 = arith.subf %gather3A_946, %select_n3A_921 : vector<16xf32>
      %exp3A_948 = math.exp %sub3A_947 : vector<16xf32>
      %add3A_949 = arith.addf %add3A_942, %exp3A_948 : vector<16xf32>
      %add3A_950 = arith.constant 4 : i32
      %add3A_951 = vector.broadcast %add3A_950 : i32 to vector<16xi32>
      %add3A_952 = arith.addi %mul3A_24, %add3A_951 : vector<16xi32>
      %gather3A_953 = tpu.vector_load_idx %arg5[%add3A_952] : memref<32768xf32, #tpu.memory_space<vmem>>[vector<16xi32>], vector<16xf32>,
      %sub3A_954 = arith.subf %gather3A_953, %select_n3A_921 : vector<16xf32>
      %exp3A_955 = math.exp %sub3A_954 : vector<16xf32>
      %add3A_956 = arith.addf %add3A_949, %exp3A_955 : vector<16xf32>
      %add3A_957 = arith.constant 5 : i32
      %add3A_958 = vector.broadcast %add3A_957 : i32 to vector<16xi32>
      %add3A_959 = arith.addi %mul3A_24, %add3A_958 : vector<16xi32>
      %gather3A_960 = tpu.vector_load_idx %arg5[%add3A_959] : memref<32768xf32, #tpu.memory_space<vmem>>[vector<16xi32>], vector<16xf32>,
      %sub3A_961 = arith.subf %gather3A_960, %select_n3A_921 : vector<16xf32>
      %exp3A_962 = math.exp %sub3A_961 : vector<16xf32>
      %add3A_963 = arith.addf %add3A_956, %exp3A_962 : vector<16xf32>
      %add3A_964 = arith.constant 6 : i32
      %add3A_965 = vector.broadcast %add3A_964 : i32 to vector<16xi32>
      %add3A_966 = arith.addi %mul3A_24, %add3A_965 : vector<16xi32>
      %gather3A_967 = tpu.vector_load_idx %arg5[%add3A_966] : memref<32768xf32, #tpu.memory_space<vmem>>[vector<16xi32>], vector<16xf32>,
      %sub3A_968 = arith.subf %gather3A_967, %select_n3A_921 : vector<16xf32>
      %exp3A_969 = math.exp %sub3A_968 : vector<16xf32>
      %add3A_970 = arith.addf %add3A_963, %exp3A_969 : vector<16xf32>
      %add3A_971 = arith.constant 7 : i32
      %add3A_972 = vector.broadcast %add3A_971 : i32 to vector<16xi32>
      %add3A_973 = arith.addi %mul3A_24, %add3A_972 : vector<16xi32>
      %gather3A_974 = tpu.vector_load_idx %arg5[%add3A_973] : memref<32768xf32, #tpu.memory_space<vmem>>[vector<16xi32>], vector<16xf32>,
      %sub3A_975 = arith.subf %gather3A_974, %select_n3A_921 : vector<16xf32>
      %exp3A_976 = math.exp %sub3A_975 : vector<16xf32>
      %add3A_977 = arith.addf %add3A_970, %exp3A_976 : vector<16xf32>
      %add3A_978 = arith.constant 8 : i32
      %add3A_979 = vector.broadcast %add3A_978 : i32 to vector<16xi32>
      %add3A_980 = arith.addi %mul3A_24, %add3A_979 : vector<16xi32>
      %gather3A_981 = tpu.vector_load_idx %arg5[%add3A_980] : memref<32768xf32, #tpu.memory_space<vmem>>[vector<16xi32>], vector<16xf32>,
      %sub3A_982 = arith.subf %gather3A_981, %select_n3A_921 : vector<16xf32>
      %exp3A_983 = math.exp %sub3A_982 : vector<16xf32>
      %add3A_984 = arith.addf %add3A_977, %exp3A_983 : vector<16xf32>
      %add3A_985 = arith.constant 9 : i32
      %add3A_986 = vector.broadcast %add3A_985 : i32 to vector<16xi32>
      %add3A_987 = arith.addi %mul3A_24, %add3A_986 : vector<16xi32>
      %gather3A_988 = tpu.vector_load_idx %arg5[%add3A_987] : memref<32768xf32, #tpu.memory_space<vmem>>[vector<16xi32>], vector<16xf32>,
      %sub3A_989 = arith.subf %gather3A_988, %select_n3A_921 : vector<16xf32>
      %exp3A_990 = math.exp %sub3A_989 : vector<16xf32>
      %add3A_991 = arith.addf %add3A_984, %exp3A_990 : vector<16xf32>
      %add3A_992 = arith.constant 10 : i32
      %add3A_993 = vector.broadcast %add3A_992 : i32 to vector<16xi32>
      %add3A_994 = arith.addi %mul3A_24, %add3A_993 : vector<16xi32>
      %gather3A_995 = tpu.vector_load_idx %arg5[%add3A_994] : memref<32768xf32, #tpu.memory_space<vmem>>[vector<16xi32>], vector<16xf32>,
      %sub3A_996 = arith.subf %gather3A_995, %select_n3A_921 : vector<16xf32>
      %exp3A_997 = math.exp %sub3A_996 : vector<16xf32>
      %add3A_998 = arith.addf %add3A_991, %exp3A_997 : vector<16xf32>
      %add3A_999 = arith.constant 11 : i32
      %add3A_1000 = vector.broadcast %add3A_999 : i32 to vector<16xi32>
      %add3A_1001 = arith.addi %mul3A_24, %add3A_1000 : vector<16xi32>
      %gather3A_1002 = tpu.vector_load_idx %arg5[%add3A_1001] : memref<32768xf32, #tpu.memory_space<vmem>>[vector<16xi32>], vector<16xf32>,
      %sub3A_1003 = arith.subf %gather3A_1002, %select_n3A_921 : vector<16xf32>
      %exp3A_1004 = math.exp %sub3A_1003 : vector<16xf32>
      %add3A_1005 = arith.addf %add3A_998, %exp3A_1004 : vector<16xf32>
      %add3A_1006 = arith.constant 12 : i32
      %add3A_1007 = vector.broadcast %add3A_1006 : i32 to vector<16xi32>
      %add3A_1008 = arith.addi %mul3A_24, %add3A_1007 : vector<16xi32>
      %gather3A_1009 = tpu.vector_load_idx %arg5[%add3A_1008] : memref<32768xf32, #tpu.memory_space<vmem>>[vector<16xi32>], vector<16xf32>,
      %sub3A_1010 = arith.subf %gather3A_1009, %select_n3A_921 : vector<16xf32>
      %exp3A_1011 = math.exp %sub3A_1010 : vector<16xf32>
      %add3A_1012 = arith.addf %add3A_1005, %exp3A_1011 : vector<16xf32>
      %add3A_1013 = arith.constant 13 : i32
      %add3A_1014 = vector.broadcast %add3A_1013 : i32 to vector<16xi32>
      %add3A_1015 = arith.addi %mul3A_24, %add3A_1014 : vector<16xi32>
      %gather3A_1016 = tpu.vector_load_idx %arg5[%add3A_1015] : memref<32768xf32, #tpu.memory_space<vmem>>[vector<16xi32>], vector<16xf32>,
      %sub3A_1017 = arith.subf %gather3A_1016, %select_n3A_921 : vector<16xf32>
      %exp3A_1018 = math.exp %sub3A_1017 : vector<16xf32>
      %add3A_1019 = arith.addf %add3A_1012, %exp3A_1018 : vector<16xf32>
      %add3A_1020 = arith.constant 14 : i32
      %add3A_1021 = vector.broadcast %add3A_1020 : i32 to vector<16xi32>
      %add3A_1022 = arith.addi %mul3A_24, %add3A_1021 : vector<16xi32>
      %gather3A_1023 = tpu.vector_load_idx %arg5[%add3A_1022] : memref<32768xf32, #tpu.memory_space<vmem>>[vector<16xi32>], vector<16xf32>,
      %sub3A_1024 = arith.subf %gather3A_1023, %select_n3A_921 : vector<16xf32>
      %exp3A_1025 = math.exp %sub3A_1024 : vector<16xf32>
      %add3A_1026 = arith.addf %add3A_1019, %exp3A_1025 : vector<16xf32>
      %add3A_1027 = arith.constant 15 : i32
      %add3A_1028 = vector.broadcast %add3A_1027 : i32 to vector<16xi32>
      %add3A_1029 = arith.addi %mul3A_24, %add3A_1028 : vector<16xi32>
      %gather3A_1030 = tpu.vector_load_idx %arg5[%add3A_1029] : memref<32768xf32, #tpu.memory_space<vmem>>[vector<16xi32>], vector<16xf32>,
      %sub3A_1031 = arith.subf %gather3A_1030, %select_n3A_921 : vector<16xf32>
      %exp3A_1032 = math.exp %sub3A_1031 : vector<16xf32>
      %add3A_1033 = arith.addf %add3A_1026, %exp3A_1032 : vector<16xf32>
      %add3A_1034 = arith.constant 16 : i32
      %add3A_1035 = vector.broadcast %add3A_1034 : i32 to vector<16xi32>
      %add3A_1036 = arith.addi %mul3A_24, %add3A_1035 : vector<16xi32>
      %gather3A_1037 = tpu.vector_load_idx %arg5[%add3A_1036] : memref<32768xf32, #tpu.memory_space<vmem>>[vector<16xi32>], vector<16xf32>,
      %sub3A_1038 = arith.subf %gather3A_1037, %select_n3A_921 : vector<16xf32>
      %exp3A_1039 = math.exp %sub3A_1038 : vector<16xf32>
      %add3A_1040 = arith.addf %add3A_1033, %exp3A_1039 : vector<16xf32>
      %add3A_1041 = arith.constant 17 : i32
      %add3A_1042 = vector.broadcast %add3A_1041 : i32 to vector<16xi32>
      %add3A_1043 = arith.addi %mul3A_24, %add3A_1042 : vector<16xi32>
      %gather3A_1044 = tpu.vector_load_idx %arg5[%add3A_1043] : memref<32768xf32, #tpu.memory_space<vmem>>[vector<16xi32>], vector<16xf32>,
      %sub3A_1045 = arith.subf %gather3A_1044, %select_n3A_921 : vector<16xf32>
      %exp3A_1046 = math.exp %sub3A_1045 : vector<16xf32>
      %add3A_1047 = arith.addf %add3A_1040, %exp3A_1046 : vector<16xf32>
      %add3A_1048 = arith.constant 18 : i32
      %add3A_1049 = vector.broadcast %add3A_1048 : i32 to vector<16xi32>
      %add3A_1050 = arith.addi %mul3A_24, %add3A_1049 : vector<16xi32>
      %gather3A_1051 = tpu.vector_load_idx %arg5[%add3A_1050] : memref<32768xf32, #tpu.memory_space<vmem>>[vector<16xi32>], vector<16xf32>,
      %sub3A_1052 = arith.subf %gather3A_1051, %select_n3A_921 : vector<16xf32>
      %exp3A_1053 = math.exp %sub3A_1052 : vector<16xf32>
      %add3A_1054 = arith.addf %add3A_1047, %exp3A_1053 : vector<16xf32>
      %add3A_1055 = arith.constant 19 : i32
      %add3A_1056 = vector.broadcast %add3A_1055 : i32 to vector<16xi32>
      %add3A_1057 = arith.addi %mul3A_24, %add3A_1056 : vector<16xi32>
      %gather3A_1058 = tpu.vector_load_idx %arg5[%add3A_1057] : memref<32768xf32, #tpu.memory_space<vmem>>[vector<16xi32>], vector<16xf32>,
      %sub3A_1059 = arith.subf %gather3A_1058, %select_n3A_921 : vector<16xf32>
      %exp3A_1060 = math.exp %sub3A_1059 : vector<16xf32>
      %add3A_1061 = arith.addf %add3A_1054, %exp3A_1060 : vector<16xf32>
      %add3A_1062 = arith.constant 20 : i32
      %add3A_1063 = vector.broadcast %add3A_1062 : i32 to vector<16xi32>
      %add3A_1064 = arith.addi %mul3A_24, %add3A_1063 : vector<16xi32>
      %gather3A_1065 = tpu.vector_load_idx %arg5[%add3A_1064] : memref<32768xf32, #tpu.memory_space<vmem>>[vector<16xi32>], vector<16xf32>,
      %sub3A_1066 = arith.subf %gather3A_1065, %select_n3A_921 : vector<16xf32>
      %exp3A_1067 = math.exp %sub3A_1066 : vector<16xf32>
      %add3A_1068 = arith.addf %add3A_1061, %exp3A_1067 : vector<16xf32>
      %add3A_1069 = arith.constant 21 : i32
      %add3A_1070 = vector.broadcast %add3A_1069 : i32 to vector<16xi32>
      %add3A_1071 = arith.addi %mul3A_24, %add3A_1070 : vector<16xi32>
      %gather3A_1072 = tpu.vector_load_idx %arg5[%add3A_1071] : memref<32768xf32, #tpu.memory_space<vmem>>[vector<16xi32>], vector<16xf32>,
      %sub3A_1073 = arith.subf %gather3A_1072, %select_n3A_921 : vector<16xf32>
      %exp3A_1074 = math.exp %sub3A_1073 : vector<16xf32>
      %add3A_1075 = arith.addf %add3A_1068, %exp3A_1074 : vector<16xf32>
      %add3A_1076 = arith.constant 22 : i32
      %add3A_1077 = vector.broadcast %add3A_1076 : i32 to vector<16xi32>
      %add3A_1078 = arith.addi %mul3A_24, %add3A_1077 : vector<16xi32>
      %gather3A_1079 = tpu.vector_load_idx %arg5[%add3A_1078] : memref<32768xf32, #tpu.memory_space<vmem>>[vector<16xi32>], vector<16xf32>,
      %sub3A_1080 = arith.subf %gather3A_1079, %select_n3A_921 : vector<16xf32>
      %exp3A_1081 = math.exp %sub3A_1080 : vector<16xf32>
      %add3A_1082 = arith.addf %add3A_1075, %exp3A_1081 : vector<16xf32>
      %add3A_1083 = arith.constant 23 : i32
      %add3A_1084 = vector.broadcast %add3A_1083 : i32 to vector<16xi32>
      %add3A_1085 = arith.addi %mul3A_24, %add3A_1084 : vector<16xi32>
      %gather3A_1086 = tpu.vector_load_idx %arg5[%add3A_1085] : memref<32768xf32, #tpu.memory_space<vmem>>[vector<16xi32>], vector<16xf32>,
      %sub3A_1087 = arith.subf %gather3A_1086, %select_n3A_921 : vector<16xf32>
      %exp3A_1088 = math.exp %sub3A_1087 : vector<16xf32>
      %add3A_1089 = arith.addf %add3A_1082, %exp3A_1088 : vector<16xf32>
      %add3A_1090 = arith.constant 24 : i32
      %add3A_1091 = vector.broadcast %add3A_1090 : i32 to vector<16xi32>
      %add3A_1092 = arith.addi %mul3A_24, %add3A_1091 : vector<16xi32>
      %gather3A_1093 = tpu.vector_load_idx %arg5[%add3A_1092] : memref<32768xf32, #tpu.memory_space<vmem>>[vector<16xi32>], vector<16xf32>,
      %sub3A_1094 = arith.subf %gather3A_1093, %select_n3A_921 : vector<16xf32>
      %exp3A_1095 = math.exp %sub3A_1094 : vector<16xf32>
      %add3A_1096 = arith.addf %add3A_1089, %exp3A_1095 : vector<16xf32>
      %add3A_1097 = arith.constant 25 : i32
      %add3A_1098 = vector.broadcast %add3A_1097 : i32 to vector<16xi32>
      %add3A_1099 = arith.addi %mul3A_24, %add3A_1098 : vector<16xi32>
      %gather3A_1100 = tpu.vector_load_idx %arg5[%add3A_1099] : memref<32768xf32, #tpu.memory_space<vmem>>[vector<16xi32>], vector<16xf32>,
      %sub3A_1101 = arith.subf %gather3A_1100, %select_n3A_921 : vector<16xf32>
      %exp3A_1102 = math.exp %sub3A_1101 : vector<16xf32>
      %add3A_1103 = arith.addf %add3A_1096, %exp3A_1102 : vector<16xf32>
      %add3A_1104 = arith.constant 26 : i32
      %add3A_1105 = vector.broadcast %add3A_1104 : i32 to vector<16xi32>
      %add3A_1106 = arith.addi %mul3A_24, %add3A_1105 : vector<16xi32>
      %gather3A_1107 = tpu.vector_load_idx %arg5[%add3A_1106] : memref<32768xf32, #tpu.memory_space<vmem>>[vector<16xi32>], vector<16xf32>,
      %sub3A_1108 = arith.subf %gather3A_1107, %select_n3A_921 : vector<16xf32>
      %exp3A_1109 = math.exp %sub3A_1108 : vector<16xf32>
      %add3A_1110 = arith.addf %add3A_1103, %exp3A_1109 : vector<16xf32>
      %add3A_1111 = arith.constant 27 : i32
      %add3A_1112 = vector.broadcast %add3A_1111 : i32 to vector<16xi32>
      %add3A_1113 = arith.addi %mul3A_24, %add3A_1112 : vector<16xi32>
      %gather3A_1114 = tpu.vector_load_idx %arg5[%add3A_1113] : memref<32768xf32, #tpu.memory_space<vmem>>[vector<16xi32>], vector<16xf32>,
      %sub3A_1115 = arith.subf %gather3A_1114, %select_n3A_921 : vector<16xf32>
      %exp3A_1116 = math.exp %sub3A_1115 : vector<16xf32>
      %add3A_1117 = arith.addf %add3A_1110, %exp3A_1116 : vector<16xf32>
      %add3A_1118 = arith.constant 28 : i32
      %add3A_1119 = vector.broadcast %add3A_1118 : i32 to vector<16xi32>
      %add3A_1120 = arith.addi %mul3A_24, %add3A_1119 : vector<16xi32>
      %gather3A_1121 = tpu.vector_load_idx %arg5[%add3A_1120] : memref<32768xf32, #tpu.memory_space<vmem>>[vector<16xi32>], vector<16xf32>,
      %sub3A_1122 = arith.subf %gather3A_1121, %select_n3A_921 : vector<16xf32>
      %exp3A_1123 = math.exp %sub3A_1122 : vector<16xf32>
      %add3A_1124 = arith.addf %add3A_1117, %exp3A_1123 : vector<16xf32>
      %add3A_1125 = arith.constant 29 : i32
      %add3A_1126 = vector.broadcast %add3A_1125 : i32 to vector<16xi32>
      %add3A_1127 = arith.addi %mul3A_24, %add3A_1126 : vector<16xi32>
      %gather3A_1128 = tpu.vector_load_idx %arg5[%add3A_1127] : memref<32768xf32, #tpu.memory_space<vmem>>[vector<16xi32>], vector<16xf32>,
      %sub3A_1129 = arith.subf %gather3A_1128, %select_n3A_921 : vector<16xf32>
      %exp3A_1130 = math.exp %sub3A_1129 : vector<16xf32>
      %add3A_1131 = arith.addf %add3A_1124, %exp3A_1130 : vector<16xf32>
      %add3A_1132 = arith.constant 30 : i32
      %add3A_1133 = vector.broadcast %add3A_1132 : i32 to vector<16xi32>
      %add3A_1134 = arith.addi %mul3A_24, %add3A_1133 : vector<16xi32>
      %gather3A_1135 = tpu.vector_load_idx %arg5[%add3A_1134] : memref<32768xf32, #tpu.memory_space<vmem>>[vector<16xi32>], vector<16xf32>,
      %sub3A_1136 = arith.subf %gather3A_1135, %select_n3A_921 : vector<16xf32>
      %exp3A_1137 = math.exp %sub3A_1136 : vector<16xf32>
      %add3A_1138 = arith.addf %add3A_1131, %exp3A_1137 : vector<16xf32>
      %add3A_1139 = arith.constant 31 : i32
      %add3A_1140 = vector.broadcast %add3A_1139 : i32 to vector<16xi32>
      %add3A_1141 = arith.addi %mul3A_24, %add3A_1140 : vector<16xi32>
      %gather3A_1142 = tpu.vector_load_idx %arg5[%add3A_1141] : memref<32768xf32, #tpu.memory_space<vmem>>[vector<16xi32>], vector<16xf32>,
      %sub3A_1143 = arith.subf %gather3A_1142, %select_n3A_921 : vector<16xf32>
      %exp3A_1144 = math.exp %sub3A_1143 : vector<16xf32>
      %add3A_1145 = arith.addf %add3A_1138, %exp3A_1144 : vector<16xf32>
      %add3A_1146 = arith.constant 32 : i32
      %add3A_1147 = vector.broadcast %add3A_1146 : i32 to vector<16xi32>
      %add3A_1148 = arith.addi %mul3A_24, %add3A_1147 : vector<16xi32>
      %gather3A_1149 = tpu.vector_load_idx %arg5[%add3A_1148] : memref<32768xf32, #tpu.memory_space<vmem>>[vector<16xi32>], vector<16xf32>,
      %sub3A_1150 = arith.subf %gather3A_1149, %select_n3A_921 : vector<16xf32>
      %exp3A_1151 = math.exp %sub3A_1150 : vector<16xf32>
      %add3A_1152 = arith.addf %add3A_1145, %exp3A_1151 : vector<16xf32>
      %add3A_1153 = arith.constant 33 : i32
      %add3A_1154 = vector.broadcast %add3A_1153 : i32 to vector<16xi32>
      %add3A_1155 = arith.addi %mul3A_24, %add3A_1154 : vector<16xi32>
      %gather3A_1156 = tpu.vector_load_idx %arg5[%add3A_1155] : memref<32768xf32, #tpu.memory_space<vmem>>[vector<16xi32>], vector<16xf32>,
      %sub3A_1157 = arith.subf %gather3A_1156, %select_n3A_921 : vector<16xf32>
      %exp3A_1158 = math.exp %sub3A_1157 : vector<16xf32>
      %add3A_1159 = arith.addf %add3A_1152, %exp3A_1158 : vector<16xf32>
      %add3A_1160 = arith.constant 34 : i32
      %add3A_1161 = vector.broadcast %add3A_1160 : i32 to vector<16xi32>
      %add3A_1162 = arith.addi %mul3A_24, %add3A_1161 : vector<16xi32>
      %gather3A_1163 = tpu.vector_load_idx %arg5[%add3A_1162] : memref<32768xf32, #tpu.memory_space<vmem>>[vector<16xi32>], vector<16xf32>,
      %sub3A_1164 = arith.subf %gather3A_1163, %select_n3A_921 : vector<16xf32>
      %exp3A_1165 = math.exp %sub3A_1164 : vector<16xf32>
      %add3A_1166 = arith.addf %add3A_1159, %exp3A_1165 : vector<16xf32>
      %add3A_1167 = arith.constant 35 : i32
      %add3A_1168 = vector.broadcast %add3A_1167 : i32 to vector<16xi32>
      %add3A_1169 = arith.addi %mul3A_24, %add3A_1168 : vector<16xi32>
      %gather3A_1170 = tpu.vector_load_idx %arg5[%add3A_1169] : memref<32768xf32, #tpu.memory_space<vmem>>[vector<16xi32>], vector<16xf32>,
      %sub3A_1171 = arith.subf %gather3A_1170, %select_n3A_921 : vector<16xf32>
      %exp3A_1172 = math.exp %sub3A_1171 : vector<16xf32>
      %add3A_1173 = arith.addf %add3A_1166, %exp3A_1172 : vector<16xf32>
      %add3A_1174 = arith.constant 36 : i32
      %add3A_1175 = vector.broadcast %add3A_1174 : i32 to vector<16xi32>
      %add3A_1176 = arith.addi %mul3A_24, %add3A_1175 : vector<16xi32>
      %gather3A_1177 = tpu.vector_load_idx %arg5[%add3A_1176] : memref<32768xf32, #tpu.memory_space<vmem>>[vector<16xi32>], vector<16xf32>,
      %sub3A_1178 = arith.subf %gather3A_1177, %select_n3A_921 : vector<16xf32>
      %exp3A_1179 = math.exp %sub3A_1178 : vector<16xf32>
      %add3A_1180 = arith.addf %add3A_1173, %exp3A_1179 : vector<16xf32>
      %add3A_1181 = arith.constant 37 : i32
      %add3A_1182 = vector.broadcast %add3A_1181 : i32 to vector<16xi32>
      %add3A_1183 = arith.addi %mul3A_24, %add3A_1182 : vector<16xi32>
      %gather3A_1184 = tpu.vector_load_idx %arg5[%add3A_1183] : memref<32768xf32, #tpu.memory_space<vmem>>[vector<16xi32>], vector<16xf32>,
      %sub3A_1185 = arith.subf %gather3A_1184, %select_n3A_921 : vector<16xf32>
      %exp3A_1186 = math.exp %sub3A_1185 : vector<16xf32>
      %add3A_1187 = arith.addf %add3A_1180, %exp3A_1186 : vector<16xf32>
      %add3A_1188 = arith.constant 38 : i32
      %add3A_1189 = vector.broadcast %add3A_1188 : i32 to vector<16xi32>
      %add3A_1190 = arith.addi %mul3A_24, %add3A_1189 : vector<16xi32>
      %gather3A_1191 = tpu.vector_load_idx %arg5[%add3A_1190] : memref<32768xf32, #tpu.memory_space<vmem>>[vector<16xi32>], vector<16xf32>,
      %sub3A_1192 = arith.subf %gather3A_1191, %select_n3A_921 : vector<16xf32>
      %exp3A_1193 = math.exp %sub3A_1192 : vector<16xf32>
      %add3A_1194 = arith.addf %add3A_1187, %exp3A_1193 : vector<16xf32>
      %add3A_1195 = arith.constant 39 : i32
      %add3A_1196 = vector.broadcast %add3A_1195 : i32 to vector<16xi32>
      %add3A_1197 = arith.addi %mul3A_24, %add3A_1196 : vector<16xi32>
      %gather3A_1198 = tpu.vector_load_idx %arg5[%add3A_1197] : memref<32768xf32, #tpu.memory_space<vmem>>[vector<16xi32>], vector<16xf32>,
      %sub3A_1199 = arith.subf %gather3A_1198, %select_n3A_921 : vector<16xf32>
      %exp3A_1200 = math.exp %sub3A_1199 : vector<16xf32>
      %add3A_1201 = arith.addf %add3A_1194, %exp3A_1200 : vector<16xf32>
      %add3A_1202 = arith.constant 40 : i32
      %add3A_1203 = vector.broadcast %add3A_1202 : i32 to vector<16xi32>
      %add3A_1204 = arith.addi %mul3A_24, %add3A_1203 : vector<16xi32>
      %gather3A_1205 = tpu.vector_load_idx %arg5[%add3A_1204] : memref<32768xf32, #tpu.memory_space<vmem>>[vector<16xi32>], vector<16xf32>,
      %sub3A_1206 = arith.subf %gather3A_1205, %select_n3A_921 : vector<16xf32>
      %exp3A_1207 = math.exp %sub3A_1206 : vector<16xf32>
      %add3A_1208 = arith.addf %add3A_1201, %exp3A_1207 : vector<16xf32>
      %add3A_1209 = arith.constant 41 : i32
      %add3A_1210 = vector.broadcast %add3A_1209 : i32 to vector<16xi32>
      %add3A_1211 = arith.addi %mul3A_24, %add3A_1210 : vector<16xi32>
      %gather3A_1212 = tpu.vector_load_idx %arg5[%add3A_1211] : memref<32768xf32, #tpu.memory_space<vmem>>[vector<16xi32>], vector<16xf32>,
      %sub3A_1213 = arith.subf %gather3A_1212, %select_n3A_921 : vector<16xf32>
      %exp3A_1214 = math.exp %sub3A_1213 : vector<16xf32>
      %add3A_1215 = arith.addf %add3A_1208, %exp3A_1214 : vector<16xf32>
      %add3A_1216 = arith.constant 42 : i32
      %add3A_1217 = vector.broadcast %add3A_1216 : i32 to vector<16xi32>
      %add3A_1218 = arith.addi %mul3A_24, %add3A_1217 : vector<16xi32>
      %gather3A_1219 = tpu.vector_load_idx %arg5[%add3A_1218] : memref<32768xf32, #tpu.memory_space<vmem>>[vector<16xi32>], vector<16xf32>,
      %sub3A_1220 = arith.subf %gather3A_1219, %select_n3A_921 : vector<16xf32>
      %exp3A_1221 = math.exp %sub3A_1220 : vector<16xf32>
      %add3A_1222 = arith.addf %add3A_1215, %exp3A_1221 : vector<16xf32>
      %add3A_1223 = arith.constant 43 : i32
      %add3A_1224 = vector.broadcast %add3A_1223 : i32 to vector<16xi32>
      %add3A_1225 = arith.addi %mul3A_24, %add3A_1224 : vector<16xi32>
      %gather3A_1226 = tpu.vector_load_idx %arg5[%add3A_1225] : memref<32768xf32, #tpu.memory_space<vmem>>[vector<16xi32>], vector<16xf32>,
      %sub3A_1227 = arith.subf %gather3A_1226, %select_n3A_921 : vector<16xf32>
      %exp3A_1228 = math.exp %sub3A_1227 : vector<16xf32>
      %add3A_1229 = arith.addf %add3A_1222, %exp3A_1228 : vector<16xf32>
      %add3A_1230 = arith.constant 44 : i32
      %add3A_1231 = vector.broadcast %add3A_1230 : i32 to vector<16xi32>
      %add3A_1232 = arith.addi %mul3A_24, %add3A_1231 : vector<16xi32>
      %gather3A_1233 = tpu.vector_load_idx %arg5[%add3A_1232] : memref<32768xf32, #tpu.memory_space<vmem>>[vector<16xi32>], vector<16xf32>,
      %sub3A_1234 = arith.subf %gather3A_1233, %select_n3A_921 : vector<16xf32>
      %exp3A_1235 = math.exp %sub3A_1234 : vector<16xf32>
      %add3A_1236 = arith.addf %add3A_1229, %exp3A_1235 : vector<16xf32>
      %add3A_1237 = arith.constant 45 : i32
      %add3A_1238 = vector.broadcast %add3A_1237 : i32 to vector<16xi32>
      %add3A_1239 = arith.addi %mul3A_24, %add3A_1238 : vector<16xi32>
      %gather3A_1240 = tpu.vector_load_idx %arg5[%add3A_1239] : memref<32768xf32, #tpu.memory_space<vmem>>[vector<16xi32>], vector<16xf32>,
      %sub3A_1241 = arith.subf %gather3A_1240, %select_n3A_921 : vector<16xf32>
      %exp3A_1242 = math.exp %sub3A_1241 : vector<16xf32>
      %add3A_1243 = arith.addf %add3A_1236, %exp3A_1242 : vector<16xf32>
      %add3A_1244 = arith.constant 46 : i32
      %add3A_1245 = vector.broadcast %add3A_1244 : i32 to vector<16xi32>
      %add3A_1246 = arith.addi %mul3A_24, %add3A_1245 : vector<16xi32>
      %gather3A_1247 = tpu.vector_load_idx %arg5[%add3A_1246] : memref<32768xf32, #tpu.memory_space<vmem>>[vector<16xi32>], vector<16xf32>,
      %sub3A_1248 = arith.subf %gather3A_1247, %select_n3A_921 : vector<16xf32>
      %exp3A_1249 = math.exp %sub3A_1248 : vector<16xf32>
      %add3A_1250 = arith.addf %add3A_1243, %exp3A_1249 : vector<16xf32>
      %add3A_1251 = arith.constant 47 : i32
      %add3A_1252 = vector.broadcast %add3A_1251 : i32 to vector<16xi32>
      %add3A_1253 = arith.addi %mul3A_24, %add3A_1252 : vector<16xi32>
      %gather3A_1254 = tpu.vector_load_idx %arg5[%add3A_1253] : memref<32768xf32, #tpu.memory_space<vmem>>[vector<16xi32>], vector<16xf32>,
      %sub3A_1255 = arith.subf %gather3A_1254, %select_n3A_921 : vector<16xf32>
      %exp3A_1256 = math.exp %sub3A_1255 : vector<16xf32>
      %add3A_1257 = arith.addf %add3A_1250, %exp3A_1256 : vector<16xf32>
      %add3A_1258 = arith.constant 48 : i32
      %add3A_1259 = vector.broadcast %add3A_1258 : i32 to vector<16xi32>
      %add3A_1260 = arith.addi %mul3A_24, %add3A_1259 : vector<16xi32>
      %gather3A_1261 = tpu.vector_load_idx %arg5[%add3A_1260] : memref<32768xf32, #tpu.memory_space<vmem>>[vector<16xi32>], vector<16xf32>,
      %sub3A_1262 = arith.subf %gather3A_1261, %select_n3A_921 : vector<16xf32>
      %exp3A_1263 = math.exp %sub3A_1262 : vector<16xf32>
      %add3A_1264 = arith.addf %add3A_1257, %exp3A_1263 : vector<16xf32>
      %add3A_1265 = arith.constant 49 : i32
      %add3A_1266 = vector.broadcast %add3A_1265 : i32 to vector<16xi32>
      %add3A_1267 = arith.addi %mul3A_24, %add3A_1266 : vector<16xi32>
      %gather3A_1268 = tpu.vector_load_idx %arg5[%add3A_1267] : memref<32768xf32, #tpu.memory_space<vmem>>[vector<16xi32>], vector<16xf32>,
      %sub3A_1269 = arith.subf %gather3A_1268, %select_n3A_921 : vector<16xf32>
      %exp3A_1270 = math.exp %sub3A_1269 : vector<16xf32>
      %add3A_1271 = arith.addf %add3A_1264, %exp3A_1270 : vector<16xf32>
      %add3A_1272 = arith.constant 50 : i32
      %add3A_1273 = vector.broadcast %add3A_1272 : i32 to vector<16xi32>
      %add3A_1274 = arith.addi %mul3A_24, %add3A_1273 : vector<16xi32>
      %gather3A_1275 = tpu.vector_load_idx %arg5[%add3A_1274] : memref<32768xf32, #tpu.memory_space<vmem>>[vector<16xi32>], vector<16xf32>,
      %sub3A_1276 = arith.subf %gather3A_1275, %select_n3A_921 : vector<16xf32>
      %exp3A_1277 = math.exp %sub3A_1276 : vector<16xf32>
      %add3A_1278 = arith.addf %add3A_1271, %exp3A_1277 : vector<16xf32>
      %add3A_1279 = arith.constant 51 : i32
      %add3A_1280 = vector.broadcast %add3A_1279 : i32 to vector<16xi32>
      %add3A_1281 = arith.addi %mul3A_24, %add3A_1280 : vector<16xi32>
      %gather3A_1282 = tpu.vector_load_idx %arg5[%add3A_1281] : memref<32768xf32, #tpu.memory_space<vmem>>[vector<16xi32>], vector<16xf32>,
      %sub3A_1283 = arith.subf %gather3A_1282, %select_n3A_921 : vector<16xf32>
      %exp3A_1284 = math.exp %sub3A_1283 : vector<16xf32>
      %add3A_1285 = arith.addf %add3A_1278, %exp3A_1284 : vector<16xf32>
      %add3A_1286 = arith.constant 52 : i32
      %add3A_1287 = vector.broadcast %add3A_1286 : i32 to vector<16xi32>
      %add3A_1288 = arith.addi %mul3A_24, %add3A_1287 : vector<16xi32>
      %gather3A_1289 = tpu.vector_load_idx %arg5[%add3A_1288] : memref<32768xf32, #tpu.memory_space<vmem>>[vector<16xi32>], vector<16xf32>,
      %sub3A_1290 = arith.subf %gather3A_1289, %select_n3A_921 : vector<16xf32>
      %exp3A_1291 = math.exp %sub3A_1290 : vector<16xf32>
      %add3A_1292 = arith.addf %add3A_1285, %exp3A_1291 : vector<16xf32>
      %add3A_1293 = arith.constant 53 : i32
      %add3A_1294 = vector.broadcast %add3A_1293 : i32 to vector<16xi32>
      %add3A_1295 = arith.addi %mul3A_24, %add3A_1294 : vector<16xi32>
      %gather3A_1296 = tpu.vector_load_idx %arg5[%add3A_1295] : memref<32768xf32, #tpu.memory_space<vmem>>[vector<16xi32>], vector<16xf32>,
      %sub3A_1297 = arith.subf %gather3A_1296, %select_n3A_921 : vector<16xf32>
      %exp3A_1298 = math.exp %sub3A_1297 : vector<16xf32>
      %add3A_1299 = arith.addf %add3A_1292, %exp3A_1298 : vector<16xf32>
      %add3A_1300 = arith.constant 54 : i32
      %add3A_1301 = vector.broadcast %add3A_1300 : i32 to vector<16xi32>
      %add3A_1302 = arith.addi %mul3A_24, %add3A_1301 : vector<16xi32>
      %gather3A_1303 = tpu.vector_load_idx %arg5[%add3A_1302] : memref<32768xf32, #tpu.memory_space<vmem>>[vector<16xi32>], vector<16xf32>,
      %sub3A_1304 = arith.subf %gather3A_1303, %select_n3A_921 : vector<16xf32>
      %exp3A_1305 = math.exp %sub3A_1304 : vector<16xf32>
      %add3A_1306 = arith.addf %add3A_1299, %exp3A_1305 : vector<16xf32>
      %add3A_1307 = arith.constant 55 : i32
      %add3A_1308 = vector.broadcast %add3A_1307 : i32 to vector<16xi32>
      %add3A_1309 = arith.addi %mul3A_24, %add3A_1308 : vector<16xi32>
      %gather3A_1310 = tpu.vector_load_idx %arg5[%add3A_1309] : memref<32768xf32, #tpu.memory_space<vmem>>[vector<16xi32>], vector<16xf32>,
      %sub3A_1311 = arith.subf %gather3A_1310, %select_n3A_921 : vector<16xf32>
      %exp3A_1312 = math.exp %sub3A_1311 : vector<16xf32>
      %add3A_1313 = arith.addf %add3A_1306, %exp3A_1312 : vector<16xf32>
      %add3A_1314 = arith.constant 56 : i32
      %add3A_1315 = vector.broadcast %add3A_1314 : i32 to vector<16xi32>
      %add3A_1316 = arith.addi %mul3A_24, %add3A_1315 : vector<16xi32>
      %gather3A_1317 = tpu.vector_load_idx %arg5[%add3A_1316] : memref<32768xf32, #tpu.memory_space<vmem>>[vector<16xi32>], vector<16xf32>,
      %sub3A_1318 = arith.subf %gather3A_1317, %select_n3A_921 : vector<16xf32>
      %exp3A_1319 = math.exp %sub3A_1318 : vector<16xf32>
      %add3A_1320 = arith.addf %add3A_1313, %exp3A_1319 : vector<16xf32>
      %add3A_1321 = arith.constant 57 : i32
      %add3A_1322 = vector.broadcast %add3A_1321 : i32 to vector<16xi32>
      %add3A_1323 = arith.addi %mul3A_24, %add3A_1322 : vector<16xi32>
      %gather3A_1324 = tpu.vector_load_idx %arg5[%add3A_1323] : memref<32768xf32, #tpu.memory_space<vmem>>[vector<16xi32>], vector<16xf32>,
      %sub3A_1325 = arith.subf %gather3A_1324, %select_n3A_921 : vector<16xf32>
      %exp3A_1326 = math.exp %sub3A_1325 : vector<16xf32>
      %add3A_1327 = arith.addf %add3A_1320, %exp3A_1326 : vector<16xf32>
      %add3A_1328 = arith.constant 58 : i32
      %add3A_1329 = vector.broadcast %add3A_1328 : i32 to vector<16xi32>
      %add3A_1330 = arith.addi %mul3A_24, %add3A_1329 : vector<16xi32>
      %gather3A_1331 = tpu.vector_load_idx %arg5[%add3A_1330] : memref<32768xf32, #tpu.memory_space<vmem>>[vector<16xi32>], vector<16xf32>,
      %sub3A_1332 = arith.subf %gather3A_1331, %select_n3A_921 : vector<16xf32>
      %exp3A_1333 = math.exp %sub3A_1332 : vector<16xf32>
      %add3A_1334 = arith.addf %add3A_1327, %exp3A_1333 : vector<16xf32>
      %add3A_1335 = arith.constant 59 : i32
      %add3A_1336 = vector.broadcast %add3A_1335 : i32 to vector<16xi32>
      %add3A_1337 = arith.addi %mul3A_24, %add3A_1336 : vector<16xi32>
      %gather3A_1338 = tpu.vector_load_idx %arg5[%add3A_1337] : memref<32768xf32, #tpu.memory_space<vmem>>[vector<16xi32>], vector<16xf32>,
      %sub3A_1339 = arith.subf %gather3A_1338, %select_n3A_921 : vector<16xf32>
      %exp3A_1340 = math.exp %sub3A_1339 : vector<16xf32>
      %add3A_1341 = arith.addf %add3A_1334, %exp3A_1340 : vector<16xf32>
      %add3A_1342 = arith.constant 60 : i32
      %add3A_1343 = vector.broadcast %add3A_1342 : i32 to vector<16xi32>
      %add3A_1344 = arith.addi %mul3A_24, %add3A_1343 : vector<16xi32>
      %gather3A_1345 = tpu.vector_load_idx %arg5[%add3A_1344] : memref<32768xf32, #tpu.memory_space<vmem>>[vector<16xi32>], vector<16xf32>,
      %sub3A_1346 = arith.subf %gather3A_1345, %select_n3A_921 : vector<16xf32>
      %exp3A_1347 = math.exp %sub3A_1346 : vector<16xf32>
      %add3A_1348 = arith.addf %add3A_1341, %exp3A_1347 : vector<16xf32>
      %add3A_1349 = arith.constant 61 : i32
      %add3A_1350 = vector.broadcast %add3A_1349 : i32 to vector<16xi32>
      %add3A_1351 = arith.addi %mul3A_24, %add3A_1350 : vector<16xi32>
      %gather3A_1352 = tpu.vector_load_idx %arg5[%add3A_1351] : memref<32768xf32, #tpu.memory_space<vmem>>[vector<16xi32>], vector<16xf32>,
      %sub3A_1353 = arith.subf %gather3A_1352, %select_n3A_921 : vector<16xf32>
      %exp3A_1354 = math.exp %sub3A_1353 : vector<16xf32>
      %add3A_1355 = arith.addf %add3A_1348, %exp3A_1354 : vector<16xf32>
      %add3A_1356 = arith.constant 62 : i32
      %add3A_1357 = vector.broadcast %add3A_1356 : i32 to vector<16xi32>
      %add3A_1358 = arith.addi %mul3A_24, %add3A_1357 : vector<16xi32>
      %gather3A_1359 = tpu.vector_load_idx %arg5[%add3A_1358] : memref<32768xf32, #tpu.memory_space<vmem>>[vector<16xi32>], vector<16xf32>,
      %sub3A_1360 = arith.subf %gather3A_1359, %select_n3A_921 : vector<16xf32>
      %exp3A_1361 = math.exp %sub3A_1360 : vector<16xf32>
      %add3A_1362 = arith.addf %add3A_1355, %exp3A_1361 : vector<16xf32>
      %add3A_1363 = arith.constant 63 : i32
      %add3A_1364 = vector.broadcast %add3A_1363 : i32 to vector<16xi32>
      %add3A_1365 = arith.addi %mul3A_24, %add3A_1364 : vector<16xi32>
      %gather3A_1366 = tpu.vector_load_idx %arg5[%add3A_1365] : memref<32768xf32, #tpu.memory_space<vmem>>[vector<16xi32>], vector<16xf32>,
      %sub3A_1367 = arith.subf %gather3A_1366, %select_n3A_921 : vector<16xf32>
      %exp3A_1368 = math.exp %sub3A_1367 : vector<16xf32>
      %add3A_1369 = arith.addf %add3A_1362, %exp3A_1368 : vector<16xf32>
      %sub3A_1370 = arith.subf %select_n3A_921, %select_n3A_921 : vector<16xf32>
      %exp3A_1371 = math.exp %sub3A_1370 : vector<16xf32>
      %div3A = arith.divf %exp3A_1371, %add3A_1369 : vector<16xf32>
      %sub3A_1372 = arith.subf %select_n3A_919, %select_n3A_921 : vector<16xf32>
      %exp3A_1373 = math.exp %sub3A_1372 : vector<16xf32>
      %div3A_1374 = arith.divf %exp3A_1373, %add3A_1369 : vector<16xf32>
      %mul3A_1375 = arith.constant 16 : i32
      %mul3A_1376 = arith.muli %scan3A_17, %mul3A_1375 : i32
      %add3A_1377 = vector.broadcast %mul3A_1376 : i32 to vector<16xi32>
      %add3A_1378 = arith.addi %add3A_1377, %iota3A : vector<16xi32>
      %mul3A_1379 = arith.constant 2 : i32
      %mul3A_1380 = vector.broadcast %mul3A_1379 : i32 to vector<16xi32>
      %mul3A_1381 = arith.muli %add3A_1378, %mul3A_1380 : vector<16xi32>
      tpu.vector_store_idx %arg6[%mul3A_1381], %div3A : memref<1024xf32, #tpu.memory_space<vmem>>[vector<16xi32>], vector<16xf32>,
      %add3A_1382 = arith.constant 1 : i32
      %add3A_1383 = vector.broadcast %add3A_1382 : i32 to vector<16xi32>
      %add3A_1384 = arith.addi %mul3A_1381, %add3A_1383 : vector<16xi32>
      tpu.vector_store_idx %arg6[%add3A_1384], %div3A_1374 : memref<1024xf32, #tpu.memory_space<vmem>>[vector<16xi32>], vector<16xf32>,
      tpu.vector_store_idx %arg7[%mul3A_1381], %select_n3A_920 : memref<1024xi32, #tpu.memory_space<vmem>>[vector<16xi32>], vector<16xi32>,
      %add3A_1385 = arith.constant 1 : i32
      %add3A_1386 = vector.broadcast %add3A_1385 : i32 to vector<16xi32>
      %add3A_1387 = arith.addi %mul3A_1381, %add3A_1386 : vector<16xi32>
      tpu.vector_store_idx %arg7[%add3A_1387], %select_n3A_917 : memref<1024xi32, #tpu.memory_space<vmem>>[vector<16xi32>], vector<16xi32>,
    }
    %scan3A_12 = arith.constant 32 : i32
    %mul3A_13 = arith.constant 2 : i32
    %mul3A_14 = arith.muli %mul3A_2, %mul3A_13 : i32
    "tpu.region"() ({
      %run_scoped3A = tpu.sem_alloc : memref<!tpu.dma_semaphore, #tpu.memory_space<semaphore_mem>>
      %dma_start3A = tpu.memref_slice %arg3[%mul3A_14] : memref<32768xf32, #tpu.memory_space<hbm>> -> memref<1024xf32, #tpu.memory_space<hbm>>
      %dma_start3A_17 = tpu.memref_slice %arg3[%mul3A_14] : memref<32768xf32, #tpu.memory_space<hbm>> -> memref<1024xf32, #tpu.memory_space<hbm>>
      tpu.enqueue_dma source(%arg6 : memref<1024xf32, #tpu.memory_space<vmem>>) target(%dma_start3A_17 : memref<1024xf32, #tpu.memory_space<hbm>>) target_semaphore(%run_scoped3A : memref<!tpu.dma_semaphore, #tpu.memory_space<semaphore_mem>>)
      %dma_wait3A = tpu.memref_slice %arg3[%mul3A_14] : memref<32768xf32, #tpu.memory_space<hbm>> -> memref<1024xf32, #tpu.memory_space<hbm>>
      %dma_wait3A_18 = tpu.memref_slice %arg3[%mul3A_14] : memref<32768xf32, #tpu.memory_space<hbm>> -> memref<1024xf32, #tpu.memory_space<hbm>>
      tpu.wait_dma2 semaphore(%run_scoped3A : memref<!tpu.dma_semaphore, #tpu.memory_space<semaphore_mem>>) src(%arg6 : memref<1024xf32, #tpu.memory_space<vmem>>) dst(%dma_wait3A_18 : memref<1024xf32, #tpu.memory_space<hbm>>)
      tpu.yield
    }) : () -> ()
    %mul3A_15 = arith.constant 2 : i32
    %mul3A_16 = arith.muli %mul3A_2, %mul3A_15 : i32
    "tpu.region"() ({
      %run_scoped3A = tpu.sem_alloc : memref<!tpu.dma_semaphore, #tpu.memory_space<semaphore_mem>>
      %dma_start3A = tpu.memref_slice %arg4[%mul3A_16] : memref<32768xi32, #tpu.memory_space<hbm>> -> memref<1024xi32, #tpu.memory_space<hbm>>
      %dma_start3A_17 = tpu.memref_slice %arg4[%mul3A_16] : memref<32768xi32, #tpu.memory_space<hbm>> -> memref<1024xi32, #tpu.memory_space<hbm>>
      tpu.enqueue_dma source(%arg7 : memref<1024xi32, #tpu.memory_space<vmem>>) target(%dma_start3A_17 : memref<1024xi32, #tpu.memory_space<hbm>>) target_semaphore(%run_scoped3A : memref<!tpu.dma_semaphore, #tpu.memory_space<semaphore_mem>>)
      %dma_wait3A = tpu.memref_slice %arg4[%mul3A_16] : memref<32768xi32, #tpu.memory_space<hbm>> -> memref<1024xi32, #tpu.memory_space<hbm>>
      %dma_wait3A_18 = tpu.memref_slice %arg4[%mul3A_16] : memref<32768xi32, #tpu.memory_space<hbm>> -> memref<1024xi32, #tpu.memory_space<hbm>>
      tpu.wait_dma2 semaphore(%run_scoped3A : memref<!tpu.dma_semaphore, #tpu.memory_space<semaphore_mem>>) src(%arg7 : memref<1024xi32, #tpu.memory_space<vmem>>) dst(%dma_wait3A_18 : memref<1024xi32, #tpu.memory_space<hbm>>)
      tpu.yield
    }) : () -> ()
    return
  }
}

#map = affine_map<(d0, d1) -> (0)>
module attributes {stable_mosaic.version = 14 : i64} {
  func.func @_sc_route_half(%arg0: i32, %arg1: i32, %arg2: memref<1048576xf32, #tpu.memory_space<hbm>>, %arg3: memref<32768xf32, #tpu.memory_space<hbm>>, %arg4: memref<32768xi32, #tpu.memory_space<hbm>>, %arg5: memref<32768xf32, #tpu.memory_space<vmem>>, %arg6: memref<1024xf32, #tpu.memory_space<vmem>>, %arg7: memref<1024xi32, #tpu.memory_space<vmem>>) attributes {dimension_semantics = [#tpu.dimension_semantics<core_parallel>, #tpu.dimension_semantics<subcore_parallel>], iteration_bounds = array<i64: 2, 16>, scalar_prefetch = 0 : i64, scratch_operands = 3 : i64, tpu.core_type = #tpu.core_type<sc_vector_subcore>, window_params = [{transform_indices = #map}, {transform_indices = #map}, {transform_indices = #map}]} {
    %mul3A = arith.constant 2 : i32
    %mul3A_0 = arith.muli %arg1, %mul3A : i32
    %add3A = arith.addi %mul3A_0, %arg0 : i32
    %mul3A_1 = arith.constant 512 : i32
    %mul3A_2 = arith.muli %add3A, %mul3A_1 : i32
    %mul3A_3 = arith.constant 64 : i32
    %mul3A_4 = arith.muli %mul3A_2, %mul3A_3 : i32
    "tpu.region"() ({
      %run_scoped3A = tpu.sem_alloc : memref<!tpu.dma_semaphore, #tpu.memory_space<semaphore_mem>>
      %dma_start3A = tpu.memref_slice %arg2[%mul3A_4] : memref<1048576xf32, #tpu.memory_space<hbm>> -> memref<32768xf32, #tpu.memory_space<hbm>>
      %dma_start3A_17 = tpu.memref_slice %arg2[%mul3A_4] : memref<1048576xf32, #tpu.memory_space<hbm>> -> memref<32768xf32, #tpu.memory_space<hbm>>
      tpu.enqueue_dma source(%dma_start3A_17 : memref<32768xf32, #tpu.memory_space<hbm>>) target(%arg5 : memref<32768xf32, #tpu.memory_space<vmem>>) target_semaphore(%run_scoped3A : memref<!tpu.dma_semaphore, #tpu.memory_space<semaphore_mem>>)
      %dma_wait3A = tpu.memref_slice %arg2[%mul3A_4] : memref<1048576xf32, #tpu.memory_space<hbm>> -> memref<32768xf32, #tpu.memory_space<hbm>>
      %dma_wait3A_18 = tpu.memref_slice %arg2[%mul3A_4] : memref<1048576xf32, #tpu.memory_space<hbm>> -> memref<32768xf32, #tpu.memory_space<hbm>>
      tpu.wait_dma2 semaphore(%run_scoped3A : memref<!tpu.dma_semaphore, #tpu.memory_space<semaphore_mem>>) src(%dma_wait3A_18 : memref<32768xf32, #tpu.memory_space<hbm>>) dst(%arg5 : memref<32768xf32, #tpu.memory_space<vmem>>)
      tpu.yield
    }) : () -> ()
    %iota3A = tpu.iota {dimensions = array<i32: 0>} : vector<16xi32>
    %broadcast_in_dim3A = arith.constant 0xFF800000 : f32
    %broadcast_in_dim3A_5 = vector.broadcast %broadcast_in_dim3A : f32 to vector<16xf32>
    %broadcast_in_dim3A_6 = arith.constant 0 : i32
    %broadcast_in_dim3A_7 = vector.broadcast %broadcast_in_dim3A_6 : i32 to vector<16xi32>
    %scan3A = arith.constant 0 : i32
    %scan3A_8 = arith.constant 0 : i32
    %scan3A_9 = arith.constant 32 : i32
    %scan3A_10 = arith.addi %scan3A_8, %scan3A_9 : i32
    %scan3A_11 = arith.constant 1 : i32
    scf.for %scan3A_17 = %scan3A_8 to %scan3A_10 step %scan3A_11  : i32 {
      %mul3A_18 = arith.constant 16 : i32
      %mul3A_19 = arith.muli %scan3A_17, %mul3A_18 : i32
      %add3A_20 = vector.broadcast %mul3A_19 : i32 to vector<16xi32>
      %add3A_21 = arith.addi %add3A_20, %iota3A : vector<16xi32>
      %mul3A_22 = arith.constant 64 : i32
      %mul3A_23 = vector.broadcast %mul3A_22 : i32 to vector<16xi32>
      %mul3A_24 = arith.muli %add3A_21, %mul3A_23 : vector<16xi32>
      %mul3A_25 = arith.constant 16 : i32
      %mul3A_26 = arith.muli %scan3A_17, %mul3A_25 : i32
      %add3A_27 = vector.broadcast %mul3A_26 : i32 to vector<16xi32>
      %add3A_28 = arith.addi %add3A_27, %iota3A : vector<16xi32>
      %add3A_29 = arith.constant 0 : i32
      %add3A_30 = vector.broadcast %add3A_29 : i32 to vector<16xi32>
      %add3A_31 = arith.addi %mul3A_24, %add3A_30 : vector<16xi32>
      %gather3A = tpu.vector_load_idx %arg5[%add3A_31] : memref<32768xf32, #tpu.memory_space<vmem>>[vector<16xi32>], vector<16xf32>,
      %gt3A = arith.cmpf ogt, %gather3A, %broadcast_in_dim3A_5 : vector<16xf32>
      %gt3A_32 = arith.cmpf ogt, %gather3A, %broadcast_in_dim3A_5 : vector<16xf32>
      %broadcast_in_dim3A_33 = arith.constant 0 : i32
      %broadcast_in_dim3A_34 = vector.broadcast %broadcast_in_dim3A_33 : i32 to vector<16xi32>
      %select_n3A = arith.select %gt3A_32, %broadcast_in_dim3A_34, %broadcast_in_dim3A_7 : vector<16xi1>, vector<16xi32>
      %select_n3A_35 = arith.select %gt3A, %broadcast_in_dim3A_7, %select_n3A : vector<16xi1>, vector<16xi32>
      %select_n3A_36 = arith.select %gt3A_32, %gather3A, %broadcast_in_dim3A_5 : vector<16xi1>, vector<16xf32>
      %select_n3A_37 = arith.select %gt3A, %broadcast_in_dim3A_5, %select_n3A_36 : vector<16xi1>, vector<16xf32>
      %select_n3A_38 = arith.select %gt3A, %broadcast_in_dim3A_34, %broadcast_in_dim3A_7 : vector<16xi1>, vector<16xi32>
      %select_n3A_39 = arith.select %gt3A, %gather3A, %broadcast_in_dim3A_5 : vector<16xi1>, vector<16xf32>
      %add3A_40 = arith.constant 1 : i32
      %add3A_41 = vector.broadcast %add3A_40 : i32 to vector<16xi32>
      %add3A_42 = arith.addi %mul3A_24, %add3A_41 : vector<16xi32>
      %gather3A_43 = tpu.vector_load_idx %arg5[%add3A_42] : memref<32768xf32, #tpu.memory_space<vmem>>[vector<16xi32>], vector<16xf32>,
      %gt3A_44 = arith.cmpf ogt, %gather3A_43, %select_n3A_39 : vector<16xf32>
      %gt3A_45 = arith.cmpf ogt, %gather3A_43, %select_n3A_37 : vector<16xf32>
      %broadcast_in_dim3A_46 = arith.constant 1 : i32
      %broadcast_in_dim3A_47 = vector.broadcast %broadcast_in_dim3A_46 : i32 to vector<16xi32>
      %select_n3A_48 = arith.select %gt3A_45, %broadcast_in_dim3A_47, %select_n3A_35 : vector<16xi1>, vector<16xi32>
      %select_n3A_49 = arith.select %gt3A_44, %select_n3A_38, %select_n3A_48 : vector<16xi1>, vector<16xi32>
      %select_n3A_50 = arith.select %gt3A_45, %gather3A_43, %select_n3A_37 : vector<16xi1>, vector<16xf32>
      %select_n3A_51 = arith.select %gt3A_44, %select_n3A_39, %select_n3A_50 : vector<16xi1>, vector<16xf32>
      %select_n3A_52 = arith.select %gt3A_44, %broadcast_in_dim3A_47, %select_n3A_38 : vector<16xi1>, vector<16xi32>
      %select_n3A_53 = arith.select %gt3A_44, %gather3A_43, %select_n3A_39 : vector<16xi1>, vector<16xf32>
      %add3A_54 = arith.constant 2 : i32
      %add3A_55 = vector.broadcast %add3A_54 : i32 to vector<16xi32>
      %add3A_56 = arith.addi %mul3A_24, %add3A_55 : vector<16xi32>
      %gather3A_57 = tpu.vector_load_idx %arg5[%add3A_56] : memref<32768xf32, #tpu.memory_space<vmem>>[vector<16xi32>], vector<16xf32>,
      %gt3A_58 = arith.cmpf ogt, %gather3A_57, %select_n3A_53 : vector<16xf32>
      %gt3A_59 = arith.cmpf ogt, %gather3A_57, %select_n3A_51 : vector<16xf32>
      %broadcast_in_dim3A_60 = arith.constant 2 : i32
      %broadcast_in_dim3A_61 = vector.broadcast %broadcast_in_dim3A_60 : i32 to vector<16xi32>
      %select_n3A_62 = arith.select %gt3A_59, %broadcast_in_dim3A_61, %select_n3A_49 : vector<16xi1>, vector<16xi32>
      %select_n3A_63 = arith.select %gt3A_58, %select_n3A_52, %select_n3A_62 : vector<16xi1>, vector<16xi32>
      %select_n3A_64 = arith.select %gt3A_59, %gather3A_57, %select_n3A_51 : vector<16xi1>, vector<16xf32>
      %select_n3A_65 = arith.select %gt3A_58, %select_n3A_53, %select_n3A_64 : vector<16xi1>, vector<16xf32>
      %select_n3A_66 = arith.select %gt3A_58, %broadcast_in_dim3A_61, %select_n3A_52 : vector<16xi1>, vector<16xi32>
      %select_n3A_67 = arith.select %gt3A_58, %gather3A_57, %select_n3A_53 : vector<16xi1>, vector<16xf32>
      %add3A_68 = arith.constant 3 : i32
      %add3A_69 = vector.broadcast %add3A_68 : i32 to vector<16xi32>
      %add3A_70 = arith.addi %mul3A_24, %add3A_69 : vector<16xi32>
      %gather3A_71 = tpu.vector_load_idx %arg5[%add3A_70] : memref<32768xf32, #tpu.memory_space<vmem>>[vector<16xi32>], vector<16xf32>,
      %gt3A_72 = arith.cmpf ogt, %gather3A_71, %select_n3A_67 : vector<16xf32>
      %gt3A_73 = arith.cmpf ogt, %gather3A_71, %select_n3A_65 : vector<16xf32>
      %broadcast_in_dim3A_74 = arith.constant 3 : i32
      %broadcast_in_dim3A_75 = vector.broadcast %broadcast_in_dim3A_74 : i32 to vector<16xi32>
      %select_n3A_76 = arith.select %gt3A_73, %broadcast_in_dim3A_75, %select_n3A_63 : vector<16xi1>, vector<16xi32>
      %select_n3A_77 = arith.select %gt3A_72, %select_n3A_66, %select_n3A_76 : vector<16xi1>, vector<16xi32>
      %select_n3A_78 = arith.select %gt3A_73, %gather3A_71, %select_n3A_65 : vector<16xi1>, vector<16xf32>
      %select_n3A_79 = arith.select %gt3A_72, %select_n3A_67, %select_n3A_78 : vector<16xi1>, vector<16xf32>
      %select_n3A_80 = arith.select %gt3A_72, %broadcast_in_dim3A_75, %select_n3A_66 : vector<16xi1>, vector<16xi32>
      %select_n3A_81 = arith.select %gt3A_72, %gather3A_71, %select_n3A_67 : vector<16xi1>, vector<16xf32>
      %add3A_82 = arith.constant 4 : i32
      %add3A_83 = vector.broadcast %add3A_82 : i32 to vector<16xi32>
      %add3A_84 = arith.addi %mul3A_24, %add3A_83 : vector<16xi32>
      %gather3A_85 = tpu.vector_load_idx %arg5[%add3A_84] : memref<32768xf32, #tpu.memory_space<vmem>>[vector<16xi32>], vector<16xf32>,
      %gt3A_86 = arith.cmpf ogt, %gather3A_85, %select_n3A_81 : vector<16xf32>
      %gt3A_87 = arith.cmpf ogt, %gather3A_85, %select_n3A_79 : vector<16xf32>
      %broadcast_in_dim3A_88 = arith.constant 4 : i32
      %broadcast_in_dim3A_89 = vector.broadcast %broadcast_in_dim3A_88 : i32 to vector<16xi32>
      %select_n3A_90 = arith.select %gt3A_87, %broadcast_in_dim3A_89, %select_n3A_77 : vector<16xi1>, vector<16xi32>
      %select_n3A_91 = arith.select %gt3A_86, %select_n3A_80, %select_n3A_90 : vector<16xi1>, vector<16xi32>
      %select_n3A_92 = arith.select %gt3A_87, %gather3A_85, %select_n3A_79 : vector<16xi1>, vector<16xf32>
      %select_n3A_93 = arith.select %gt3A_86, %select_n3A_81, %select_n3A_92 : vector<16xi1>, vector<16xf32>
      %select_n3A_94 = arith.select %gt3A_86, %broadcast_in_dim3A_89, %select_n3A_80 : vector<16xi1>, vector<16xi32>
      %select_n3A_95 = arith.select %gt3A_86, %gather3A_85, %select_n3A_81 : vector<16xi1>, vector<16xf32>
      %add3A_96 = arith.constant 5 : i32
      %add3A_97 = vector.broadcast %add3A_96 : i32 to vector<16xi32>
      %add3A_98 = arith.addi %mul3A_24, %add3A_97 : vector<16xi32>
      %gather3A_99 = tpu.vector_load_idx %arg5[%add3A_98] : memref<32768xf32, #tpu.memory_space<vmem>>[vector<16xi32>], vector<16xf32>,
      %gt3A_100 = arith.cmpf ogt, %gather3A_99, %select_n3A_95 : vector<16xf32>
      %gt3A_101 = arith.cmpf ogt, %gather3A_99, %select_n3A_93 : vector<16xf32>
      %broadcast_in_dim3A_102 = arith.constant 5 : i32
      %broadcast_in_dim3A_103 = vector.broadcast %broadcast_in_dim3A_102 : i32 to vector<16xi32>
      %select_n3A_104 = arith.select %gt3A_101, %broadcast_in_dim3A_103, %select_n3A_91 : vector<16xi1>, vector<16xi32>
      %select_n3A_105 = arith.select %gt3A_100, %select_n3A_94, %select_n3A_104 : vector<16xi1>, vector<16xi32>
      %select_n3A_106 = arith.select %gt3A_101, %gather3A_99, %select_n3A_93 : vector<16xi1>, vector<16xf32>
      %select_n3A_107 = arith.select %gt3A_100, %select_n3A_95, %select_n3A_106 : vector<16xi1>, vector<16xf32>
      %select_n3A_108 = arith.select %gt3A_100, %broadcast_in_dim3A_103, %select_n3A_94 : vector<16xi1>, vector<16xi32>
      %select_n3A_109 = arith.select %gt3A_100, %gather3A_99, %select_n3A_95 : vector<16xi1>, vector<16xf32>
      %add3A_110 = arith.constant 6 : i32
      %add3A_111 = vector.broadcast %add3A_110 : i32 to vector<16xi32>
      %add3A_112 = arith.addi %mul3A_24, %add3A_111 : vector<16xi32>
      %gather3A_113 = tpu.vector_load_idx %arg5[%add3A_112] : memref<32768xf32, #tpu.memory_space<vmem>>[vector<16xi32>], vector<16xf32>,
      %gt3A_114 = arith.cmpf ogt, %gather3A_113, %select_n3A_109 : vector<16xf32>
      %gt3A_115 = arith.cmpf ogt, %gather3A_113, %select_n3A_107 : vector<16xf32>
      %broadcast_in_dim3A_116 = arith.constant 6 : i32
      %broadcast_in_dim3A_117 = vector.broadcast %broadcast_in_dim3A_116 : i32 to vector<16xi32>
      %select_n3A_118 = arith.select %gt3A_115, %broadcast_in_dim3A_117, %select_n3A_105 : vector<16xi1>, vector<16xi32>
      %select_n3A_119 = arith.select %gt3A_114, %select_n3A_108, %select_n3A_118 : vector<16xi1>, vector<16xi32>
      %select_n3A_120 = arith.select %gt3A_115, %gather3A_113, %select_n3A_107 : vector<16xi1>, vector<16xf32>
      %select_n3A_121 = arith.select %gt3A_114, %select_n3A_109, %select_n3A_120 : vector<16xi1>, vector<16xf32>
      %select_n3A_122 = arith.select %gt3A_114, %broadcast_in_dim3A_117, %select_n3A_108 : vector<16xi1>, vector<16xi32>
      %select_n3A_123 = arith.select %gt3A_114, %gather3A_113, %select_n3A_109 : vector<16xi1>, vector<16xf32>
      %add3A_124 = arith.constant 7 : i32
      %add3A_125 = vector.broadcast %add3A_124 : i32 to vector<16xi32>
      %add3A_126 = arith.addi %mul3A_24, %add3A_125 : vector<16xi32>
      %gather3A_127 = tpu.vector_load_idx %arg5[%add3A_126] : memref<32768xf32, #tpu.memory_space<vmem>>[vector<16xi32>], vector<16xf32>,
      %gt3A_128 = arith.cmpf ogt, %gather3A_127, %select_n3A_123 : vector<16xf32>
      %gt3A_129 = arith.cmpf ogt, %gather3A_127, %select_n3A_121 : vector<16xf32>
      %broadcast_in_dim3A_130 = arith.constant 7 : i32
      %broadcast_in_dim3A_131 = vector.broadcast %broadcast_in_dim3A_130 : i32 to vector<16xi32>
      %select_n3A_132 = arith.select %gt3A_129, %broadcast_in_dim3A_131, %select_n3A_119 : vector<16xi1>, vector<16xi32>
      %select_n3A_133 = arith.select %gt3A_128, %select_n3A_122, %select_n3A_132 : vector<16xi1>, vector<16xi32>
      %select_n3A_134 = arith.select %gt3A_129, %gather3A_127, %select_n3A_121 : vector<16xi1>, vector<16xf32>
      %select_n3A_135 = arith.select %gt3A_128, %select_n3A_123, %select_n3A_134 : vector<16xi1>, vector<16xf32>
      %select_n3A_136 = arith.select %gt3A_128, %broadcast_in_dim3A_131, %select_n3A_122 : vector<16xi1>, vector<16xi32>
      %select_n3A_137 = arith.select %gt3A_128, %gather3A_127, %select_n3A_123 : vector<16xi1>, vector<16xf32>
      %add3A_138 = arith.constant 8 : i32
      %add3A_139 = vector.broadcast %add3A_138 : i32 to vector<16xi32>
      %add3A_140 = arith.addi %mul3A_24, %add3A_139 : vector<16xi32>
      %gather3A_141 = tpu.vector_load_idx %arg5[%add3A_140] : memref<32768xf32, #tpu.memory_space<vmem>>[vector<16xi32>], vector<16xf32>,
      %gt3A_142 = arith.cmpf ogt, %gather3A_141, %select_n3A_137 : vector<16xf32>
      %gt3A_143 = arith.cmpf ogt, %gather3A_141, %select_n3A_135 : vector<16xf32>
      %broadcast_in_dim3A_144 = arith.constant 8 : i32
      %broadcast_in_dim3A_145 = vector.broadcast %broadcast_in_dim3A_144 : i32 to vector<16xi32>
      %select_n3A_146 = arith.select %gt3A_143, %broadcast_in_dim3A_145, %select_n3A_133 : vector<16xi1>, vector<16xi32>
      %select_n3A_147 = arith.select %gt3A_142, %select_n3A_136, %select_n3A_146 : vector<16xi1>, vector<16xi32>
      %select_n3A_148 = arith.select %gt3A_143, %gather3A_141, %select_n3A_135 : vector<16xi1>, vector<16xf32>
      %select_n3A_149 = arith.select %gt3A_142, %select_n3A_137, %select_n3A_148 : vector<16xi1>, vector<16xf32>
      %select_n3A_150 = arith.select %gt3A_142, %broadcast_in_dim3A_145, %select_n3A_136 : vector<16xi1>, vector<16xi32>
      %select_n3A_151 = arith.select %gt3A_142, %gather3A_141, %select_n3A_137 : vector<16xi1>, vector<16xf32>
      %add3A_152 = arith.constant 9 : i32
      %add3A_153 = vector.broadcast %add3A_152 : i32 to vector<16xi32>
      %add3A_154 = arith.addi %mul3A_24, %add3A_153 : vector<16xi32>
      %gather3A_155 = tpu.vector_load_idx %arg5[%add3A_154] : memref<32768xf32, #tpu.memory_space<vmem>>[vector<16xi32>], vector<16xf32>,
      %gt3A_156 = arith.cmpf ogt, %gather3A_155, %select_n3A_151 : vector<16xf32>
      %gt3A_157 = arith.cmpf ogt, %gather3A_155, %select_n3A_149 : vector<16xf32>
      %broadcast_in_dim3A_158 = arith.constant 9 : i32
      %broadcast_in_dim3A_159 = vector.broadcast %broadcast_in_dim3A_158 : i32 to vector<16xi32>
      %select_n3A_160 = arith.select %gt3A_157, %broadcast_in_dim3A_159, %select_n3A_147 : vector<16xi1>, vector<16xi32>
      %select_n3A_161 = arith.select %gt3A_156, %select_n3A_150, %select_n3A_160 : vector<16xi1>, vector<16xi32>
      %select_n3A_162 = arith.select %gt3A_157, %gather3A_155, %select_n3A_149 : vector<16xi1>, vector<16xf32>
      %select_n3A_163 = arith.select %gt3A_156, %select_n3A_151, %select_n3A_162 : vector<16xi1>, vector<16xf32>
      %select_n3A_164 = arith.select %gt3A_156, %broadcast_in_dim3A_159, %select_n3A_150 : vector<16xi1>, vector<16xi32>
      %select_n3A_165 = arith.select %gt3A_156, %gather3A_155, %select_n3A_151 : vector<16xi1>, vector<16xf32>
      %add3A_166 = arith.constant 10 : i32
      %add3A_167 = vector.broadcast %add3A_166 : i32 to vector<16xi32>
      %add3A_168 = arith.addi %mul3A_24, %add3A_167 : vector<16xi32>
      %gather3A_169 = tpu.vector_load_idx %arg5[%add3A_168] : memref<32768xf32, #tpu.memory_space<vmem>>[vector<16xi32>], vector<16xf32>,
      %gt3A_170 = arith.cmpf ogt, %gather3A_169, %select_n3A_165 : vector<16xf32>
      %gt3A_171 = arith.cmpf ogt, %gather3A_169, %select_n3A_163 : vector<16xf32>
      %broadcast_in_dim3A_172 = arith.constant 10 : i32
      %broadcast_in_dim3A_173 = vector.broadcast %broadcast_in_dim3A_172 : i32 to vector<16xi32>
      %select_n3A_174 = arith.select %gt3A_171, %broadcast_in_dim3A_173, %select_n3A_161 : vector<16xi1>, vector<16xi32>
      %select_n3A_175 = arith.select %gt3A_170, %select_n3A_164, %select_n3A_174 : vector<16xi1>, vector<16xi32>
      %select_n3A_176 = arith.select %gt3A_171, %gather3A_169, %select_n3A_163 : vector<16xi1>, vector<16xf32>
      %select_n3A_177 = arith.select %gt3A_170, %select_n3A_165, %select_n3A_176 : vector<16xi1>, vector<16xf32>
      %select_n3A_178 = arith.select %gt3A_170, %broadcast_in_dim3A_173, %select_n3A_164 : vector<16xi1>, vector<16xi32>
      %select_n3A_179 = arith.select %gt3A_170, %gather3A_169, %select_n3A_165 : vector<16xi1>, vector<16xf32>
      %add3A_180 = arith.constant 11 : i32
      %add3A_181 = vector.broadcast %add3A_180 : i32 to vector<16xi32>
      %add3A_182 = arith.addi %mul3A_24, %add3A_181 : vector<16xi32>
      %gather3A_183 = tpu.vector_load_idx %arg5[%add3A_182] : memref<32768xf32, #tpu.memory_space<vmem>>[vector<16xi32>], vector<16xf32>,
      %gt3A_184 = arith.cmpf ogt, %gather3A_183, %select_n3A_179 : vector<16xf32>
      %gt3A_185 = arith.cmpf ogt, %gather3A_183, %select_n3A_177 : vector<16xf32>
      %broadcast_in_dim3A_186 = arith.constant 11 : i32
      %broadcast_in_dim3A_187 = vector.broadcast %broadcast_in_dim3A_186 : i32 to vector<16xi32>
      %select_n3A_188 = arith.select %gt3A_185, %broadcast_in_dim3A_187, %select_n3A_175 : vector<16xi1>, vector<16xi32>
      %select_n3A_189 = arith.select %gt3A_184, %select_n3A_178, %select_n3A_188 : vector<16xi1>, vector<16xi32>
      %select_n3A_190 = arith.select %gt3A_185, %gather3A_183, %select_n3A_177 : vector<16xi1>, vector<16xf32>
      %select_n3A_191 = arith.select %gt3A_184, %select_n3A_179, %select_n3A_190 : vector<16xi1>, vector<16xf32>
      %select_n3A_192 = arith.select %gt3A_184, %broadcast_in_dim3A_187, %select_n3A_178 : vector<16xi1>, vector<16xi32>
      %select_n3A_193 = arith.select %gt3A_184, %gather3A_183, %select_n3A_179 : vector<16xi1>, vector<16xf32>
      %add3A_194 = arith.constant 12 : i32
      %add3A_195 = vector.broadcast %add3A_194 : i32 to vector<16xi32>
      %add3A_196 = arith.addi %mul3A_24, %add3A_195 : vector<16xi32>
      %gather3A_197 = tpu.vector_load_idx %arg5[%add3A_196] : memref<32768xf32, #tpu.memory_space<vmem>>[vector<16xi32>], vector<16xf32>,
      %gt3A_198 = arith.cmpf ogt, %gather3A_197, %select_n3A_193 : vector<16xf32>
      %gt3A_199 = arith.cmpf ogt, %gather3A_197, %select_n3A_191 : vector<16xf32>
      %broadcast_in_dim3A_200 = arith.constant 12 : i32
      %broadcast_in_dim3A_201 = vector.broadcast %broadcast_in_dim3A_200 : i32 to vector<16xi32>
      %select_n3A_202 = arith.select %gt3A_199, %broadcast_in_dim3A_201, %select_n3A_189 : vector<16xi1>, vector<16xi32>
      %select_n3A_203 = arith.select %gt3A_198, %select_n3A_192, %select_n3A_202 : vector<16xi1>, vector<16xi32>
      %select_n3A_204 = arith.select %gt3A_199, %gather3A_197, %select_n3A_191 : vector<16xi1>, vector<16xf32>
      %select_n3A_205 = arith.select %gt3A_198, %select_n3A_193, %select_n3A_204 : vector<16xi1>, vector<16xf32>
      %select_n3A_206 = arith.select %gt3A_198, %broadcast_in_dim3A_201, %select_n3A_192 : vector<16xi1>, vector<16xi32>
      %select_n3A_207 = arith.select %gt3A_198, %gather3A_197, %select_n3A_193 : vector<16xi1>, vector<16xf32>
      %add3A_208 = arith.constant 13 : i32
      %add3A_209 = vector.broadcast %add3A_208 : i32 to vector<16xi32>
      %add3A_210 = arith.addi %mul3A_24, %add3A_209 : vector<16xi32>
      %gather3A_211 = tpu.vector_load_idx %arg5[%add3A_210] : memref<32768xf32, #tpu.memory_space<vmem>>[vector<16xi32>], vector<16xf32>,
      %gt3A_212 = arith.cmpf ogt, %gather3A_211, %select_n3A_207 : vector<16xf32>
      %gt3A_213 = arith.cmpf ogt, %gather3A_211, %select_n3A_205 : vector<16xf32>
      %broadcast_in_dim3A_214 = arith.constant 13 : i32
      %broadcast_in_dim3A_215 = vector.broadcast %broadcast_in_dim3A_214 : i32 to vector<16xi32>
      %select_n3A_216 = arith.select %gt3A_213, %broadcast_in_dim3A_215, %select_n3A_203 : vector<16xi1>, vector<16xi32>
      %select_n3A_217 = arith.select %gt3A_212, %select_n3A_206, %select_n3A_216 : vector<16xi1>, vector<16xi32>
      %select_n3A_218 = arith.select %gt3A_213, %gather3A_211, %select_n3A_205 : vector<16xi1>, vector<16xf32>
      %select_n3A_219 = arith.select %gt3A_212, %select_n3A_207, %select_n3A_218 : vector<16xi1>, vector<16xf32>
      %select_n3A_220 = arith.select %gt3A_212, %broadcast_in_dim3A_215, %select_n3A_206 : vector<16xi1>, vector<16xi32>
      %select_n3A_221 = arith.select %gt3A_212, %gather3A_211, %select_n3A_207 : vector<16xi1>, vector<16xf32>
      %add3A_222 = arith.constant 14 : i32
      %add3A_223 = vector.broadcast %add3A_222 : i32 to vector<16xi32>
      %add3A_224 = arith.addi %mul3A_24, %add3A_223 : vector<16xi32>
      %gather3A_225 = tpu.vector_load_idx %arg5[%add3A_224] : memref<32768xf32, #tpu.memory_space<vmem>>[vector<16xi32>], vector<16xf32>,
      %gt3A_226 = arith.cmpf ogt, %gather3A_225, %select_n3A_221 : vector<16xf32>
      %gt3A_227 = arith.cmpf ogt, %gather3A_225, %select_n3A_219 : vector<16xf32>
      %broadcast_in_dim3A_228 = arith.constant 14 : i32
      %broadcast_in_dim3A_229 = vector.broadcast %broadcast_in_dim3A_228 : i32 to vector<16xi32>
      %select_n3A_230 = arith.select %gt3A_227, %broadcast_in_dim3A_229, %select_n3A_217 : vector<16xi1>, vector<16xi32>
      %select_n3A_231 = arith.select %gt3A_226, %select_n3A_220, %select_n3A_230 : vector<16xi1>, vector<16xi32>
      %select_n3A_232 = arith.select %gt3A_227, %gather3A_225, %select_n3A_219 : vector<16xi1>, vector<16xf32>
      %select_n3A_233 = arith.select %gt3A_226, %select_n3A_221, %select_n3A_232 : vector<16xi1>, vector<16xf32>
      %select_n3A_234 = arith.select %gt3A_226, %broadcast_in_dim3A_229, %select_n3A_220 : vector<16xi1>, vector<16xi32>
      %select_n3A_235 = arith.select %gt3A_226, %gather3A_225, %select_n3A_221 : vector<16xi1>, vector<16xf32>
      %add3A_236 = arith.constant 15 : i32
      %add3A_237 = vector.broadcast %add3A_236 : i32 to vector<16xi32>
      %add3A_238 = arith.addi %mul3A_24, %add3A_237 : vector<16xi32>
      %gather3A_239 = tpu.vector_load_idx %arg5[%add3A_238] : memref<32768xf32, #tpu.memory_space<vmem>>[vector<16xi32>], vector<16xf32>,
      %gt3A_240 = arith.cmpf ogt, %gather3A_239, %select_n3A_235 : vector<16xf32>
      %gt3A_241 = arith.cmpf ogt, %gather3A_239, %select_n3A_233 : vector<16xf32>
      %broadcast_in_dim3A_242 = arith.constant 15 : i32
      %broadcast_in_dim3A_243 = vector.broadcast %broadcast_in_dim3A_242 : i32 to vector<16xi32>
      %select_n3A_244 = arith.select %gt3A_241, %broadcast_in_dim3A_243, %select_n3A_231 : vector<16xi1>, vector<16xi32>
      %select_n3A_245 = arith.select %gt3A_240, %select_n3A_234, %select_n3A_244 : vector<16xi1>, vector<16xi32>
      %select_n3A_246 = arith.select %gt3A_241, %gather3A_239, %select_n3A_233 : vector<16xi1>, vector<16xf32>
      %select_n3A_247 = arith.select %gt3A_240, %select_n3A_235, %select_n3A_246 : vector<16xi1>, vector<16xf32>
      %select_n3A_248 = arith.select %gt3A_240, %broadcast_in_dim3A_243, %select_n3A_234 : vector<16xi1>, vector<16xi32>
      %select_n3A_249 = arith.select %gt3A_240, %gather3A_239, %select_n3A_235 : vector<16xi1>, vector<16xf32>
      %add3A_250 = arith.constant 16 : i32
      %add3A_251 = vector.broadcast %add3A_250 : i32 to vector<16xi32>
      %add3A_252 = arith.addi %mul3A_24, %add3A_251 : vector<16xi32>
      %gather3A_253 = tpu.vector_load_idx %arg5[%add3A_252] : memref<32768xf32, #tpu.memory_space<vmem>>[vector<16xi32>], vector<16xf32>,
      %gt3A_254 = arith.cmpf ogt, %gather3A_253, %select_n3A_249 : vector<16xf32>
      %gt3A_255 = arith.cmpf ogt, %gather3A_253, %select_n3A_247 : vector<16xf32>
      %broadcast_in_dim3A_256 = arith.constant 16 : i32
      %broadcast_in_dim3A_257 = vector.broadcast %broadcast_in_dim3A_256 : i32 to vector<16xi32>
      %select_n3A_258 = arith.select %gt3A_255, %broadcast_in_dim3A_257, %select_n3A_245 : vector<16xi1>, vector<16xi32>
      %select_n3A_259 = arith.select %gt3A_254, %select_n3A_248, %select_n3A_258 : vector<16xi1>, vector<16xi32>
      %select_n3A_260 = arith.select %gt3A_255, %gather3A_253, %select_n3A_247 : vector<16xi1>, vector<16xf32>
      %select_n3A_261 = arith.select %gt3A_254, %select_n3A_249, %select_n3A_260 : vector<16xi1>, vector<16xf32>
      %select_n3A_262 = arith.select %gt3A_254, %broadcast_in_dim3A_257, %select_n3A_248 : vector<16xi1>, vector<16xi32>
      %select_n3A_263 = arith.select %gt3A_254, %gather3A_253, %select_n3A_249 : vector<16xi1>, vector<16xf32>
      %add3A_264 = arith.constant 17 : i32
      %add3A_265 = vector.broadcast %add3A_264 : i32 to vector<16xi32>
      %add3A_266 = arith.addi %mul3A_24, %add3A_265 : vector<16xi32>
      %gather3A_267 = tpu.vector_load_idx %arg5[%add3A_266] : memref<32768xf32, #tpu.memory_space<vmem>>[vector<16xi32>], vector<16xf32>,
      %gt3A_268 = arith.cmpf ogt, %gather3A_267, %select_n3A_263 : vector<16xf32>
      %gt3A_269 = arith.cmpf ogt, %gather3A_267, %select_n3A_261 : vector<16xf32>
      %broadcast_in_dim3A_270 = arith.constant 17 : i32
      %broadcast_in_dim3A_271 = vector.broadcast %broadcast_in_dim3A_270 : i32 to vector<16xi32>
      %select_n3A_272 = arith.select %gt3A_269, %broadcast_in_dim3A_271, %select_n3A_259 : vector<16xi1>, vector<16xi32>
      %select_n3A_273 = arith.select %gt3A_268, %select_n3A_262, %select_n3A_272 : vector<16xi1>, vector<16xi32>
      %select_n3A_274 = arith.select %gt3A_269, %gather3A_267, %select_n3A_261 : vector<16xi1>, vector<16xf32>
      %select_n3A_275 = arith.select %gt3A_268, %select_n3A_263, %select_n3A_274 : vector<16xi1>, vector<16xf32>
      %select_n3A_276 = arith.select %gt3A_268, %broadcast_in_dim3A_271, %select_n3A_262 : vector<16xi1>, vector<16xi32>
      %select_n3A_277 = arith.select %gt3A_268, %gather3A_267, %select_n3A_263 : vector<16xi1>, vector<16xf32>
      %add3A_278 = arith.constant 18 : i32
      %add3A_279 = vector.broadcast %add3A_278 : i32 to vector<16xi32>
      %add3A_280 = arith.addi %mul3A_24, %add3A_279 : vector<16xi32>
      %gather3A_281 = tpu.vector_load_idx %arg5[%add3A_280] : memref<32768xf32, #tpu.memory_space<vmem>>[vector<16xi32>], vector<16xf32>,
      %gt3A_282 = arith.cmpf ogt, %gather3A_281, %select_n3A_277 : vector<16xf32>
      %gt3A_283 = arith.cmpf ogt, %gather3A_281, %select_n3A_275 : vector<16xf32>
      %broadcast_in_dim3A_284 = arith.constant 18 : i32
      %broadcast_in_dim3A_285 = vector.broadcast %broadcast_in_dim3A_284 : i32 to vector<16xi32>
      %select_n3A_286 = arith.select %gt3A_283, %broadcast_in_dim3A_285, %select_n3A_273 : vector<16xi1>, vector<16xi32>
      %select_n3A_287 = arith.select %gt3A_282, %select_n3A_276, %select_n3A_286 : vector<16xi1>, vector<16xi32>
      %select_n3A_288 = arith.select %gt3A_283, %gather3A_281, %select_n3A_275 : vector<16xi1>, vector<16xf32>
      %select_n3A_289 = arith.select %gt3A_282, %select_n3A_277, %select_n3A_288 : vector<16xi1>, vector<16xf32>
      %select_n3A_290 = arith.select %gt3A_282, %broadcast_in_dim3A_285, %select_n3A_276 : vector<16xi1>, vector<16xi32>
      %select_n3A_291 = arith.select %gt3A_282, %gather3A_281, %select_n3A_277 : vector<16xi1>, vector<16xf32>
      %add3A_292 = arith.constant 19 : i32
      %add3A_293 = vector.broadcast %add3A_292 : i32 to vector<16xi32>
      %add3A_294 = arith.addi %mul3A_24, %add3A_293 : vector<16xi32>
      %gather3A_295 = tpu.vector_load_idx %arg5[%add3A_294] : memref<32768xf32, #tpu.memory_space<vmem>>[vector<16xi32>], vector<16xf32>,
      %gt3A_296 = arith.cmpf ogt, %gather3A_295, %select_n3A_291 : vector<16xf32>
      %gt3A_297 = arith.cmpf ogt, %gather3A_295, %select_n3A_289 : vector<16xf32>
      %broadcast_in_dim3A_298 = arith.constant 19 : i32
      %broadcast_in_dim3A_299 = vector.broadcast %broadcast_in_dim3A_298 : i32 to vector<16xi32>
      %select_n3A_300 = arith.select %gt3A_297, %broadcast_in_dim3A_299, %select_n3A_287 : vector<16xi1>, vector<16xi32>
      %select_n3A_301 = arith.select %gt3A_296, %select_n3A_290, %select_n3A_300 : vector<16xi1>, vector<16xi32>
      %select_n3A_302 = arith.select %gt3A_297, %gather3A_295, %select_n3A_289 : vector<16xi1>, vector<16xf32>
      %select_n3A_303 = arith.select %gt3A_296, %select_n3A_291, %select_n3A_302 : vector<16xi1>, vector<16xf32>
      %select_n3A_304 = arith.select %gt3A_296, %broadcast_in_dim3A_299, %select_n3A_290 : vector<16xi1>, vector<16xi32>
      %select_n3A_305 = arith.select %gt3A_296, %gather3A_295, %select_n3A_291 : vector<16xi1>, vector<16xf32>
      %add3A_306 = arith.constant 20 : i32
      %add3A_307 = vector.broadcast %add3A_306 : i32 to vector<16xi32>
      %add3A_308 = arith.addi %mul3A_24, %add3A_307 : vector<16xi32>
      %gather3A_309 = tpu.vector_load_idx %arg5[%add3A_308] : memref<32768xf32, #tpu.memory_space<vmem>>[vector<16xi32>], vector<16xf32>,
      %gt3A_310 = arith.cmpf ogt, %gather3A_309, %select_n3A_305 : vector<16xf32>
      %gt3A_311 = arith.cmpf ogt, %gather3A_309, %select_n3A_303 : vector<16xf32>
      %broadcast_in_dim3A_312 = arith.constant 20 : i32
      %broadcast_in_dim3A_313 = vector.broadcast %broadcast_in_dim3A_312 : i32 to vector<16xi32>
      %select_n3A_314 = arith.select %gt3A_311, %broadcast_in_dim3A_313, %select_n3A_301 : vector<16xi1>, vector<16xi32>
      %select_n3A_315 = arith.select %gt3A_310, %select_n3A_304, %select_n3A_314 : vector<16xi1>, vector<16xi32>
      %select_n3A_316 = arith.select %gt3A_311, %gather3A_309, %select_n3A_303 : vector<16xi1>, vector<16xf32>
      %select_n3A_317 = arith.select %gt3A_310, %select_n3A_305, %select_n3A_316 : vector<16xi1>, vector<16xf32>
      %select_n3A_318 = arith.select %gt3A_310, %broadcast_in_dim3A_313, %select_n3A_304 : vector<16xi1>, vector<16xi32>
      %select_n3A_319 = arith.select %gt3A_310, %gather3A_309, %select_n3A_305 : vector<16xi1>, vector<16xf32>
      %add3A_320 = arith.constant 21 : i32
      %add3A_321 = vector.broadcast %add3A_320 : i32 to vector<16xi32>
      %add3A_322 = arith.addi %mul3A_24, %add3A_321 : vector<16xi32>
      %gather3A_323 = tpu.vector_load_idx %arg5[%add3A_322] : memref<32768xf32, #tpu.memory_space<vmem>>[vector<16xi32>], vector<16xf32>,
      %gt3A_324 = arith.cmpf ogt, %gather3A_323, %select_n3A_319 : vector<16xf32>
      %gt3A_325 = arith.cmpf ogt, %gather3A_323, %select_n3A_317 : vector<16xf32>
      %broadcast_in_dim3A_326 = arith.constant 21 : i32
      %broadcast_in_dim3A_327 = vector.broadcast %broadcast_in_dim3A_326 : i32 to vector<16xi32>
      %select_n3A_328 = arith.select %gt3A_325, %broadcast_in_dim3A_327, %select_n3A_315 : vector<16xi1>, vector<16xi32>
      %select_n3A_329 = arith.select %gt3A_324, %select_n3A_318, %select_n3A_328 : vector<16xi1>, vector<16xi32>
      %select_n3A_330 = arith.select %gt3A_325, %gather3A_323, %select_n3A_317 : vector<16xi1>, vector<16xf32>
      %select_n3A_331 = arith.select %gt3A_324, %select_n3A_319, %select_n3A_330 : vector<16xi1>, vector<16xf32>
      %select_n3A_332 = arith.select %gt3A_324, %broadcast_in_dim3A_327, %select_n3A_318 : vector<16xi1>, vector<16xi32>
      %select_n3A_333 = arith.select %gt3A_324, %gather3A_323, %select_n3A_319 : vector<16xi1>, vector<16xf32>
      %add3A_334 = arith.constant 22 : i32
      %add3A_335 = vector.broadcast %add3A_334 : i32 to vector<16xi32>
      %add3A_336 = arith.addi %mul3A_24, %add3A_335 : vector<16xi32>
      %gather3A_337 = tpu.vector_load_idx %arg5[%add3A_336] : memref<32768xf32, #tpu.memory_space<vmem>>[vector<16xi32>], vector<16xf32>,
      %gt3A_338 = arith.cmpf ogt, %gather3A_337, %select_n3A_333 : vector<16xf32>
      %gt3A_339 = arith.cmpf ogt, %gather3A_337, %select_n3A_331 : vector<16xf32>
      %broadcast_in_dim3A_340 = arith.constant 22 : i32
      %broadcast_in_dim3A_341 = vector.broadcast %broadcast_in_dim3A_340 : i32 to vector<16xi32>
      %select_n3A_342 = arith.select %gt3A_339, %broadcast_in_dim3A_341, %select_n3A_329 : vector<16xi1>, vector<16xi32>
      %select_n3A_343 = arith.select %gt3A_338, %select_n3A_332, %select_n3A_342 : vector<16xi1>, vector<16xi32>
      %select_n3A_344 = arith.select %gt3A_339, %gather3A_337, %select_n3A_331 : vector<16xi1>, vector<16xf32>
      %select_n3A_345 = arith.select %gt3A_338, %select_n3A_333, %select_n3A_344 : vector<16xi1>, vector<16xf32>
      %select_n3A_346 = arith.select %gt3A_338, %broadcast_in_dim3A_341, %select_n3A_332 : vector<16xi1>, vector<16xi32>
      %select_n3A_347 = arith.select %gt3A_338, %gather3A_337, %select_n3A_333 : vector<16xi1>, vector<16xf32>
      %add3A_348 = arith.constant 23 : i32
      %add3A_349 = vector.broadcast %add3A_348 : i32 to vector<16xi32>
      %add3A_350 = arith.addi %mul3A_24, %add3A_349 : vector<16xi32>
      %gather3A_351 = tpu.vector_load_idx %arg5[%add3A_350] : memref<32768xf32, #tpu.memory_space<vmem>>[vector<16xi32>], vector<16xf32>,
      %gt3A_352 = arith.cmpf ogt, %gather3A_351, %select_n3A_347 : vector<16xf32>
      %gt3A_353 = arith.cmpf ogt, %gather3A_351, %select_n3A_345 : vector<16xf32>
      %broadcast_in_dim3A_354 = arith.constant 23 : i32
      %broadcast_in_dim3A_355 = vector.broadcast %broadcast_in_dim3A_354 : i32 to vector<16xi32>
      %select_n3A_356 = arith.select %gt3A_353, %broadcast_in_dim3A_355, %select_n3A_343 : vector<16xi1>, vector<16xi32>
      %select_n3A_357 = arith.select %gt3A_352, %select_n3A_346, %select_n3A_356 : vector<16xi1>, vector<16xi32>
      %select_n3A_358 = arith.select %gt3A_353, %gather3A_351, %select_n3A_345 : vector<16xi1>, vector<16xf32>
      %select_n3A_359 = arith.select %gt3A_352, %select_n3A_347, %select_n3A_358 : vector<16xi1>, vector<16xf32>
      %select_n3A_360 = arith.select %gt3A_352, %broadcast_in_dim3A_355, %select_n3A_346 : vector<16xi1>, vector<16xi32>
      %select_n3A_361 = arith.select %gt3A_352, %gather3A_351, %select_n3A_347 : vector<16xi1>, vector<16xf32>
      %add3A_362 = arith.constant 24 : i32
      %add3A_363 = vector.broadcast %add3A_362 : i32 to vector<16xi32>
      %add3A_364 = arith.addi %mul3A_24, %add3A_363 : vector<16xi32>
      %gather3A_365 = tpu.vector_load_idx %arg5[%add3A_364] : memref<32768xf32, #tpu.memory_space<vmem>>[vector<16xi32>], vector<16xf32>,
      %gt3A_366 = arith.cmpf ogt, %gather3A_365, %select_n3A_361 : vector<16xf32>
      %gt3A_367 = arith.cmpf ogt, %gather3A_365, %select_n3A_359 : vector<16xf32>
      %broadcast_in_dim3A_368 = arith.constant 24 : i32
      %broadcast_in_dim3A_369 = vector.broadcast %broadcast_in_dim3A_368 : i32 to vector<16xi32>
      %select_n3A_370 = arith.select %gt3A_367, %broadcast_in_dim3A_369, %select_n3A_357 : vector<16xi1>, vector<16xi32>
      %select_n3A_371 = arith.select %gt3A_366, %select_n3A_360, %select_n3A_370 : vector<16xi1>, vector<16xi32>
      %select_n3A_372 = arith.select %gt3A_367, %gather3A_365, %select_n3A_359 : vector<16xi1>, vector<16xf32>
      %select_n3A_373 = arith.select %gt3A_366, %select_n3A_361, %select_n3A_372 : vector<16xi1>, vector<16xf32>
      %select_n3A_374 = arith.select %gt3A_366, %broadcast_in_dim3A_369, %select_n3A_360 : vector<16xi1>, vector<16xi32>
      %select_n3A_375 = arith.select %gt3A_366, %gather3A_365, %select_n3A_361 : vector<16xi1>, vector<16xf32>
      %add3A_376 = arith.constant 25 : i32
      %add3A_377 = vector.broadcast %add3A_376 : i32 to vector<16xi32>
      %add3A_378 = arith.addi %mul3A_24, %add3A_377 : vector<16xi32>
      %gather3A_379 = tpu.vector_load_idx %arg5[%add3A_378] : memref<32768xf32, #tpu.memory_space<vmem>>[vector<16xi32>], vector<16xf32>,
      %gt3A_380 = arith.cmpf ogt, %gather3A_379, %select_n3A_375 : vector<16xf32>
      %gt3A_381 = arith.cmpf ogt, %gather3A_379, %select_n3A_373 : vector<16xf32>
      %broadcast_in_dim3A_382 = arith.constant 25 : i32
      %broadcast_in_dim3A_383 = vector.broadcast %broadcast_in_dim3A_382 : i32 to vector<16xi32>
      %select_n3A_384 = arith.select %gt3A_381, %broadcast_in_dim3A_383, %select_n3A_371 : vector<16xi1>, vector<16xi32>
      %select_n3A_385 = arith.select %gt3A_380, %select_n3A_374, %select_n3A_384 : vector<16xi1>, vector<16xi32>
      %select_n3A_386 = arith.select %gt3A_381, %gather3A_379, %select_n3A_373 : vector<16xi1>, vector<16xf32>
      %select_n3A_387 = arith.select %gt3A_380, %select_n3A_375, %select_n3A_386 : vector<16xi1>, vector<16xf32>
      %select_n3A_388 = arith.select %gt3A_380, %broadcast_in_dim3A_383, %select_n3A_374 : vector<16xi1>, vector<16xi32>
      %select_n3A_389 = arith.select %gt3A_380, %gather3A_379, %select_n3A_375 : vector<16xi1>, vector<16xf32>
      %add3A_390 = arith.constant 26 : i32
      %add3A_391 = vector.broadcast %add3A_390 : i32 to vector<16xi32>
      %add3A_392 = arith.addi %mul3A_24, %add3A_391 : vector<16xi32>
      %gather3A_393 = tpu.vector_load_idx %arg5[%add3A_392] : memref<32768xf32, #tpu.memory_space<vmem>>[vector<16xi32>], vector<16xf32>,
      %gt3A_394 = arith.cmpf ogt, %gather3A_393, %select_n3A_389 : vector<16xf32>
      %gt3A_395 = arith.cmpf ogt, %gather3A_393, %select_n3A_387 : vector<16xf32>
      %broadcast_in_dim3A_396 = arith.constant 26 : i32
      %broadcast_in_dim3A_397 = vector.broadcast %broadcast_in_dim3A_396 : i32 to vector<16xi32>
      %select_n3A_398 = arith.select %gt3A_395, %broadcast_in_dim3A_397, %select_n3A_385 : vector<16xi1>, vector<16xi32>
      %select_n3A_399 = arith.select %gt3A_394, %select_n3A_388, %select_n3A_398 : vector<16xi1>, vector<16xi32>
      %select_n3A_400 = arith.select %gt3A_395, %gather3A_393, %select_n3A_387 : vector<16xi1>, vector<16xf32>
      %select_n3A_401 = arith.select %gt3A_394, %select_n3A_389, %select_n3A_400 : vector<16xi1>, vector<16xf32>
      %select_n3A_402 = arith.select %gt3A_394, %broadcast_in_dim3A_397, %select_n3A_388 : vector<16xi1>, vector<16xi32>
      %select_n3A_403 = arith.select %gt3A_394, %gather3A_393, %select_n3A_389 : vector<16xi1>, vector<16xf32>
      %add3A_404 = arith.constant 27 : i32
      %add3A_405 = vector.broadcast %add3A_404 : i32 to vector<16xi32>
      %add3A_406 = arith.addi %mul3A_24, %add3A_405 : vector<16xi32>
      %gather3A_407 = tpu.vector_load_idx %arg5[%add3A_406] : memref<32768xf32, #tpu.memory_space<vmem>>[vector<16xi32>], vector<16xf32>,
      %gt3A_408 = arith.cmpf ogt, %gather3A_407, %select_n3A_403 : vector<16xf32>
      %gt3A_409 = arith.cmpf ogt, %gather3A_407, %select_n3A_401 : vector<16xf32>
      %broadcast_in_dim3A_410 = arith.constant 27 : i32
      %broadcast_in_dim3A_411 = vector.broadcast %broadcast_in_dim3A_410 : i32 to vector<16xi32>
      %select_n3A_412 = arith.select %gt3A_409, %broadcast_in_dim3A_411, %select_n3A_399 : vector<16xi1>, vector<16xi32>
      %select_n3A_413 = arith.select %gt3A_408, %select_n3A_402, %select_n3A_412 : vector<16xi1>, vector<16xi32>
      %select_n3A_414 = arith.select %gt3A_409, %gather3A_407, %select_n3A_401 : vector<16xi1>, vector<16xf32>
      %select_n3A_415 = arith.select %gt3A_408, %select_n3A_403, %select_n3A_414 : vector<16xi1>, vector<16xf32>
      %select_n3A_416 = arith.select %gt3A_408, %broadcast_in_dim3A_411, %select_n3A_402 : vector<16xi1>, vector<16xi32>
      %select_n3A_417 = arith.select %gt3A_408, %gather3A_407, %select_n3A_403 : vector<16xi1>, vector<16xf32>
      %add3A_418 = arith.constant 28 : i32
      %add3A_419 = vector.broadcast %add3A_418 : i32 to vector<16xi32>
      %add3A_420 = arith.addi %mul3A_24, %add3A_419 : vector<16xi32>
      %gather3A_421 = tpu.vector_load_idx %arg5[%add3A_420] : memref<32768xf32, #tpu.memory_space<vmem>>[vector<16xi32>], vector<16xf32>,
      %gt3A_422 = arith.cmpf ogt, %gather3A_421, %select_n3A_417 : vector<16xf32>
      %gt3A_423 = arith.cmpf ogt, %gather3A_421, %select_n3A_415 : vector<16xf32>
      %broadcast_in_dim3A_424 = arith.constant 28 : i32
      %broadcast_in_dim3A_425 = vector.broadcast %broadcast_in_dim3A_424 : i32 to vector<16xi32>
      %select_n3A_426 = arith.select %gt3A_423, %broadcast_in_dim3A_425, %select_n3A_413 : vector<16xi1>, vector<16xi32>
      %select_n3A_427 = arith.select %gt3A_422, %select_n3A_416, %select_n3A_426 : vector<16xi1>, vector<16xi32>
      %select_n3A_428 = arith.select %gt3A_423, %gather3A_421, %select_n3A_415 : vector<16xi1>, vector<16xf32>
      %select_n3A_429 = arith.select %gt3A_422, %select_n3A_417, %select_n3A_428 : vector<16xi1>, vector<16xf32>
      %select_n3A_430 = arith.select %gt3A_422, %broadcast_in_dim3A_425, %select_n3A_416 : vector<16xi1>, vector<16xi32>
      %select_n3A_431 = arith.select %gt3A_422, %gather3A_421, %select_n3A_417 : vector<16xi1>, vector<16xf32>
      %add3A_432 = arith.constant 29 : i32
      %add3A_433 = vector.broadcast %add3A_432 : i32 to vector<16xi32>
      %add3A_434 = arith.addi %mul3A_24, %add3A_433 : vector<16xi32>
      %gather3A_435 = tpu.vector_load_idx %arg5[%add3A_434] : memref<32768xf32, #tpu.memory_space<vmem>>[vector<16xi32>], vector<16xf32>,
      %gt3A_436 = arith.cmpf ogt, %gather3A_435, %select_n3A_431 : vector<16xf32>
      %gt3A_437 = arith.cmpf ogt, %gather3A_435, %select_n3A_429 : vector<16xf32>
      %broadcast_in_dim3A_438 = arith.constant 29 : i32
      %broadcast_in_dim3A_439 = vector.broadcast %broadcast_in_dim3A_438 : i32 to vector<16xi32>
      %select_n3A_440 = arith.select %gt3A_437, %broadcast_in_dim3A_439, %select_n3A_427 : vector<16xi1>, vector<16xi32>
      %select_n3A_441 = arith.select %gt3A_436, %select_n3A_430, %select_n3A_440 : vector<16xi1>, vector<16xi32>
      %select_n3A_442 = arith.select %gt3A_437, %gather3A_435, %select_n3A_429 : vector<16xi1>, vector<16xf32>
      %select_n3A_443 = arith.select %gt3A_436, %select_n3A_431, %select_n3A_442 : vector<16xi1>, vector<16xf32>
      %select_n3A_444 = arith.select %gt3A_436, %broadcast_in_dim3A_439, %select_n3A_430 : vector<16xi1>, vector<16xi32>
      %select_n3A_445 = arith.select %gt3A_436, %gather3A_435, %select_n3A_431 : vector<16xi1>, vector<16xf32>
      %add3A_446 = arith.constant 30 : i32
      %add3A_447 = vector.broadcast %add3A_446 : i32 to vector<16xi32>
      %add3A_448 = arith.addi %mul3A_24, %add3A_447 : vector<16xi32>
      %gather3A_449 = tpu.vector_load_idx %arg5[%add3A_448] : memref<32768xf32, #tpu.memory_space<vmem>>[vector<16xi32>], vector<16xf32>,
      %gt3A_450 = arith.cmpf ogt, %gather3A_449, %select_n3A_445 : vector<16xf32>
      %gt3A_451 = arith.cmpf ogt, %gather3A_449, %select_n3A_443 : vector<16xf32>
      %broadcast_in_dim3A_452 = arith.constant 30 : i32
      %broadcast_in_dim3A_453 = vector.broadcast %broadcast_in_dim3A_452 : i32 to vector<16xi32>
      %select_n3A_454 = arith.select %gt3A_451, %broadcast_in_dim3A_453, %select_n3A_441 : vector<16xi1>, vector<16xi32>
      %select_n3A_455 = arith.select %gt3A_450, %select_n3A_444, %select_n3A_454 : vector<16xi1>, vector<16xi32>
      %select_n3A_456 = arith.select %gt3A_451, %gather3A_449, %select_n3A_443 : vector<16xi1>, vector<16xf32>
      %select_n3A_457 = arith.select %gt3A_450, %select_n3A_445, %select_n3A_456 : vector<16xi1>, vector<16xf32>
      %select_n3A_458 = arith.select %gt3A_450, %broadcast_in_dim3A_453, %select_n3A_444 : vector<16xi1>, vector<16xi32>
      %select_n3A_459 = arith.select %gt3A_450, %gather3A_449, %select_n3A_445 : vector<16xi1>, vector<16xf32>
      %add3A_460 = arith.constant 31 : i32
      %add3A_461 = vector.broadcast %add3A_460 : i32 to vector<16xi32>
      %add3A_462 = arith.addi %mul3A_24, %add3A_461 : vector<16xi32>
      %gather3A_463 = tpu.vector_load_idx %arg5[%add3A_462] : memref<32768xf32, #tpu.memory_space<vmem>>[vector<16xi32>], vector<16xf32>,
      %gt3A_464 = arith.cmpf ogt, %gather3A_463, %select_n3A_459 : vector<16xf32>
      %gt3A_465 = arith.cmpf ogt, %gather3A_463, %select_n3A_457 : vector<16xf32>
      %broadcast_in_dim3A_466 = arith.constant 31 : i32
      %broadcast_in_dim3A_467 = vector.broadcast %broadcast_in_dim3A_466 : i32 to vector<16xi32>
      %select_n3A_468 = arith.select %gt3A_465, %broadcast_in_dim3A_467, %select_n3A_455 : vector<16xi1>, vector<16xi32>
      %select_n3A_469 = arith.select %gt3A_464, %select_n3A_458, %select_n3A_468 : vector<16xi1>, vector<16xi32>
      %select_n3A_470 = arith.select %gt3A_465, %gather3A_463, %select_n3A_457 : vector<16xi1>, vector<16xf32>
      %select_n3A_471 = arith.select %gt3A_464, %select_n3A_459, %select_n3A_470 : vector<16xi1>, vector<16xf32>
      %select_n3A_472 = arith.select %gt3A_464, %broadcast_in_dim3A_467, %select_n3A_458 : vector<16xi1>, vector<16xi32>
      %select_n3A_473 = arith.select %gt3A_464, %gather3A_463, %select_n3A_459 : vector<16xi1>, vector<16xf32>
      %add3A_474 = arith.constant 32 : i32
      %add3A_475 = vector.broadcast %add3A_474 : i32 to vector<16xi32>
      %add3A_476 = arith.addi %mul3A_24, %add3A_475 : vector<16xi32>
      %gather3A_477 = tpu.vector_load_idx %arg5[%add3A_476] : memref<32768xf32, #tpu.memory_space<vmem>>[vector<16xi32>], vector<16xf32>,
      %gt3A_478 = arith.cmpf ogt, %gather3A_477, %select_n3A_473 : vector<16xf32>
      %gt3A_479 = arith.cmpf ogt, %gather3A_477, %select_n3A_471 : vector<16xf32>
      %broadcast_in_dim3A_480 = arith.constant 32 : i32
      %broadcast_in_dim3A_481 = vector.broadcast %broadcast_in_dim3A_480 : i32 to vector<16xi32>
      %select_n3A_482 = arith.select %gt3A_479, %broadcast_in_dim3A_481, %select_n3A_469 : vector<16xi1>, vector<16xi32>
      %select_n3A_483 = arith.select %gt3A_478, %select_n3A_472, %select_n3A_482 : vector<16xi1>, vector<16xi32>
      %select_n3A_484 = arith.select %gt3A_479, %gather3A_477, %select_n3A_471 : vector<16xi1>, vector<16xf32>
      %select_n3A_485 = arith.select %gt3A_478, %select_n3A_473, %select_n3A_484 : vector<16xi1>, vector<16xf32>
      %select_n3A_486 = arith.select %gt3A_478, %broadcast_in_dim3A_481, %select_n3A_472 : vector<16xi1>, vector<16xi32>
      %select_n3A_487 = arith.select %gt3A_478, %gather3A_477, %select_n3A_473 : vector<16xi1>, vector<16xf32>
      %add3A_488 = arith.constant 33 : i32
      %add3A_489 = vector.broadcast %add3A_488 : i32 to vector<16xi32>
      %add3A_490 = arith.addi %mul3A_24, %add3A_489 : vector<16xi32>
      %gather3A_491 = tpu.vector_load_idx %arg5[%add3A_490] : memref<32768xf32, #tpu.memory_space<vmem>>[vector<16xi32>], vector<16xf32>,
      %gt3A_492 = arith.cmpf ogt, %gather3A_491, %select_n3A_487 : vector<16xf32>
      %gt3A_493 = arith.cmpf ogt, %gather3A_491, %select_n3A_485 : vector<16xf32>
      %broadcast_in_dim3A_494 = arith.constant 33 : i32
      %broadcast_in_dim3A_495 = vector.broadcast %broadcast_in_dim3A_494 : i32 to vector<16xi32>
      %select_n3A_496 = arith.select %gt3A_493, %broadcast_in_dim3A_495, %select_n3A_483 : vector<16xi1>, vector<16xi32>
      %select_n3A_497 = arith.select %gt3A_492, %select_n3A_486, %select_n3A_496 : vector<16xi1>, vector<16xi32>
      %select_n3A_498 = arith.select %gt3A_493, %gather3A_491, %select_n3A_485 : vector<16xi1>, vector<16xf32>
      %select_n3A_499 = arith.select %gt3A_492, %select_n3A_487, %select_n3A_498 : vector<16xi1>, vector<16xf32>
      %select_n3A_500 = arith.select %gt3A_492, %broadcast_in_dim3A_495, %select_n3A_486 : vector<16xi1>, vector<16xi32>
      %select_n3A_501 = arith.select %gt3A_492, %gather3A_491, %select_n3A_487 : vector<16xi1>, vector<16xf32>
      %add3A_502 = arith.constant 34 : i32
      %add3A_503 = vector.broadcast %add3A_502 : i32 to vector<16xi32>
      %add3A_504 = arith.addi %mul3A_24, %add3A_503 : vector<16xi32>
      %gather3A_505 = tpu.vector_load_idx %arg5[%add3A_504] : memref<32768xf32, #tpu.memory_space<vmem>>[vector<16xi32>], vector<16xf32>,
      %gt3A_506 = arith.cmpf ogt, %gather3A_505, %select_n3A_501 : vector<16xf32>
      %gt3A_507 = arith.cmpf ogt, %gather3A_505, %select_n3A_499 : vector<16xf32>
      %broadcast_in_dim3A_508 = arith.constant 34 : i32
      %broadcast_in_dim3A_509 = vector.broadcast %broadcast_in_dim3A_508 : i32 to vector<16xi32>
      %select_n3A_510 = arith.select %gt3A_507, %broadcast_in_dim3A_509, %select_n3A_497 : vector<16xi1>, vector<16xi32>
      %select_n3A_511 = arith.select %gt3A_506, %select_n3A_500, %select_n3A_510 : vector<16xi1>, vector<16xi32>
      %select_n3A_512 = arith.select %gt3A_507, %gather3A_505, %select_n3A_499 : vector<16xi1>, vector<16xf32>
      %select_n3A_513 = arith.select %gt3A_506, %select_n3A_501, %select_n3A_512 : vector<16xi1>, vector<16xf32>
      %select_n3A_514 = arith.select %gt3A_506, %broadcast_in_dim3A_509, %select_n3A_500 : vector<16xi1>, vector<16xi32>
      %select_n3A_515 = arith.select %gt3A_506, %gather3A_505, %select_n3A_501 : vector<16xi1>, vector<16xf32>
      %add3A_516 = arith.constant 35 : i32
      %add3A_517 = vector.broadcast %add3A_516 : i32 to vector<16xi32>
      %add3A_518 = arith.addi %mul3A_24, %add3A_517 : vector<16xi32>
      %gather3A_519 = tpu.vector_load_idx %arg5[%add3A_518] : memref<32768xf32, #tpu.memory_space<vmem>>[vector<16xi32>], vector<16xf32>,
      %gt3A_520 = arith.cmpf ogt, %gather3A_519, %select_n3A_515 : vector<16xf32>
      %gt3A_521 = arith.cmpf ogt, %gather3A_519, %select_n3A_513 : vector<16xf32>
      %broadcast_in_dim3A_522 = arith.constant 35 : i32
      %broadcast_in_dim3A_523 = vector.broadcast %broadcast_in_dim3A_522 : i32 to vector<16xi32>
      %select_n3A_524 = arith.select %gt3A_521, %broadcast_in_dim3A_523, %select_n3A_511 : vector<16xi1>, vector<16xi32>
      %select_n3A_525 = arith.select %gt3A_520, %select_n3A_514, %select_n3A_524 : vector<16xi1>, vector<16xi32>
      %select_n3A_526 = arith.select %gt3A_521, %gather3A_519, %select_n3A_513 : vector<16xi1>, vector<16xf32>
      %select_n3A_527 = arith.select %gt3A_520, %select_n3A_515, %select_n3A_526 : vector<16xi1>, vector<16xf32>
      %select_n3A_528 = arith.select %gt3A_520, %broadcast_in_dim3A_523, %select_n3A_514 : vector<16xi1>, vector<16xi32>
      %select_n3A_529 = arith.select %gt3A_520, %gather3A_519, %select_n3A_515 : vector<16xi1>, vector<16xf32>
      %add3A_530 = arith.constant 36 : i32
      %add3A_531 = vector.broadcast %add3A_530 : i32 to vector<16xi32>
      %add3A_532 = arith.addi %mul3A_24, %add3A_531 : vector<16xi32>
      %gather3A_533 = tpu.vector_load_idx %arg5[%add3A_532] : memref<32768xf32, #tpu.memory_space<vmem>>[vector<16xi32>], vector<16xf32>,
      %gt3A_534 = arith.cmpf ogt, %gather3A_533, %select_n3A_529 : vector<16xf32>
      %gt3A_535 = arith.cmpf ogt, %gather3A_533, %select_n3A_527 : vector<16xf32>
      %broadcast_in_dim3A_536 = arith.constant 36 : i32
      %broadcast_in_dim3A_537 = vector.broadcast %broadcast_in_dim3A_536 : i32 to vector<16xi32>
      %select_n3A_538 = arith.select %gt3A_535, %broadcast_in_dim3A_537, %select_n3A_525 : vector<16xi1>, vector<16xi32>
      %select_n3A_539 = arith.select %gt3A_534, %select_n3A_528, %select_n3A_538 : vector<16xi1>, vector<16xi32>
      %select_n3A_540 = arith.select %gt3A_535, %gather3A_533, %select_n3A_527 : vector<16xi1>, vector<16xf32>
      %select_n3A_541 = arith.select %gt3A_534, %select_n3A_529, %select_n3A_540 : vector<16xi1>, vector<16xf32>
      %select_n3A_542 = arith.select %gt3A_534, %broadcast_in_dim3A_537, %select_n3A_528 : vector<16xi1>, vector<16xi32>
      %select_n3A_543 = arith.select %gt3A_534, %gather3A_533, %select_n3A_529 : vector<16xi1>, vector<16xf32>
      %add3A_544 = arith.constant 37 : i32
      %add3A_545 = vector.broadcast %add3A_544 : i32 to vector<16xi32>
      %add3A_546 = arith.addi %mul3A_24, %add3A_545 : vector<16xi32>
      %gather3A_547 = tpu.vector_load_idx %arg5[%add3A_546] : memref<32768xf32, #tpu.memory_space<vmem>>[vector<16xi32>], vector<16xf32>,
      %gt3A_548 = arith.cmpf ogt, %gather3A_547, %select_n3A_543 : vector<16xf32>
      %gt3A_549 = arith.cmpf ogt, %gather3A_547, %select_n3A_541 : vector<16xf32>
      %broadcast_in_dim3A_550 = arith.constant 37 : i32
      %broadcast_in_dim3A_551 = vector.broadcast %broadcast_in_dim3A_550 : i32 to vector<16xi32>
      %select_n3A_552 = arith.select %gt3A_549, %broadcast_in_dim3A_551, %select_n3A_539 : vector<16xi1>, vector<16xi32>
      %select_n3A_553 = arith.select %gt3A_548, %select_n3A_542, %select_n3A_552 : vector<16xi1>, vector<16xi32>
      %select_n3A_554 = arith.select %gt3A_549, %gather3A_547, %select_n3A_541 : vector<16xi1>, vector<16xf32>
      %select_n3A_555 = arith.select %gt3A_548, %select_n3A_543, %select_n3A_554 : vector<16xi1>, vector<16xf32>
      %select_n3A_556 = arith.select %gt3A_548, %broadcast_in_dim3A_551, %select_n3A_542 : vector<16xi1>, vector<16xi32>
      %select_n3A_557 = arith.select %gt3A_548, %gather3A_547, %select_n3A_543 : vector<16xi1>, vector<16xf32>
      %add3A_558 = arith.constant 38 : i32
      %add3A_559 = vector.broadcast %add3A_558 : i32 to vector<16xi32>
      %add3A_560 = arith.addi %mul3A_24, %add3A_559 : vector<16xi32>
      %gather3A_561 = tpu.vector_load_idx %arg5[%add3A_560] : memref<32768xf32, #tpu.memory_space<vmem>>[vector<16xi32>], vector<16xf32>,
      %gt3A_562 = arith.cmpf ogt, %gather3A_561, %select_n3A_557 : vector<16xf32>
      %gt3A_563 = arith.cmpf ogt, %gather3A_561, %select_n3A_555 : vector<16xf32>
      %broadcast_in_dim3A_564 = arith.constant 38 : i32
      %broadcast_in_dim3A_565 = vector.broadcast %broadcast_in_dim3A_564 : i32 to vector<16xi32>
      %select_n3A_566 = arith.select %gt3A_563, %broadcast_in_dim3A_565, %select_n3A_553 : vector<16xi1>, vector<16xi32>
      %select_n3A_567 = arith.select %gt3A_562, %select_n3A_556, %select_n3A_566 : vector<16xi1>, vector<16xi32>
      %select_n3A_568 = arith.select %gt3A_563, %gather3A_561, %select_n3A_555 : vector<16xi1>, vector<16xf32>
      %select_n3A_569 = arith.select %gt3A_562, %select_n3A_557, %select_n3A_568 : vector<16xi1>, vector<16xf32>
      %select_n3A_570 = arith.select %gt3A_562, %broadcast_in_dim3A_565, %select_n3A_556 : vector<16xi1>, vector<16xi32>
      %select_n3A_571 = arith.select %gt3A_562, %gather3A_561, %select_n3A_557 : vector<16xi1>, vector<16xf32>
      %add3A_572 = arith.constant 39 : i32
      %add3A_573 = vector.broadcast %add3A_572 : i32 to vector<16xi32>
      %add3A_574 = arith.addi %mul3A_24, %add3A_573 : vector<16xi32>
      %gather3A_575 = tpu.vector_load_idx %arg5[%add3A_574] : memref<32768xf32, #tpu.memory_space<vmem>>[vector<16xi32>], vector<16xf32>,
      %gt3A_576 = arith.cmpf ogt, %gather3A_575, %select_n3A_571 : vector<16xf32>
      %gt3A_577 = arith.cmpf ogt, %gather3A_575, %select_n3A_569 : vector<16xf32>
      %broadcast_in_dim3A_578 = arith.constant 39 : i32
      %broadcast_in_dim3A_579 = vector.broadcast %broadcast_in_dim3A_578 : i32 to vector<16xi32>
      %select_n3A_580 = arith.select %gt3A_577, %broadcast_in_dim3A_579, %select_n3A_567 : vector<16xi1>, vector<16xi32>
      %select_n3A_581 = arith.select %gt3A_576, %select_n3A_570, %select_n3A_580 : vector<16xi1>, vector<16xi32>
      %select_n3A_582 = arith.select %gt3A_577, %gather3A_575, %select_n3A_569 : vector<16xi1>, vector<16xf32>
      %select_n3A_583 = arith.select %gt3A_576, %select_n3A_571, %select_n3A_582 : vector<16xi1>, vector<16xf32>
      %select_n3A_584 = arith.select %gt3A_576, %broadcast_in_dim3A_579, %select_n3A_570 : vector<16xi1>, vector<16xi32>
      %select_n3A_585 = arith.select %gt3A_576, %gather3A_575, %select_n3A_571 : vector<16xi1>, vector<16xf32>
      %add3A_586 = arith.constant 40 : i32
      %add3A_587 = vector.broadcast %add3A_586 : i32 to vector<16xi32>
      %add3A_588 = arith.addi %mul3A_24, %add3A_587 : vector<16xi32>
      %gather3A_589 = tpu.vector_load_idx %arg5[%add3A_588] : memref<32768xf32, #tpu.memory_space<vmem>>[vector<16xi32>], vector<16xf32>,
      %gt3A_590 = arith.cmpf ogt, %gather3A_589, %select_n3A_585 : vector<16xf32>
      %gt3A_591 = arith.cmpf ogt, %gather3A_589, %select_n3A_583 : vector<16xf32>
      %broadcast_in_dim3A_592 = arith.constant 40 : i32
      %broadcast_in_dim3A_593 = vector.broadcast %broadcast_in_dim3A_592 : i32 to vector<16xi32>
      %select_n3A_594 = arith.select %gt3A_591, %broadcast_in_dim3A_593, %select_n3A_581 : vector<16xi1>, vector<16xi32>
      %select_n3A_595 = arith.select %gt3A_590, %select_n3A_584, %select_n3A_594 : vector<16xi1>, vector<16xi32>
      %select_n3A_596 = arith.select %gt3A_591, %gather3A_589, %select_n3A_583 : vector<16xi1>, vector<16xf32>
      %select_n3A_597 = arith.select %gt3A_590, %select_n3A_585, %select_n3A_596 : vector<16xi1>, vector<16xf32>
      %select_n3A_598 = arith.select %gt3A_590, %broadcast_in_dim3A_593, %select_n3A_584 : vector<16xi1>, vector<16xi32>
      %select_n3A_599 = arith.select %gt3A_590, %gather3A_589, %select_n3A_585 : vector<16xi1>, vector<16xf32>
      %add3A_600 = arith.constant 41 : i32
      %add3A_601 = vector.broadcast %add3A_600 : i32 to vector<16xi32>
      %add3A_602 = arith.addi %mul3A_24, %add3A_601 : vector<16xi32>
      %gather3A_603 = tpu.vector_load_idx %arg5[%add3A_602] : memref<32768xf32, #tpu.memory_space<vmem>>[vector<16xi32>], vector<16xf32>,
      %gt3A_604 = arith.cmpf ogt, %gather3A_603, %select_n3A_599 : vector<16xf32>
      %gt3A_605 = arith.cmpf ogt, %gather3A_603, %select_n3A_597 : vector<16xf32>
      %broadcast_in_dim3A_606 = arith.constant 41 : i32
      %broadcast_in_dim3A_607 = vector.broadcast %broadcast_in_dim3A_606 : i32 to vector<16xi32>
      %select_n3A_608 = arith.select %gt3A_605, %broadcast_in_dim3A_607, %select_n3A_595 : vector<16xi1>, vector<16xi32>
      %select_n3A_609 = arith.select %gt3A_604, %select_n3A_598, %select_n3A_608 : vector<16xi1>, vector<16xi32>
      %select_n3A_610 = arith.select %gt3A_605, %gather3A_603, %select_n3A_597 : vector<16xi1>, vector<16xf32>
      %select_n3A_611 = arith.select %gt3A_604, %select_n3A_599, %select_n3A_610 : vector<16xi1>, vector<16xf32>
      %select_n3A_612 = arith.select %gt3A_604, %broadcast_in_dim3A_607, %select_n3A_598 : vector<16xi1>, vector<16xi32>
      %select_n3A_613 = arith.select %gt3A_604, %gather3A_603, %select_n3A_599 : vector<16xi1>, vector<16xf32>
      %add3A_614 = arith.constant 42 : i32
      %add3A_615 = vector.broadcast %add3A_614 : i32 to vector<16xi32>
      %add3A_616 = arith.addi %mul3A_24, %add3A_615 : vector<16xi32>
      %gather3A_617 = tpu.vector_load_idx %arg5[%add3A_616] : memref<32768xf32, #tpu.memory_space<vmem>>[vector<16xi32>], vector<16xf32>,
      %gt3A_618 = arith.cmpf ogt, %gather3A_617, %select_n3A_613 : vector<16xf32>
      %gt3A_619 = arith.cmpf ogt, %gather3A_617, %select_n3A_611 : vector<16xf32>
      %broadcast_in_dim3A_620 = arith.constant 42 : i32
      %broadcast_in_dim3A_621 = vector.broadcast %broadcast_in_dim3A_620 : i32 to vector<16xi32>
      %select_n3A_622 = arith.select %gt3A_619, %broadcast_in_dim3A_621, %select_n3A_609 : vector<16xi1>, vector<16xi32>
      %select_n3A_623 = arith.select %gt3A_618, %select_n3A_612, %select_n3A_622 : vector<16xi1>, vector<16xi32>
      %select_n3A_624 = arith.select %gt3A_619, %gather3A_617, %select_n3A_611 : vector<16xi1>, vector<16xf32>
      %select_n3A_625 = arith.select %gt3A_618, %select_n3A_613, %select_n3A_624 : vector<16xi1>, vector<16xf32>
      %select_n3A_626 = arith.select %gt3A_618, %broadcast_in_dim3A_621, %select_n3A_612 : vector<16xi1>, vector<16xi32>
      %select_n3A_627 = arith.select %gt3A_618, %gather3A_617, %select_n3A_613 : vector<16xi1>, vector<16xf32>
      %add3A_628 = arith.constant 43 : i32
      %add3A_629 = vector.broadcast %add3A_628 : i32 to vector<16xi32>
      %add3A_630 = arith.addi %mul3A_24, %add3A_629 : vector<16xi32>
      %gather3A_631 = tpu.vector_load_idx %arg5[%add3A_630] : memref<32768xf32, #tpu.memory_space<vmem>>[vector<16xi32>], vector<16xf32>,
      %gt3A_632 = arith.cmpf ogt, %gather3A_631, %select_n3A_627 : vector<16xf32>
      %gt3A_633 = arith.cmpf ogt, %gather3A_631, %select_n3A_625 : vector<16xf32>
      %broadcast_in_dim3A_634 = arith.constant 43 : i32
      %broadcast_in_dim3A_635 = vector.broadcast %broadcast_in_dim3A_634 : i32 to vector<16xi32>
      %select_n3A_636 = arith.select %gt3A_633, %broadcast_in_dim3A_635, %select_n3A_623 : vector<16xi1>, vector<16xi32>
      %select_n3A_637 = arith.select %gt3A_632, %select_n3A_626, %select_n3A_636 : vector<16xi1>, vector<16xi32>
      %select_n3A_638 = arith.select %gt3A_633, %gather3A_631, %select_n3A_625 : vector<16xi1>, vector<16xf32>
      %select_n3A_639 = arith.select %gt3A_632, %select_n3A_627, %select_n3A_638 : vector<16xi1>, vector<16xf32>
      %select_n3A_640 = arith.select %gt3A_632, %broadcast_in_dim3A_635, %select_n3A_626 : vector<16xi1>, vector<16xi32>
      %select_n3A_641 = arith.select %gt3A_632, %gather3A_631, %select_n3A_627 : vector<16xi1>, vector<16xf32>
      %add3A_642 = arith.constant 44 : i32
      %add3A_643 = vector.broadcast %add3A_642 : i32 to vector<16xi32>
      %add3A_644 = arith.addi %mul3A_24, %add3A_643 : vector<16xi32>
      %gather3A_645 = tpu.vector_load_idx %arg5[%add3A_644] : memref<32768xf32, #tpu.memory_space<vmem>>[vector<16xi32>], vector<16xf32>,
      %gt3A_646 = arith.cmpf ogt, %gather3A_645, %select_n3A_641 : vector<16xf32>
      %gt3A_647 = arith.cmpf ogt, %gather3A_645, %select_n3A_639 : vector<16xf32>
      %broadcast_in_dim3A_648 = arith.constant 44 : i32
      %broadcast_in_dim3A_649 = vector.broadcast %broadcast_in_dim3A_648 : i32 to vector<16xi32>
      %select_n3A_650 = arith.select %gt3A_647, %broadcast_in_dim3A_649, %select_n3A_637 : vector<16xi1>, vector<16xi32>
      %select_n3A_651 = arith.select %gt3A_646, %select_n3A_640, %select_n3A_650 : vector<16xi1>, vector<16xi32>
      %select_n3A_652 = arith.select %gt3A_647, %gather3A_645, %select_n3A_639 : vector<16xi1>, vector<16xf32>
      %select_n3A_653 = arith.select %gt3A_646, %select_n3A_641, %select_n3A_652 : vector<16xi1>, vector<16xf32>
      %select_n3A_654 = arith.select %gt3A_646, %broadcast_in_dim3A_649, %select_n3A_640 : vector<16xi1>, vector<16xi32>
      %select_n3A_655 = arith.select %gt3A_646, %gather3A_645, %select_n3A_641 : vector<16xi1>, vector<16xf32>
      %add3A_656 = arith.constant 45 : i32
      %add3A_657 = vector.broadcast %add3A_656 : i32 to vector<16xi32>
      %add3A_658 = arith.addi %mul3A_24, %add3A_657 : vector<16xi32>
      %gather3A_659 = tpu.vector_load_idx %arg5[%add3A_658] : memref<32768xf32, #tpu.memory_space<vmem>>[vector<16xi32>], vector<16xf32>,
      %gt3A_660 = arith.cmpf ogt, %gather3A_659, %select_n3A_655 : vector<16xf32>
      %gt3A_661 = arith.cmpf ogt, %gather3A_659, %select_n3A_653 : vector<16xf32>
      %broadcast_in_dim3A_662 = arith.constant 45 : i32
      %broadcast_in_dim3A_663 = vector.broadcast %broadcast_in_dim3A_662 : i32 to vector<16xi32>
      %select_n3A_664 = arith.select %gt3A_661, %broadcast_in_dim3A_663, %select_n3A_651 : vector<16xi1>, vector<16xi32>
      %select_n3A_665 = arith.select %gt3A_660, %select_n3A_654, %select_n3A_664 : vector<16xi1>, vector<16xi32>
      %select_n3A_666 = arith.select %gt3A_661, %gather3A_659, %select_n3A_653 : vector<16xi1>, vector<16xf32>
      %select_n3A_667 = arith.select %gt3A_660, %select_n3A_655, %select_n3A_666 : vector<16xi1>, vector<16xf32>
      %select_n3A_668 = arith.select %gt3A_660, %broadcast_in_dim3A_663, %select_n3A_654 : vector<16xi1>, vector<16xi32>
      %select_n3A_669 = arith.select %gt3A_660, %gather3A_659, %select_n3A_655 : vector<16xi1>, vector<16xf32>
      %add3A_670 = arith.constant 46 : i32
      %add3A_671 = vector.broadcast %add3A_670 : i32 to vector<16xi32>
      %add3A_672 = arith.addi %mul3A_24, %add3A_671 : vector<16xi32>
      %gather3A_673 = tpu.vector_load_idx %arg5[%add3A_672] : memref<32768xf32, #tpu.memory_space<vmem>>[vector<16xi32>], vector<16xf32>,
      %gt3A_674 = arith.cmpf ogt, %gather3A_673, %select_n3A_669 : vector<16xf32>
      %gt3A_675 = arith.cmpf ogt, %gather3A_673, %select_n3A_667 : vector<16xf32>
      %broadcast_in_dim3A_676 = arith.constant 46 : i32
      %broadcast_in_dim3A_677 = vector.broadcast %broadcast_in_dim3A_676 : i32 to vector<16xi32>
      %select_n3A_678 = arith.select %gt3A_675, %broadcast_in_dim3A_677, %select_n3A_665 : vector<16xi1>, vector<16xi32>
      %select_n3A_679 = arith.select %gt3A_674, %select_n3A_668, %select_n3A_678 : vector<16xi1>, vector<16xi32>
      %select_n3A_680 = arith.select %gt3A_675, %gather3A_673, %select_n3A_667 : vector<16xi1>, vector<16xf32>
      %select_n3A_681 = arith.select %gt3A_674, %select_n3A_669, %select_n3A_680 : vector<16xi1>, vector<16xf32>
      %select_n3A_682 = arith.select %gt3A_674, %broadcast_in_dim3A_677, %select_n3A_668 : vector<16xi1>, vector<16xi32>
      %select_n3A_683 = arith.select %gt3A_674, %gather3A_673, %select_n3A_669 : vector<16xi1>, vector<16xf32>
      %add3A_684 = arith.constant 47 : i32
      %add3A_685 = vector.broadcast %add3A_684 : i32 to vector<16xi32>
      %add3A_686 = arith.addi %mul3A_24, %add3A_685 : vector<16xi32>
      %gather3A_687 = tpu.vector_load_idx %arg5[%add3A_686] : memref<32768xf32, #tpu.memory_space<vmem>>[vector<16xi32>], vector<16xf32>,
      %gt3A_688 = arith.cmpf ogt, %gather3A_687, %select_n3A_683 : vector<16xf32>
      %gt3A_689 = arith.cmpf ogt, %gather3A_687, %select_n3A_681 : vector<16xf32>
      %broadcast_in_dim3A_690 = arith.constant 47 : i32
      %broadcast_in_dim3A_691 = vector.broadcast %broadcast_in_dim3A_690 : i32 to vector<16xi32>
      %select_n3A_692 = arith.select %gt3A_689, %broadcast_in_dim3A_691, %select_n3A_679 : vector<16xi1>, vector<16xi32>
      %select_n3A_693 = arith.select %gt3A_688, %select_n3A_682, %select_n3A_692 : vector<16xi1>, vector<16xi32>
      %select_n3A_694 = arith.select %gt3A_689, %gather3A_687, %select_n3A_681 : vector<16xi1>, vector<16xf32>
      %select_n3A_695 = arith.select %gt3A_688, %select_n3A_683, %select_n3A_694 : vector<16xi1>, vector<16xf32>
      %select_n3A_696 = arith.select %gt3A_688, %broadcast_in_dim3A_691, %select_n3A_682 : vector<16xi1>, vector<16xi32>
      %select_n3A_697 = arith.select %gt3A_688, %gather3A_687, %select_n3A_683 : vector<16xi1>, vector<16xf32>
      %add3A_698 = arith.constant 48 : i32
      %add3A_699 = vector.broadcast %add3A_698 : i32 to vector<16xi32>
      %add3A_700 = arith.addi %mul3A_24, %add3A_699 : vector<16xi32>
      %gather3A_701 = tpu.vector_load_idx %arg5[%add3A_700] : memref<32768xf32, #tpu.memory_space<vmem>>[vector<16xi32>], vector<16xf32>,
      %gt3A_702 = arith.cmpf ogt, %gather3A_701, %select_n3A_697 : vector<16xf32>
      %gt3A_703 = arith.cmpf ogt, %gather3A_701, %select_n3A_695 : vector<16xf32>
      %broadcast_in_dim3A_704 = arith.constant 48 : i32
      %broadcast_in_dim3A_705 = vector.broadcast %broadcast_in_dim3A_704 : i32 to vector<16xi32>
      %select_n3A_706 = arith.select %gt3A_703, %broadcast_in_dim3A_705, %select_n3A_693 : vector<16xi1>, vector<16xi32>
      %select_n3A_707 = arith.select %gt3A_702, %select_n3A_696, %select_n3A_706 : vector<16xi1>, vector<16xi32>
      %select_n3A_708 = arith.select %gt3A_703, %gather3A_701, %select_n3A_695 : vector<16xi1>, vector<16xf32>
      %select_n3A_709 = arith.select %gt3A_702, %select_n3A_697, %select_n3A_708 : vector<16xi1>, vector<16xf32>
      %select_n3A_710 = arith.select %gt3A_702, %broadcast_in_dim3A_705, %select_n3A_696 : vector<16xi1>, vector<16xi32>
      %select_n3A_711 = arith.select %gt3A_702, %gather3A_701, %select_n3A_697 : vector<16xi1>, vector<16xf32>
      %add3A_712 = arith.constant 49 : i32
      %add3A_713 = vector.broadcast %add3A_712 : i32 to vector<16xi32>
      %add3A_714 = arith.addi %mul3A_24, %add3A_713 : vector<16xi32>
      %gather3A_715 = tpu.vector_load_idx %arg5[%add3A_714] : memref<32768xf32, #tpu.memory_space<vmem>>[vector<16xi32>], vector<16xf32>,
      %gt3A_716 = arith.cmpf ogt, %gather3A_715, %select_n3A_711 : vector<16xf32>
      %gt3A_717 = arith.cmpf ogt, %gather3A_715, %select_n3A_709 : vector<16xf32>
      %broadcast_in_dim3A_718 = arith.constant 49 : i32
      %broadcast_in_dim3A_719 = vector.broadcast %broadcast_in_dim3A_718 : i32 to vector<16xi32>
      %select_n3A_720 = arith.select %gt3A_717, %broadcast_in_dim3A_719, %select_n3A_707 : vector<16xi1>, vector<16xi32>
      %select_n3A_721 = arith.select %gt3A_716, %select_n3A_710, %select_n3A_720 : vector<16xi1>, vector<16xi32>
      %select_n3A_722 = arith.select %gt3A_717, %gather3A_715, %select_n3A_709 : vector<16xi1>, vector<16xf32>
      %select_n3A_723 = arith.select %gt3A_716, %select_n3A_711, %select_n3A_722 : vector<16xi1>, vector<16xf32>
      %select_n3A_724 = arith.select %gt3A_716, %broadcast_in_dim3A_719, %select_n3A_710 : vector<16xi1>, vector<16xi32>
      %select_n3A_725 = arith.select %gt3A_716, %gather3A_715, %select_n3A_711 : vector<16xi1>, vector<16xf32>
      %add3A_726 = arith.constant 50 : i32
      %add3A_727 = vector.broadcast %add3A_726 : i32 to vector<16xi32>
      %add3A_728 = arith.addi %mul3A_24, %add3A_727 : vector<16xi32>
      %gather3A_729 = tpu.vector_load_idx %arg5[%add3A_728] : memref<32768xf32, #tpu.memory_space<vmem>>[vector<16xi32>], vector<16xf32>,
      %gt3A_730 = arith.cmpf ogt, %gather3A_729, %select_n3A_725 : vector<16xf32>
      %gt3A_731 = arith.cmpf ogt, %gather3A_729, %select_n3A_723 : vector<16xf32>
      %broadcast_in_dim3A_732 = arith.constant 50 : i32
      %broadcast_in_dim3A_733 = vector.broadcast %broadcast_in_dim3A_732 : i32 to vector<16xi32>
      %select_n3A_734 = arith.select %gt3A_731, %broadcast_in_dim3A_733, %select_n3A_721 : vector<16xi1>, vector<16xi32>
      %select_n3A_735 = arith.select %gt3A_730, %select_n3A_724, %select_n3A_734 : vector<16xi1>, vector<16xi32>
      %select_n3A_736 = arith.select %gt3A_731, %gather3A_729, %select_n3A_723 : vector<16xi1>, vector<16xf32>
      %select_n3A_737 = arith.select %gt3A_730, %select_n3A_725, %select_n3A_736 : vector<16xi1>, vector<16xf32>
      %select_n3A_738 = arith.select %gt3A_730, %broadcast_in_dim3A_733, %select_n3A_724 : vector<16xi1>, vector<16xi32>
      %select_n3A_739 = arith.select %gt3A_730, %gather3A_729, %select_n3A_725 : vector<16xi1>, vector<16xf32>
      %add3A_740 = arith.constant 51 : i32
      %add3A_741 = vector.broadcast %add3A_740 : i32 to vector<16xi32>
      %add3A_742 = arith.addi %mul3A_24, %add3A_741 : vector<16xi32>
      %gather3A_743 = tpu.vector_load_idx %arg5[%add3A_742] : memref<32768xf32, #tpu.memory_space<vmem>>[vector<16xi32>], vector<16xf32>,
      %gt3A_744 = arith.cmpf ogt, %gather3A_743, %select_n3A_739 : vector<16xf32>
      %gt3A_745 = arith.cmpf ogt, %gather3A_743, %select_n3A_737 : vector<16xf32>
      %broadcast_in_dim3A_746 = arith.constant 51 : i32
      %broadcast_in_dim3A_747 = vector.broadcast %broadcast_in_dim3A_746 : i32 to vector<16xi32>
      %select_n3A_748 = arith.select %gt3A_745, %broadcast_in_dim3A_747, %select_n3A_735 : vector<16xi1>, vector<16xi32>
      %select_n3A_749 = arith.select %gt3A_744, %select_n3A_738, %select_n3A_748 : vector<16xi1>, vector<16xi32>
      %select_n3A_750 = arith.select %gt3A_745, %gather3A_743, %select_n3A_737 : vector<16xi1>, vector<16xf32>
      %select_n3A_751 = arith.select %gt3A_744, %select_n3A_739, %select_n3A_750 : vector<16xi1>, vector<16xf32>
      %select_n3A_752 = arith.select %gt3A_744, %broadcast_in_dim3A_747, %select_n3A_738 : vector<16xi1>, vector<16xi32>
      %select_n3A_753 = arith.select %gt3A_744, %gather3A_743, %select_n3A_739 : vector<16xi1>, vector<16xf32>
      %add3A_754 = arith.constant 52 : i32
      %add3A_755 = vector.broadcast %add3A_754 : i32 to vector<16xi32>
      %add3A_756 = arith.addi %mul3A_24, %add3A_755 : vector<16xi32>
      %gather3A_757 = tpu.vector_load_idx %arg5[%add3A_756] : memref<32768xf32, #tpu.memory_space<vmem>>[vector<16xi32>], vector<16xf32>,
      %gt3A_758 = arith.cmpf ogt, %gather3A_757, %select_n3A_753 : vector<16xf32>
      %gt3A_759 = arith.cmpf ogt, %gather3A_757, %select_n3A_751 : vector<16xf32>
      %broadcast_in_dim3A_760 = arith.constant 52 : i32
      %broadcast_in_dim3A_761 = vector.broadcast %broadcast_in_dim3A_760 : i32 to vector<16xi32>
      %select_n3A_762 = arith.select %gt3A_759, %broadcast_in_dim3A_761, %select_n3A_749 : vector<16xi1>, vector<16xi32>
      %select_n3A_763 = arith.select %gt3A_758, %select_n3A_752, %select_n3A_762 : vector<16xi1>, vector<16xi32>
      %select_n3A_764 = arith.select %gt3A_759, %gather3A_757, %select_n3A_751 : vector<16xi1>, vector<16xf32>
      %select_n3A_765 = arith.select %gt3A_758, %select_n3A_753, %select_n3A_764 : vector<16xi1>, vector<16xf32>
      %select_n3A_766 = arith.select %gt3A_758, %broadcast_in_dim3A_761, %select_n3A_752 : vector<16xi1>, vector<16xi32>
      %select_n3A_767 = arith.select %gt3A_758, %gather3A_757, %select_n3A_753 : vector<16xi1>, vector<16xf32>
      %add3A_768 = arith.constant 53 : i32
      %add3A_769 = vector.broadcast %add3A_768 : i32 to vector<16xi32>
      %add3A_770 = arith.addi %mul3A_24, %add3A_769 : vector<16xi32>
      %gather3A_771 = tpu.vector_load_idx %arg5[%add3A_770] : memref<32768xf32, #tpu.memory_space<vmem>>[vector<16xi32>], vector<16xf32>,
      %gt3A_772 = arith.cmpf ogt, %gather3A_771, %select_n3A_767 : vector<16xf32>
      %gt3A_773 = arith.cmpf ogt, %gather3A_771, %select_n3A_765 : vector<16xf32>
      %broadcast_in_dim3A_774 = arith.constant 53 : i32
      %broadcast_in_dim3A_775 = vector.broadcast %broadcast_in_dim3A_774 : i32 to vector<16xi32>
      %select_n3A_776 = arith.select %gt3A_773, %broadcast_in_dim3A_775, %select_n3A_763 : vector<16xi1>, vector<16xi32>
      %select_n3A_777 = arith.select %gt3A_772, %select_n3A_766, %select_n3A_776 : vector<16xi1>, vector<16xi32>
      %select_n3A_778 = arith.select %gt3A_773, %gather3A_771, %select_n3A_765 : vector<16xi1>, vector<16xf32>
      %select_n3A_779 = arith.select %gt3A_772, %select_n3A_767, %select_n3A_778 : vector<16xi1>, vector<16xf32>
      %select_n3A_780 = arith.select %gt3A_772, %broadcast_in_dim3A_775, %select_n3A_766 : vector<16xi1>, vector<16xi32>
      %select_n3A_781 = arith.select %gt3A_772, %gather3A_771, %select_n3A_767 : vector<16xi1>, vector<16xf32>
      %add3A_782 = arith.constant 54 : i32
      %add3A_783 = vector.broadcast %add3A_782 : i32 to vector<16xi32>
      %add3A_784 = arith.addi %mul3A_24, %add3A_783 : vector<16xi32>
      %gather3A_785 = tpu.vector_load_idx %arg5[%add3A_784] : memref<32768xf32, #tpu.memory_space<vmem>>[vector<16xi32>], vector<16xf32>,
      %gt3A_786 = arith.cmpf ogt, %gather3A_785, %select_n3A_781 : vector<16xf32>
      %gt3A_787 = arith.cmpf ogt, %gather3A_785, %select_n3A_779 : vector<16xf32>
      %broadcast_in_dim3A_788 = arith.constant 54 : i32
      %broadcast_in_dim3A_789 = vector.broadcast %broadcast_in_dim3A_788 : i32 to vector<16xi32>
      %select_n3A_790 = arith.select %gt3A_787, %broadcast_in_dim3A_789, %select_n3A_777 : vector<16xi1>, vector<16xi32>
      %select_n3A_791 = arith.select %gt3A_786, %select_n3A_780, %select_n3A_790 : vector<16xi1>, vector<16xi32>
      %select_n3A_792 = arith.select %gt3A_787, %gather3A_785, %select_n3A_779 : vector<16xi1>, vector<16xf32>
      %select_n3A_793 = arith.select %gt3A_786, %select_n3A_781, %select_n3A_792 : vector<16xi1>, vector<16xf32>
      %select_n3A_794 = arith.select %gt3A_786, %broadcast_in_dim3A_789, %select_n3A_780 : vector<16xi1>, vector<16xi32>
      %select_n3A_795 = arith.select %gt3A_786, %gather3A_785, %select_n3A_781 : vector<16xi1>, vector<16xf32>
      %add3A_796 = arith.constant 55 : i32
      %add3A_797 = vector.broadcast %add3A_796 : i32 to vector<16xi32>
      %add3A_798 = arith.addi %mul3A_24, %add3A_797 : vector<16xi32>
      %gather3A_799 = tpu.vector_load_idx %arg5[%add3A_798] : memref<32768xf32, #tpu.memory_space<vmem>>[vector<16xi32>], vector<16xf32>,
      %gt3A_800 = arith.cmpf ogt, %gather3A_799, %select_n3A_795 : vector<16xf32>
      %gt3A_801 = arith.cmpf ogt, %gather3A_799, %select_n3A_793 : vector<16xf32>
      %broadcast_in_dim3A_802 = arith.constant 55 : i32
      %broadcast_in_dim3A_803 = vector.broadcast %broadcast_in_dim3A_802 : i32 to vector<16xi32>
      %select_n3A_804 = arith.select %gt3A_801, %broadcast_in_dim3A_803, %select_n3A_791 : vector<16xi1>, vector<16xi32>
      %select_n3A_805 = arith.select %gt3A_800, %select_n3A_794, %select_n3A_804 : vector<16xi1>, vector<16xi32>
      %select_n3A_806 = arith.select %gt3A_801, %gather3A_799, %select_n3A_793 : vector<16xi1>, vector<16xf32>
      %select_n3A_807 = arith.select %gt3A_800, %select_n3A_795, %select_n3A_806 : vector<16xi1>, vector<16xf32>
      %select_n3A_808 = arith.select %gt3A_800, %broadcast_in_dim3A_803, %select_n3A_794 : vector<16xi1>, vector<16xi32>
      %select_n3A_809 = arith.select %gt3A_800, %gather3A_799, %select_n3A_795 : vector<16xi1>, vector<16xf32>
      %add3A_810 = arith.constant 56 : i32
      %add3A_811 = vector.broadcast %add3A_810 : i32 to vector<16xi32>
      %add3A_812 = arith.addi %mul3A_24, %add3A_811 : vector<16xi32>
      %gather3A_813 = tpu.vector_load_idx %arg5[%add3A_812] : memref<32768xf32, #tpu.memory_space<vmem>>[vector<16xi32>], vector<16xf32>,
      %gt3A_814 = arith.cmpf ogt, %gather3A_813, %select_n3A_809 : vector<16xf32>
      %gt3A_815 = arith.cmpf ogt, %gather3A_813, %select_n3A_807 : vector<16xf32>
      %broadcast_in_dim3A_816 = arith.constant 56 : i32
      %broadcast_in_dim3A_817 = vector.broadcast %broadcast_in_dim3A_816 : i32 to vector<16xi32>
      %select_n3A_818 = arith.select %gt3A_815, %broadcast_in_dim3A_817, %select_n3A_805 : vector<16xi1>, vector<16xi32>
      %select_n3A_819 = arith.select %gt3A_814, %select_n3A_808, %select_n3A_818 : vector<16xi1>, vector<16xi32>
      %select_n3A_820 = arith.select %gt3A_815, %gather3A_813, %select_n3A_807 : vector<16xi1>, vector<16xf32>
      %select_n3A_821 = arith.select %gt3A_814, %select_n3A_809, %select_n3A_820 : vector<16xi1>, vector<16xf32>
      %select_n3A_822 = arith.select %gt3A_814, %broadcast_in_dim3A_817, %select_n3A_808 : vector<16xi1>, vector<16xi32>
      %select_n3A_823 = arith.select %gt3A_814, %gather3A_813, %select_n3A_809 : vector<16xi1>, vector<16xf32>
      %add3A_824 = arith.constant 57 : i32
      %add3A_825 = vector.broadcast %add3A_824 : i32 to vector<16xi32>
      %add3A_826 = arith.addi %mul3A_24, %add3A_825 : vector<16xi32>
      %gather3A_827 = tpu.vector_load_idx %arg5[%add3A_826] : memref<32768xf32, #tpu.memory_space<vmem>>[vector<16xi32>], vector<16xf32>,
      %gt3A_828 = arith.cmpf ogt, %gather3A_827, %select_n3A_823 : vector<16xf32>
      %gt3A_829 = arith.cmpf ogt, %gather3A_827, %select_n3A_821 : vector<16xf32>
      %broadcast_in_dim3A_830 = arith.constant 57 : i32
      %broadcast_in_dim3A_831 = vector.broadcast %broadcast_in_dim3A_830 : i32 to vector<16xi32>
      %select_n3A_832 = arith.select %gt3A_829, %broadcast_in_dim3A_831, %select_n3A_819 : vector<16xi1>, vector<16xi32>
      %select_n3A_833 = arith.select %gt3A_828, %select_n3A_822, %select_n3A_832 : vector<16xi1>, vector<16xi32>
      %select_n3A_834 = arith.select %gt3A_829, %gather3A_827, %select_n3A_821 : vector<16xi1>, vector<16xf32>
      %select_n3A_835 = arith.select %gt3A_828, %select_n3A_823, %select_n3A_834 : vector<16xi1>, vector<16xf32>
      %select_n3A_836 = arith.select %gt3A_828, %broadcast_in_dim3A_831, %select_n3A_822 : vector<16xi1>, vector<16xi32>
      %select_n3A_837 = arith.select %gt3A_828, %gather3A_827, %select_n3A_823 : vector<16xi1>, vector<16xf32>
      %add3A_838 = arith.constant 58 : i32
      %add3A_839 = vector.broadcast %add3A_838 : i32 to vector<16xi32>
      %add3A_840 = arith.addi %mul3A_24, %add3A_839 : vector<16xi32>
      %gather3A_841 = tpu.vector_load_idx %arg5[%add3A_840] : memref<32768xf32, #tpu.memory_space<vmem>>[vector<16xi32>], vector<16xf32>,
      %gt3A_842 = arith.cmpf ogt, %gather3A_841, %select_n3A_837 : vector<16xf32>
      %gt3A_843 = arith.cmpf ogt, %gather3A_841, %select_n3A_835 : vector<16xf32>
      %broadcast_in_dim3A_844 = arith.constant 58 : i32
      %broadcast_in_dim3A_845 = vector.broadcast %broadcast_in_dim3A_844 : i32 to vector<16xi32>
      %select_n3A_846 = arith.select %gt3A_843, %broadcast_in_dim3A_845, %select_n3A_833 : vector<16xi1>, vector<16xi32>
      %select_n3A_847 = arith.select %gt3A_842, %select_n3A_836, %select_n3A_846 : vector<16xi1>, vector<16xi32>
      %select_n3A_848 = arith.select %gt3A_843, %gather3A_841, %select_n3A_835 : vector<16xi1>, vector<16xf32>
      %select_n3A_849 = arith.select %gt3A_842, %select_n3A_837, %select_n3A_848 : vector<16xi1>, vector<16xf32>
      %select_n3A_850 = arith.select %gt3A_842, %broadcast_in_dim3A_845, %select_n3A_836 : vector<16xi1>, vector<16xi32>
      %select_n3A_851 = arith.select %gt3A_842, %gather3A_841, %select_n3A_837 : vector<16xi1>, vector<16xf32>
      %add3A_852 = arith.constant 59 : i32
      %add3A_853 = vector.broadcast %add3A_852 : i32 to vector<16xi32>
      %add3A_854 = arith.addi %mul3A_24, %add3A_853 : vector<16xi32>
      %gather3A_855 = tpu.vector_load_idx %arg5[%add3A_854] : memref<32768xf32, #tpu.memory_space<vmem>>[vector<16xi32>], vector<16xf32>,
      %gt3A_856 = arith.cmpf ogt, %gather3A_855, %select_n3A_851 : vector<16xf32>
      %gt3A_857 = arith.cmpf ogt, %gather3A_855, %select_n3A_849 : vector<16xf32>
      %broadcast_in_dim3A_858 = arith.constant 59 : i32
      %broadcast_in_dim3A_859 = vector.broadcast %broadcast_in_dim3A_858 : i32 to vector<16xi32>
      %select_n3A_860 = arith.select %gt3A_857, %broadcast_in_dim3A_859, %select_n3A_847 : vector<16xi1>, vector<16xi32>
      %select_n3A_861 = arith.select %gt3A_856, %select_n3A_850, %select_n3A_860 : vector<16xi1>, vector<16xi32>
      %select_n3A_862 = arith.select %gt3A_857, %gather3A_855, %select_n3A_849 : vector<16xi1>, vector<16xf32>
      %select_n3A_863 = arith.select %gt3A_856, %select_n3A_851, %select_n3A_862 : vector<16xi1>, vector<16xf32>
      %select_n3A_864 = arith.select %gt3A_856, %broadcast_in_dim3A_859, %select_n3A_850 : vector<16xi1>, vector<16xi32>
      %select_n3A_865 = arith.select %gt3A_856, %gather3A_855, %select_n3A_851 : vector<16xi1>, vector<16xf32>
      %add3A_866 = arith.constant 60 : i32
      %add3A_867 = vector.broadcast %add3A_866 : i32 to vector<16xi32>
      %add3A_868 = arith.addi %mul3A_24, %add3A_867 : vector<16xi32>
      %gather3A_869 = tpu.vector_load_idx %arg5[%add3A_868] : memref<32768xf32, #tpu.memory_space<vmem>>[vector<16xi32>], vector<16xf32>,
      %gt3A_870 = arith.cmpf ogt, %gather3A_869, %select_n3A_865 : vector<16xf32>
      %gt3A_871 = arith.cmpf ogt, %gather3A_869, %select_n3A_863 : vector<16xf32>
      %broadcast_in_dim3A_872 = arith.constant 60 : i32
      %broadcast_in_dim3A_873 = vector.broadcast %broadcast_in_dim3A_872 : i32 to vector<16xi32>
      %select_n3A_874 = arith.select %gt3A_871, %broadcast_in_dim3A_873, %select_n3A_861 : vector<16xi1>, vector<16xi32>
      %select_n3A_875 = arith.select %gt3A_870, %select_n3A_864, %select_n3A_874 : vector<16xi1>, vector<16xi32>
      %select_n3A_876 = arith.select %gt3A_871, %gather3A_869, %select_n3A_863 : vector<16xi1>, vector<16xf32>
      %select_n3A_877 = arith.select %gt3A_870, %select_n3A_865, %select_n3A_876 : vector<16xi1>, vector<16xf32>
      %select_n3A_878 = arith.select %gt3A_870, %broadcast_in_dim3A_873, %select_n3A_864 : vector<16xi1>, vector<16xi32>
      %select_n3A_879 = arith.select %gt3A_870, %gather3A_869, %select_n3A_865 : vector<16xi1>, vector<16xf32>
      %add3A_880 = arith.constant 61 : i32
      %add3A_881 = vector.broadcast %add3A_880 : i32 to vector<16xi32>
      %add3A_882 = arith.addi %mul3A_24, %add3A_881 : vector<16xi32>
      %gather3A_883 = tpu.vector_load_idx %arg5[%add3A_882] : memref<32768xf32, #tpu.memory_space<vmem>>[vector<16xi32>], vector<16xf32>,
      %gt3A_884 = arith.cmpf ogt, %gather3A_883, %select_n3A_879 : vector<16xf32>
      %gt3A_885 = arith.cmpf ogt, %gather3A_883, %select_n3A_877 : vector<16xf32>
      %broadcast_in_dim3A_886 = arith.constant 61 : i32
      %broadcast_in_dim3A_887 = vector.broadcast %broadcast_in_dim3A_886 : i32 to vector<16xi32>
      %select_n3A_888 = arith.select %gt3A_885, %broadcast_in_dim3A_887, %select_n3A_875 : vector<16xi1>, vector<16xi32>
      %select_n3A_889 = arith.select %gt3A_884, %select_n3A_878, %select_n3A_888 : vector<16xi1>, vector<16xi32>
      %select_n3A_890 = arith.select %gt3A_885, %gather3A_883, %select_n3A_877 : vector<16xi1>, vector<16xf32>
      %select_n3A_891 = arith.select %gt3A_884, %select_n3A_879, %select_n3A_890 : vector<16xi1>, vector<16xf32>
      %select_n3A_892 = arith.select %gt3A_884, %broadcast_in_dim3A_887, %select_n3A_878 : vector<16xi1>, vector<16xi32>
      %select_n3A_893 = arith.select %gt3A_884, %gather3A_883, %select_n3A_879 : vector<16xi1>, vector<16xf32>
      %add3A_894 = arith.constant 62 : i32
      %add3A_895 = vector.broadcast %add3A_894 : i32 to vector<16xi32>
      %add3A_896 = arith.addi %mul3A_24, %add3A_895 : vector<16xi32>
      %gather3A_897 = tpu.vector_load_idx %arg5[%add3A_896] : memref<32768xf32, #tpu.memory_space<vmem>>[vector<16xi32>], vector<16xf32>,
      %gt3A_898 = arith.cmpf ogt, %gather3A_897, %select_n3A_893 : vector<16xf32>
      %gt3A_899 = arith.cmpf ogt, %gather3A_897, %select_n3A_891 : vector<16xf32>
      %broadcast_in_dim3A_900 = arith.constant 62 : i32
      %broadcast_in_dim3A_901 = vector.broadcast %broadcast_in_dim3A_900 : i32 to vector<16xi32>
      %select_n3A_902 = arith.select %gt3A_899, %broadcast_in_dim3A_901, %select_n3A_889 : vector<16xi1>, vector<16xi32>
      %select_n3A_903 = arith.select %gt3A_898, %select_n3A_892, %select_n3A_902 : vector<16xi1>, vector<16xi32>
      %select_n3A_904 = arith.select %gt3A_899, %gather3A_897, %select_n3A_891 : vector<16xi1>, vector<16xf32>
      %select_n3A_905 = arith.select %gt3A_898, %select_n3A_893, %select_n3A_904 : vector<16xi1>, vector<16xf32>
      %select_n3A_906 = arith.select %gt3A_898, %broadcast_in_dim3A_901, %select_n3A_892 : vector<16xi1>, vector<16xi32>
      %select_n3A_907 = arith.select %gt3A_898, %gather3A_897, %select_n3A_893 : vector<16xi1>, vector<16xf32>
      %add3A_908 = arith.constant 63 : i32
      %add3A_909 = vector.broadcast %add3A_908 : i32 to vector<16xi32>
      %add3A_910 = arith.addi %mul3A_24, %add3A_909 : vector<16xi32>
      %gather3A_911 = tpu.vector_load_idx %arg5[%add3A_910] : memref<32768xf32, #tpu.memory_space<vmem>>[vector<16xi32>], vector<16xf32>,
      %gt3A_912 = arith.cmpf ogt, %gather3A_911, %select_n3A_907 : vector<16xf32>
      %gt3A_913 = arith.cmpf ogt, %gather3A_911, %select_n3A_905 : vector<16xf32>
      %broadcast_in_dim3A_914 = arith.constant 63 : i32
      %broadcast_in_dim3A_915 = vector.broadcast %broadcast_in_dim3A_914 : i32 to vector<16xi32>
      %select_n3A_916 = arith.select %gt3A_913, %broadcast_in_dim3A_915, %select_n3A_903 : vector<16xi1>, vector<16xi32>
      %select_n3A_917 = arith.select %gt3A_912, %select_n3A_906, %select_n3A_916 : vector<16xi1>, vector<16xi32>
      %select_n3A_918 = arith.select %gt3A_913, %gather3A_911, %select_n3A_905 : vector<16xi1>, vector<16xf32>
      %select_n3A_919 = arith.select %gt3A_912, %select_n3A_907, %select_n3A_918 : vector<16xi1>, vector<16xf32>
      %select_n3A_920 = arith.select %gt3A_912, %broadcast_in_dim3A_915, %select_n3A_906 : vector<16xi1>, vector<16xi32>
      %select_n3A_921 = arith.select %gt3A_912, %gather3A_911, %select_n3A_907 : vector<16xi1>, vector<16xf32>
      %broadcast_in_dim3A_922 = arith.constant 0.000000e+00 : f32
      %broadcast_in_dim3A_923 = vector.broadcast %broadcast_in_dim3A_922 : f32 to vector<16xf32>
      %add3A_924 = arith.constant 0 : i32
      %add3A_925 = vector.broadcast %add3A_924 : i32 to vector<16xi32>
      %add3A_926 = arith.addi %mul3A_24, %add3A_925 : vector<16xi32>
      %gather3A_927 = tpu.vector_load_idx %arg5[%add3A_926] : memref<32768xf32, #tpu.memory_space<vmem>>[vector<16xi32>], vector<16xf32>,
      %sub3A = arith.subf %gather3A_927, %select_n3A_921 : vector<16xf32>
      %exp3A = math.exp %sub3A : vector<16xf32>
      %add3A_928 = arith.addf %broadcast_in_dim3A_923, %exp3A : vector<16xf32>
      %add3A_929 = arith.constant 1 : i32
      %add3A_930 = vector.broadcast %add3A_929 : i32 to vector<16xi32>
      %add3A_931 = arith.addi %mul3A_24, %add3A_930 : vector<16xi32>
      %gather3A_932 = tpu.vector_load_idx %arg5[%add3A_931] : memref<32768xf32, #tpu.memory_space<vmem>>[vector<16xi32>], vector<16xf32>,
      %sub3A_933 = arith.subf %gather3A_932, %select_n3A_921 : vector<16xf32>
      %exp3A_934 = math.exp %sub3A_933 : vector<16xf32>
      %add3A_935 = arith.addf %add3A_928, %exp3A_934 : vector<16xf32>
      %add3A_936 = arith.constant 2 : i32
      %add3A_937 = vector.broadcast %add3A_936 : i32 to vector<16xi32>
      %add3A_938 = arith.addi %mul3A_24, %add3A_937 : vector<16xi32>
      %gather3A_939 = tpu.vector_load_idx %arg5[%add3A_938] : memref<32768xf32, #tpu.memory_space<vmem>>[vector<16xi32>], vector<16xf32>,
      %sub3A_940 = arith.subf %gather3A_939, %select_n3A_921 : vector<16xf32>
      %exp3A_941 = math.exp %sub3A_940 : vector<16xf32>
      %add3A_942 = arith.addf %add3A_935, %exp3A_941 : vector<16xf32>
      %add3A_943 = arith.constant 3 : i32
      %add3A_944 = vector.broadcast %add3A_943 : i32 to vector<16xi32>
      %add3A_945 = arith.addi %mul3A_24, %add3A_944 : vector<16xi32>
      %gather3A_946 = tpu.vector_load_idx %arg5[%add3A_945] : memref<32768xf32, #tpu.memory_space<vmem>>[vector<16xi32>], vector<16xf32>,
      %sub3A_947 = arith.subf %gather3A_946, %select_n3A_921 : vector<16xf32>
      %exp3A_948 = math.exp %sub3A_947 : vector<16xf32>
      %add3A_949 = arith.addf %add3A_942, %exp3A_948 : vector<16xf32>
      %add3A_950 = arith.constant 4 : i32
      %add3A_951 = vector.broadcast %add3A_950 : i32 to vector<16xi32>
      %add3A_952 = arith.addi %mul3A_24, %add3A_951 : vector<16xi32>
      %gather3A_953 = tpu.vector_load_idx %arg5[%add3A_952] : memref<32768xf32, #tpu.memory_space<vmem>>[vector<16xi32>], vector<16xf32>,
      %sub3A_954 = arith.subf %gather3A_953, %select_n3A_921 : vector<16xf32>
      %exp3A_955 = math.exp %sub3A_954 : vector<16xf32>
      %add3A_956 = arith.addf %add3A_949, %exp3A_955 : vector<16xf32>
      %add3A_957 = arith.constant 5 : i32
      %add3A_958 = vector.broadcast %add3A_957 : i32 to vector<16xi32>
      %add3A_959 = arith.addi %mul3A_24, %add3A_958 : vector<16xi32>
      %gather3A_960 = tpu.vector_load_idx %arg5[%add3A_959] : memref<32768xf32, #tpu.memory_space<vmem>>[vector<16xi32>], vector<16xf32>,
      %sub3A_961 = arith.subf %gather3A_960, %select_n3A_921 : vector<16xf32>
      %exp3A_962 = math.exp %sub3A_961 : vector<16xf32>
      %add3A_963 = arith.addf %add3A_956, %exp3A_962 : vector<16xf32>
      %add3A_964 = arith.constant 6 : i32
      %add3A_965 = vector.broadcast %add3A_964 : i32 to vector<16xi32>
      %add3A_966 = arith.addi %mul3A_24, %add3A_965 : vector<16xi32>
      %gather3A_967 = tpu.vector_load_idx %arg5[%add3A_966] : memref<32768xf32, #tpu.memory_space<vmem>>[vector<16xi32>], vector<16xf32>,
      %sub3A_968 = arith.subf %gather3A_967, %select_n3A_921 : vector<16xf32>
      %exp3A_969 = math.exp %sub3A_968 : vector<16xf32>
      %add3A_970 = arith.addf %add3A_963, %exp3A_969 : vector<16xf32>
      %add3A_971 = arith.constant 7 : i32
      %add3A_972 = vector.broadcast %add3A_971 : i32 to vector<16xi32>
      %add3A_973 = arith.addi %mul3A_24, %add3A_972 : vector<16xi32>
      %gather3A_974 = tpu.vector_load_idx %arg5[%add3A_973] : memref<32768xf32, #tpu.memory_space<vmem>>[vector<16xi32>], vector<16xf32>,
      %sub3A_975 = arith.subf %gather3A_974, %select_n3A_921 : vector<16xf32>
      %exp3A_976 = math.exp %sub3A_975 : vector<16xf32>
      %add3A_977 = arith.addf %add3A_970, %exp3A_976 : vector<16xf32>
      %add3A_978 = arith.constant 8 : i32
      %add3A_979 = vector.broadcast %add3A_978 : i32 to vector<16xi32>
      %add3A_980 = arith.addi %mul3A_24, %add3A_979 : vector<16xi32>
      %gather3A_981 = tpu.vector_load_idx %arg5[%add3A_980] : memref<32768xf32, #tpu.memory_space<vmem>>[vector<16xi32>], vector<16xf32>,
      %sub3A_982 = arith.subf %gather3A_981, %select_n3A_921 : vector<16xf32>
      %exp3A_983 = math.exp %sub3A_982 : vector<16xf32>
      %add3A_984 = arith.addf %add3A_977, %exp3A_983 : vector<16xf32>
      %add3A_985 = arith.constant 9 : i32
      %add3A_986 = vector.broadcast %add3A_985 : i32 to vector<16xi32>
      %add3A_987 = arith.addi %mul3A_24, %add3A_986 : vector<16xi32>
      %gather3A_988 = tpu.vector_load_idx %arg5[%add3A_987] : memref<32768xf32, #tpu.memory_space<vmem>>[vector<16xi32>], vector<16xf32>,
      %sub3A_989 = arith.subf %gather3A_988, %select_n3A_921 : vector<16xf32>
      %exp3A_990 = math.exp %sub3A_989 : vector<16xf32>
      %add3A_991 = arith.addf %add3A_984, %exp3A_990 : vector<16xf32>
      %add3A_992 = arith.constant 10 : i32
      %add3A_993 = vector.broadcast %add3A_992 : i32 to vector<16xi32>
      %add3A_994 = arith.addi %mul3A_24, %add3A_993 : vector<16xi32>
      %gather3A_995 = tpu.vector_load_idx %arg5[%add3A_994] : memref<32768xf32, #tpu.memory_space<vmem>>[vector<16xi32>], vector<16xf32>,
      %sub3A_996 = arith.subf %gather3A_995, %select_n3A_921 : vector<16xf32>
      %exp3A_997 = math.exp %sub3A_996 : vector<16xf32>
      %add3A_998 = arith.addf %add3A_991, %exp3A_997 : vector<16xf32>
      %add3A_999 = arith.constant 11 : i32
      %add3A_1000 = vector.broadcast %add3A_999 : i32 to vector<16xi32>
      %add3A_1001 = arith.addi %mul3A_24, %add3A_1000 : vector<16xi32>
      %gather3A_1002 = tpu.vector_load_idx %arg5[%add3A_1001] : memref<32768xf32, #tpu.memory_space<vmem>>[vector<16xi32>], vector<16xf32>,
      %sub3A_1003 = arith.subf %gather3A_1002, %select_n3A_921 : vector<16xf32>
      %exp3A_1004 = math.exp %sub3A_1003 : vector<16xf32>
      %add3A_1005 = arith.addf %add3A_998, %exp3A_1004 : vector<16xf32>
      %add3A_1006 = arith.constant 12 : i32
      %add3A_1007 = vector.broadcast %add3A_1006 : i32 to vector<16xi32>
      %add3A_1008 = arith.addi %mul3A_24, %add3A_1007 : vector<16xi32>
      %gather3A_1009 = tpu.vector_load_idx %arg5[%add3A_1008] : memref<32768xf32, #tpu.memory_space<vmem>>[vector<16xi32>], vector<16xf32>,
      %sub3A_1010 = arith.subf %gather3A_1009, %select_n3A_921 : vector<16xf32>
      %exp3A_1011 = math.exp %sub3A_1010 : vector<16xf32>
      %add3A_1012 = arith.addf %add3A_1005, %exp3A_1011 : vector<16xf32>
      %add3A_1013 = arith.constant 13 : i32
      %add3A_1014 = vector.broadcast %add3A_1013 : i32 to vector<16xi32>
      %add3A_1015 = arith.addi %mul3A_24, %add3A_1014 : vector<16xi32>
      %gather3A_1016 = tpu.vector_load_idx %arg5[%add3A_1015] : memref<32768xf32, #tpu.memory_space<vmem>>[vector<16xi32>], vector<16xf32>,
      %sub3A_1017 = arith.subf %gather3A_1016, %select_n3A_921 : vector<16xf32>
      %exp3A_1018 = math.exp %sub3A_1017 : vector<16xf32>
      %add3A_1019 = arith.addf %add3A_1012, %exp3A_1018 : vector<16xf32>
      %add3A_1020 = arith.constant 14 : i32
      %add3A_1021 = vector.broadcast %add3A_1020 : i32 to vector<16xi32>
      %add3A_1022 = arith.addi %mul3A_24, %add3A_1021 : vector<16xi32>
      %gather3A_1023 = tpu.vector_load_idx %arg5[%add3A_1022] : memref<32768xf32, #tpu.memory_space<vmem>>[vector<16xi32>], vector<16xf32>,
      %sub3A_1024 = arith.subf %gather3A_1023, %select_n3A_921 : vector<16xf32>
      %exp3A_1025 = math.exp %sub3A_1024 : vector<16xf32>
      %add3A_1026 = arith.addf %add3A_1019, %exp3A_1025 : vector<16xf32>
      %add3A_1027 = arith.constant 15 : i32
      %add3A_1028 = vector.broadcast %add3A_1027 : i32 to vector<16xi32>
      %add3A_1029 = arith.addi %mul3A_24, %add3A_1028 : vector<16xi32>
      %gather3A_1030 = tpu.vector_load_idx %arg5[%add3A_1029] : memref<32768xf32, #tpu.memory_space<vmem>>[vector<16xi32>], vector<16xf32>,
      %sub3A_1031 = arith.subf %gather3A_1030, %select_n3A_921 : vector<16xf32>
      %exp3A_1032 = math.exp %sub3A_1031 : vector<16xf32>
      %add3A_1033 = arith.addf %add3A_1026, %exp3A_1032 : vector<16xf32>
      %add3A_1034 = arith.constant 16 : i32
      %add3A_1035 = vector.broadcast %add3A_1034 : i32 to vector<16xi32>
      %add3A_1036 = arith.addi %mul3A_24, %add3A_1035 : vector<16xi32>
      %gather3A_1037 = tpu.vector_load_idx %arg5[%add3A_1036] : memref<32768xf32, #tpu.memory_space<vmem>>[vector<16xi32>], vector<16xf32>,
      %sub3A_1038 = arith.subf %gather3A_1037, %select_n3A_921 : vector<16xf32>
      %exp3A_1039 = math.exp %sub3A_1038 : vector<16xf32>
      %add3A_1040 = arith.addf %add3A_1033, %exp3A_1039 : vector<16xf32>
      %add3A_1041 = arith.constant 17 : i32
      %add3A_1042 = vector.broadcast %add3A_1041 : i32 to vector<16xi32>
      %add3A_1043 = arith.addi %mul3A_24, %add3A_1042 : vector<16xi32>
      %gather3A_1044 = tpu.vector_load_idx %arg5[%add3A_1043] : memref<32768xf32, #tpu.memory_space<vmem>>[vector<16xi32>], vector<16xf32>,
      %sub3A_1045 = arith.subf %gather3A_1044, %select_n3A_921 : vector<16xf32>
      %exp3A_1046 = math.exp %sub3A_1045 : vector<16xf32>
      %add3A_1047 = arith.addf %add3A_1040, %exp3A_1046 : vector<16xf32>
      %add3A_1048 = arith.constant 18 : i32
      %add3A_1049 = vector.broadcast %add3A_1048 : i32 to vector<16xi32>
      %add3A_1050 = arith.addi %mul3A_24, %add3A_1049 : vector<16xi32>
      %gather3A_1051 = tpu.vector_load_idx %arg5[%add3A_1050] : memref<32768xf32, #tpu.memory_space<vmem>>[vector<16xi32>], vector<16xf32>,
      %sub3A_1052 = arith.subf %gather3A_1051, %select_n3A_921 : vector<16xf32>
      %exp3A_1053 = math.exp %sub3A_1052 : vector<16xf32>
      %add3A_1054 = arith.addf %add3A_1047, %exp3A_1053 : vector<16xf32>
      %add3A_1055 = arith.constant 19 : i32
      %add3A_1056 = vector.broadcast %add3A_1055 : i32 to vector<16xi32>
      %add3A_1057 = arith.addi %mul3A_24, %add3A_1056 : vector<16xi32>
      %gather3A_1058 = tpu.vector_load_idx %arg5[%add3A_1057] : memref<32768xf32, #tpu.memory_space<vmem>>[vector<16xi32>], vector<16xf32>,
      %sub3A_1059 = arith.subf %gather3A_1058, %select_n3A_921 : vector<16xf32>
      %exp3A_1060 = math.exp %sub3A_1059 : vector<16xf32>
      %add3A_1061 = arith.addf %add3A_1054, %exp3A_1060 : vector<16xf32>
      %add3A_1062 = arith.constant 20 : i32
      %add3A_1063 = vector.broadcast %add3A_1062 : i32 to vector<16xi32>
      %add3A_1064 = arith.addi %mul3A_24, %add3A_1063 : vector<16xi32>
      %gather3A_1065 = tpu.vector_load_idx %arg5[%add3A_1064] : memref<32768xf32, #tpu.memory_space<vmem>>[vector<16xi32>], vector<16xf32>,
      %sub3A_1066 = arith.subf %gather3A_1065, %select_n3A_921 : vector<16xf32>
      %exp3A_1067 = math.exp %sub3A_1066 : vector<16xf32>
      %add3A_1068 = arith.addf %add3A_1061, %exp3A_1067 : vector<16xf32>
      %add3A_1069 = arith.constant 21 : i32
      %add3A_1070 = vector.broadcast %add3A_1069 : i32 to vector<16xi32>
      %add3A_1071 = arith.addi %mul3A_24, %add3A_1070 : vector<16xi32>
      %gather3A_1072 = tpu.vector_load_idx %arg5[%add3A_1071] : memref<32768xf32, #tpu.memory_space<vmem>>[vector<16xi32>], vector<16xf32>,
      %sub3A_1073 = arith.subf %gather3A_1072, %select_n3A_921 : vector<16xf32>
      %exp3A_1074 = math.exp %sub3A_1073 : vector<16xf32>
      %add3A_1075 = arith.addf %add3A_1068, %exp3A_1074 : vector<16xf32>
      %add3A_1076 = arith.constant 22 : i32
      %add3A_1077 = vector.broadcast %add3A_1076 : i32 to vector<16xi32>
      %add3A_1078 = arith.addi %mul3A_24, %add3A_1077 : vector<16xi32>
      %gather3A_1079 = tpu.vector_load_idx %arg5[%add3A_1078] : memref<32768xf32, #tpu.memory_space<vmem>>[vector<16xi32>], vector<16xf32>,
      %sub3A_1080 = arith.subf %gather3A_1079, %select_n3A_921 : vector<16xf32>
      %exp3A_1081 = math.exp %sub3A_1080 : vector<16xf32>
      %add3A_1082 = arith.addf %add3A_1075, %exp3A_1081 : vector<16xf32>
      %add3A_1083 = arith.constant 23 : i32
      %add3A_1084 = vector.broadcast %add3A_1083 : i32 to vector<16xi32>
      %add3A_1085 = arith.addi %mul3A_24, %add3A_1084 : vector<16xi32>
      %gather3A_1086 = tpu.vector_load_idx %arg5[%add3A_1085] : memref<32768xf32, #tpu.memory_space<vmem>>[vector<16xi32>], vector<16xf32>,
      %sub3A_1087 = arith.subf %gather3A_1086, %select_n3A_921 : vector<16xf32>
      %exp3A_1088 = math.exp %sub3A_1087 : vector<16xf32>
      %add3A_1089 = arith.addf %add3A_1082, %exp3A_1088 : vector<16xf32>
      %add3A_1090 = arith.constant 24 : i32
      %add3A_1091 = vector.broadcast %add3A_1090 : i32 to vector<16xi32>
      %add3A_1092 = arith.addi %mul3A_24, %add3A_1091 : vector<16xi32>
      %gather3A_1093 = tpu.vector_load_idx %arg5[%add3A_1092] : memref<32768xf32, #tpu.memory_space<vmem>>[vector<16xi32>], vector<16xf32>,
      %sub3A_1094 = arith.subf %gather3A_1093, %select_n3A_921 : vector<16xf32>
      %exp3A_1095 = math.exp %sub3A_1094 : vector<16xf32>
      %add3A_1096 = arith.addf %add3A_1089, %exp3A_1095 : vector<16xf32>
      %add3A_1097 = arith.constant 25 : i32
      %add3A_1098 = vector.broadcast %add3A_1097 : i32 to vector<16xi32>
      %add3A_1099 = arith.addi %mul3A_24, %add3A_1098 : vector<16xi32>
      %gather3A_1100 = tpu.vector_load_idx %arg5[%add3A_1099] : memref<32768xf32, #tpu.memory_space<vmem>>[vector<16xi32>], vector<16xf32>,
      %sub3A_1101 = arith.subf %gather3A_1100, %select_n3A_921 : vector<16xf32>
      %exp3A_1102 = math.exp %sub3A_1101 : vector<16xf32>
      %add3A_1103 = arith.addf %add3A_1096, %exp3A_1102 : vector<16xf32>
      %add3A_1104 = arith.constant 26 : i32
      %add3A_1105 = vector.broadcast %add3A_1104 : i32 to vector<16xi32>
      %add3A_1106 = arith.addi %mul3A_24, %add3A_1105 : vector<16xi32>
      %gather3A_1107 = tpu.vector_load_idx %arg5[%add3A_1106] : memref<32768xf32, #tpu.memory_space<vmem>>[vector<16xi32>], vector<16xf32>,
      %sub3A_1108 = arith.subf %gather3A_1107, %select_n3A_921 : vector<16xf32>
      %exp3A_1109 = math.exp %sub3A_1108 : vector<16xf32>
      %add3A_1110 = arith.addf %add3A_1103, %exp3A_1109 : vector<16xf32>
      %add3A_1111 = arith.constant 27 : i32
      %add3A_1112 = vector.broadcast %add3A_1111 : i32 to vector<16xi32>
      %add3A_1113 = arith.addi %mul3A_24, %add3A_1112 : vector<16xi32>
      %gather3A_1114 = tpu.vector_load_idx %arg5[%add3A_1113] : memref<32768xf32, #tpu.memory_space<vmem>>[vector<16xi32>], vector<16xf32>,
      %sub3A_1115 = arith.subf %gather3A_1114, %select_n3A_921 : vector<16xf32>
      %exp3A_1116 = math.exp %sub3A_1115 : vector<16xf32>
      %add3A_1117 = arith.addf %add3A_1110, %exp3A_1116 : vector<16xf32>
      %add3A_1118 = arith.constant 28 : i32
      %add3A_1119 = vector.broadcast %add3A_1118 : i32 to vector<16xi32>
      %add3A_1120 = arith.addi %mul3A_24, %add3A_1119 : vector<16xi32>
      %gather3A_1121 = tpu.vector_load_idx %arg5[%add3A_1120] : memref<32768xf32, #tpu.memory_space<vmem>>[vector<16xi32>], vector<16xf32>,
      %sub3A_1122 = arith.subf %gather3A_1121, %select_n3A_921 : vector<16xf32>
      %exp3A_1123 = math.exp %sub3A_1122 : vector<16xf32>
      %add3A_1124 = arith.addf %add3A_1117, %exp3A_1123 : vector<16xf32>
      %add3A_1125 = arith.constant 29 : i32
      %add3A_1126 = vector.broadcast %add3A_1125 : i32 to vector<16xi32>
      %add3A_1127 = arith.addi %mul3A_24, %add3A_1126 : vector<16xi32>
      %gather3A_1128 = tpu.vector_load_idx %arg5[%add3A_1127] : memref<32768xf32, #tpu.memory_space<vmem>>[vector<16xi32>], vector<16xf32>,
      %sub3A_1129 = arith.subf %gather3A_1128, %select_n3A_921 : vector<16xf32>
      %exp3A_1130 = math.exp %sub3A_1129 : vector<16xf32>
      %add3A_1131 = arith.addf %add3A_1124, %exp3A_1130 : vector<16xf32>
      %add3A_1132 = arith.constant 30 : i32
      %add3A_1133 = vector.broadcast %add3A_1132 : i32 to vector<16xi32>
      %add3A_1134 = arith.addi %mul3A_24, %add3A_1133 : vector<16xi32>
      %gather3A_1135 = tpu.vector_load_idx %arg5[%add3A_1134] : memref<32768xf32, #tpu.memory_space<vmem>>[vector<16xi32>], vector<16xf32>,
      %sub3A_1136 = arith.subf %gather3A_1135, %select_n3A_921 : vector<16xf32>
      %exp3A_1137 = math.exp %sub3A_1136 : vector<16xf32>
      %add3A_1138 = arith.addf %add3A_1131, %exp3A_1137 : vector<16xf32>
      %add3A_1139 = arith.constant 31 : i32
      %add3A_1140 = vector.broadcast %add3A_1139 : i32 to vector<16xi32>
      %add3A_1141 = arith.addi %mul3A_24, %add3A_1140 : vector<16xi32>
      %gather3A_1142 = tpu.vector_load_idx %arg5[%add3A_1141] : memref<32768xf32, #tpu.memory_space<vmem>>[vector<16xi32>], vector<16xf32>,
      %sub3A_1143 = arith.subf %gather3A_1142, %select_n3A_921 : vector<16xf32>
      %exp3A_1144 = math.exp %sub3A_1143 : vector<16xf32>
      %add3A_1145 = arith.addf %add3A_1138, %exp3A_1144 : vector<16xf32>
      %add3A_1146 = arith.constant 32 : i32
      %add3A_1147 = vector.broadcast %add3A_1146 : i32 to vector<16xi32>
      %add3A_1148 = arith.addi %mul3A_24, %add3A_1147 : vector<16xi32>
      %gather3A_1149 = tpu.vector_load_idx %arg5[%add3A_1148] : memref<32768xf32, #tpu.memory_space<vmem>>[vector<16xi32>], vector<16xf32>,
      %sub3A_1150 = arith.subf %gather3A_1149, %select_n3A_921 : vector<16xf32>
      %exp3A_1151 = math.exp %sub3A_1150 : vector<16xf32>
      %add3A_1152 = arith.addf %add3A_1145, %exp3A_1151 : vector<16xf32>
      %add3A_1153 = arith.constant 33 : i32
      %add3A_1154 = vector.broadcast %add3A_1153 : i32 to vector<16xi32>
      %add3A_1155 = arith.addi %mul3A_24, %add3A_1154 : vector<16xi32>
      %gather3A_1156 = tpu.vector_load_idx %arg5[%add3A_1155] : memref<32768xf32, #tpu.memory_space<vmem>>[vector<16xi32>], vector<16xf32>,
      %sub3A_1157 = arith.subf %gather3A_1156, %select_n3A_921 : vector<16xf32>
      %exp3A_1158 = math.exp %sub3A_1157 : vector<16xf32>
      %add3A_1159 = arith.addf %add3A_1152, %exp3A_1158 : vector<16xf32>
      %add3A_1160 = arith.constant 34 : i32
      %add3A_1161 = vector.broadcast %add3A_1160 : i32 to vector<16xi32>
      %add3A_1162 = arith.addi %mul3A_24, %add3A_1161 : vector<16xi32>
      %gather3A_1163 = tpu.vector_load_idx %arg5[%add3A_1162] : memref<32768xf32, #tpu.memory_space<vmem>>[vector<16xi32>], vector<16xf32>,
      %sub3A_1164 = arith.subf %gather3A_1163, %select_n3A_921 : vector<16xf32>
      %exp3A_1165 = math.exp %sub3A_1164 : vector<16xf32>
      %add3A_1166 = arith.addf %add3A_1159, %exp3A_1165 : vector<16xf32>
      %add3A_1167 = arith.constant 35 : i32
      %add3A_1168 = vector.broadcast %add3A_1167 : i32 to vector<16xi32>
      %add3A_1169 = arith.addi %mul3A_24, %add3A_1168 : vector<16xi32>
      %gather3A_1170 = tpu.vector_load_idx %arg5[%add3A_1169] : memref<32768xf32, #tpu.memory_space<vmem>>[vector<16xi32>], vector<16xf32>,
      %sub3A_1171 = arith.subf %gather3A_1170, %select_n3A_921 : vector<16xf32>
      %exp3A_1172 = math.exp %sub3A_1171 : vector<16xf32>
      %add3A_1173 = arith.addf %add3A_1166, %exp3A_1172 : vector<16xf32>
      %add3A_1174 = arith.constant 36 : i32
      %add3A_1175 = vector.broadcast %add3A_1174 : i32 to vector<16xi32>
      %add3A_1176 = arith.addi %mul3A_24, %add3A_1175 : vector<16xi32>
      %gather3A_1177 = tpu.vector_load_idx %arg5[%add3A_1176] : memref<32768xf32, #tpu.memory_space<vmem>>[vector<16xi32>], vector<16xf32>,
      %sub3A_1178 = arith.subf %gather3A_1177, %select_n3A_921 : vector<16xf32>
      %exp3A_1179 = math.exp %sub3A_1178 : vector<16xf32>
      %add3A_1180 = arith.addf %add3A_1173, %exp3A_1179 : vector<16xf32>
      %add3A_1181 = arith.constant 37 : i32
      %add3A_1182 = vector.broadcast %add3A_1181 : i32 to vector<16xi32>
      %add3A_1183 = arith.addi %mul3A_24, %add3A_1182 : vector<16xi32>
      %gather3A_1184 = tpu.vector_load_idx %arg5[%add3A_1183] : memref<32768xf32, #tpu.memory_space<vmem>>[vector<16xi32>], vector<16xf32>,
      %sub3A_1185 = arith.subf %gather3A_1184, %select_n3A_921 : vector<16xf32>
      %exp3A_1186 = math.exp %sub3A_1185 : vector<16xf32>
      %add3A_1187 = arith.addf %add3A_1180, %exp3A_1186 : vector<16xf32>
      %add3A_1188 = arith.constant 38 : i32
      %add3A_1189 = vector.broadcast %add3A_1188 : i32 to vector<16xi32>
      %add3A_1190 = arith.addi %mul3A_24, %add3A_1189 : vector<16xi32>
      %gather3A_1191 = tpu.vector_load_idx %arg5[%add3A_1190] : memref<32768xf32, #tpu.memory_space<vmem>>[vector<16xi32>], vector<16xf32>,
      %sub3A_1192 = arith.subf %gather3A_1191, %select_n3A_921 : vector<16xf32>
      %exp3A_1193 = math.exp %sub3A_1192 : vector<16xf32>
      %add3A_1194 = arith.addf %add3A_1187, %exp3A_1193 : vector<16xf32>
      %add3A_1195 = arith.constant 39 : i32
      %add3A_1196 = vector.broadcast %add3A_1195 : i32 to vector<16xi32>
      %add3A_1197 = arith.addi %mul3A_24, %add3A_1196 : vector<16xi32>
      %gather3A_1198 = tpu.vector_load_idx %arg5[%add3A_1197] : memref<32768xf32, #tpu.memory_space<vmem>>[vector<16xi32>], vector<16xf32>,
      %sub3A_1199 = arith.subf %gather3A_1198, %select_n3A_921 : vector<16xf32>
      %exp3A_1200 = math.exp %sub3A_1199 : vector<16xf32>
      %add3A_1201 = arith.addf %add3A_1194, %exp3A_1200 : vector<16xf32>
      %add3A_1202 = arith.constant 40 : i32
      %add3A_1203 = vector.broadcast %add3A_1202 : i32 to vector<16xi32>
      %add3A_1204 = arith.addi %mul3A_24, %add3A_1203 : vector<16xi32>
      %gather3A_1205 = tpu.vector_load_idx %arg5[%add3A_1204] : memref<32768xf32, #tpu.memory_space<vmem>>[vector<16xi32>], vector<16xf32>,
      %sub3A_1206 = arith.subf %gather3A_1205, %select_n3A_921 : vector<16xf32>
      %exp3A_1207 = math.exp %sub3A_1206 : vector<16xf32>
      %add3A_1208 = arith.addf %add3A_1201, %exp3A_1207 : vector<16xf32>
      %add3A_1209 = arith.constant 41 : i32
      %add3A_1210 = vector.broadcast %add3A_1209 : i32 to vector<16xi32>
      %add3A_1211 = arith.addi %mul3A_24, %add3A_1210 : vector<16xi32>
      %gather3A_1212 = tpu.vector_load_idx %arg5[%add3A_1211] : memref<32768xf32, #tpu.memory_space<vmem>>[vector<16xi32>], vector<16xf32>,
      %sub3A_1213 = arith.subf %gather3A_1212, %select_n3A_921 : vector<16xf32>
      %exp3A_1214 = math.exp %sub3A_1213 : vector<16xf32>
      %add3A_1215 = arith.addf %add3A_1208, %exp3A_1214 : vector<16xf32>
      %add3A_1216 = arith.constant 42 : i32
      %add3A_1217 = vector.broadcast %add3A_1216 : i32 to vector<16xi32>
      %add3A_1218 = arith.addi %mul3A_24, %add3A_1217 : vector<16xi32>
      %gather3A_1219 = tpu.vector_load_idx %arg5[%add3A_1218] : memref<32768xf32, #tpu.memory_space<vmem>>[vector<16xi32>], vector<16xf32>,
      %sub3A_1220 = arith.subf %gather3A_1219, %select_n3A_921 : vector<16xf32>
      %exp3A_1221 = math.exp %sub3A_1220 : vector<16xf32>
      %add3A_1222 = arith.addf %add3A_1215, %exp3A_1221 : vector<16xf32>
      %add3A_1223 = arith.constant 43 : i32
      %add3A_1224 = vector.broadcast %add3A_1223 : i32 to vector<16xi32>
      %add3A_1225 = arith.addi %mul3A_24, %add3A_1224 : vector<16xi32>
      %gather3A_1226 = tpu.vector_load_idx %arg5[%add3A_1225] : memref<32768xf32, #tpu.memory_space<vmem>>[vector<16xi32>], vector<16xf32>,
      %sub3A_1227 = arith.subf %gather3A_1226, %select_n3A_921 : vector<16xf32>
      %exp3A_1228 = math.exp %sub3A_1227 : vector<16xf32>
      %add3A_1229 = arith.addf %add3A_1222, %exp3A_1228 : vector<16xf32>
      %add3A_1230 = arith.constant 44 : i32
      %add3A_1231 = vector.broadcast %add3A_1230 : i32 to vector<16xi32>
      %add3A_1232 = arith.addi %mul3A_24, %add3A_1231 : vector<16xi32>
      %gather3A_1233 = tpu.vector_load_idx %arg5[%add3A_1232] : memref<32768xf32, #tpu.memory_space<vmem>>[vector<16xi32>], vector<16xf32>,
      %sub3A_1234 = arith.subf %gather3A_1233, %select_n3A_921 : vector<16xf32>
      %exp3A_1235 = math.exp %sub3A_1234 : vector<16xf32>
      %add3A_1236 = arith.addf %add3A_1229, %exp3A_1235 : vector<16xf32>
      %add3A_1237 = arith.constant 45 : i32
      %add3A_1238 = vector.broadcast %add3A_1237 : i32 to vector<16xi32>
      %add3A_1239 = arith.addi %mul3A_24, %add3A_1238 : vector<16xi32>
      %gather3A_1240 = tpu.vector_load_idx %arg5[%add3A_1239] : memref<32768xf32, #tpu.memory_space<vmem>>[vector<16xi32>], vector<16xf32>,
      %sub3A_1241 = arith.subf %gather3A_1240, %select_n3A_921 : vector<16xf32>
      %exp3A_1242 = math.exp %sub3A_1241 : vector<16xf32>
      %add3A_1243 = arith.addf %add3A_1236, %exp3A_1242 : vector<16xf32>
      %add3A_1244 = arith.constant 46 : i32
      %add3A_1245 = vector.broadcast %add3A_1244 : i32 to vector<16xi32>
      %add3A_1246 = arith.addi %mul3A_24, %add3A_1245 : vector<16xi32>
      %gather3A_1247 = tpu.vector_load_idx %arg5[%add3A_1246] : memref<32768xf32, #tpu.memory_space<vmem>>[vector<16xi32>], vector<16xf32>,
      %sub3A_1248 = arith.subf %gather3A_1247, %select_n3A_921 : vector<16xf32>
      %exp3A_1249 = math.exp %sub3A_1248 : vector<16xf32>
      %add3A_1250 = arith.addf %add3A_1243, %exp3A_1249 : vector<16xf32>
      %add3A_1251 = arith.constant 47 : i32
      %add3A_1252 = vector.broadcast %add3A_1251 : i32 to vector<16xi32>
      %add3A_1253 = arith.addi %mul3A_24, %add3A_1252 : vector<16xi32>
      %gather3A_1254 = tpu.vector_load_idx %arg5[%add3A_1253] : memref<32768xf32, #tpu.memory_space<vmem>>[vector<16xi32>], vector<16xf32>,
      %sub3A_1255 = arith.subf %gather3A_1254, %select_n3A_921 : vector<16xf32>
      %exp3A_1256 = math.exp %sub3A_1255 : vector<16xf32>
      %add3A_1257 = arith.addf %add3A_1250, %exp3A_1256 : vector<16xf32>
      %add3A_1258 = arith.constant 48 : i32
      %add3A_1259 = vector.broadcast %add3A_1258 : i32 to vector<16xi32>
      %add3A_1260 = arith.addi %mul3A_24, %add3A_1259 : vector<16xi32>
      %gather3A_1261 = tpu.vector_load_idx %arg5[%add3A_1260] : memref<32768xf32, #tpu.memory_space<vmem>>[vector<16xi32>], vector<16xf32>,
      %sub3A_1262 = arith.subf %gather3A_1261, %select_n3A_921 : vector<16xf32>
      %exp3A_1263 = math.exp %sub3A_1262 : vector<16xf32>
      %add3A_1264 = arith.addf %add3A_1257, %exp3A_1263 : vector<16xf32>
      %add3A_1265 = arith.constant 49 : i32
      %add3A_1266 = vector.broadcast %add3A_1265 : i32 to vector<16xi32>
      %add3A_1267 = arith.addi %mul3A_24, %add3A_1266 : vector<16xi32>
      %gather3A_1268 = tpu.vector_load_idx %arg5[%add3A_1267] : memref<32768xf32, #tpu.memory_space<vmem>>[vector<16xi32>], vector<16xf32>,
      %sub3A_1269 = arith.subf %gather3A_1268, %select_n3A_921 : vector<16xf32>
      %exp3A_1270 = math.exp %sub3A_1269 : vector<16xf32>
      %add3A_1271 = arith.addf %add3A_1264, %exp3A_1270 : vector<16xf32>
      %add3A_1272 = arith.constant 50 : i32
      %add3A_1273 = vector.broadcast %add3A_1272 : i32 to vector<16xi32>
      %add3A_1274 = arith.addi %mul3A_24, %add3A_1273 : vector<16xi32>
      %gather3A_1275 = tpu.vector_load_idx %arg5[%add3A_1274] : memref<32768xf32, #tpu.memory_space<vmem>>[vector<16xi32>], vector<16xf32>,
      %sub3A_1276 = arith.subf %gather3A_1275, %select_n3A_921 : vector<16xf32>
      %exp3A_1277 = math.exp %sub3A_1276 : vector<16xf32>
      %add3A_1278 = arith.addf %add3A_1271, %exp3A_1277 : vector<16xf32>
      %add3A_1279 = arith.constant 51 : i32
      %add3A_1280 = vector.broadcast %add3A_1279 : i32 to vector<16xi32>
      %add3A_1281 = arith.addi %mul3A_24, %add3A_1280 : vector<16xi32>
      %gather3A_1282 = tpu.vector_load_idx %arg5[%add3A_1281] : memref<32768xf32, #tpu.memory_space<vmem>>[vector<16xi32>], vector<16xf32>,
      %sub3A_1283 = arith.subf %gather3A_1282, %select_n3A_921 : vector<16xf32>
      %exp3A_1284 = math.exp %sub3A_1283 : vector<16xf32>
      %add3A_1285 = arith.addf %add3A_1278, %exp3A_1284 : vector<16xf32>
      %add3A_1286 = arith.constant 52 : i32
      %add3A_1287 = vector.broadcast %add3A_1286 : i32 to vector<16xi32>
      %add3A_1288 = arith.addi %mul3A_24, %add3A_1287 : vector<16xi32>
      %gather3A_1289 = tpu.vector_load_idx %arg5[%add3A_1288] : memref<32768xf32, #tpu.memory_space<vmem>>[vector<16xi32>], vector<16xf32>,
      %sub3A_1290 = arith.subf %gather3A_1289, %select_n3A_921 : vector<16xf32>
      %exp3A_1291 = math.exp %sub3A_1290 : vector<16xf32>
      %add3A_1292 = arith.addf %add3A_1285, %exp3A_1291 : vector<16xf32>
      %add3A_1293 = arith.constant 53 : i32
      %add3A_1294 = vector.broadcast %add3A_1293 : i32 to vector<16xi32>
      %add3A_1295 = arith.addi %mul3A_24, %add3A_1294 : vector<16xi32>
      %gather3A_1296 = tpu.vector_load_idx %arg5[%add3A_1295] : memref<32768xf32, #tpu.memory_space<vmem>>[vector<16xi32>], vector<16xf32>,
      %sub3A_1297 = arith.subf %gather3A_1296, %select_n3A_921 : vector<16xf32>
      %exp3A_1298 = math.exp %sub3A_1297 : vector<16xf32>
      %add3A_1299 = arith.addf %add3A_1292, %exp3A_1298 : vector<16xf32>
      %add3A_1300 = arith.constant 54 : i32
      %add3A_1301 = vector.broadcast %add3A_1300 : i32 to vector<16xi32>
      %add3A_1302 = arith.addi %mul3A_24, %add3A_1301 : vector<16xi32>
      %gather3A_1303 = tpu.vector_load_idx %arg5[%add3A_1302] : memref<32768xf32, #tpu.memory_space<vmem>>[vector<16xi32>], vector<16xf32>,
      %sub3A_1304 = arith.subf %gather3A_1303, %select_n3A_921 : vector<16xf32>
      %exp3A_1305 = math.exp %sub3A_1304 : vector<16xf32>
      %add3A_1306 = arith.addf %add3A_1299, %exp3A_1305 : vector<16xf32>
      %add3A_1307 = arith.constant 55 : i32
      %add3A_1308 = vector.broadcast %add3A_1307 : i32 to vector<16xi32>
      %add3A_1309 = arith.addi %mul3A_24, %add3A_1308 : vector<16xi32>
      %gather3A_1310 = tpu.vector_load_idx %arg5[%add3A_1309] : memref<32768xf32, #tpu.memory_space<vmem>>[vector<16xi32>], vector<16xf32>,
      %sub3A_1311 = arith.subf %gather3A_1310, %select_n3A_921 : vector<16xf32>
      %exp3A_1312 = math.exp %sub3A_1311 : vector<16xf32>
      %add3A_1313 = arith.addf %add3A_1306, %exp3A_1312 : vector<16xf32>
      %add3A_1314 = arith.constant 56 : i32
      %add3A_1315 = vector.broadcast %add3A_1314 : i32 to vector<16xi32>
      %add3A_1316 = arith.addi %mul3A_24, %add3A_1315 : vector<16xi32>
      %gather3A_1317 = tpu.vector_load_idx %arg5[%add3A_1316] : memref<32768xf32, #tpu.memory_space<vmem>>[vector<16xi32>], vector<16xf32>,
      %sub3A_1318 = arith.subf %gather3A_1317, %select_n3A_921 : vector<16xf32>
      %exp3A_1319 = math.exp %sub3A_1318 : vector<16xf32>
      %add3A_1320 = arith.addf %add3A_1313, %exp3A_1319 : vector<16xf32>
      %add3A_1321 = arith.constant 57 : i32
      %add3A_1322 = vector.broadcast %add3A_1321 : i32 to vector<16xi32>
      %add3A_1323 = arith.addi %mul3A_24, %add3A_1322 : vector<16xi32>
      %gather3A_1324 = tpu.vector_load_idx %arg5[%add3A_1323] : memref<32768xf32, #tpu.memory_space<vmem>>[vector<16xi32>], vector<16xf32>,
      %sub3A_1325 = arith.subf %gather3A_1324, %select_n3A_921 : vector<16xf32>
      %exp3A_1326 = math.exp %sub3A_1325 : vector<16xf32>
      %add3A_1327 = arith.addf %add3A_1320, %exp3A_1326 : vector<16xf32>
      %add3A_1328 = arith.constant 58 : i32
      %add3A_1329 = vector.broadcast %add3A_1328 : i32 to vector<16xi32>
      %add3A_1330 = arith.addi %mul3A_24, %add3A_1329 : vector<16xi32>
      %gather3A_1331 = tpu.vector_load_idx %arg5[%add3A_1330] : memref<32768xf32, #tpu.memory_space<vmem>>[vector<16xi32>], vector<16xf32>,
      %sub3A_1332 = arith.subf %gather3A_1331, %select_n3A_921 : vector<16xf32>
      %exp3A_1333 = math.exp %sub3A_1332 : vector<16xf32>
      %add3A_1334 = arith.addf %add3A_1327, %exp3A_1333 : vector<16xf32>
      %add3A_1335 = arith.constant 59 : i32
      %add3A_1336 = vector.broadcast %add3A_1335 : i32 to vector<16xi32>
      %add3A_1337 = arith.addi %mul3A_24, %add3A_1336 : vector<16xi32>
      %gather3A_1338 = tpu.vector_load_idx %arg5[%add3A_1337] : memref<32768xf32, #tpu.memory_space<vmem>>[vector<16xi32>], vector<16xf32>,
      %sub3A_1339 = arith.subf %gather3A_1338, %select_n3A_921 : vector<16xf32>
      %exp3A_1340 = math.exp %sub3A_1339 : vector<16xf32>
      %add3A_1341 = arith.addf %add3A_1334, %exp3A_1340 : vector<16xf32>
      %add3A_1342 = arith.constant 60 : i32
      %add3A_1343 = vector.broadcast %add3A_1342 : i32 to vector<16xi32>
      %add3A_1344 = arith.addi %mul3A_24, %add3A_1343 : vector<16xi32>
      %gather3A_1345 = tpu.vector_load_idx %arg5[%add3A_1344] : memref<32768xf32, #tpu.memory_space<vmem>>[vector<16xi32>], vector<16xf32>,
      %sub3A_1346 = arith.subf %gather3A_1345, %select_n3A_921 : vector<16xf32>
      %exp3A_1347 = math.exp %sub3A_1346 : vector<16xf32>
      %add3A_1348 = arith.addf %add3A_1341, %exp3A_1347 : vector<16xf32>
      %add3A_1349 = arith.constant 61 : i32
      %add3A_1350 = vector.broadcast %add3A_1349 : i32 to vector<16xi32>
      %add3A_1351 = arith.addi %mul3A_24, %add3A_1350 : vector<16xi32>
      %gather3A_1352 = tpu.vector_load_idx %arg5[%add3A_1351] : memref<32768xf32, #tpu.memory_space<vmem>>[vector<16xi32>], vector<16xf32>,
      %sub3A_1353 = arith.subf %gather3A_1352, %select_n3A_921 : vector<16xf32>
      %exp3A_1354 = math.exp %sub3A_1353 : vector<16xf32>
      %add3A_1355 = arith.addf %add3A_1348, %exp3A_1354 : vector<16xf32>
      %add3A_1356 = arith.constant 62 : i32
      %add3A_1357 = vector.broadcast %add3A_1356 : i32 to vector<16xi32>
      %add3A_1358 = arith.addi %mul3A_24, %add3A_1357 : vector<16xi32>
      %gather3A_1359 = tpu.vector_load_idx %arg5[%add3A_1358] : memref<32768xf32, #tpu.memory_space<vmem>>[vector<16xi32>], vector<16xf32>,
      %sub3A_1360 = arith.subf %gather3A_1359, %select_n3A_921 : vector<16xf32>
      %exp3A_1361 = math.exp %sub3A_1360 : vector<16xf32>
      %add3A_1362 = arith.addf %add3A_1355, %exp3A_1361 : vector<16xf32>
      %add3A_1363 = arith.constant 63 : i32
      %add3A_1364 = vector.broadcast %add3A_1363 : i32 to vector<16xi32>
      %add3A_1365 = arith.addi %mul3A_24, %add3A_1364 : vector<16xi32>
      %gather3A_1366 = tpu.vector_load_idx %arg5[%add3A_1365] : memref<32768xf32, #tpu.memory_space<vmem>>[vector<16xi32>], vector<16xf32>,
      %sub3A_1367 = arith.subf %gather3A_1366, %select_n3A_921 : vector<16xf32>
      %exp3A_1368 = math.exp %sub3A_1367 : vector<16xf32>
      %add3A_1369 = arith.addf %add3A_1362, %exp3A_1368 : vector<16xf32>
      %sub3A_1370 = arith.subf %select_n3A_921, %select_n3A_921 : vector<16xf32>
      %exp3A_1371 = math.exp %sub3A_1370 : vector<16xf32>
      %div3A = arith.divf %exp3A_1371, %add3A_1369 : vector<16xf32>
      %sub3A_1372 = arith.subf %select_n3A_919, %select_n3A_921 : vector<16xf32>
      %exp3A_1373 = math.exp %sub3A_1372 : vector<16xf32>
      %div3A_1374 = arith.divf %exp3A_1373, %add3A_1369 : vector<16xf32>
      %mul3A_1375 = arith.constant 16 : i32
      %mul3A_1376 = arith.muli %scan3A_17, %mul3A_1375 : i32
      %add3A_1377 = vector.broadcast %mul3A_1376 : i32 to vector<16xi32>
      %add3A_1378 = arith.addi %add3A_1377, %iota3A : vector<16xi32>
      %mul3A_1379 = arith.constant 2 : i32
      %mul3A_1380 = vector.broadcast %mul3A_1379 : i32 to vector<16xi32>
      %mul3A_1381 = arith.muli %add3A_1378, %mul3A_1380 : vector<16xi32>
      tpu.vector_store_idx %arg6[%mul3A_1381], %div3A : memref<1024xf32, #tpu.memory_space<vmem>>[vector<16xi32>], vector<16xf32>,
      %add3A_1382 = arith.constant 1 : i32
      %add3A_1383 = vector.broadcast %add3A_1382 : i32 to vector<16xi32>
      %add3A_1384 = arith.addi %mul3A_1381, %add3A_1383 : vector<16xi32>
      tpu.vector_store_idx %arg6[%add3A_1384], %div3A_1374 : memref<1024xf32, #tpu.memory_space<vmem>>[vector<16xi32>], vector<16xf32>,
      tpu.vector_store_idx %arg7[%mul3A_1381], %select_n3A_920 : memref<1024xi32, #tpu.memory_space<vmem>>[vector<16xi32>], vector<16xi32>,
      %add3A_1385 = arith.constant 1 : i32
      %add3A_1386 = vector.broadcast %add3A_1385 : i32 to vector<16xi32>
      %add3A_1387 = arith.addi %mul3A_1381, %add3A_1386 : vector<16xi32>
      tpu.vector_store_idx %arg7[%add3A_1387], %select_n3A_917 : memref<1024xi32, #tpu.memory_space<vmem>>[vector<16xi32>], vector<16xi32>,
    }
    %scan3A_12 = arith.constant 32 : i32
    %mul3A_13 = arith.constant 2 : i32
    %mul3A_14 = arith.muli %mul3A_2, %mul3A_13 : i32
    "tpu.region"() ({
      %run_scoped3A = tpu.sem_alloc : memref<!tpu.dma_semaphore, #tpu.memory_space<semaphore_mem>>
      %dma_start3A = tpu.memref_slice %arg3[%mul3A_14] : memref<32768xf32, #tpu.memory_space<hbm>> -> memref<1024xf32, #tpu.memory_space<hbm>>
      %dma_start3A_17 = tpu.memref_slice %arg3[%mul3A_14] : memref<32768xf32, #tpu.memory_space<hbm>> -> memref<1024xf32, #tpu.memory_space<hbm>>
      tpu.enqueue_dma source(%arg6 : memref<1024xf32, #tpu.memory_space<vmem>>) target(%dma_start3A_17 : memref<1024xf32, #tpu.memory_space<hbm>>) target_semaphore(%run_scoped3A : memref<!tpu.dma_semaphore, #tpu.memory_space<semaphore_mem>>)
      %dma_wait3A = tpu.memref_slice %arg3[%mul3A_14] : memref<32768xf32, #tpu.memory_space<hbm>> -> memref<1024xf32, #tpu.memory_space<hbm>>
      %dma_wait3A_18 = tpu.memref_slice %arg3[%mul3A_14] : memref<32768xf32, #tpu.memory_space<hbm>> -> memref<1024xf32, #tpu.memory_space<hbm>>
      tpu.wait_dma2 semaphore(%run_scoped3A : memref<!tpu.dma_semaphore, #tpu.memory_space<semaphore_mem>>) src(%arg6 : memref<1024xf32, #tpu.memory_space<vmem>>) dst(%dma_wait3A_18 : memref<1024xf32, #tpu.memory_space<hbm>>)
      tpu.yield
    }) : () -> ()
    %mul3A_15 = arith.constant 2 : i32
    %mul3A_16 = arith.muli %mul3A_2, %mul3A_15 : i32
    "tpu.region"() ({
      %run_scoped3A = tpu.sem_alloc : memref<!tpu.dma_semaphore, #tpu.memory_space<semaphore_mem>>
      %dma_start3A = tpu.memref_slice %arg4[%mul3A_16] : memref<32768xi32, #tpu.memory_space<hbm>> -> memref<1024xi32, #tpu.memory_space<hbm>>
      %dma_start3A_17 = tpu.memref_slice %arg4[%mul3A_16] : memref<32768xi32, #tpu.memory_space<hbm>> -> memref<1024xi32, #tpu.memory_space<hbm>>
      tpu.enqueue_dma source(%arg7 : memref<1024xi32, #tpu.memory_space<vmem>>) target(%dma_start3A_17 : memref<1024xi32, #tpu.memory_space<hbm>>) target_semaphore(%run_scoped3A : memref<!tpu.dma_semaphore, #tpu.memory_space<semaphore_mem>>)
      %dma_wait3A = tpu.memref_slice %arg4[%mul3A_16] : memref<32768xi32, #tpu.memory_space<hbm>> -> memref<1024xi32, #tpu.memory_space<hbm>>
      %dma_wait3A_18 = tpu.memref_slice %arg4[%mul3A_16] : memref<32768xi32, #tpu.memory_space<hbm>> -> memref<1024xi32, #tpu.memory_space<hbm>>
      tpu.wait_dma2 semaphore(%run_scoped3A : memref<!tpu.dma_semaphore, #tpu.memory_space<semaphore_mem>>) src(%arg7 : memref<1024xi32, #tpu.memory_space<vmem>>) dst(%dma_wait3A_18 : memref<1024xi32, #tpu.memory_space<hbm>>)
      tpu.yield
    }) : () -> ()
    return
  }
}

module attributes {stable_mosaic.version = 14 : i64} {
  func.func @_matmul_body(%arg0: i32, %arg1: memref<1024x4096xf32, #tpu.memory_space<vmem>>, %arg2: memref<64x4096xf32, #tpu.memory_space<vmem>>, %arg3: memref<1024x64xf32, #tpu.memory_space<vmem>>) attributes {dimension_semantics = [#tpu.dimension_semantics<arbitrary>], iteration_bounds = array<i64: 16>, scalar_prefetch = 0 : i64, scratch_operands = 0 : i64, tpu.core_type = #tpu.core_type<tc>, window_params = [{transform_indices = @transform_0, window_bounds = array<i64: 1024, 4096>}, {pipeline_mode = #tpu.pipeline_mode<synchronous>, transform_indices = @transform_1, window_bounds = array<i64: 64, 4096>}, {transform_indices = @transform_2, window_bounds = array<i64: 1024, 64>}]} {
    %get3A = arith.constant 0 : index
    %get3A_0 = arith.constant 0 : index
    %get3A_1 = vector.load %arg1[%get3A, %get3A_0] : memref<1024x4096xf32, #tpu.memory_space<vmem>>, vector<1024x4096xf32>
    %get3A_2 = arith.constant 0 : index
    %get3A_3 = arith.constant 0 : index
    %get3A_4 = vector.load %arg2[%get3A_2, %get3A_3] : memref<64x4096xf32, #tpu.memory_space<vmem>>, vector<64x4096xf32>
    %dot_general3A = arith.constant dense<0.000000e+00> : vector<1024x64xf32>
    %dot_general3A_5 = tpu.matmul %get3A_1, %get3A_4, %dot_general3A {dimension_numbers = #tpu.dot_dimension_numbers<[1], [1], [0], [0], [0, 0, 1, 0], [], []>, transpose_lhs_hint = false} : vector<1024x4096xf32>, vector<64x4096xf32>, vector<1024x64xf32> -> vector<1024x64xf32>
    %swap3A = arith.constant 0 : index
    %swap3A_6 = arith.constant 0 : index
    %swap3A_7 = vector.load %arg3[%swap3A, %swap3A_6] : memref<1024x64xf32, #tpu.memory_space<vmem>>, vector<1024x64xf32>
    tpu.vector_store %arg3[%swap3A, %swap3A_6], %dot_general3A_5 {strides = array<i32>} : memref<1024x64xf32, #tpu.memory_space<vmem>>, vector<1024x64xf32>,
    return
  }
  func.func @transform_0(%arg0: i32) -> (i32, i32) {
    %add3A = arith.constant 16 : i32
    %add3A_0 = arith.addi %arg0, %add3A : i32
    %c0_i32 = arith.constant 0 : i32
    %c0_i32_1 = arith.constant 0 : i32
    return %add3A_0, %c0_i32 : i32, i32
  }
  func.func @transform_1(%arg0: i32) -> (i32, i32) {
    %c0_i32 = arith.constant 0 : i32
    %c0_i32_0 = arith.constant 0 : i32
    %c0_i32_1 = arith.constant 0 : i32
    return %c0_i32, %c0_i32_0 : i32, i32
  }
  func.func @transform_2(%arg0: i32) -> (i32, i32) {
    %c0_i32 = arith.constant 0 : i32
    %c0_i32_0 = arith.constant 0 : i32
    return %arg0, %c0_i32 : i32, i32
  }
}

module attributes {stable_mosaic.version = 14 : i64} {
  func.func @_matmul_body(%arg0: i32, %arg1: memref<1024x4096xf32, #tpu.memory_space<vmem>>, %arg2: memref<64x4096xf32, #tpu.memory_space<vmem>>, %arg3: memref<1024x64xf32, #tpu.memory_space<vmem>>) attributes {dimension_semantics = [#tpu.dimension_semantics<arbitrary>], iteration_bounds = array<i64: 16>, scalar_prefetch = 0 : i64, scratch_operands = 0 : i64, tpu.core_type = #tpu.core_type<tc>, window_params = [{transform_indices = @transform_0, window_bounds = array<i64: 1024, 4096>}, {pipeline_mode = #tpu.pipeline_mode<synchronous>, transform_indices = @transform_1, window_bounds = array<i64: 64, 4096>}, {transform_indices = @transform_2, window_bounds = array<i64: 1024, 64>}]} {
    %get3A = arith.constant 0 : index
    %get3A_0 = arith.constant 0 : index
    %get3A_1 = vector.load %arg1[%get3A, %get3A_0] : memref<1024x4096xf32, #tpu.memory_space<vmem>>, vector<1024x4096xf32>
    %get3A_2 = arith.constant 0 : index
    %get3A_3 = arith.constant 0 : index
    %get3A_4 = vector.load %arg2[%get3A_2, %get3A_3] : memref<64x4096xf32, #tpu.memory_space<vmem>>, vector<64x4096xf32>
    %dot_general3A = arith.constant dense<0.000000e+00> : vector<1024x64xf32>
    %dot_general3A_5 = tpu.matmul %get3A_1, %get3A_4, %dot_general3A {dimension_numbers = #tpu.dot_dimension_numbers<[1], [1], [0], [0], [0, 0, 1, 0], [], []>, transpose_lhs_hint = false} : vector<1024x4096xf32>, vector<64x4096xf32>, vector<1024x64xf32> -> vector<1024x64xf32>
    %swap3A = arith.constant 0 : index
    %swap3A_6 = arith.constant 0 : index
    %swap3A_7 = vector.load %arg3[%swap3A, %swap3A_6] : memref<1024x64xf32, #tpu.memory_space<vmem>>, vector<1024x64xf32>
    tpu.vector_store %arg3[%swap3A, %swap3A_6], %dot_general3A_5 {strides = array<i32>} : memref<1024x64xf32, #tpu.memory_space<vmem>>, vector<1024x64xf32>,
    return
  }
  func.func @transform_0(%arg0: i32) -> (i32, i32) {
    %add3A = arith.constant 0 : i32
    %add3A_0 = arith.addi %arg0, %add3A : i32
    %c0_i32 = arith.constant 0 : i32
    %c0_i32_1 = arith.constant 0 : i32
    return %add3A_0, %c0_i32 : i32, i32
  }
  func.func @transform_1(%arg0: i32) -> (i32, i32) {
    %c0_i32 = arith.constant 0 : i32
    %c0_i32_0 = arith.constant 0 : i32
    %c0_i32_1 = arith.constant 0 : i32
    return %c0_i32, %c0_i32_0 : i32, i32
  }
  func.func @transform_2(%arg0: i32) -> (i32, i32) {
    %c0_i32 = arith.constant 0 : i32
    %c0_i32_0 = arith.constant 0 : i32
    return %arg0, %c0_i32 : i32, i32
  }
}

</mosaic_0001>

<sc_bundles>
// kernel: kernel.6.cloned.1.call-start
scs
__scs_entry_jumppad:
0x0: {  	(pc) =	sbr.rel $0x88, $3  }
0x1: {  	(tag) =	ssettag $0x0;
	lr =	simm.s32 $0x1  }
0x2: {  	[smem:$0x3F9F] =	sst lr;
	_ =	strace $0xD0000000  }
0x3: {  	_ = 	snop  }
0x4: {  	_ = 	snop  }
0x5: {  	_ = 	snop  }
0x6: {  	_ = 	snop  }
0x7: {  	_ = 	snop  }
__scs_overlays_trampoline_lowered:
0x8: {  	[smem:$0x3FAE] =	sst s0  }
0x9: {  	[smem:$0x3FAF] =	sst s1  }
0xa: {  	[smem:$0x3FB0] =	sst s2  }
0xb: {  	[smem:$0x3FB1] =	sst s3  }
0xc: {  	[smem:$0x3FB2] =	sst s4  }
0xd: {  	[smem:$0x3FB3] =	sst s5  }
0xe: {  	[smem:$0x3FB4] =	sst s6  }
0xf: {  	[smem:$0x3FB5] =	sst s7  }
0x10: {  	[smem:$0x3FB6] =	sst s8  }
0x11: {  	[smem:$0x3FB7] =	sst s9;
	s0 =	simm.s32 @!p0 $0x0  }
0x12: {  	s1 =	sld [smem:$0x3F9D];
	s0 =	simm.s32 @p0 $0x1  }
0x13: {  	[smem:$0x3FB8] =	sst s0;
	s0 =	simm.s32 @!p1 $0x0  }
0x14: {  	s2 =	sld [smem:$0x3F9C];
	s0 =	simm.s32 @p1 $0x1  }
0x15: {  	[smem:$0x3FB9] =	sst s0;
	s0 =	simm.s32 @!p2 $0x0  }
0x16: {  	s3 =	sld [smem:$0x3FDB];
	s0 =	simm.s32 @p2 $0x1  }
0x17: {  	s4 =	simm.s32 $0x1BF5;
	[smem:$0x3FBB] =	sst s0  }
0x18: {  	s0 =	sld [smem:$0x3F9E];
	_ =	swait.ge [sflag:s4], $0x0  }
0x19: {  	s7 =	sld [smem:$0x3F9F]  }
0x1a: {  	s8 =	sadd.s32 $0xFFFFE003, lr  }
0x1b: {  	s9 =	sadd.s32 $0xFFFFFEF7, lr;
	s5 =	simm.s32 $0xFFFFFFFF;
	p2 =	slt.u32 s8, $0xFFFFF086  }
0x1c: {  	p1 =	slt.u32 s9, $0xF7A;
	s5 =	simm.s32 @!p2 $0x0  }
0x1d: {  	s5 =	simm.s32 @p1 $0x1;
	p0 =	seq.s32 s7, s2  }
0x1e: {  	s7 =	smul.u32 @!p0 $0xF7A, s2;
	p2 =	seq.s32 @!p0 s5, $0x0  }
0x1f: {  	s9 =	smul.u32 $0xF7A, s1;
	s8 =	simm.s32 @!p0 $0x1BF5;
	p2 =	por !p2, p0  }
0x20: {  	[sflag:s8] =	ssyncset.s32 @!p0 $0xFFFFF086;
	s6 =	sadd.s32 @!p0 s3, s7;
	s7 =	simm.s32 @!p0 $0x108  }
0x21: {  	s3 =	sadd.s32 s3, s9;
	s6 =	sadd.s32 @!p0 $0x88, s6;
	s7 =	simm.s32 @p2 $0x1082  }
0x22: {  	[simem:s7], [sflag:s8] =	dma.local @!p0 [hbm:s6], $0xF7A  }
0x23: {  	s9 =	sor.u32 $0xD0000000, s2;
	s6 =	simm.s32 $0x108;
	_ =	swait.ge @!p0 [sflag:s8], $0x0  }
0x24: {  	s3 =	sadd.s32 $0x88, s3;
	s6 =	simm.s32 @!p1 $0x1082;
	[sflag:s4] =	ssyncset.s32 $0xFFFFF086  }
0x25: {  	[simem:s6], [sflag:s4] =	dma.local [hbm:s3], $0xF7A  }
0x26: {  	[smem:$0x3F9F] =	sst s1;
	(tag) =	ssettag s2;
	_ =	strace s9  }
0x27: {  	s1 =	sld [smem:$0x3FAF]  }
0x28: {  	s2 =	sld [smem:$0x3FB0]  }
0x29: {  	s4 =	sld [smem:$0x3FB2]  }
0x2a: {  	p0 =	seq.s32 s5, $0x0;
	s5 =	sld [smem:$0x3FB3]  }
0x2b: {  	s6 =	sld [smem:$0x3FB4]  }
0x2c: {  	s7 =	sld [smem:$0x3FB5]  }
0x2d: {  	s3 =	simm.s32 $0x108;
	s8 =	sld [smem:$0x3FB6]  }
0x2e: {  	s3 =	simm.s32 @!p0 $0x1082;
	s9 =	sld [smem:$0x3FB7]  }
0x2f: {  	lr =	sadd.s32 s0, s3;
	s0 =	sld [smem:$0x3FAE]  }
0x30: {  	s3 =	sld [smem:$0x3FB1]  }
0x31: {  	[smem:$0x3FBA] =	sst s10  }
0x32: {  	s10 =	sld [smem:$0x3FB8];
	_ =	sdelay $0x3  }
0x33: {  	p0 =	seq.s32 s10, $0x1;
	s10 =	sld [smem:$0x3FBA];
	_ =	sdelay $0x3  }
0x34: {  	[smem:$0x3FBA] =	sst s10  }
0x35: {  	s10 =	sld [smem:$0x3FB9];
	_ =	sdelay $0x3  }
0x36: {  	p1 =	seq.s32 s10, $0x1;
	s10 =	sld [smem:$0x3FBA];
	_ =	sdelay $0x3  }
0x37: {  	[smem:$0x3FBA] =	sst s10  }
0x38: {  	s10 =	sld [smem:$0x3FBB]  }
0x39: {  	_ = 	snop;
	(pc) =	sbr.ind lr, $3  }
0x3a: {  	_ = 	snop  }
0x3b: {  	_ = 	snop  }
0x3c: {  	p2 =	seq.s32 s10, $0x1;
	s10 =	sld [smem:$0x3FBA]  }
0x3d: {  	_ =	shalt  }
0x3e: {  	_ =	shalt  }
0x3f: {  	_ =	shalt  }
0x40: {  	_ =	shalt  }
0x41: {  	_ =	shalt  }
0x42: {  	_ =	shalt  }
0x43: {  	_ =	shalt  }
0x44: {  	_ =	shalt  }
0x45: {  	_ =	shalt  }
0x46: {  	_ =	shalt  }
0x47: {  	_ =	shalt  }
0x48: {  	_ =	shalt  }
0x49: {  	_ =	shalt  }
0x4a: {  	_ =	shalt  }
0x4b: {  	_ =	shalt  }
0x4c: {  	_ =	shalt  }
0x4d: {  	_ =	shalt  }
0x4e: {  	_ =	shalt  }
0x4f: {  	_ =	shalt  }
0x50: {  	_ =	shalt  }
0x51: {  	_ =	shalt  }
0x52: {  	_ =	shalt  }
0x53: {  	_ =	shalt  }
0x54: {  	_ =	shalt  }
0x55: {  	_ =	shalt  }
0x56: {  	_ =	shalt  }
0x57: {  	_ =	shalt  }
0x58: {  	_ =	shalt  }
0x59: {  	_ =	shalt  }
0x5a: {  	_ =	shalt  }
0x5b: {  	_ =	shalt  }
0x5c: {  	_ =	shalt  }
0x5d: {  	_ =	shalt  }
0x5e: {  	_ =	shalt  }
0x5f: {  	_ =	shalt  }
0x60: {  	_ =	shalt  }
0x61: {  	_ =	shalt  }
0x62: {  	_ =	shalt  }
0x63: {  	_ =	shalt  }
0x64: {  	_ =	shalt  }
0x65: {  	_ =	shalt  }
0x66: {  	_ =	shalt  }
0x67: {  	_ =	shalt  }
0x68: {  	_ =	shalt  }
0x69: {  	_ =	shalt  }
0x6a: {  	_ =	shalt  }
0x6b: {  	_ =	shalt  }
0x6c: {  	_ =	shalt  }
0x6d: {  	_ =	shalt  }
0x6e: {  	_ =	shalt  }
0x6f: {  	_ =	shalt  }
0x70: {  	_ =	shalt  }
0x71: {  	_ =	shalt  }
0x72: {  	_ =	shalt  }
0x73: {  	_ =	shalt  }
0x74: {  	_ =	shalt  }
0x75: {  	_ =	shalt  }
0x76: {  	_ =	shalt  }
0x77: {  	_ =	shalt  }
0x78: {  	_ =	shalt  }
0x79: {  	_ =	shalt  }
0x7a: {  	_ =	shalt  }
0x7b: {  	_ =	shalt  }
0x7c: {  	_ =	shalt  }
0x7d: {  	_ =	shalt  }
0x7e: {  	_ =	shalt  }
0x7f: {  	_ =	shalt  }
0x80: {  	_ =	shalt  }
0x81: {  	_ =	shalt  }
0x82: {  	_ =	shalt  }
0x83: {  	_ =	shalt  }
0x84: {  	_ =	shalt  }
0x85: {  	_ =	shalt  }
0x86: {  	_ =	shalt  }
0x87: {  	_ =	shalt  }
.Lfunc_end0:
.L_simem_size_0:
called_computation_lowered:
.L_overlay_start_0:
0x88: {  	s2 =	sld [smem:$0x3FD9]  }
0x89: {  	s3 =	sld [smem:$0x3FFE];
	_ =	sdelay $0x1  }
0x8a: {  	s1 =	srdreg.scid  }
0x8b: {  	s0 =	sand.u32 $0x1, s1  }
0x8c: {  	s16 =	sshll.u32 s0, $0xA;
	s2 =	sadd.s32 s3, s2  }
0x8d: {  	s2 =	sadd.s32 s2, s16  }
0x8e: {  	[smem:$0x3FC6] =	sst s2  }
0x8f: {  	_ = 	snop  }
0x90: {  	(tm) =	ssettm $0x1  }
0x91: {  	s17 =	sld [smem:$0x3FFB];
	_ =	sdelay $0x3  }
0x92: {  	_ =	strace s17  }
0x93: {  	s2 =	sld [smem:$0x3FFC];
	_ =	sdelay $0x3  }
0x94: {  	_ =	strace s2  }
0x95: {  	s2 =	sld [smem:$0x3FFD];
	_ =	sdelay $0x3  }
0x96: {  	_ =	strace s2  }
0x97: {  	_ =	strace $0x8FFFFFFF  }
0x98: {  	s18 =	sld [smem:$0x3FDB];
	_ =	sdelay $0x1  }
0x99: {  	s19 =	simm.s32 $_scs_section_size  }
0x9a: {  	s4 =	simm.s32 $_size__tile_overlayer_lowered;
	s5 =	simm.s32 $_tile_overlayer_lowered  }
0x9b: {  	s22 =	simm.s32 $0x1BFF;
	s21 =	sshll.u32 s5, $0x1;
	s2 =	sadd.s32 s19, s18  }
0x9c: {  	s6 =	simm.s32 $0x0;
	s20 =	sshll.u32 s4, $0x1;
	s4 =	sadd.s32 s21, s2  }
0x9d: {  	[timem:s6], [sflag:s22] =	dma.local [hbm:s4], s20  }
0x9e: {  	_ =	swait.ge [sflag:s22], s20  }
0x9f: {  	s3 =	ssub.s32 $0x0, s20;
	[sflag:s22] =	ssyncset.done $0x0  }
0xa0: {  	[sflag:s22] =	ssyncadd.s32 s3;
	_ =	sdelay $0x1  }
0xa1: {  	s23 =	simm.s32 $0x1B8B  }
0xa2: {  	_ =	swait.ge [sflag:s23], $0x1  }
0xa3: {  	[sflag:s23] =	ssyncset.done $0x0  }
0xa4: {  	s25 =	simm.s32 $0x1B8E;
	s24 =	sld [smem:$0x3FFE];
	[sflag:s23] =	ssyncadd.s32 $0xFFFFFFFF  }
0xa5: {  	s26 =	simm.s32 $execute0_lowered;
	[smem:$0x3FD2] =	sst s25  }
0xa6: {  	s4 =	sshll.u32 s26, $0x1;
	_ =	strace $0x80000046;
	[dreg:$0x1] =	wrdreg $0xFFFFFFFF  }
0xa7: {  	s28 =	simm.s32 $_size_execute0_lowered;
	s2 =	sadd.s32 s2, s4;
	[dreg:$0x0] =	wrdreg $0x0  }
0xa8: {  	s4 =	sshll.u32 s28, $0x1;
	[dreg:$0x2] =	wrdreg s2  }
0xa9: {  	[dreg:$0x3] =	wrdreg s4  }
0xaa: {  	[dreg:$0x4] =	wrdreg $0xC0  }
0xab: {  	_ =	task [dreg:s6], $0x5FFFF  }
0xac: {  	[dreg:$0x1] =	wrdreg $0xFFFFFFFF  }
0xad: {  	[dreg:$0x0] =	wrdreg $0x60  }
0xae: {  	[dreg:$0x2] =	wrdreg s24  }
0xaf: {  	[dreg:$0x3] =	wrdreg $0x9  }
0xb0: {  	_ =	task.clear_ibuf [dreg:s6], $0x4FFFF;
	_ =	strace $0x90000046  }
0xb1: {  	s29 =	simm.s32 $0x9;
	_ =	strace $0x80000048  }
0xb2: {  	_ =	swait.ge [sflag:s29], $0x1  }
0xb3: {  	[sflag:s29] =	ssyncadd.s32 $0xFFFFFFFF  }
0xb4: {  	_ =	strace $0x90000048  }
0xb5: {  	_ =	sfence  }
0xb6: {  	s30 =	sld [smem:$0x0];
	_ =	sdelay $0x2  }
0xb7: {  	s31 =	sshll.u32 s1, $0xD;
	s1 =	sshrl.u32 s1, $0x2  }
0xb8: {  	s3 =	sand.u32 $0x4000, s31;
	s1 =	sadd.s32 s1, s30  }
0xb9: {  	s0 =	sor.u32 s3, s0;
	s1 =	sshll.u32 s1, $0x11  }
0xba: {  	s0 =	sor.u32 s1, s0  }
0xbb: {  	s0 =	sadd.s32 $0x8F2B, s0  }
0xbc: {  	[sflag:s0] =	ssyncadd.remote.s32 $0x1  }
0xbd: {  	_ =	sfence.sel $0xFFFF  }
0xbe: {  	[dreg:$0x0] =	wrdreg $0xFFFFFFFF;
	(pc) =	sbr.abs _section_cstart, $3  }
0xbf: {  	[dreg:$0x1] =	wrdreg $0xFFFFFFFF  }
0xc0: {  	_ =	task.clear_ibuf [dreg:s6], $0x2FFFF;
	_ =	strace $0x9FFFFFFF  }
0xc1: {  	(tm) =	ssettm $0x7FFFFFFF  }
tec
execute0_lowered:
.L_overlay_start_1:
0x0: {  	(tag) =	ssettag $0x1  }
0x1: {  	s3 =	rddreg [dreg:$0x0]  }
0x2: {  	s0 =	rddreg [dreg:$0x1];
	s2 =	simm.s32 $0x0;
	s4 =	srdreg.scid  }
0x3: {  	s1 =	stileid.u32;
	s8 =	simm.s32 $0x8000;
	s9 =	simm.s32 $0x8400  }
0x4: {  	[smem:$0x7FF] =	sst s2;
	s4 =	sand.u32 $0x1, s4;
	s5 =	sshll.u32 s1, $0x1  }
0x5: {  	s10 =	simm.s32 $0x0;
	_ =	strace $0x80000047;
	s5 =	sor.u32 s4, s5  }
0x6: {  	s4 =	ssub.s32 $0x2, s4;
	s6 =	sshll.u32 s5, $0xC;
	s5 =	sshll.u32 s5, $0x7  }
0x7: {  	s31 =	sshrl.u32 s4, $0x1;
	s6 =	sadd.s32 s6, s3;
	s5 =	sadd.s32 s5, s3  }
0x8: {  	s7 =	ssub.s32 s4, s31;
	s3 =	sadd.s32 $0x42400, s6;
	s4 =	sadd.s32 $0x63400, s5  }
0x9: {  	v0 =	vlaneseq.u32;
	v10 =	vimm.s32 $0x0;
	s5 =	sadd.s32 $0x62400, s5;
	s6 =	smax.u32 s7, $0x1;
	s7 =	simm.s32 $0x1  }
.LBB2_1:
0xa: {  	[tilespmem:s2], [sflag:$0x1] =	stream.linear.gather [hbm4b:s3+s2], $0x8000, $0x38;
	[tilespmem:$0x8800] =	vst v63  }
0xb: {  	_ =	swait.ge [sflag:s7], $0x8000  }
0xc: {  	[sflag:s7] =	ssyncset.done $0x0  }
0xd: {  	s11 =	simm.s32 $0x0;
	[sflag:s7] =	ssyncadd.s32 $0xFFFF8000  }
.LBB2_2:
0xe: {  	v0 =	vor.u32 s11, v0  }
0xf: {  	v8 =	vshll.u32 v0, $0x6;
	_ =	sdelay $0x1  }
0x10: {  	[tilespmem:$0x1FFF0] =	vst v0;
	v0 =	vor.u32 $0x1, v8;
	_ =	sdelay $0x2  }
0x11: {  	v1 =	vor.u32 $0x2, v8;
	v3 =	vld.idx.msk [tilespmem:v8+s2+$0x0], $0xffff;
	_ =	sdelay $0x1  }
0x12: {  	v30 =	vld.idx.msk [tilespmem:v0+s2+$0x0], $0xffff;
	v0 =	vor.u32 $0x3, v8;
	_ =	sdelay $0x1  }
0x13: {  	v2 =	vor.u32 $0x4, v8  }
0x14: {  	v55 =	vld.idx.msk [tilespmem:v1+s2+$0x0], $0xffff;
	vm0 =	vgt.f32 v3, $-Inf  }
0x15: {  	v4 =	vor.u32 $0x5, v8;
	v1 =	vnsel vm0, $0xFF800000, v3  }
0x16: {  	v58 =	vld.idx.msk [tilespmem:v0+s2+$0x0], $0xffff;
	vm15 =	vgt.f32 v30, v1  }
0x17: {  	v0 =	vor.u32 $0x6, v8;
	vm4 =	vmneg vm15  }
0x18: {  	v61 =	vld.idx.msk [tilespmem:v2+s2+$0x0], $0xffff;
	v5 =	vsel vm4, v1, v30  }
0x19: {  	v2 =	vor.u32 $0x7, v8;
	vm2 =	vgt.f32 v55, v5  }
0x1a: {  	v62 =	vld.idx.msk [tilespmem:v4+s2+$0x0], $0xffff;
	v6 =	vsel vm2, v55, v5  }
0x1b: {  	v39 =	vor.u32 $0x8, v8;
	vm3 =	vgt.f32 v58, v6  }
0x1c: {  	v63 =	vld.idx.msk [tilespmem:v0+s2+$0x0], $0xffff;
	v9 =	vsel vm3, v58, v6  }
0x1d: {  	v0 =	vor.u32 $0x9, v8;
	vm5 =	vgt.f32 v61, v9  }
0x1e: {  	v43 =	vld.idx.msk [tilespmem:v2+s2+$0x0], $0xffff;
	v11 =	vsel vm5, v61, v9  }
0x1f: {  	v2 =	vor.u32 $0xA, v8;
	vm6 =	vgt.f32 v62, v11  }
0x20: {  	v45 =	vld.idx.msk [tilespmem:v39+s2+$0x0], $0xffff;
	v13 =	vsel vm6, v62, v11  }
0x21: {  	v44 =	vor.u32 $0xB, v8;
	vm7 =	vgt.f32 v63, v13  }
0x22: {  	v60 =	vld.idx.msk [tilespmem:v0+s2+$0x0], $0xffff;
	v17 =	vsel vm7, v63, v13  }
0x23: {  	v0 =	vor.u32 $0xC, v8;
	vm8 =	vgt.f32 v43, v17  }
0x24: {  	[tilespmem:$0x1FA40] =	vst v3;
	v3 =	vld.idx.msk [tilespmem:v2+s2+$0x0], $0xffff;
	v26 =	vsel vm8, v43, v17  }
0x25: {  	v2 =	vor.u32 $0xD, v8;
	vm9 =	vgt.f32 v45, v26  }
0x26: {  	v15 =	vld.idx.msk [tilespmem:v44+s2+$0x0], $0xffff;
	v34 =	vsel vm9, v45, v26  }
0x27: {  	v46 =	vor.u32 $0xE, v8;
	vm10 =	vgt.f32 v60, v34  }
0x28: {  	v16 =	vld.idx.msk [tilespmem:v0+s2+$0x0], $0xffff;
	v36 =	vsel vm10, v60, v34  }
0x29: {  	v0 =	vor.u32 $0xF, v8;
	vm11 =	vgt.f32 v3, v36  }
0x2a: {  	v47 =	vor.u32 $0x11, v8;
	v7 =	vor.u32 $0x12, v8;
	v18 =	vld.idx.msk [tilespmem:v2+s2+$0x0], $0xffff;
	v37 =	vsel vm11, v3, v36  }
0x2b: {  	v51 =	vor.u32 $0x14, v8;
	v2 =	vor.u32 $0x10, v8;
	vm12 =	vgt.f32 v15, v37  }
0x2c: {  	v12 =	vor.u32 $0x15, v8;
	v21 =	vor.u32 $0x16, v8;
	v19 =	vld.idx.msk [tilespmem:v46+s2+$0x0], $0xffff;
	v56 =	vsel vm12, v15, v37  }
0x2d: {  	v31 =	vor.u32 $0x17, v8;
	v54 =	vor.u32 $0x18, v8;
	vm13 =	vgt.f32 v16, v56  }
0x2e: {  	v59 =	vor.u32 $0x19, v8;
	v44 =	vor.u32 $0x1C, v8;
	v22 =	vld.idx.msk [tilespmem:v0+s2+$0x0], $0xffff;
	v40 =	vsel vm13, v16, v56  }
0x2f: {  	v4 =	vor.u32 $0x1D, v8;
	v39 =	vor.u32 $0x1E, v8;
	vm0 =	vgt.f32 v18, v40  }
0x30: {  	vm14 =	vlt.f32 v30, $-Inf;
	v23 =	vld.idx.msk [tilespmem:v2+s2+$0x0], $0xffff;
	v0 =	vimm.s32 $0x0;
	v49 =	vsel vm0, v18, v40  }
0x31: {  	v2 =	vor.u32 $0x13, v8;
	v0 =	vsel vm0, $0xFFFFFFFF, v0;
	vm1 =	vgt.f32 v19, v49  }
0x32: {  	vm0 =	vgt.f32 v30, $-Inf;
	[tilespmem:$0x1F9D0] =	vst v0;
	v0 =	vimm.s32 $0x0;
	v20 =	vsel vm1, v19, v49  }
0x33: {  	v25 =	vld.idx.msk [tilespmem:v47+s2+$0x0], $0xffff;
	vm0 =	vmor vm0, vm14;
	v0 =	vsel vm1, $0xFFFFFFFF, v0;
	vm14 =	vgt.f32 v22, v20  }
0x34: {  	vm1 =	vmand vm0, vm4;
	v52 =	vnsel vm0, $0xFF800000, v30;
	v41 =	vsel vm14, v22, v20  }
0x35: {  	v28 =	vld.idx.msk [tilespmem:v7+s2+$0x0], $0xffff;
	[tilespmem:$0x1F9E0] =	vst v0;
	v10 =	vsel vm1, $0x1, v10;
	v0 =	vimm.s32 $0x0;
	vm0 =	vgt.f32 v23, v41  }
0x36: {  	v7 =	vsel vm4, v52, v1;
	v1 =	vimm.s32 $0x0;
	v0 =	vsel vm0, $0xFFFFFFFF, v0  }
0x37: {  	v32 =	vld.idx.msk [tilespmem:v2+s2+$0x0], $0xffff;
	vm4 =	vgt.f32 v55, v7;
	v24 =	vsel vm0, v23, v41;
	[tilespmem:$0x1F9F0] =	vst v0;
	v0 =	vimm.s32 $0x0  }
0x38: {  	v7 =	vsel vm4, v55, v7;
	v14 =	vsel vm15, $0x1, v0;
	vm15 =	vgt.f32 v25, v24  }
0x39: {  	v10 =	vsel vm4, $0x2, v10;
	v5 =	vsel vm2, v5, v7;
	v0 =	vld.idx.msk [tilespmem:v51+s2+$0x0], $0xffff;
	v27 =	vsel vm15, v25, v24  }
0x3a: {  	v7 =	vor.u32 $0x1B, v8;
	vm0 =	vgt.f32 v58, v5;
	vm4 =	vgt.f32 v28, v27  }
0x3b: {  	v42 =	vld.idx.msk [tilespmem:v12+s2+$0x0], $0xffff;
	v57 =	vsel vm0, v58, v5;
	v5 =	vor.u32 $0x1A, v8;
	v29 =	vsel vm4, v28, v27  }
0x3c: {  	v10 =	vsel vm2, v14, v10;
	v53 =	vsel vm2, $0x2, v14;
	vm2 =	vgt.f32 v32, v29  }
0x3d: {  	v50 =	vld.idx.msk [tilespmem:v21+s2+$0x0], $0xffff;
	v14 =	vsel vm3, v6, v57;
	v10 =	vsel vm0, $0x3, v10;
	v33 =	vsel vm2, v32, v29  }
0x3e: {  	v51 =	vld.idx.msk [tilespmem:v31+s2+$0x0], $0xffff;
	v35 =	vsel vm3, $0x3, v53;
	v10 =	vsel vm3, v53, v10;
	vm0 =	vgt.f32 v0, v33  }
0x3f: {  	v57 =	vld.idx.msk [tilespmem:v7+s2+$0x0], $0xffff;
	v7 =	vor.u32 $0x1F, v8;
	v1 =	vsel vm0, $0xFFFFFFFF, v1;
	v6 =	vsel vm0, v0, v33  }
0x40: {  	[tilespmem:$0x1FBD0] =	vst v0;
	vm0 =	vgt.f32 v61, v14;
	v0 =	vimm.s32 $0x0;
	vm3 =	vgt.f32 v42, v6  }
0x41: {  	v52 =	vld.idx.msk [tilespmem:v54+s2+$0x0], $0xffff;
	v10 =	vsel vm0, $0x4, v10;
	v14 =	vsel vm0, v61, v14;
	v46 =	vsel vm3, v42, v6  }
0x42: {  	v10 =	vsel vm5, v35, v10;
	v14 =	vsel vm5, v9, v14;
	vm0 =	vgt.f32 v50, v46  }
0x43: {  	v53 =	vld.idx.msk [tilespmem:v59+s2+$0x0], $0xffff;
	v0 =	vsel vm0, $0xFFFFFFFF, v0;
	v47 =	vsel vm0, v50, v46;
	vm0 =	vgt.f32 v62, v14  }
0x44: {  	v35 =	vsel vm5, $0x4, v35;
	vm5 =	vgt.f32 v51, v47;
	v38 =	vsel vm0, $0x5, v10  }
0x45: {  	v54 =	vld.idx.msk [tilespmem:v5+s2+$0x0], $0xffff;
	[tilespmem:$0x1FA10] =	vst v0;
	v14 =	vsel vm0, v62, v14;
	v0 =	vimm.s32 $0x0;
	v10 =	vsel vm5, v51, v47  }
0x46: {  	v48 =	vsel vm6, v35, v38;
	v14 =	vsel vm6, v11, v14;
	vm0 =	vgt.f32 v52, v10  }
0x47: {  	v0 =	vsel vm0, $0xFFFFFFFF, v0;
	v11 =	vsel vm0, v52, v10;
	vm0 =	vgt.f32 v63, v14  }
0x48: {  	v35 =	vsel vm6, $0x5, v35;
	vm6 =	vgt.f32 v53, v11;
	v31 =	vsel vm0, $0x6, v48  }
0x49: {  	v59 =	vld.idx.msk [tilespmem:v44+s2+$0x0], $0xffff;
	[tilespmem:$0x1FA20] =	vst v0;
	v14 =	vsel vm0, v63, v14;
	v0 =	vimm.s32 $0x0;
	v12 =	vsel vm6, v53, v11  }
0x4a: {  	v5 =	vsel vm7, v35, v31;
	v14 =	vsel vm7, v13, v14;
	vm0 =	vgt.f32 v54, v12  }
0x4b: {  	[tilespmem:$0x1FA00] =	vst v1;
	v35 =	vsel vm7, $0x6, v35;
	v0 =	vsel vm0, $0xFFFFFFFF, v0;
	v13 =	vsel vm0, v54, v12  }
0x4c: {  	v1 =	vld.idx.msk [tilespmem:v4+s2+$0x0], $0xffff;
	vm0 =	vgt.f32 v43, v14;
	[tilespmem:$0x1FA30] =	vst v0;
	vm7 =	vgt.f32 v57, v13;
	v0 =	vimm.s32 $0x0  }
0x4d: {  	[tilespmem:$0x1FAA0] =	vst v43;
	v43 =	vsel vm0, v43, v14;
	v0 =	vsel vm7, $0xFFFFFFFF, v0;
	v14 =	vsel vm7, v57, v13  }
0x4e: {  	v48 =	vor.u32 $0x20, v8;
	[tilespmem:$0x1FA50] =	vst v0;
	vm7 =	vgt.f32 v59, v14;
	v0 =	vimm.s32 $0x0  }
0x4f: {  	v2 =	vld.idx.msk [tilespmem:v39+s2+$0x0], $0xffff;
	v39 =	vor.u32 $0x21, v8;
	v21 =	vsel vm0, $0x7, v5;
	v0 =	vsel vm7, $0xFFFFFFFF, v0  }
0x50: {  	[tilespmem:$0x1FAB0] =	vst v45;
	v4 =	vor.u32 $0x22, v8;
	v21 =	vsel vm8, v35, v21;
	v44 =	vsel vm8, v17, v43  }
0x51: {  	[tilespmem:$0x1FA70] =	vst v1;
	v35 =	vsel vm8, $0x7, v35;
	v43 =	vld.idx.msk [tilespmem:v7+s2+$0x0], $0xffff;
	vm0 =	vgt.f32 v45, v44;
	v17 =	vsel vm7, v59, v14  }
0x52: {  	v7 =	vor.u32 $0x23, v8;
	[tilespmem:$0x1FA60] =	vst v0;
	vm8 =	vgt.f32 v1, v17;
	v0 =	vmovc v45;
	v45 =	vsel vm0, $0x8, v21  }
0x53: {  	v21 =	vsel vm8, v1, v17;
	v1 =	vld.idx.msk [tilespmem:v48+s2+$0x0], $0xffff;
	v44 =	vsel vm0, v0, v44;
	v5 =	vsel vm9, v35, v45  }
0x54: {  	vm7 =	vgt.f32 v2, v21;
	v0 =	vimm.s32 $0x0;
	v35 =	vsel vm9, $0x8, v35  }
0x55: {  	v0 =	vsel vm7, $0xFFFFFFFF, v0;
	v48 =	vsel vm9, v26, v44;
	v26 =	vsel vm7, v2, v21  }
0x56: {  	[tilespmem:$0x1FA80] =	vst v2;
	v44 =	vld.idx.msk [tilespmem:v39+s2+$0x0], $0xffff;
	v39 =	vor.u32 $0x24, v8;
	v2 =	vor.u32 $0x25, v8;
	vm9 =	vgt.f32 v43, v26  }
0x57: {  	[tilespmem:$0x1FA90] =	vst v0;
	vm7 =	vgt.f32 v60, v48;
	v0 =	vimm.s32 $0x0;
	v31 =	vsel vm9, v43, v26  }
0x58: {  	[tilespmem:$0x1FAC0] =	vst v60;
	v38 =	vsel vm7, $0x9, v5;
	v60 =	vsel vm7, v60, v48;
	v48 =	vld.idx.msk [tilespmem:v4+s2+$0x0], $0xffff;
	vm7 =	vgt.f32 v1, v31  }
0x59: {  	v60 =	vsel vm10, v34, v60;
	v38 =	vsel vm10, v35, v38;
	v0 =	vsel vm7, $0xFFFFFFFF, v0  }
0x5a: {  	v7 =	vld.idx.msk [tilespmem:v7+s2+$0x0], $0xffff;
	[tilespmem:$0x1FAF0] =	vst v0;
	v0 =	vsel vm10, $0x9, v35;
	v35 =	vsel vm7, v1, v31;
	vm7 =	vgt.f32 v3, v60  }
0x5b: {  	[tilespmem:$0x1FAE0] =	vst v3;
	v45 =	vor.u32 $0x26, v8;
	vm10 =	vgt.f32 v44, v35;
	v60 =	vsel vm7, v3, v60  }
0x5c: {  	[tilespmem:$0x1FAD0] =	vst v1;
	v1 =	vsel vm7, $0xA, v38;
	v38 =	vld.idx.msk [tilespmem:v39+s2+$0x0], $0xffff;
	v3 =	vsel vm10, v44, v35;
	v36 =	vsel vm11, v36, v60  }
0x5d: {  	v60 =	vimm.s32 $0x0;
	v1 =	vsel vm11, v0, v1;
	vm7 =	vgt.f32 v48, v3  }
0x5e: {  	v4 =	vsel vm7, $0xFFFFFFFF, v60;
	v60 =	vsel vm11, $0xA, v0;
	v0 =	vsel vm7, v48, v3  }
0x5f: {  	v34 =	vld.idx.msk [tilespmem:v2+s2+$0x0], $0xffff;
	v2 =	vor.u32 $0x28, v8;
	v39 =	vor.u32 $0x27, v8;
	[tilespmem:$0x1FB50] =	vst v3;
	vm11 =	vgt.f32 v7, v0  }
0x60: {  	vm7 =	vgt.f32 v15, v36;
	v3 =	vimm.s32 $0x0;
	[tilespmem:$0x1FB90] =	vst v0;
	v0 =	vsel vm11, v7, v0  }
0x61: {  	[tilespmem:$0x1FB00] =	vst v15;
	v1 =	vsel vm7, $0xB, v1;
	v36 =	vsel vm7, v15, v36;
	vm7 =	vgt.f32 v38, v0  }
0x62: {  	v45 =	vld.idx.msk [tilespmem:v45+s2+$0x0], $0xffff;
	[tilespmem:$0x1FBC0] =	vst v0;
	v3 =	vsel vm7, $0xFFFFFFFF, v3  }
0x63: {  	v15 =	vimm.s32 $0x0;
	[tilespmem:$0x1FBB0] =	vst v3;
	v3 =	vsel vm7, v38, v0;
	v0 =	vor.u32 $0x2A, v8  }
0x64: {  	v36 =	vsel vm12, v37, v36;
	v37 =	vor.u32 $0x29, v8;
	v1 =	vsel vm12, v60, v1  }
0x65: {  	[tilespmem:$0x1FB10] =	vst v16;
	v60 =	vsel vm12, $0xB, v60;
	v39 =	vld.idx.msk [tilespmem:v39+s2+$0x0], $0xffff;
	vm12 =	vgt.f32 v16, v36;
	vm7 =	vgt.f32 v34, v3  }
0x66: {  	[tilespmem:$0x1FB40] =	vst v4;
	v5 =	vld.idx.msk [tilespmem:v2+s2+$0x0], $0xffff;
	v36 =	vsel vm12, v16, v36;
	v4 =	vsel vm7, $0xFFFFFFFF, v15;
	v2 =	vsel vm7, v34, v3  }
0x67: {  	v1 =	vsel vm12, $0xC, v1;
	v36 =	vsel vm13, v56, v36;
	[tilespmem:$0x1FBE0] =	vst v4;
	vm12 =	vgt.f32 v45, v2  }
0x68: {  	v56 =	vor.u32 $0x2B, v8;
	[tilespmem:$0x1FC10] =	vst v2;
	v16 =	vsel vm12, v45, v2;
	v2 =	vor.u32 $0x2C, v8;
	v4 =	vld.idx.msk [tilespmem:v0+s2+$0x0], $0xffff  }
0x69: {  	v1 =	vsel vm13, v60, v1;
	v60 =	vsel vm13, $0xC, v60;
	[tilespmem:$0x1FBF0] =	vst v3;
	v3 =	vimm.s32 $0x0;
	v0 =	vld [tilespmem:$0x1F9D0]  }
0x6a: {  	[tilespmem:$0x1FB80] =	vst v7;
	vm13 =	vgt.f32 v18, v36;
	v3 =	vsel vm12, $0xFFFFFFFF, v3;
	vm7 =	vgt.f32 v39, v16  }
0x6b: {  	v37 =	vld.idx.msk [tilespmem:v37+s2+$0x0], $0xffff;
	v1 =	vsel vm13, $0xD, v1;
	[tilespmem:$0x1FC00] =	vst v3;
	v3 =	vimm.s32 $0x0;
	v9 =	vsel vm7, v39, v16  }
0x6c: {  	[tilespmem:$0x1FC40] =	vst v5;
	v36 =	vsel vm13, v18, v36;
	v3 =	vsel vm7, $0xFFFFFFFF, v3;
	vm13 =	vgt.f32 v5, v9  }
0x6d: {  	[tilespmem:$0x1FC20] =	vst v3;
	v3 =	vimm.s32 $0x0;
	v7 =	vsel vm13, v5, v9;
	v5 =	vld.idx.msk [tilespmem:v2+s2+$0x0], $0xffff  }
0x6e: {  	v3 =	vsel vm13, $0xFFFFFFFF, v3;
	v2 =	vld [tilespmem:$0x1F9E0];
	vm12 =	vnez.u8 v0  }
0x6f: {  	v15 =	vor.u32 $0x2D, v8;
	[tilespmem:$0x1FC50] =	vst v3;
	v3 =	vimm.s32 $0x0;
	v0 =	vsel vm12, v40, v36  }
0x70: {  	[tilespmem:$0x1FB30] =	vst v19;
	v1 =	vsel vm12, v60, v1;
	v60 =	vsel vm12, $0xD, v60;
	v40 =	vld.idx.msk [tilespmem:v56+s2+$0x0], $0xffff;
	vm12 =	vgt.f32 v37, v7  }
0x71: {  	[tilespmem:$0x1FC30] =	vst v16;
	v16 =	vor.u32 $0x2E, v8;
	vm7 =	vgt.f32 v19, v0;
	v3 =	vsel vm12, $0xFFFFFFFF, v3  }
0x72: {  	[tilespmem:$0x1FC70] =	vst v3;
	v1 =	vsel vm7, $0xE, v1;
	v3 =	vsel vm12, v37, v7  }
0x73: {  	[tilespmem:$0x1FB20] =	vst v18;
	v0 =	vsel vm7, v19, v0;
	vm13 =	vnez.u8 v2;
	vm7 =	vgt.f32 v4, v3  }
0x74: {  	[tilespmem:$0x1FCB0] =	vst v3;
	v0 =	vsel vm13, v49, v0;
	v49 =	vld.idx.msk [tilespmem:v15+s2+$0x0], $0xffff;
	v3 =	vsel vm7, v4, v3  }
0x75: {  	[tilespmem:$0x1FC60] =	vst v9;
	v1 =	vsel vm13, v60, v1;
	v60 =	vsel vm13, $0xE, v60;
	vm13 =	vgt.f32 v40, v3  }
0x76: {  	v18 =	vimm.s32 $0x0;
	[tilespmem:$0x1FC80] =	vst v7;
	v56 =	vld.idx.msk [tilespmem:v16+s2+$0x0], $0xffff;
	v16 =	vimm.s32 $0x0;
	v15 =	vsel vm13, v40, v3  }
0x77: {  	[tilespmem:$0x1FC90] =	vst v4;
	v19 =	vimm.s32 $0x0;
	v7 =	vsel vm7, $0xFFFFFFFF, v18;
	vm7 =	vgt.f32 v5, v15  }
0x78: {  	v2 =	vor.u32 $0x2F, v8;
	[tilespmem:$0x1FCE0] =	vst v5;
	v4 =	vsel vm13, $0xFFFFFFFF, v19;
	v9 =	vsel vm7, v5, v15  }
0x79: {  	[tilespmem:$0x1FCC0] =	vst v4;
	v4 =	vsel vm7, $0xFFFFFFFF, v16;
	vm7 =	vgt.f32 v49, v9  }
0x7a: {  	v36 =	vor.u32 $0x30, v8;
	[tilespmem:$0x1FD10] =	vst v9;
	v5 =	vsel vm7, v49, v9;
	v9 =	vld [tilespmem:$0x1F9F0]  }
0x7b: {  	vm12 =	vgt.f32 v22, v0  }
0x7c: {  	[tilespmem:$0x1FCD0] =	vst v3;
	v1 =	vsel vm12, $0xF, v1;
	v0 =	vsel vm12, v22, v0;
	v3 =	vor.u32 $0x31, v8  }
0x7d: {  	v0 =	vsel vm14, v20, v0;
	v1 =	vsel vm14, v60, v1;
	v18 =	vld.idx.msk [tilespmem:v2+s2+$0x0], $0xffff  }
0x7e: {  	v60 =	vsel vm14, $0xF, v60;
	v2 =	vor.u32 $0x32, v8;
	vm12 =	vgt.f32 v23, v0  }
0x7f: {  	v19 =	vld.idx.msk [tilespmem:v36+s2+$0x0], $0xffff;
	vm14 =	vgt.f32 v56, v5;
	vm13 =	vnez.u8 v9;
	v9 =	vimm.s32 $0x0  }
0x80: {  	v20 =	vor.u32 $0x33, v8;
	v0 =	vsel vm12, v23, v0;
	v9 =	vsel vm14, $0xFFFFFFFF, v9  }
0x81: {  	v0 =	vsel vm13, v41, v0;
	v41 =	vld.idx.msk [tilespmem:v3+s2+$0x0], $0xffff;
	[tilespmem:$0x1FD30] =	vst v9;
	v9 =	vsel vm14, v56, v5  }
0x82: {  	[tilespmem:$0x1FB60] =	vst v22;
	v1 =	vsel vm12, $0x10, v1;
	vm14 =	vgt.f32 v18, v9  }
0x83: {  	v22 =	vor.u32 $0x34, v8;
	[tilespmem:$0x1FD00] =	vst v15;
	v1 =	vsel vm13, v60, v1;
	v3 =	vld.idx.msk [tilespmem:v2+s2+$0x0], $0xffff;
	v2 =	vsel vm14, v18, v9  }
0x84: {  	v60 =	vsel vm13, $0x10, v60;
	vm0 =	vgt.f32 v25, v0;
	[tilespmem:$0x1FD50] =	vst v9;
	vm13 =	vgt.f32 v19, v2  }
0x85: {  	v15 =	vsel vm15, $0x11, v60;
	v0 =	vsel vm0, v25, v0;
	v9 =	vld.idx.msk [tilespmem:v20+s2+$0x0], $0xffff;
	[tilespmem:$0x1FD70] =	vst v2;
	v2 =	vsel vm13, v19, v2  }
0x86: {  	v1 =	vsel vm0, $0x11, v1;
	v0 =	vsel vm15, v24, v0;
	vm12 =	vgt.f32 v41, v2  }
0x87: {  	v1 =	vsel vm15, v60, v1;
	vm0 =	vgt.f32 v28, v0;
	v24 =	vsel vm12, v41, v2  }
0x88: {  	v22 =	vld.idx.msk [tilespmem:v22+s2+$0x0], $0xffff;
	v1 =	vsel vm0, $0x12, v1;
	v0 =	vsel vm0, v28, v0;
	vm15 =	vgt.f32 v3, v24  }
0x89: {  	[tilespmem:$0x1FD80] =	vst v2;
	v0 =	vsel vm4, v27, v0;
	v2 =	vsel vm4, v15, v1;
	v1 =	vsel vm15, v3, v24  }
0x8a: {  	[tilespmem:$0x1FD90] =	vst v3;
	v15 =	vsel vm4, $0x12, v15;
	v3 =	vimm.s32 $0x0;
	vm4 =	vgt.f32 v9, v1  }
0x8b: {  	[tilespmem:$0x1FCF0] =	vst v4;
	v4 =	vor.u32 $0x35, v8;
	vm0 =	vgt.f32 v32, v0;
	v3 =	vsel vm4, $0xFFFFFFFF, v3  }
0x8c: {  	[tilespmem:$0x1FF40] =	vst v3;
	v3 =	vsel vm0, $0x13, v2;
	v2 =	vsel vm0, v32, v0;
	v0 =	vsel vm4, v9, v1  }
0x8d: {  	[tilespmem:$0x1FDC0] =	vst v1;
	v1 =	vsel vm2, v29, v2;
	vm4 =	vgt.f32 v22, v0;
	v2 =	vimm.s32 $0x0  }
0x8e: {  	v60 =	vor.u32 $0x36, v8;
	[tilespmem:$0x1FDF0] =	vst v0;
	v2 =	vsel vm4, $0xFFFFFFFF, v2  }
0x8f: {  	[tilespmem:$0x1FDE0] =	vst v2;
	v2 =	vsel vm4, v22, v0;
	v0 =	vld [tilespmem:$0x1FBD0];
	_ =	sdelay $0x1  }
0x90: {  	[tilespmem:$0x1FB70] =	vst v25;
	v25 =	vor.u32 $0x37, v8;
	v27 =	vld.idx.msk [tilespmem:v4+s2+$0x0], $0xffff;
	_ =	sdelay $0x1  }
0x91: {  	[tilespmem:$0x1FCA0] =	vst v7;
	v7 =	vld.idx.msk [tilespmem:v60+s2+$0x0], $0xffff  }
0x92: {  	[tilespmem:$0x1FBA0] =	vst v28;
	v28 =	vor.u32 $0x38, v8;
	vm0 =	vgt.f32 v0, v1  }
0x93: {  	[tilespmem:$0x1FDD0] =	vst v22;
	v0 =	vsel vm0, v0, v1;
	v1 =	vld [tilespmem:$0x1FA00]  }
0x94: {  	[tilespmem:$0x1FDB0] =	vst v9;
	v9 =	vld.idx.msk [tilespmem:v25+s2+$0x0], $0xffff;
	v3 =	vsel vm2, v15, v3;
	vm4 =	vgt.f32 v27, v2  }
0x95: {  	[tilespmem:$0x1FDA0] =	vst v24;
	v22 =	vimm.s32 $0x0;
	v24 =	vsel vm0, $0x14, v3;
	v3 =	vsel vm4, v27, v2  }
0x96: {  	[tilespmem:$0x1FD20] =	vst v5;
	v29 =	vor.u32 $0x39, v8;
	v5 =	vsel vm4, $0xFFFFFFFF, v22;
	vm4 =	vgt.f32 v7, v3  }
0x97: {  	[tilespmem:$0x1FD60] =	vst v19;
	v16 =	vld.idx.msk [tilespmem:v28+s2+$0x0], $0xffff;
	v15 =	vsel vm2, $0x13, v15;
	v28 =	vsel vm4, v7, v3  }
0x98: {  	[tilespmem:$0x1FE50] =	vst v3;
	v3 =	vimm.s32 $0x0;
	vm2 =	vnez.u8 v1;
	v1 =	vimm.s32 $0x0  }
0x99: {  	[tilespmem:$0x1FE20] =	vst v2;
	v0 =	vsel vm2, v33, v0;
	v1 =	vsel vm4, $0xFFFFFFFF, v1;
	vm4 =	vgt.f32 v9, v28  }
0x9a: {  	[tilespmem:$0x1FFA0] =	vst v1;
	v1 =	vsel vm2, v15, v24;
	vm0 =	vgt.f32 v42, v0;
	v3 =	vsel vm4, $0xFFFFFFFF, v3  }
0x9b: {  	v2 =	vld.idx.msk [tilespmem:v29+s2+$0x0], $0xffff;
	v19 =	vsel vm4, v9, v28;
	[tilespmem:$0x1FE70] =	vst v3;
	v3 =	vsel vm0, $0x15, v1;
	v0 =	vsel vm0, v42, v0  }
0x9c: {  	vm4 =	vgt.f32 v16, v19;
	v1 =	vsel vm3, v6, v0;
	v0 =	vimm.s32 $0x0  }
0x9d: {  	v20 =	vor.u32 $0x3A, v8;
	v0 =	vsel vm4, $0xFFFFFFFF, v0;
	_ =	sdelay $0x1  }
0x9e: {  	v25 =	vor.u32 $0x3B, v8;
	[tilespmem:$0x1FE60] =	vst v16;
	v16 =	vsel vm4, v16, v19  }
0x9f: {  	vm4 =	vgt.f32 v2, v16;
	[tilespmem:$0x1FFE0] =	vst v0;
	v0 =	vmov v2  }
0xa0: {  	[tilespmem:$0x1FE00] =	vst v27;
	v22 =	vsel vm4, v0, v16;
	v0 =	vld [tilespmem:$0x1FA10]  }
0xa1: {  	[tilespmem:$0x1FE40] =	vst v9;
	v29 =	vor.u32 $0x3C, v8;
	v27 =	vsel vm2, $0x14, v15;
	v33 =	vld.idx.msk [tilespmem:v20+s2+$0x0], $0xffff  }
0xa2: {  	[tilespmem:$0x1FE10] =	vst v5;
	v20 =	vor.u32 $0x3D, v8;
	v5 =	vsel vm3, $0x15, v27;
	v9 =	vor.u32 $0x3E, v8  }
0xa3: {  	v60 =	vld.idx.msk [tilespmem:v25+s2+$0x0], $0xffff;
	[tilespmem:$0x1FE90] =	vst v2;
	v24 =	vor.u32 $0x3F, v8;
	v3 =	vsel vm3, v27, v3;
	v2 =	vimm.s32 $0x0  }
0xa4: {  	[tilespmem:$0x1FE80] =	vst v28;
	v28 =	vimm.s32 $0x0;
	vm0 =	vgt.f32 v50, v1;
	v2 =	vsel vm4, $0xFFFFFFFF, v2  }
0xa5: {  	v27 =	vld [tilespmem:$0x1FA20];
	v1 =	vsel vm0, v50, v1;
	[tilespmem:$0x1FEC0] =	vst v2;
	v2 =	vsel vm0, $0x16, v3;
	vm2 =	vnez.u8 v0  }
0xa6: {  	v36 =	vld.idx.msk [tilespmem:v29+s2+$0x0], $0xffff;
	v3 =	vmovc v33;
	vm4 =	vgt.f32 v33, v22;
	v0 =	vsel vm2, v46, v1;
	v1 =	vimm.s32 $0x0  }
0xa7: {  	v6 =	vsel vm4, v3, v22;
	v3 =	vsel vm2, $0x16, v5;
	v1 =	vsel vm4, $0xFFFFFFFF, v1  }
0xa8: {  	vm0 =	vgt.f32 v51, v0;
	vm4 =	vgt.f32 v60, v6;
	[tilespmem:$0x1FEE0] =	vst v1;
	v1 =	vsel vm2, v5, v2  }
0xa9: {  	v15 =	vld.idx.msk [tilespmem:v20+s2+$0x0], $0xffff;
	v0 =	vsel vm0, v51, v0;
	v2 =	vimm.s32 $0x0;
	v25 =	vsel vm4, v60, v6  }
0xaa: {  	vm2 =	vnez.u8 v27;
	v2 =	vsel vm4, $0xFFFFFFFF, v2;
	v1 =	vsel vm0, $0x17, v1  }
0xab: {  	v9 =	vld.idx.msk [tilespmem:v9+s2+$0x0], $0xffff;
	v0 =	vsel vm5, v47, v0;
	vm1 =	vgt.f32 v36, v25;
	[tilespmem:$0x1FF00] =	vst v2;
	v2 =	vimm.s32 $0x0  }
0xac: {  	[tilespmem:$0x1FE30] =	vst v7;
	v1 =	vsel vm5, v3, v1;
	vm4 =	vgt.f32 v52, v0;
	v2 =	vsel vm1, $0xFFFFFFFF, v2  }
0xad: {  	v7 =	vld.idx.msk [tilespmem:v24+s2+$0x0], $0xffff;
	v0 =	vsel vm4, v52, v0;
	[tilespmem:$0x1FF20] =	vst v2;
	v2 =	vsel vm5, $0x17, v3;
	v3 =	vsel vm1, v36, v25  }
0xae: {  	v1 =	vsel vm4, $0x18, v1;
	v0 =	vsel vm2, v10, v0;
	vm4 =	vgt.f32 v15, v3  }
0xaf: {  	vm5 =	vgt.f32 v53, v0;
	v4 =	vsel vm4, $0xFFFFFFFF, v28;
	v29 =	vsel vm4, v15, v3  }
0xb0: {  	[tilespmem:$0x1FF60] =	vst v3;
	v0 =	vsel vm5, v53, v0;
	v3 =	vimm.s32 $0x0;
	vm4 =	vgt.f32 v9, v29  }
0xb1: {  	v0 =	vsel vm6, v11, v0;
	v3 =	vsel vm4, $0xFFFFFFFF, v3;
	v11 =	vsel vm4, v9, v29  }
0xb2: {  	[tilespmem:$0x1FF80] =	vst v3;
	vm1 =	vgt.f32 v7, v11;
	v3 =	vimm.s32 $0x0  }
0xb3: {  	v3 =	vsel vm1, $0xFFFFFFFF, v3  }
0xb4: {  	[tilespmem:$0x1FFB0] =	vst v3;
	v3 =	vld [tilespmem:$0x1FA30];
	_ =	sdelay $0x2  }
0xb5: {  	v1 =	vsel vm2, v2, v1  }
0xb6: {  	v2 =	vsel vm2, $0x18, v2;
	v1 =	vsel vm5, $0x19, v1  }
0xb7: {  	v1 =	vsel vm6, v2, v1;
	v2 =	vsel vm6, $0x19, v2;
	vm6 =	vnez.u8 v3;
	v3 =	vld [tilespmem:$0x1FA40];
	_ =	sdelay $0x3  }
0xb8: {  	[tilespmem:$0x1FEA0] =	vst v33;
	v33 =	vld [tilespmem:$0x1FA50];
	v8 =	vsel vm1, v7, v11  }
0xb9: {  	[tilespmem:$0x1FF90] =	vst v29;
	vm5 =	vgt.f32 v54, v0;
	v29 =	vld [tilespmem:$0x1FB10];
	v3 =	vsub.f32 v3, v8  }
0xba: {  	v0 =	vsel vm5, v54, v0  }
0xbb: {  	v46 =	vsub.f32 v30, v8;
	v47 =	vsub.f32 v55, v8;
	v55 =	vld [tilespmem:$0x1FA60];
	v3 =	vmul.f32 $1.442695020e+00, v3  }
0xbc: {  	v1 =	vsel vm5, $0x1A, v1;
	v58 =	vsub.f32 v58, v8;
	v61 =	vsub.f32 v61, v8  }
0xbd: {  	v62 =	vsub.f32 v62, v8;
	(erf) = vpow2.f32 v3;
	v3 =	vmul.f32 $1.442695020e+00, v46  }
0xbe: {  	[tilespmem:$0x1FF10] =	vst v6;
	vm5 =	vnez.u8 v33;
	v53 =	vsub.f32 v53, v8;
	v6 =	vsub.f32 v29, v8  }
0xbf: {  	v0 =	vsel vm6, v12, v0;
	(erf) = vpow2.f32 v3;
	v3 =	vmul.f32 $1.442695020e+00, v47  }
0xc0: {  	vm2 =	vnez.u8 v55;
	v1 =	vsel vm6, v2, v1;
	vm4 =	vgt.f32 v57, v0  }
0xc1: {  	[tilespmem:$0x1FD40] =	vst v18;
	v18 =	vld [tilespmem:$0x1FA70];
	v0 =	vsel vm4, v57, v0;
	(erf) = vpow2.f32 v3;
	v3 =	vmul.f32 $1.442695020e+00, v58  }
0xc2: {  	v2 =	vsel vm6, $0x1A, v2;
	v1 =	vsel vm4, $0x1B, v1;
	v0 =	vsel vm5, v13, v0  }
0xc3: {  	vm6 =	vgt.f32 v59, v0;
	(erf) = vpow2.f32 v3;
	v3 =	vmul.f32 $1.442695020e+00, v61  }
0xc4: {  	v12 =	vld [tilespmem:$0x1FA80];
	v1 =	vsel vm5, v2, v1;
	v2 =	vsel vm5, $0x1B, v2;
	v0 =	vsel vm6, v59, v0  }
0xc5: {  	v0 =	vsel vm2, v14, v0;
	v14 =	vld [tilespmem:$0x1FA90];
	(erf) = vpow2.f32 v3;
	v3 =	vmul.f32 $1.442695020e+00, v62  }
0xc6: {  	v13 =	vsub.f32 v63, v8;
	v63 =	vsub.f32 v23, v8;
	vm4 =	vgt.f32 v18, v0  }
0xc7: {  	[tilespmem:$0x1FED0] =	vst v16;
	v1 =	vsel vm6, $0x1C, v1;
	v0 =	vsel vm4, v18, v0;
	v16 =	vpop (erf);
	(erf) = vpow2.f32 v3;
	v3 =	vld [tilespmem:$0x1FAA0]  }
0xc8: {  	[tilespmem:$0x1FEB0] =	vst v19;
	v5 =	vmul.f32 $1.442695020e+00, v13;
	v1 =	vsel vm2, v2, v1;
	v0 =	vsel vm8, v17, v0  }
0xc9: {  	v19 =	vld [tilespmem:$0x1FAB0];
	[tilespmem:$0x1FF50] =	vst v4;
	v2 =	vsel vm2, $0x1C, v2;
	vm5 =	vgt.f32 v12, v0;
	v4 =	vadd.f32 $0.0e+00, v16  }
0xca: {  	v1 =	vsel vm4, $0x1D, v1;
	v0 =	vsel vm5, v12, v0;
	vm6 =	vnez.u8 v14;
	v17 =	vpop (erf)  }
0xcb: {  	v1 =	vsel vm8, v2, v1;
	v0 =	vsel vm6, v21, v0;
	v21 =	vld [tilespmem:$0x1FAC0];
	v4 =	vadd.f32 v4, v17  }
0xcc: {  	v2 =	vsel vm8, $0x1D, v2;
	(erf) = vpow2.f32 v5;
	v20 =	vpop (erf);
	v3 =	vsub.f32 v3, v8  }
0xcd: {  	v24 =	vld [tilespmem:$0x1FAE0];
	v1 =	vsel vm5, $0x1E, v1;
	vm8 =	vgt.f32 v43, v0;
	v4 =	vadd.f32 v4, v20  }
0xce: {  	[tilespmem:$0x1FEF0] =	vst v22;
	v27 =	vld [tilespmem:$0x1FB00];
	v0 =	vsel vm8, v43, v0;
	v5 =	vsub.f32 v19, v8;
	v22 =	vpop (erf);
	v3 =	vmul.f32 $1.442695020e+00, v3  }
0xcf: {  	v1 =	vsel vm6, v2, v1;
	v0 =	vsel vm9, v26, v0;
	v26 =	vld [tilespmem:$0x1FAF0];
	v4 =	vadd.f32 v4, v22  }
0xd0: {  	(erf) = vpow2.f32 v3;
	v3 =	vmul.f32 $1.442695020e+00, v5;
	v5 =	vsub.f32 v21, v8;
	v21 =	vld [tilespmem:$0x1FAD0]  }
0xd1: {  	[tilespmem:$0x1FF30] =	vst v25;
	v55 =	vld [tilespmem:$0x1FB40];
	v23 =	vsub.f32 v32, v8;
	v2 =	vsel vm6, $0x1E, v2;
	v1 =	vsel vm8, $0x1F, v1;
	v25 =	vpop (erf)  }
0xd2: {  	v4 =	vadd.f32 v4, v25;
	(erf) = vpow2.f32 v3;
	v3 =	vmul.f32 $1.442695020e+00, v5  }
0xd3: {  	v46 =	vld [tilespmem:$0x1FB30];
	v1 =	vsel vm9, v2, v1;
	v2 =	vsel vm9, $0x1F, v2;
	v28 =	vpop (erf);
	v5 =	vsub.f32 v24, v8  }
0xd4: {  	v14 =	vld [tilespmem:$0x1FB70];
	vm4 =	vnez.u8 v26;
	v4 =	vadd.f32 v4, v28;
	(erf) = vpow2.f32 v3  }
0xd5: {  	v26 =	vld [tilespmem:$0x1FBB0];
	v30 =	vpop (erf);
	v3 =	vmul.f32 $1.442695020e+00, v5;
	v5 =	vsub.f32 v27, v8;
	vm9 =	vgt.f32 v21, v0  }
0xd6: {  	vm8 =	vnez.u8 v55;
	v4 =	vadd.f32 v4, v30;
	v1 =	vsel vm9, $0x20, v1  }
0xd7: {  	v0 =	vsel vm9, v21, v0;
	(erf) = vpow2.f32 v3;
	v3 =	vmul.f32 $1.442695020e+00, v5  }
0xd8: {  	v5 =	vsub.f32 v46, v8;
	v0 =	vsel vm4, v31, v0;
	v1 =	vsel vm4, v2, v1  }
0xd9: {  	v2 =	vsel vm4, $0x20, v2;
	v31 =	vmul.f32 $1.442695020e+00, v6;
	(erf) = vpow2.f32 v3;
	v3 =	vld [tilespmem:$0x1FB20]  }
0xda: {  	v30 =	vld [tilespmem:$0x1FBE0];
	v6 =	vsub.f32 v14, v8;
	vm4 =	vnez.u8 v26;
	vm5 =	vgt.f32 v44, v0  }
0xdb: {  	v1 =	vsel vm5, $0x21, v1;
	v0 =	vsel vm5, v44, v0;
	v33 =	vpop (erf);
	(erf) = vpow2.f32 v31  }
0xdc: {  	v58 =	vld [tilespmem:$0x1FB50];
	v17 =	vmul.f32 $1.442695020e+00, v6;
	v0 =	vsel vm10, v35, v0;
	v4 =	vadd.f32 v4, v33  }
0xdd: {  	v61 =	vld [tilespmem:$0x1FB60];
	v1 =	vsel vm10, v2, v1;
	v2 =	vsel vm10, $0x21, v2;
	v33 =	vsub.f32 v50, v8;
	v47 =	vpop (erf)  }
0xde: {  	vm6 =	vgt.f32 v48, v0;
	v4 =	vadd.f32 v4, v47;
	v3 =	vsub.f32 v3, v8  }
0xdf: {  	v20 =	vld [tilespmem:$0x1FB80];
	v0 =	vsel vm6, v48, v0;
	v1 =	vsel vm6, $0x22, v1;
	vm6 =	vnez.u8 v30  }
0xe0: {  	v47 =	vsub.f32 v51, v8;
	v51 =	vsub.f32 v52, v8;
	v3 =	vmul.f32 $1.442695020e+00, v3  }
0xe1: {  	v30 =	vsub.f32 v43, v8;
	v43 =	vsub.f32 v44, v8;
	v0 =	vsel vm8, v58, v0  }
0xe2: {  	v19 =	vld [tilespmem:$0x1FB90];
	v62 =	vpop (erf);
	(erf) = vpow2.f32 v3;
	v3 =	vmul.f32 $1.442695020e+00, v5;
	v5 =	vsub.f32 v61, v8  }
0xe3: {  	v55 =	vld [tilespmem:$0x1FC20];
	v1 =	vsel vm8, v2, v1;
	v2 =	vsel vm8, $0x22, v2;
	v4 =	vadd.f32 v4, v62  }
0xe4: {  	vm9 =	vgt.f32 v20, v0;
	(erf) = vpow2.f32 v3;
	v3 =	vmul.f32 $1.442695020e+00, v5  }
0xe5: {  	v6 =	vmul.f32 $1.442695020e+00, v30;
	v44 =	vmul.f32 $1.442695020e+00, v43;
	v1 =	vsel vm9, $0x23, v1  }
0xe6: {  	v27 =	vld [tilespmem:$0x1FBC0];
	v13 =	vpop (erf);
	v0 =	vsel vm9, v20, v0;
	(erf) = vpow2.f32 v3;
	v3 =	vmul.f32 $1.442695020e+00, v63  }
0xe7: {  	v28 =	vld [tilespmem:$0x1FBD0];
	v4 =	vadd.f32 v4, v13;
	v0 =	vsel vm11, v19, v0;
	v1 =	vsel vm11, v2, v1  }
0xe8: {  	v2 =	vsel vm11, $0x23, v2;
	vm11 =	vnez.u8 v55;
	v16 =	vpop (erf);
	(erf) = vpow2.f32 v3;
	v3 =	vld [tilespmem:$0x1FBA0]  }
0xe9: {  	v19 =	vsub.f32 v59, v8;
	v59 =	vsub.f32 v34, v8;
	vm10 =	vgt.f32 v38, v0  }
0xea: {  	v61 =	vmul.f32 $1.442695020e+00, v53;
	v53 =	vsub.f32 v20, v8;
	v0 =	vsel vm10, v38, v0  }
0xeb: {  	v13 =	vld [tilespmem:$0x1FC50];
	v4 =	vadd.f32 v4, v16;
	v1 =	vsel vm10, $0x24, v1;
	v0 =	vsel vm4, v27, v0  }
0xec: {  	v5 =	vsub.f32 v28, v8;
	v1 =	vsel vm4, v2, v1;
	v2 =	vsel vm4, $0x24, v2  }
0xed: {  	v31 =	vld [tilespmem:$0x1FBF0];
	v22 =	vpop (erf);
	v27 =	vsub.f32 v12, v8;
	vm5 =	vgt.f32 v34, v0;
	v3 =	vsub.f32 v3, v8  }
0xee: {  	v55 =	vmul.f32 $1.442695020e+00, v53;
	v4 =	vadd.f32 v4, v22;
	v0 =	vsel vm5, v34, v0  }
0xef: {  	v1 =	vsel vm5, $0x25, v1;
	(erf) = vpow2.f32 v17;
	v3 =	vmul.f32 $1.442695020e+00, v3  }
0xf0: {  	v63 =	vsub.f32 v57, v8;
	vm5 =	vnez.u8 v13;
	v57 =	vsub.f32 v38, v8;
	v24 =	vpop (erf)  }
0xf1: {  	v4 =	vadd.f32 v4, v24;
	(erf) = vpow2.f32 v3;
	v3 =	vmul.f32 $1.442695020e+00, v23  }
0xf2: {  	v14 =	vld [tilespmem:$0x1FC40];
	v38 =	vsub.f32 v40, v8;
	v0 =	vsel vm6, v31, v0;
	v1 =	vsel vm6, v2, v1;
	v25 =	vpop (erf)  }
0xf3: {  	v4 =	vadd.f32 v4, v25;
	v25 =	vld [tilespmem:$0x1FC70];
	(erf) = vpow2.f32 v3;
	v3 =	vmul.f32 $1.442695020e+00, v5  }
0xf4: {  	v2 =	vsel vm6, $0x25, v2;
	v31 =	vsub.f32 v21, v8;
	vm8 =	vgt.f32 v45, v0;
	v29 =	vpop (erf)  }
0xf5: {  	v4 =	vadd.f32 v4, v29;
	(erf) = vpow2.f32 v3;
	v3 =	vsub.f32 v42, v8;
	v42 =	vld [tilespmem:$0x1FC00]  }
0xf6: {  	v46 =	vld [tilespmem:$0x1FC10];
	v21 =	vsub.f32 v45, v8;
	v0 =	vsel vm8, v45, v0;
	v1 =	vsel vm8, $0x26, v1;
	v32 =	vpop (erf)  }
0xf7: {  	v29 =	vmul.f32 $1.442695020e+00, v27;
	v23 =	vsub.f32 v18, v8;
	v4 =	vadd.f32 v4, v32  }
0xf8: {  	v27 =	vsub.f32 v14, v8;
	v35 =	vpop (erf);
	vm8 =	vnez.u8 v25;
	v3 =	vmul.f32 $1.442695020e+00, v3  }
0xf9: {  	v5 =	vmul.f32 $1.442695020e+00, v23;
	v23 =	vmul.f32 $1.442695020e+00, v21;
	v4 =	vadd.f32 v4, v35  }
0xfa: {  	v58 =	vld [tilespmem:$0x1FC30];
	(erf) = vpow2.f32 v3;
	v3 =	vmul.f32 $1.442695020e+00, v33;
	vm9 =	vnez.u8 v42;
	v50 =	vpop (erf)  }
0xfb: {  	v33 =	vld [tilespmem:$0x1FCA0];
	v0 =	vsel vm9, v46, v0;
	v1 =	vsel vm9, v2, v1;
	v4 =	vadd.f32 v4, v50  }
0xfc: {  	v2 =	vsel vm9, $0x26, v2;
	(erf) = vpow2.f32 v3;
	v3 =	vmul.f32 $1.442695020e+00, v47;
	v52 =	vpop (erf)  }
0xfd: {  	v46 =	vsub.f32 v48, v8;
	vm10 =	vgt.f32 v39, v0;
	v4 =	vadd.f32 v4, v52  }
0xfe: {  	v50 =	vld [tilespmem:$0x1FCC0];
	(erf) = vpow2.f32 v3;
	v0 =	vsel vm10, v39, v0;
	v3 =	vmul.f32 $1.442695020e+00, v51  }
0xff: {  	v16 =	vld [tilespmem:$0x1FC60];
	v1 =	vsel vm10, $0x27, v1;
	v48 =	vmul.f32 $1.442695020e+00, v46;
	v0 =	vsel vm11, v58, v0  }
0x100: {  	v1 =	vsel vm11, v2, v1;
	v2 =	vsel vm11, $0x27, v2;
	vm10 =	vnez.u8 v33  }
0x101: {  	v26 =	vld [tilespmem:$0x1FC80];
	v62 =	vpop (erf);
	(erf) = vpow2.f32 v3;
	v3 =	vsub.f32 v54, v8;
	vm4 =	vgt.f32 v14, v0  }
0x102: {  	v58 =	vld [tilespmem:$0x1FCE0];
	v4 =	vadd.f32 v4, v62;
	(erf) = vpow2.f32 v61;
	v0 =	vsel vm4, v14, v0  }
0x103: {  	v62 =	vld [tilespmem:$0x1FCF0];
	v1 =	vsel vm4, $0x28, v1;
	vm3 =	vnez.u8 v50;
	v3 =	vmul.f32 $1.442695020e+00, v3  }
0x104: {  	v12 =	vld [tilespmem:$0x1FC90];
	v0 =	vsel vm5, v16, v0;
	v1 =	vsel vm5, v2, v1;
	v2 =	vsel vm5, $0x28, v2;
	v17 =	vpop (erf)  }
0x105: {  	vm6 =	vgt.f32 v37, v0;
	v4 =	vadd.f32 v4, v17;
	(erf) = vpow2.f32 v3  }
0x106: {  	v33 =	vld [tilespmem:$0x1FD30];
	v3 =	vmul.f32 $1.442695020e+00, v63;
	v0 =	vsel vm6, v37, v0;
	v1 =	vsel vm6, $0x29, v1  }
0x107: {  	v35 =	vld [tilespmem:$0x1FCB0];
	v43 =	vsub.f32 v58, v8;
	v0 =	vsel vm8, v26, v0;
	v1 =	vsel vm8, v2, v1  }
0x108: {  	v22 =	vpop (erf);
	v2 =	vsel vm8, $0x29, v2;
	vm5 =	vnez.u8 v62;
	v62 =	vsub.f32 v41, v8  }
0x109: {  	v4 =	vadd.f32 v4, v22;
	(erf) = vpow2.f32 v3;
	vm9 =	vgt.f32 v12, v0  }
0x10a: {  	v3 =	vmul.f32 $1.442695020e+00, v19;
	v46 =	vmul.f32 $1.442695020e+00, v43;
	v24 =	vpop (erf);
	v1 =	vsel vm9, $0x2A, v1  }
0x10b: {  	v51 =	vld [tilespmem:$0x1FCD0];
	v0 =	vsel vm9, v12, v0;
	vm9 =	vnez.u8 v33;
	v4 =	vadd.f32 v4, v24  }
0x10c: {  	(erf) = vpow2.f32 v3;
	v0 =	vsel vm10, v35, v0;
	v1 =	vsel vm10, v2, v1  }
0x10d: {  	v2 =	vsel vm10, $0x2A, v2;
	v24 =	vsub.f32 v39, v8;
	vm11 =	vgt.f32 v40, v0  }
0x10e: {  	v3 =	vpop (erf);
	(erf) = vpow2.f32 v5;
	v1 =	vsel vm11, $0x2B, v1;
	v0 =	vsel vm11, v40, v0  }
0x10f: {  	v26 =	vmul.f32 $1.442695020e+00, v24;
	v3 =	vadd.f32 v4, v3;
	v28 =	vpop (erf);
	(erf) = vpow2.f32 v29  }
0x110: {  	v63 =	vld [tilespmem:$0x1FD00];
	v4 =	vmul.f32 $1.442695020e+00, v31;
	v1 =	vsel vm3, v2, v1;
	v0 =	vsel vm3, v51, v0  }
0x111: {  	v2 =	vsel vm3, $0x2B, v2;
	v29 =	vmul.f32 $1.442695020e+00, v27;
	v31 =	vsub.f32 v37, v8  }
0x112: {  	v37 =	vsub.f32 v12, v8;
	v51 =	vsub.f32 v56, v8;
	vm4 =	vgt.f32 v58, v0  }
0x113: {  	v24 =	vld [tilespmem:$0x1FDD0];
	v3 =	vadd.f32 v3, v28;
	v32 =	vpop (erf);
	(erf) = vpow2.f32 v6;
	v1 =	vsel vm4, $0x2C, v1  }
0x114: {  	v0 =	vsel vm4, v58, v0;
	v6 =	vmul.f32 $1.442695020e+00, v57;
	v35 =	vmul.f32 $1.442695020e+00, v31  }
0x115: {  	v28 =	vld [tilespmem:$0x1FD10];
	v53 =	vmul.f32 $1.442695020e+00, v51;
	v0 =	vsel vm5, v63, v0;
	v1 =	vsel vm5, v2, v1  }
0x116: {  	v2 =	vsel vm5, $0x2C, v2;
	vm5 =	vmmov vm15;
	v3 =	vadd.f32 v3, v32  }
0x117: {  	v40 =	vld [tilespmem:$0x1FD40];
	v42 =	vpop (erf);
	(erf) = vpow2.f32 v4;
	v4 =	vmul.f32 $1.442695020e+00, v59;
	vm6 =	vgt.f32 v49, v0  }
0x118: {  	v32 =	vld [tilespmem:$0x1FD20];
	v27 =	vsub.f32 v24, v8;
	v1 =	vsel vm6, $0x2D, v1;
	v3 =	vadd.f32 v3, v42  }
0x119: {  	v0 =	vsel vm6, v49, v0;
	v47 =	vpop (erf);
	(erf) = vpow2.f32 v44;
	v1 =	vsel vm7, v2, v1  }
0x11a: {  	v2 =	vsel vm7, $0x2D, v2;
	v0 =	vsel vm7, v28, v0;
	v3 =	vadd.f32 v3, v47  }
0x11b: {  	v52 =	vpop (erf);
	(erf) = vpow2.f32 v48;
	vm8 =	vgt.f32 v56, v0;
	v47 =	vsub.f32 v49, v8  }
0x11c: {  	v54 =	vpop (erf);
	(erf) = vpow2.f32 v55;
	v1 =	vsel vm8, $0x2E, v1;
	v0 =	vsel vm8, v56, v0  }
0x11d: {  	v28 =	vld [tilespmem:$0x1FDE0];
	v55 =	vsub.f32 v40, v8;
	v3 =	vadd.f32 v3, v52;
	v0 =	vsel vm9, v32, v0  }
0x11e: {  	v44 =	vld [tilespmem:$0x1FD50];
	v1 =	vsel vm9, v2, v1;
	v2 =	vsel vm9, $0x2E, v2;
	v50 =	vmul.f32 $1.442695020e+00, v47  }
0x11f: {  	v48 =	vld [tilespmem:$0x1FD60];
	v32 =	vimm.s32 $0x0;
	v61 =	vpop (erf);
	(erf) = vpow2.f32 v6;
	v3 =	vadd.f32 v3, v54  }
0x120: {  	v6 =	vmul.f32 $1.442695020e+00, v37;
	vm10 =	vgt.f32 v40, v0;
	v58 =	vmul.f32 $1.442695020e+00, v55  }
0x121: {  	v16 =	vld [tilespmem:$0x1FDB0];
	v0 =	vsel vm10, v40, v0;
	v1 =	vsel vm10, $0x2F, v1;
	v3 =	vadd.f32 v3, v61  }
0x122: {  	v52 =	vld [tilespmem:$0x1FD70];
	vm1 =	vnez.u8 v28;
	v28 =	vsub.f32 v15, v8;
	v20 =	vpop (erf);
	(erf) = vpow2.f32 v4  }
0x123: {  	v4 =	vmul.f32 $1.442695020e+00, v38;
	v0 =	vsel vm14, v44, v0;
	v3 =	vadd.f32 v3, v20  }
0x124: {  	v1 =	vsel vm14, v2, v1;
	v2 =	vsel vm14, $0x2F, v2;
	v59 =	vsub.f32 v48, v8;
	v22 =	vpop (erf)  }
0x125: {  	v44 =	vld [tilespmem:$0x1FFA0];
	vm11 =	vgt.f32 v48, v0;
	(erf) = vpow2.f32 v23;
	v3 =	vadd.f32 v3, v22  }
0x126: {  	v56 =	vld [tilespmem:$0x1FD80];
	v0 =	vsel vm11, v48, v0;
	v23 =	vsub.f32 v16, v8;
	v1 =	vsel vm11, $0x30, v1;
	v25 =	vpop (erf)  }
0x127: {  	v61 =	vld [tilespmem:$0x1FD90];
	v0 =	vsel vm13, v52, v0;
	(erf) = vpow2.f32 v26;
	v3 =	vadd.f32 v3, v25  }
0x128: {  	v1 =	vsel vm13, v2, v1;
	v2 =	vsel vm13, $0x30, v2;
	vm7 =	vgt.f32 v41, v0;
	v30 =	vpop (erf)  }
0x129: {  	v20 =	vld [tilespmem:$0x1FF40];
	v26 =	vmul.f32 $1.442695020e+00, v23;
	(erf) = vpow2.f32 v29;
	v3 =	vadd.f32 v3, v30  }
0x12a: {  	v0 =	vsel vm7, v41, v0;
	vm9 =	vnez.u8 v44;
	v1 =	vsel vm7, $0x31, v1;
	v34 =	vpop (erf)  }
0x12b: {  	v63 =	vld [tilespmem:$0x1FDA0];
	v0 =	vsel vm12, v56, v0;
	(erf) = vpow2.f32 v35;
	v3 =	vadd.f32 v3, v34  }
0x12c: {  	v18 =	vsub.f32 v61, v8;
	v56 =	vimm.s32 $0x0;
	v1 =	vsel vm12, v2, v1;
	v39 =	vpop (erf)  }
0x12d: {  	v23 =	vld [tilespmem:$0x1FEC0];
	vm0 =	vgt.f32 v61, v0;
	(erf) = vpow2.f32 v6;
	v3 =	vadd.f32 v3, v39  }
0x12e: {  	v2 =	vsel vm12, $0x31, v2;
	v0 =	vsel vm0, v61, v0;
	vm6 =	vnez.u8 v20;
	v42 =	vpop (erf)  }
0x12f: {  	v22 =	vmul.f32 $1.442695020e+00, v18;
	(erf) = vpow2.f32 v4;
	v3 =	vadd.f32 v3, v42  }
0x130: {  	v44 =	vld [tilespmem:$0x1FF40];
	v1 =	vsel vm0, $0x32, v1;
	v0 =	vsel vm15, v63, v0;
	v6 =	vmul.f32 $1.442695020e+00, v59;
	v45 =	vpop (erf)  }
0x131: {  	v19 =	vld [tilespmem:$0x1FDC0];
	v30 =	vmul.f32 $1.442695020e+00, v27;
	(erf) = vpow2.f32 v46;
	v3 =	vadd.f32 v3, v45  }
0x132: {  	v31 =	vld [tilespmem:$0x1FE00];
	vm12 =	vnez.u8 v23;
	v27 =	vsub.f32 v36, v8;
	v1 =	vsel vm5, v2, v1;
	v49 =	vpop (erf)  }
0x133: {  	v29 =	vld [tilespmem:$0x1FDF0];
	vm15 =	vgt.f32 v16, v0;
	(erf) = vpow2.f32 v50;
	v3 =	vadd.f32 v3, v49  }
0x134: {  	v59 =	vld [tilespmem:$0x1FEA0];
	v2 =	vsel vm5, $0x32, v2;
	v0 =	vsel vm15, v16, v0;
	v1 =	vsel vm15, $0x33, v1;
	v54 =	vpop (erf)  }
0x135: {  	v63 =	vld [tilespmem:$0x1FFE0];
	vm15 =	vnez.u8 v44;
	(erf) = vpow2.f32 v53;
	v3 =	vadd.f32 v3, v54  }
0x136: {  	v41 =	vld [tilespmem:$0x1FE40];
	v4 =	vmul.f32 $1.442695020e+00, v62;
	v0 =	vsel vm6, v19, v0;
	v1 =	vsel vm15, v2, v1;
	v57 =	vpop (erf)  }
0x137: {  	v34 =	vld [tilespmem:$0x1FE10];
	vm4 =	vgt.f32 v24, v0;
	(erf) = vpow2.f32 v58;
	v3 =	vadd.f32 v3, v57  }
0x138: {  	v35 =	vld [tilespmem:$0x1FE20];
	v2 =	vsel vm15, $0x33, v2;
	v46 =	vimm.s32 $0x0;
	v0 =	vsel vm4, v24, v0;
	v14 =	vpop (erf)  }
0x139: {  	v39 =	vld [tilespmem:$0x1FE30];
	v61 =	vsub.f32 v59, v8;
	(erf) = vpow2.f32 v6;
	v3 =	vadd.f32 v3, v14  }
0x13a: {  	vm13 =	vnez.u8 v63;
	v1 =	vsel vm4, $0x34, v1;
	v0 =	vsel vm1, v29, v0;
	v17 =	vpop (erf)  }
0x13b: {  	vm8 =	vgt.f32 v31, v0;
	(erf) = vpow2.f32 v4;
	v3 =	vadd.f32 v3, v17  }
0x13c: {  	v43 =	vld [tilespmem:$0x1FE50];
	v42 =	vsub.f32 v41, v8;
	vm2 =	vnez.u8 v34;
	v0 =	vsel vm8, v31, v0;
	v21 =	vpop (erf)  }
0x13d: {  	v48 =	vld [tilespmem:$0x1FE60];
	v0 =	vsel vm2, v35, v0;
	(erf) = vpow2.f32 v22;
	v3 =	vadd.f32 v3, v21  }
0x13e: {  	v1 =	vsel vm1, v2, v1;
	v2 =	vsel vm1, $0x34, v2;
	vm11 =	vgt.f32 v39, v0;
	v25 =	vpop (erf)  }
0x13f: {  	v6 =	vsub.f32 v31, v8;
	(erf) = vpow2.f32 v26;
	v3 =	vadd.f32 v3, v25  }
0x140: {  	v50 =	vld [tilespmem:$0x1FE70];
	v5 =	vsel vm8, $0xFFFFFFFF, v32;
	v40 =	vsub.f32 v39, v8;
	v0 =	vsel vm11, v39, v0;
	v33 =	vpop (erf)  }
0x141: {  	v51 =	vld [tilespmem:$0x1FE80];
	v38 =	vmul.f32 $1.442695020e+00, v6;
	(erf) = vpow2.f32 v30;
	v3 =	vadd.f32 v3, v33  }
0x142: {  	v49 =	vsub.f32 v48, v8;
	v0 =	vsel vm9, v43, v0;
	v54 =	vld [tilespmem:$0x1FE90];
	v6 =	vmul.f32 $1.442695020e+00, v40;
	v37 =	vpop (erf)  }
0x143: {  	v29 =	vld [tilespmem:$0x1FEE0];
	vm3 =	vgt.f32 v41, v0;
	(erf) = vpow2.f32 v38;
	v3 =	vadd.f32 v3, v37  }
0x144: {  	[tilespmem:$0x1FF70] =	vst v5;
	v4 =	vmul.f32 $1.442695020e+00, v42;
	v5 =	vsel vm3, $0xFFFFFFFF, v46;
	v0 =	vsel vm3, v41, v0;
	v45 =	vpop (erf)  }
0x145: {  	v62 =	vld [tilespmem:$0x1FEB0];
	vm3 =	vnez.u8 v50;
	(erf) = vpow2.f32 v6;
	v3 =	vadd.f32 v3, v45  }
0x146: {  	v20 =	vmul.f32 $1.442695020e+00, v61;
	v53 =	vmul.f32 $1.442695020e+00, v49;
	v0 =	vsel vm3, v51, v0;
	v47 =	vpop (erf)  }
0x147: {  	v34 =	vld [tilespmem:$0x1FF00];
	v55 =	vsub.f32 v54, v8;
	(erf) = vpow2.f32 v4;
	v3 =	vadd.f32 v3, v47  }
0x148: {  	v24 =	vld [tilespmem:$0x1FED0];
	vm7 =	vnez.u8 v29;
	vm10 =	vgt.f32 v48, v0;
	v52 =	vpop (erf);
	(erf) = vpow2.f32 v53  }
0x149: {  	v0 =	vsel vm10, v48, v0;
	v58 =	vmul.f32 $1.442695020e+00, v55;
	v3 =	vadd.f32 v3, v52  }
0x14a: {  	v39 =	vsub.f32 v7, v8;
	v22 =	vsub.f32 v60, v8;
	v0 =	vsel vm13, v62, v0;
	v57 =	vpop (erf)  }
0x14b: {  	v30 =	vld [tilespmem:$0x1FEF0];
	vm13 =	vgt.f32 v54, v0;
	(erf) = vpow2.f32 v58;
	v3 =	vadd.f32 v3, v57  }
0x14c: {  	vm6 =	vnez.u8 v34;
	v26 =	vmul.f32 $1.442695020e+00, v22;
	v0 =	vsel vm13, v54, v0;
	v21 =	vpop (erf)  }
0x14d: {  	v35 =	vld [tilespmem:$0x1FF10];
	v0 =	vsel vm12, v24, v0;
	(erf) = vpow2.f32 v20;
	v3 =	vadd.f32 v3, v21  }
0x14e: {  	v49 =	vld [tilespmem:$0x1FF70];
	v40 =	vmul.f32 $1.442695020e+00, v39;
	vm8 =	vgt.f32 v59, v0;
	v6 =	vmul.f32 $1.442695020e+00, v27;
	v25 =	vpop (erf)  }
0x14f: {  	v41 =	vld [tilespmem:$0x1FF20];
	v0 =	vsel vm8, v59, v0;
	(erf) = vpow2.f32 v26;
	v3 =	vadd.f32 v3, v25  }
0x150: {  	v42 =	vld [tilespmem:$0x1FF30];
	v4 =	vmul.f32 $1.442695020e+00, v28;
	v0 =	vsel vm7, v30, v0;
	v33 =	vsub.f32 v9, v8;
	v31 =	vpop (erf)  }
0x151: {  	v46 =	vld [tilespmem:$0x1FF50];
	vm9 =	vgt.f32 v60, v0;
	v32 =	vpop (erf);
	(erf) = vpow2.f32 v6;
	v3 =	vadd.f32 v3, v31  }
0x152: {  	v14 =	vsel vm10, $0xFFFFFFFF, v56;
	v0 =	vsel vm9, v60, v0;
	v38 =	vmul.f32 $1.442695020e+00, v33  }
0x153: {  	v50 =	vld [tilespmem:$0x1FF80];
	v0 =	vsel vm6, v35, v0;
	(erf) = vpow2.f32 v4;
	v3 =	vadd.f32 v3, v32  }
0x154: {  	vm14 =	vnez.u8 v49;
	vm5 =	vnez.u8 v41;
	vm10 =	vgt.f32 v36, v0;
	v47 =	vld [tilespmem:$0x1FF60];
	v37 =	vpop (erf)  }
0x155: {  	v51 =	vld [tilespmem:$0x1FF90];
	v0 =	vsel vm10, v36, v0;
	(erf) = vpow2.f32 v38;
	v3 =	vadd.f32 v3, v37  }
0x156: {  	v56 =	vld [tilespmem:$0x1FFB0];
	v1 =	vsel vm14, $0x35, v1;
	vm15 =	vnez.u8 v46;
	v0 =	vsel vm5, v42, v0;
	v43 =	vpop (erf)  }
0x157: {  	v53 =	vld [tilespmem:$0x1FFA0];
	vm0 =	vgt.f32 v15, v0;
	(erf) = vpow2.f32 v40;
	v3 =	vadd.f32 v3, v43  }
0x158: {  	[tilespmem:$0x1FFC0] =	vst v5;
	v1 =	vsel vm2, v2, v1;
	v2 =	vsel vm2, $0x35, v2;
	v0 =	vsel vm0, v15, v0;
	v45 =	vpop (erf)  }
0x159: {  	v55 =	vsub.f32 v8, v8;
	v57 =	vld [tilespmem:$0x1FFC0];
	v0 =	vsel vm15, v47, v0;
	v3 =	vadd.f32 v3, v45  }
0x15a: {  	[tilespmem:$0x1FFD0] =	vst v14;
	vm1 =	vnez.u8 v50;
	v1 =	vsel vm11, $0x36, v1;
	vm4 =	vgt.f32 v9, v0;
	v48 =	vpop (erf)  }
0x15b: {  	v5 =	vmul.f32 $1.442695020e+00, v55;
	v59 =	vld [tilespmem:$0x1FFD0];
	v0 =	vsel vm4, v9, v0;
	v3 =	vadd.f32 v3, v48  }
0x15c: {  	vm11 =	vnez.u8 v56;
	vm14 =	vnez.u8 v53;
	v0 =	vsel vm1, v51, v0;
	v52 =	vpop (erf)  }
0x15d: {  	v60 =	vld [tilespmem:$0x1FFE0];
	v1 =	vsel vm14, v2, v1;
	vm2 =	vgt.f32 v7, v0;
	v3 =	vadd.f32 v3, v52  }
0x15e: {  	v2 =	vsel vm14, $0x36, v2;
	vm14 =	vnez.u8 v57;
	v0 =	vsel vm2, v7, v0;
	v54 =	vpop (erf)  }
0x15f: {  	v1 =	vsel vm14, $0x37, v1;
	v0 =	vsel vm11, v11, v0;
	v3 =	vadd.f32 v3, v54  }
0x160: {  	vm14 =	vnez.u8 v59;
	(erf) = vpow2.f32 v5;
	v0 =	vsub.f32 v0, v8;
	v58 =	vpop (erf)  }
0x161: {  	v1 =	vsel vm3, v2, v1;
	v2 =	vsel vm3, $0x37, v2;
	v3 =	vadd.f32 v3, v58  }
0x162: {  	v1 =	vsel vm14, $0x38, v1;
	vm14 =	vnez.u8 v60;
	v0 =	vmul.f32 $1.442695020e+00, v0  }
0x163: {  	v1 =	vsel vm14, v2, v1;
	(erf) = vrcp.f32 v3  }
0x164: {  	v2 =	vsel vm14, $0x38, v2;
	v1 =	vsel vm13, $0x39, v1;
	(erf) = vpow2.f32 v0  }
0x165: {  	v0 =	vsel vm12, v2, v1;
	v1 =	vsel vm12, $0x39, v2;
	v2 =	vld [tilespmem:$0x1FFF0]  }
0x166: {  	v0 =	vsel vm8, $0x3A, v0  }
0x167: {  	v0 =	vsel vm7, v1, v0  }
0x168: {  	v1 =	vsel vm7, $0x3A, v1;
	v0 =	vsel vm9, $0x3B, v0  }
0x169: {  	v0 =	vsel vm6, v1, v0  }
0x16a: {  	v1 =	vsel vm6, $0x3B, v1;
	v0 =	vsel vm10, $0x3C, v0;
	v2 =	vshll.u32 v2, $0x1  }
0x16b: {  	v3 =	vpop (erf);
	v0 =	vsel vm5, v1, v0;
	v61 =	vor.u32 $0x1, v2  }
0x16c: {  	v1 =	vsel vm5, $0x3C, v1;
	v0 =	vsel vm0, $0x3D, v0;
	v62 =	vpop (erf)  }
0x16d: {  	p0 =	sne.s32 s11, $0x1F0;
	v0 =	vsel vm15, v1, v0;
	v3 =	vmul.f32 v62, v3;
	v63 =	vpop (erf)  }
.Ltmp0:
0x16e: {  	v1 =	vsel vm15, $0x3D, v1;
	v0 =	vsel vm4, $0x3E, v0;
	v5 =	vmul.f32 v62, v63;
	(pc) =	sbr.rel @p0 .LBB2_2-.Ltmp0, $4  }
0x16f: {  	v0 =	vsel vm1, v1, v0;
	v1 =	vsel vm1, $0x3E, v1;
	[tilespmem:v2+s8+$0x0] =	vst.idx.msk $0xffff, v3  }
0x170: {  	v0 =	vsel vm2, $0x3F, v0;
	v3 =	vsel vm11, $0x3F, v1;
	[tilespmem:v61+s8+$0x0] =	vst.idx.msk $0xffff, v5  }
0x171: {  	v0 =	vsel vm11, v1, v0;
	[tilespmem:v2+s9+$0x0] =	vst.idx.msk $0xffff, v3  }
0x172: {  	s11 =	sadd.s32 $0x10, s11;
	v10 =	vimm.s32 $0x0;
	[tilespmem:v61+s9+$0x0] =	vst.idx.msk $0xffff, v0;
	v0 =	vlaneseq.u32  }
0x173: {  	[hbm4b:s4+s2] =	stream.linear.scatter [tilespmem:s8], [sflag:$0x1], $0x400, $0x38;
	[tilespmem:$0x8800] =	vst v63  }
0x174: {  	s10 =	sadd.s32 $0x1, s10;
	_ =	swait.ge [sflag:s7], $0x400  }
0x175: {  	p0 =	sne.s32 s10, s6;
	[sflag:s7] =	ssyncset.done $0x0  }
.Ltmp1:
0x176: {  	[sflag:s7] =	ssyncadd.s32 $0xFFFFFC00;
	(pc) =	sbr.rel @p0 .LBB2_1-.Ltmp1, $4  }
0x177: {  	[hbm4b:s5+s2] =	stream.linear.scatter [tilespmem:s9], [sflag:$0x1], $0x400, $0x38;
	[tilespmem:$0x8800] =	vst v63  }
0x178: {  	_ =	swait.ge [sflag:s7], $0x400  }
0x179: {  	[sflag:s7] =	ssyncset.done $0x0  }
0x17a: {  	[sflag:s7] =	ssyncadd.s32 $0xFFFFFC00  }
0x17b: {  	_ =	sfence.sel $0x180000  }
0x17c: {  	[bflag:$0x0] =	sbarrier.arrive $0xFFFF  }
0x17d: {  	p0 =	sne.s32 s1, $0x0;
	_ =	strace $0x90000047  }
0x17e: {  	s0 =	sadd.s32 @!p0 $0x100000, s0;
	[bflag:$0x2] =	sbarrier.arrive $0xFFFF  }
0x17f: {  	[sflag:s0] =	ssyncadd.tile.s32 @!p0 $0x1;
	_ =	shalt  }
.Lfunc_end2:
_tile_overlayer_lowered:
.L_overlay_start_2:
0x180: {  	(tag) =	ssettag $0x2  }
0x181: {  	s0 =	rddreg [dreg:$0x0];
	s2 =	stileid.u32  }
0x182: {  	s1 =	rddreg [dreg:$0x1];
	p0 =	sne.s32 s2, $0x0  }
0x183: {  	s3 =	rddreg [dreg:$0x2];
	[bflag:$0x3] =	sbarrier.arrive $0xFFFF;
	s2 =	simm.s32 @!p0 $0x1C01  }
0x184: {  	[timem:s3], [sflag:s2] =	dma.local @!p0 [hbm:s0], s1  }
0x185: {  	s0 =	simm.s32 @!p0 $0x1  }
0x186: {  	_ =	swait.ge @!p0 [sflag:s0], s1  }
0x187: {  	s1 =	ssub.s32 @!p0 $0x0, s1;
	[sflag:s0] =	ssyncset.done @!p0 $0x0  }
0x188: {  	[sflag:s0] =	ssyncadd.s32 @!p0 s1  }
0x189: {  	[bflag:$0x3] =	sbarrier.arrive $0xFFFF  }
0x18a: {  	_ =	shalt  }

// kernel: kernel.9.cloned.1.call-start
scs
__scs_entry_jumppad:
0x0: {  	(pc) =	sbr.rel $0x88, $3  }
0x1: {  	(tag) =	ssettag $0x0;
	lr =	simm.s32 $0x1  }
0x2: {  	[smem:$0x3F9F] =	sst lr;
	_ =	strace $0xD0000000  }
0x3: {  	_ = 	snop  }
0x4: {  	_ = 	snop  }
0x5: {  	_ = 	snop  }
0x6: {  	_ = 	snop  }
0x7: {  	_ = 	snop  }
__scs_overlays_trampoline_lowered:
0x8: {  	[smem:$0x3FAE] =	sst s0  }
0x9: {  	[smem:$0x3FAF] =	sst s1  }
0xa: {  	[smem:$0x3FB0] =	sst s2  }
0xb: {  	[smem:$0x3FB1] =	sst s3  }
0xc: {  	[smem:$0x3FB2] =	sst s4  }
0xd: {  	[smem:$0x3FB3] =	sst s5  }
0xe: {  	[smem:$0x3FB4] =	sst s6  }
0xf: {  	[smem:$0x3FB5] =	sst s7  }
0x10: {  	[smem:$0x3FB6] =	sst s8  }
0x11: {  	[smem:$0x3FB7] =	sst s9;
	s0 =	simm.s32 @!p0 $0x0  }
0x12: {  	s1 =	sld [smem:$0x3F9D];
	s0 =	simm.s32 @p0 $0x1  }
0x13: {  	[smem:$0x3FB8] =	sst s0;
	s0 =	simm.s32 @!p1 $0x0  }
0x14: {  	s2 =	sld [smem:$0x3F9C];
	s0 =	simm.s32 @p1 $0x1  }
0x15: {  	[smem:$0x3FB9] =	sst s0;
	s0 =	simm.s32 @!p2 $0x0  }
0x16: {  	s3 =	sld [smem:$0x3FDB];
	s0 =	simm.s32 @p2 $0x1  }
0x17: {  	s4 =	simm.s32 $0x1BF5;
	[smem:$0x3FBB] =	sst s0  }
0x18: {  	s0 =	sld [smem:$0x3F9E];
	_ =	swait.ge [sflag:s4], $0x0  }
0x19: {  	s7 =	sld [smem:$0x3F9F]  }
0x1a: {  	s8 =	sadd.s32 $0xFFFFE003, lr  }
0x1b: {  	s9 =	sadd.s32 $0xFFFFFEF7, lr;
	s5 =	simm.s32 $0xFFFFFFFF;
	p2 =	slt.u32 s8, $0xFFFFF086  }
0x1c: {  	p1 =	slt.u32 s9, $0xF7A;
	s5 =	simm.s32 @!p2 $0x0  }
0x1d: {  	s5 =	simm.s32 @p1 $0x1;
	p0 =	seq.s32 s7, s2  }
0x1e: {  	s7 =	smul.u32 @!p0 $0xF7A, s2;
	p2 =	seq.s32 @!p0 s5, $0x0  }
0x1f: {  	s9 =	smul.u32 $0xF7A, s1;
	s8 =	simm.s32 @!p0 $0x1BF5;
	p2 =	por !p2, p0  }
0x20: {  	[sflag:s8] =	ssyncset.s32 @!p0 $0xFFFFF086;
	s6 =	sadd.s32 @!p0 s3, s7;
	s7 =	simm.s32 @!p0 $0x108  }
0x21: {  	s3 =	sadd.s32 s3, s9;
	s6 =	sadd.s32 @!p0 $0x88, s6;
	s7 =	simm.s32 @p2 $0x1082  }
0x22: {  	[simem:s7], [sflag:s8] =	dma.local @!p0 [hbm:s6], $0xF7A  }
0x23: {  	s9 =	sor.u32 $0xD0000000, s2;
	s6 =	simm.s32 $0x108;
	_ =	swait.ge @!p0 [sflag:s8], $0x0  }
0x24: {  	s3 =	sadd.s32 $0x88, s3;
	s6 =	simm.s32 @!p1 $0x1082;
	[sflag:s4] =	ssyncset.s32 $0xFFFFF086  }
0x25: {  	[simem:s6], [sflag:s4] =	dma.local [hbm:s3], $0xF7A  }
0x26: {  	[smem:$0x3F9F] =	sst s1;
	(tag) =	ssettag s2;
	_ =	strace s9  }
0x27: {  	s1 =	sld [smem:$0x3FAF]  }
0x28: {  	s2 =	sld [smem:$0x3FB0]  }
0x29: {  	s4 =	sld [smem:$0x3FB2]  }
0x2a: {  	p0 =	seq.s32 s5, $0x0;
	s5 =	sld [smem:$0x3FB3]  }
0x2b: {  	s6 =	sld [smem:$0x3FB4]  }
0x2c: {  	s7 =	sld [smem:$0x3FB5]  }
0x2d: {  	s3 =	simm.s32 $0x108;
	s8 =	sld [smem:$0x3FB6]  }
0x2e: {  	s3 =	simm.s32 @!p0 $0x1082;
	s9 =	sld [smem:$0x3FB7]  }
0x2f: {  	lr =	sadd.s32 s0, s3;
	s0 =	sld [smem:$0x3FAE]  }
0x30: {  	s3 =	sld [smem:$0x3FB1]  }
0x31: {  	[smem:$0x3FBA] =	sst s10  }
0x32: {  	s10 =	sld [smem:$0x3FB8];
	_ =	sdelay $0x3  }
0x33: {  	p0 =	seq.s32 s10, $0x1;
	s10 =	sld [smem:$0x3FBA];
	_ =	sdelay $0x3  }
0x34: {  	[smem:$0x3FBA] =	sst s10  }
0x35: {  	s10 =	sld [smem:$0x3FB9];
	_ =	sdelay $0x3  }
0x36: {  	p1 =	seq.s32 s10, $0x1;
	s10 =	sld [smem:$0x3FBA];
	_ =	sdelay $0x3  }
0x37: {  	[smem:$0x3FBA] =	sst s10  }
0x38: {  	s10 =	sld [smem:$0x3FBB]  }
0x39: {  	_ = 	snop;
	(pc) =	sbr.ind lr, $3  }
0x3a: {  	_ = 	snop  }
0x3b: {  	_ = 	snop  }
0x3c: {  	p2 =	seq.s32 s10, $0x1;
	s10 =	sld [smem:$0x3FBA]  }
0x3d: {  	_ =	shalt  }
0x3e: {  	_ =	shalt  }
0x3f: {  	_ =	shalt  }
0x40: {  	_ =	shalt  }
0x41: {  	_ =	shalt  }
0x42: {  	_ =	shalt  }
0x43: {  	_ =	shalt  }
0x44: {  	_ =	shalt  }
0x45: {  	_ =	shalt  }
0x46: {  	_ =	shalt  }
0x47: {  	_ =	shalt  }
0x48: {  	_ =	shalt  }
0x49: {  	_ =	shalt  }
0x4a: {  	_ =	shalt  }
0x4b: {  	_ =	shalt  }
0x4c: {  	_ =	shalt  }
0x4d: {  	_ =	shalt  }
0x4e: {  	_ =	shalt  }
0x4f: {  	_ =	shalt  }
0x50: {  	_ =	shalt  }
0x51: {  	_ =	shalt  }
0x52: {  	_ =	shalt  }
0x53: {  	_ =	shalt  }
0x54: {  	_ =	shalt  }
0x55: {  	_ =	shalt  }
0x56: {  	_ =	shalt  }
0x57: {  	_ =	shalt  }
0x58: {  	_ =	shalt  }
0x59: {  	_ =	shalt  }
0x5a: {  	_ =	shalt  }
0x5b: {  	_ =	shalt  }
0x5c: {  	_ =	shalt  }
0x5d: {  	_ =	shalt  }
0x5e: {  	_ =	shalt  }
0x5f: {  	_ =	shalt  }
0x60: {  	_ =	shalt  }
0x61: {  	_ =	shalt  }
0x62: {  	_ =	shalt  }
0x63: {  	_ =	shalt  }
0x64: {  	_ =	shalt  }
0x65: {  	_ =	shalt  }
0x66: {  	_ =	shalt  }
0x67: {  	_ =	shalt  }
0x68: {  	_ =	shalt  }
0x69: {  	_ =	shalt  }
0x6a: {  	_ =	shalt  }
0x6b: {  	_ =	shalt  }
0x6c: {  	_ =	shalt  }
0x6d: {  	_ =	shalt  }
0x6e: {  	_ =	shalt  }
0x6f: {  	_ =	shalt  }
0x70: {  	_ =	shalt  }
0x71: {  	_ =	shalt  }
0x72: {  	_ =	shalt  }
0x73: {  	_ =	shalt  }
0x74: {  	_ =	shalt  }
0x75: {  	_ =	shalt  }
0x76: {  	_ =	shalt  }
0x77: {  	_ =	shalt  }
0x78: {  	_ =	shalt  }
0x79: {  	_ =	shalt  }
0x7a: {  	_ =	shalt  }
0x7b: {  	_ =	shalt  }
0x7c: {  	_ =	shalt  }
0x7d: {  	_ =	shalt  }
0x7e: {  	_ =	shalt  }
0x7f: {  	_ =	shalt  }
0x80: {  	_ =	shalt  }
0x81: {  	_ =	shalt  }
0x82: {  	_ =	shalt  }
0x83: {  	_ =	shalt  }
0x84: {  	_ =	shalt  }
0x85: {  	_ =	shalt  }
0x86: {  	_ =	shalt  }
0x87: {  	_ =	shalt  }
.Lfunc_end0:
.L_simem_size_0:
called_computation.1_lowered:
.L_overlay_start_0:
0x88: {  	s2 =	sld [smem:$0x3FD9]  }
0x89: {  	s3 =	sld [smem:$0x3FFE];
	_ =	sdelay $0x1  }
0x8a: {  	s1 =	srdreg.scid  }
0x8b: {  	s0 =	sand.u32 $0x1, s1  }
0x8c: {  	s15 =	sshll.u32 s0, $0xA;
	s2 =	sadd.s32 s3, s2  }
0x8d: {  	s2 =	sadd.s32 s2, s15  }
0x8e: {  	[smem:$0x3FC6] =	sst s2  }
0x8f: {  	_ = 	snop  }
0x90: {  	s2 =	sld [smem:$0x3FD0];
	_ =	sdelay $0x2  }
0x91: {  	s4 =	simm.s32 $0xB;
	s16 =	simm.s32 $0x10  }
0x92: {  	[smem:s16], [sflag:s4] =	dma.local [hbm:s2], $0x1  }
0x93: {  	_ =	swait.eq [sflag:s4], $0x1  }
0x94: {  	[sflag:s4] =	ssyncset.done $0x0  }
0x95: {  	s17 =	sld [smem:$0x10];
	[sflag:s4] =	ssyncadd.s32 $0xFFFFFFFF  }
0x96: {  	s18 =	sld [smem:$0x11];
	(tm) =	ssettm $0x1  }
0x97: {  	s19 =	sld [smem:$0x3FFB];
	_ =	sdelay $0x3  }
0x98: {  	_ =	strace s19  }
0x99: {  	s2 =	sld [smem:$0x3FFC];
	_ =	sdelay $0x3  }
0x9a: {  	_ =	strace s2  }
0x9b: {  	s2 =	sld [smem:$0x3FFD];
	_ =	sdelay $0x3  }
0x9c: {  	_ =	strace s2  }
0x9d: {  	_ =	strace $0x8FFFFFFF  }
0x9e: {  	s20 =	sld [smem:$0x3FDB];
	_ =	sdelay $0x1  }
0x9f: {  	s5 =	simm.s32 $_scs_section_size  }
0xa0: {  	s6 =	simm.s32 $_size__tile_overlayer_lowered;
	s7 =	simm.s32 $_tile_overlayer_lowered  }
0xa1: {  	s8 =	simm.s32 $0x1BFF;
	s21 =	sshll.u32 s7, $0x1;
	s5 =	sadd.s32 s5, s20  }
0xa2: {  	s22 =	simm.s32 $0x0;
	s6 =	sshll.u32 s6, $0x1;
	s7 =	sadd.s32 s21, s5  }
0xa3: {  	[timem:s22], [sflag:s8] =	dma.local [hbm:s7], s6  }
0xa4: {  	_ =	swait.ge [sflag:s8], s6  }
0xa5: {  	s6 =	ssub.s32 $0x0, s6;
	[sflag:s8] =	ssyncset.done $0x0  }
0xa6: {  	[sflag:s8] =	ssyncadd.s32 s6;
	_ =	sdelay $0x1  }
0xa7: {  	s23 =	simm.s32 $0x1B8B  }
0xa8: {  	_ =	swait.ge [sflag:s23], $0x1  }
0xa9: {  	[sflag:s23] =	ssyncset.done $0x0  }
0xaa: {  	[sflag:s23] =	ssyncadd.s32 $0xFFFFFFFF  }
0xab: {  	s6 =	sld [smem:$0x0]  }
0xac: {  	s7 =	sand.u32 $0xFFFFFFFE, s1  }
0xad: {  	p0 =	sne.s32 s1, s7  }
0xae: {  	s7 =	sshll.u32 @p0 s7, $0xE  }
0xaf: {  	s7 =	sadd.s32 @p0 $0x11B8D, s7;
	s8 =	sshll.u32 @p0 s6, $0x11  }
0xb0: {  	s7 =	sor.u32 @p0 s8, s7  }
0xb1: {  	[sflag:s7] =	ssyncadd.remote.s32 @p0 $0x1;
	_ =	sdelay $0x1  }
0xb2: {  	s7 =	simm.s32 @p0 $0x1B8D  }
0xb3: {  	_ =	swait.eq @p0 [sflag:s7], $0x1  }
0xb4: {  	[sflag:s7] =	ssyncadd.s32 @p0 $0xFFFFFFFF  }
0xb5: {  	s8 =	sshll.u32 @!p0 s1, $0xE  }
0xb6: {  	s8 =	sor.u32 @!p0 $0x4000, s8;
	s7 =	simm.s32 @!p0 $0x1B8D  }
0xb7: {  	s6 =	sshll.u32 @!p0 s6, $0x11;
	s8 =	sadd.s32 @!p0 $0x11B8D, s8;
	_ =	swait.eq @!p0 [sflag:s7], $0x1  }
0xb8: {  	s6 =	sor.u32 @!p0 s6, s8;
	[sflag:s7] =	ssyncadd.s32 @!p0 $0xFFFFFFFF  }
0xb9: {  	s25 =	simm.s32 $0x1B8E;
	s24 =	sld [smem:$0x3FFE];
	[sflag:s6] =	ssyncadd.remote.s32 @!p0 $0x1  }
0xba: {  	s26 =	simm.s32 $execute0_lowered;
	[smem:$0x3FD2] =	sst s25  }
0xbb: {  	s7 =	sshll.u32 s26, $0x1;
	_ =	strace $0x80000049;
	[dreg:$0x1] =	wrdreg $0xFFFFFFFF  }
0xbc: {  	s28 =	simm.s32 $_size_execute0_lowered;
	s5 =	sadd.s32 s5, s7;
	[dreg:$0x0] =	wrdreg $0x0  }
0xbd: {  	s7 =	sshll.u32 s28, $0x1;
	[dreg:$0x2] =	wrdreg s5  }
0xbe: {  	[dreg:$0x3] =	wrdreg s7  }
0xbf: {  	[dreg:$0x4] =	wrdreg $0xC0  }
0xc0: {  	_ =	task [dreg:s22], $0x5FFFF  }
0xc1: {  	[dreg:$0x1] =	wrdreg $0xFFFFFFFF  }
0xc2: {  	[dreg:$0x0] =	wrdreg $0x60  }
0xc3: {  	[dreg:$0x2] =	wrdreg s24  }
0xc4: {  	[dreg:$0x3] =	wrdreg s18  }
0xc5: {  	[dreg:$0x4] =	wrdreg s17  }
0xc6: {  	[dreg:$0x5] =	wrdreg $0xA  }
0xc7: {  	_ =	task.clear_ibuf [dreg:s22], $0x6FFFF;
	_ =	strace $0x90000049  }
0xc8: {  	s29 =	simm.s32 $0xA;
	_ =	strace $0x8000004B  }
0xc9: {  	_ =	swait.ge [sflag:s29], $0x1  }
0xca: {  	[sflag:s29] =	ssyncadd.s32 $0xFFFFFFFF  }
0xcb: {  	_ =	strace $0x9000004B  }
0xcc: {  	_ =	sfence  }
0xcd: {  	s30 =	sld [smem:$0x0];
	_ =	sdelay $0x2  }
0xce: {  	s31 =	sshll.u32 s1, $0xD;
	s1 =	sshrl.u32 s1, $0x2  }
0xcf: {  	s4 =	sand.u32 $0x4000, s31;
	s1 =	sadd.s32 s1, s30  }
0xd0: {  	s0 =	sor.u32 s4, s0;
	s1 =	sshll.u32 s1, $0x11  }
0xd1: {  	s0 =	sor.u32 s1, s0  }
0xd2: {  	s0 =	sadd.s32 $0x8F2B, s0  }
0xd3: {  	[sflag:s0] =	ssyncadd.remote.s32 $0x1  }
0xd4: {  	_ =	sfence.sel $0xFFFF  }
0xd5: {  	[dreg:$0x0] =	wrdreg $0xFFFFFFFF;
	(pc) =	sbr.abs _section_cstart, $3  }
0xd6: {  	[dreg:$0x1] =	wrdreg $0xFFFFFFFF  }
0xd7: {  	_ =	task.clear_ibuf [dreg:s22], $0x2FFFF;
	_ =	strace $0x9FFFFFFF  }
0xd8: {  	(tm) =	ssettm $0x7FFFFFFF  }
0xd9: {  	_ =	shalt  }
tec
execute0_lowered:
.L_overlay_start_1:
0x0: {  	(tag) =	ssettag $0x1  }
0x1: {  	s3 =	rddreg [dreg:$0x0]  }
0x2: {  	s4 =	rddreg [dreg:$0x1]  }
0x3: {  	s5 =	rddreg [dreg:$0x2]  }
0x4: {  	s0 =	rddreg [dreg:$0x3];
	s6 =	srdreg.scid  }
0x5: {  	s1 =	stileid.u32;
	s2 =	simm.s32 $0x0;
	s9 =	simm.s32 $0x8400  }
0x6: {  	s10 =	simm.s32 $0x0;
	s6 =	sand.u32 $0x1, s6;
	s7 =	sshll.u32 s1, $0x1  }
0x7: {  	[smem:$0x7FF] =	sst s2;
	s7 =	sor.u32 s6, s7;
	s6 =	ssub.s32 $0x2, s6  }
0x8: {  	_ =	strace $0x8000004A;
	s8 =	sshll.u32 s7, $0xC;
	s31 =	sshrl.u32 s6, $0x1  }
0x9: {  	s7 =	sshll.u32 s7, $0x7;
	s3 =	sadd.s32 s8, s3;
	s6 =	ssub.s32 s6, s31  }
0xa: {  	s4 =	sadd.s32 s4, s7;
	s5 =	sadd.s32 s5, s7;
	s7 =	simm.s32 $0x1  }
0xb: {  	v0 =	vlaneseq.u32;
	v10 =	vimm.s32 $0x0;
	s8 =	simm.s32 $0x8000;
	s3 =	sadd.s32 $0x64400, s3;
	s6 =	smax.u32 s6, $0x1  }
.LBB2_1:
0xc: {  	[tilespmem:s2], [sflag:$0x1] =	stream.linear.gather [hbm4b:s3+s2], $0x8000, $0x38;
	[tilespmem:$0x8800] =	vst v63  }
0xd: {  	_ =	swait.ge [sflag:s7], $0x8000  }
0xe: {  	[sflag:s7] =	ssyncset.done $0x0  }
0xf: {  	s11 =	simm.s32 $0x0;
	[sflag:s7] =	ssyncadd.s32 $0xFFFF8000  }
.LBB2_2:
0x10: {  	v0 =	vor.u32 s11, v0  }
0x11: {  	v8 =	vshll.u32 v0, $0x6;
	_ =	sdelay $0x1  }
0x12: {  	[tilespmem:$0x1FFF0] =	vst v0;
	v0 =	vor.u32 $0x1, v8;
	_ =	sdelay $0x2  }
0x13: {  	v1 =	vor.u32 $0x2, v8;
	v3 =	vld.idx.msk [tilespmem:v8+s2+$0x0], $0xffff;
	_ =	sdelay $0x1  }
0x14: {  	v30 =	vld.idx.msk [tilespmem:v0+s2+$0x0], $0xffff;
	v0 =	vor.u32 $0x3, v8;
	_ =	sdelay $0x1  }
0x15: {  	v2 =	vor.u32 $0x4, v8  }
0x16: {  	v55 =	vld.idx.msk [tilespmem:v1+s2+$0x0], $0xffff;
	vm0 =	vgt.f32 v3, $-Inf  }
0x17: {  	v4 =	vor.u32 $0x5, v8;
	v1 =	vnsel vm0, $0xFF800000, v3  }
0x18: {  	v58 =	vld.idx.msk [tilespmem:v0+s2+$0x0], $0xffff;
	vm15 =	vgt.f32 v30, v1  }
0x19: {  	v0 =	vor.u32 $0x6, v8;
	vm4 =	vmneg vm15  }
0x1a: {  	v61 =	vld.idx.msk [tilespmem:v2+s2+$0x0], $0xffff;
	v5 =	vsel vm4, v1, v30  }
0x1b: {  	v2 =	vor.u32 $0x7, v8;
	vm2 =	vgt.f32 v55, v5  }
0x1c: {  	v62 =	vld.idx.msk [tilespmem:v4+s2+$0x0], $0xffff;
	v6 =	vsel vm2, v55, v5  }
0x1d: {  	v39 =	vor.u32 $0x8, v8;
	vm3 =	vgt.f32 v58, v6  }
0x1e: {  	v63 =	vld.idx.msk [tilespmem:v0+s2+$0x0], $0xffff;
	v9 =	vsel vm3, v58, v6  }
0x1f: {  	v0 =	vor.u32 $0x9, v8;
	vm5 =	vgt.f32 v61, v9  }
0x20: {  	v43 =	vld.idx.msk [tilespmem:v2+s2+$0x0], $0xffff;
	v11 =	vsel vm5, v61, v9  }
0x21: {  	v2 =	vor.u32 $0xA, v8;
	vm6 =	vgt.f32 v62, v11  }
0x22: {  	v45 =	vld.idx.msk [tilespmem:v39+s2+$0x0], $0xffff;
	v13 =	vsel vm6, v62, v11  }
0x23: {  	v44 =	vor.u32 $0xB, v8;
	vm7 =	vgt.f32 v63, v13  }
0x24: {  	v60 =	vld.idx.msk [tilespmem:v0+s2+$0x0], $0xffff;
	v17 =	vsel vm7, v63, v13  }
0x25: {  	v0 =	vor.u32 $0xC, v8;
	vm8 =	vgt.f32 v43, v17  }
0x26: {  	[tilespmem:$0x1FA40] =	vst v3;
	v3 =	vld.idx.msk [tilespmem:v2+s2+$0x0], $0xffff;
	v26 =	vsel vm8, v43, v17  }
0x27: {  	v2 =	vor.u32 $0xD, v8;
	vm9 =	vgt.f32 v45, v26  }
0x28: {  	v15 =	vld.idx.msk [tilespmem:v44+s2+$0x0], $0xffff;
	v34 =	vsel vm9, v45, v26  }
0x29: {  	v46 =	vor.u32 $0xE, v8;
	vm10 =	vgt.f32 v60, v34  }
0x2a: {  	v16 =	vld.idx.msk [tilespmem:v0+s2+$0x0], $0xffff;
	v36 =	vsel vm10, v60, v34  }
0x2b: {  	v0 =	vor.u32 $0xF, v8;
	vm11 =	vgt.f32 v3, v36  }
0x2c: {  	v47 =	vor.u32 $0x11, v8;
	v7 =	vor.u32 $0x12, v8;
	v18 =	vld.idx.msk [tilespmem:v2+s2+$0x0], $0xffff;
	v37 =	vsel vm11, v3, v36  }
0x2d: {  	v51 =	vor.u32 $0x14, v8;
	v2 =	vor.u32 $0x10, v8;
	vm12 =	vgt.f32 v15, v37  }
0x2e: {  	v12 =	vor.u32 $0x15, v8;
	v21 =	vor.u32 $0x16, v8;
	v19 =	vld.idx.msk [tilespmem:v46+s2+$0x0], $0xffff;
	v56 =	vsel vm12, v15, v37  }
0x2f: {  	v31 =	vor.u32 $0x17, v8;
	v54 =	vor.u32 $0x18, v8;
	vm13 =	vgt.f32 v16, v56  }
0x30: {  	v59 =	vor.u32 $0x19, v8;
	v44 =	vor.u32 $0x1C, v8;
	v22 =	vld.idx.msk [tilespmem:v0+s2+$0x0], $0xffff;
	v40 =	vsel vm13, v16, v56  }
0x31: {  	v4 =	vor.u32 $0x1D, v8;
	v39 =	vor.u32 $0x1E, v8;
	vm0 =	vgt.f32 v18, v40  }
0x32: {  	vm14 =	vlt.f32 v30, $-Inf;
	v23 =	vld.idx.msk [tilespmem:v2+s2+$0x0], $0xffff;
	v0 =	vimm.s32 $0x0;
	v49 =	vsel vm0, v18, v40  }
0x33: {  	v2 =	vor.u32 $0x13, v8;
	v0 =	vsel vm0, $0xFFFFFFFF, v0;
	vm1 =	vgt.f32 v19, v49  }
0x34: {  	vm0 =	vgt.f32 v30, $-Inf;
	[tilespmem:$0x1F9D0] =	vst v0;
	v0 =	vimm.s32 $0x0;
	v20 =	vsel vm1, v19, v49  }
0x35: {  	v25 =	vld.idx.msk [tilespmem:v47+s2+$0x0], $0xffff;
	vm0 =	vmor vm0, vm14;
	v0 =	vsel vm1, $0xFFFFFFFF, v0;
	vm14 =	vgt.f32 v22, v20  }
0x36: {  	vm1 =	vmand vm0, vm4;
	v52 =	vnsel vm0, $0xFF800000, v30;
	v41 =	vsel vm14, v22, v20  }
0x37: {  	v28 =	vld.idx.msk [tilespmem:v7+s2+$0x0], $0xffff;
	[tilespmem:$0x1F9E0] =	vst v0;
	v10 =	vsel vm1, $0x1, v10;
	v0 =	vimm.s32 $0x0;
	vm0 =	vgt.f32 v23, v41  }
0x38: {  	v7 =	vsel vm4, v52, v1;
	v1 =	vimm.s32 $0x0;
	v0 =	vsel vm0, $0xFFFFFFFF, v0  }
0x39: {  	v32 =	vld.idx.msk [tilespmem:v2+s2+$0x0], $0xffff;
	vm4 =	vgt.f32 v55, v7;
	v24 =	vsel vm0, v23, v41;
	[tilespmem:$0x1F9F0] =	vst v0;
	v0 =	vimm.s32 $0x0  }
0x3a: {  	v7 =	vsel vm4, v55, v7;
	v14 =	vsel vm15, $0x1, v0;
	vm15 =	vgt.f32 v25, v24  }
0x3b: {  	v10 =	vsel vm4, $0x2, v10;
	v5 =	vsel vm2, v5, v7;
	v0 =	vld.idx.msk [tilespmem:v51+s2+$0x0], $0xffff;
	v27 =	vsel vm15, v25, v24  }
0x3c: {  	v7 =	vor.u32 $0x1B, v8;
	vm0 =	vgt.f32 v58, v5;
	vm4 =	vgt.f32 v28, v27  }
0x3d: {  	v42 =	vld.idx.msk [tilespmem:v12+s2+$0x0], $0xffff;
	v57 =	vsel vm0, v58, v5;
	v5 =	vor.u32 $0x1A, v8;
	v29 =	vsel vm4, v28, v27  }
0x3e: {  	v10 =	vsel vm2, v14, v10;
	v53 =	vsel vm2, $0x2, v14;
	vm2 =	vgt.f32 v32, v29  }
0x3f: {  	v50 =	vld.idx.msk [tilespmem:v21+s2+$0x0], $0xffff;
	v14 =	vsel vm3, v6, v57;
	v10 =	vsel vm0, $0x3, v10;
	v33 =	vsel vm2, v32, v29  }
0x40: {  	v51 =	vld.idx.msk [tilespmem:v31+s2+$0x0], $0xffff;
	v35 =	vsel vm3, $0x3, v53;
	v10 =	vsel vm3, v53, v10;
	vm0 =	vgt.f32 v0, v33  }
0x41: {  	v57 =	vld.idx.msk [tilespmem:v7+s2+$0x0], $0xffff;
	v7 =	vor.u32 $0x1F, v8;
	v1 =	vsel vm0, $0xFFFFFFFF, v1;
	v6 =	vsel vm0, v0, v33  }
0x42: {  	[tilespmem:$0x1FBD0] =	vst v0;
	vm0 =	vgt.f32 v61, v14;
	v0 =	vimm.s32 $0x0;
	vm3 =	vgt.f32 v42, v6  }
0x43: {  	v52 =	vld.idx.msk [tilespmem:v54+s2+$0x0], $0xffff;
	v10 =	vsel vm0, $0x4, v10;
	v14 =	vsel vm0, v61, v14;
	v46 =	vsel vm3, v42, v6  }
0x44: {  	v10 =	vsel vm5, v35, v10;
	v14 =	vsel vm5, v9, v14;
	vm0 =	vgt.f32 v50, v46  }
0x45: {  	v53 =	vld.idx.msk [tilespmem:v59+s2+$0x0], $0xffff;
	v0 =	vsel vm0, $0xFFFFFFFF, v0;
	v47 =	vsel vm0, v50, v46;
	vm0 =	vgt.f32 v62, v14  }
0x46: {  	v35 =	vsel vm5, $0x4, v35;
	vm5 =	vgt.f32 v51, v47;
	v38 =	vsel vm0, $0x5, v10  }
0x47: {  	v54 =	vld.idx.msk [tilespmem:v5+s2+$0x0], $0xffff;
	[tilespmem:$0x1FA10] =	vst v0;
	v14 =	vsel vm0, v62, v14;
	v0 =	vimm.s32 $0x0;
	v10 =	vsel vm5, v51, v47  }
0x48: {  	v48 =	vsel vm6, v35, v38;
	v14 =	vsel vm6, v11, v14;
	vm0 =	vgt.f32 v52, v10  }
0x49: {  	v0 =	vsel vm0, $0xFFFFFFFF, v0;
	v11 =	vsel vm0, v52, v10;
	vm0 =	vgt.f32 v63, v14  }
0x4a: {  	v35 =	vsel vm6, $0x5, v35;
	vm6 =	vgt.f32 v53, v11;
	v31 =	vsel vm0, $0x6, v48  }
0x4b: {  	v59 =	vld.idx.msk [tilespmem:v44+s2+$0x0], $0xffff;
	[tilespmem:$0x1FA20] =	vst v0;
	v14 =	vsel vm0, v63, v14;
	v0 =	vimm.s32 $0x0;
	v12 =	vsel vm6, v53, v11  }
0x4c: {  	v5 =	vsel vm7, v35, v31;
	v14 =	vsel vm7, v13, v14;
	vm0 =	vgt.f32 v54, v12  }
0x4d: {  	[tilespmem:$0x1FA00] =	vst v1;
	v35 =	vsel vm7, $0x6, v35;
	v0 =	vsel vm0, $0xFFFFFFFF, v0;
	v13 =	vsel vm0, v54, v12  }
0x4e: {  	v1 =	vld.idx.msk [tilespmem:v4+s2+$0x0], $0xffff;
	vm0 =	vgt.f32 v43, v14;
	[tilespmem:$0x1FA30] =	vst v0;
	vm7 =	vgt.f32 v57, v13;
	v0 =	vimm.s32 $0x0  }
0x4f: {  	[tilespmem:$0x1FAA0] =	vst v43;
	v43 =	vsel vm0, v43, v14;
	v0 =	vsel vm7, $0xFFFFFFFF, v0;
	v14 =	vsel vm7, v57, v13  }
0x50: {  	v48 =	vor.u32 $0x20, v8;
	[tilespmem:$0x1FA50] =	vst v0;
	vm7 =	vgt.f32 v59, v14;
	v0 =	vimm.s32 $0x0  }
0x51: {  	v2 =	vld.idx.msk [tilespmem:v39+s2+$0x0], $0xffff;
	v39 =	vor.u32 $0x21, v8;
	v21 =	vsel vm0, $0x7, v5;
	v0 =	vsel vm7, $0xFFFFFFFF, v0  }
0x52: {  	[tilespmem:$0x1FAB0] =	vst v45;
	v4 =	vor.u32 $0x22, v8;
	v21 =	vsel vm8, v35, v21;
	v44 =	vsel vm8, v17, v43  }
0x53: {  	[tilespmem:$0x1FA70] =	vst v1;
	v35 =	vsel vm8, $0x7, v35;
	v43 =	vld.idx.msk [tilespmem:v7+s2+$0x0], $0xffff;
	vm0 =	vgt.f32 v45, v44;
	v17 =	vsel vm7, v59, v14  }
0x54: {  	v7 =	vor.u32 $0x23, v8;
	[tilespmem:$0x1FA60] =	vst v0;
	vm8 =	vgt.f32 v1, v17;
	v0 =	vmovc v45;
	v45 =	vsel vm0, $0x8, v21  }
0x55: {  	v21 =	vsel vm8, v1, v17;
	v1 =	vld.idx.msk [tilespmem:v48+s2+$0x0], $0xffff;
	v44 =	vsel vm0, v0, v44;
	v5 =	vsel vm9, v35, v45  }
0x56: {  	vm7 =	vgt.f32 v2, v21;
	v0 =	vimm.s32 $0x0;
	v35 =	vsel vm9, $0x8, v35  }
0x57: {  	v0 =	vsel vm7, $0xFFFFFFFF, v0;
	v48 =	vsel vm9, v26, v44;
	v26 =	vsel vm7, v2, v21  }
0x58: {  	[tilespmem:$0x1FA80] =	vst v2;
	v44 =	vld.idx.msk [tilespmem:v39+s2+$0x0], $0xffff;
	v39 =	vor.u32 $0x24, v8;
	v2 =	vor.u32 $0x25, v8;
	vm9 =	vgt.f32 v43, v26  }
0x59: {  	[tilespmem:$0x1FA90] =	vst v0;
	vm7 =	vgt.f32 v60, v48;
	v0 =	vimm.s32 $0x0;
	v31 =	vsel vm9, v43, v26  }
0x5a: {  	[tilespmem:$0x1FAC0] =	vst v60;
	v38 =	vsel vm7, $0x9, v5;
	v60 =	vsel vm7, v60, v48;
	v48 =	vld.idx.msk [tilespmem:v4+s2+$0x0], $0xffff;
	vm7 =	vgt.f32 v1, v31  }
0x5b: {  	v60 =	vsel vm10, v34, v60;
	v38 =	vsel vm10, v35, v38;
	v0 =	vsel vm7, $0xFFFFFFFF, v0  }
0x5c: {  	v7 =	vld.idx.msk [tilespmem:v7+s2+$0x0], $0xffff;
	[tilespmem:$0x1FAF0] =	vst v0;
	v0 =	vsel vm10, $0x9, v35;
	v35 =	vsel vm7, v1, v31;
	vm7 =	vgt.f32 v3, v60  }
0x5d: {  	[tilespmem:$0x1FAE0] =	vst v3;
	v45 =	vor.u32 $0x26, v8;
	vm10 =	vgt.f32 v44, v35;
	v60 =	vsel vm7, v3, v60  }
0x5e: {  	[tilespmem:$0x1FAD0] =	vst v1;
	v1 =	vsel vm7, $0xA, v38;
	v38 =	vld.idx.msk [tilespmem:v39+s2+$0x0], $0xffff;
	v3 =	vsel vm10, v44, v35;
	v36 =	vsel vm11, v36, v60  }
0x5f: {  	v60 =	vimm.s32 $0x0;
	v1 =	vsel vm11, v0, v1;
	vm7 =	vgt.f32 v48, v3  }
0x60: {  	v4 =	vsel vm7, $0xFFFFFFFF, v60;
	v60 =	vsel vm11, $0xA, v0;
	v0 =	vsel vm7, v48, v3  }
0x61: {  	v34 =	vld.idx.msk [tilespmem:v2+s2+$0x0], $0xffff;
	v2 =	vor.u32 $0x28, v8;
	v39 =	vor.u32 $0x27, v8;
	[tilespmem:$0x1FB50] =	vst v3;
	vm11 =	vgt.f32 v7, v0  }
0x62: {  	vm7 =	vgt.f32 v15, v36;
	v3 =	vimm.s32 $0x0;
	[tilespmem:$0x1FB90] =	vst v0;
	v0 =	vsel vm11, v7, v0  }
0x63: {  	[tilespmem:$0x1FB00] =	vst v15;
	v1 =	vsel vm7, $0xB, v1;
	v36 =	vsel vm7, v15, v36;
	vm7 =	vgt.f32 v38, v0  }
0x64: {  	v45 =	vld.idx.msk [tilespmem:v45+s2+$0x0], $0xffff;
	[tilespmem:$0x1FBC0] =	vst v0;
	v3 =	vsel vm7, $0xFFFFFFFF, v3  }
0x65: {  	v15 =	vimm.s32 $0x0;
	[tilespmem:$0x1FBB0] =	vst v3;
	v3 =	vsel vm7, v38, v0;
	v0 =	vor.u32 $0x2A, v8  }
0x66: {  	v36 =	vsel vm12, v37, v36;
	v37 =	vor.u32 $0x29, v8;
	v1 =	vsel vm12, v60, v1  }
0x67: {  	[tilespmem:$0x1FB10] =	vst v16;
	v60 =	vsel vm12, $0xB, v60;
	v39 =	vld.idx.msk [tilespmem:v39+s2+$0x0], $0xffff;
	vm12 =	vgt.f32 v16, v36;
	vm7 =	vgt.f32 v34, v3  }
0x68: {  	[tilespmem:$0x1FB40] =	vst v4;
	v5 =	vld.idx.msk [tilespmem:v2+s2+$0x0], $0xffff;
	v36 =	vsel vm12, v16, v36;
	v4 =	vsel vm7, $0xFFFFFFFF, v15;
	v2 =	vsel vm7, v34, v3  }
0x69: {  	v1 =	vsel vm12, $0xC, v1;
	v36 =	vsel vm13, v56, v36;
	[tilespmem:$0x1FBE0] =	vst v4;
	vm12 =	vgt.f32 v45, v2  }
0x6a: {  	v56 =	vor.u32 $0x2B, v8;
	[tilespmem:$0x1FC10] =	vst v2;
	v16 =	vsel vm12, v45, v2;
	v2 =	vor.u32 $0x2C, v8;
	v4 =	vld.idx.msk [tilespmem:v0+s2+$0x0], $0xffff  }
0x6b: {  	v1 =	vsel vm13, v60, v1;
	v60 =	vsel vm13, $0xC, v60;
	[tilespmem:$0x1FBF0] =	vst v3;
	v3 =	vimm.s32 $0x0;
	v0 =	vld [tilespmem:$0x1F9D0]  }
0x6c: {  	[tilespmem:$0x1FB80] =	vst v7;
	vm13 =	vgt.f32 v18, v36;
	v3 =	vsel vm12, $0xFFFFFFFF, v3;
	vm7 =	vgt.f32 v39, v16  }
0x6d: {  	v37 =	vld.idx.msk [tilespmem:v37+s2+$0x0], $0xffff;
	v1 =	vsel vm13, $0xD, v1;
	[tilespmem:$0x1FC00] =	vst v3;
	v3 =	vimm.s32 $0x0;
	v9 =	vsel vm7, v39, v16  }
0x6e: {  	[tilespmem:$0x1FC40] =	vst v5;
	v36 =	vsel vm13, v18, v36;
	v3 =	vsel vm7, $0xFFFFFFFF, v3;
	vm13 =	vgt.f32 v5, v9  }
0x6f: {  	[tilespmem:$0x1FC20] =	vst v3;
	v3 =	vimm.s32 $0x0;
	v7 =	vsel vm13, v5, v9;
	v5 =	vld.idx.msk [tilespmem:v2+s2+$0x0], $0xffff  }
0x70: {  	v3 =	vsel vm13, $0xFFFFFFFF, v3;
	v2 =	vld [tilespmem:$0x1F9E0];
	vm12 =	vnez.u8 v0  }
0x71: {  	v15 =	vor.u32 $0x2D, v8;
	[tilespmem:$0x1FC50] =	vst v3;
	v3 =	vimm.s32 $0x0;
	v0 =	vsel vm12, v40, v36  }
0x72: {  	[tilespmem:$0x1FB30] =	vst v19;
	v1 =	vsel vm12, v60, v1;
	v60 =	vsel vm12, $0xD, v60;
	v40 =	vld.idx.msk [tilespmem:v56+s2+$0x0], $0xffff;
	vm12 =	vgt.f32 v37, v7  }
0x73: {  	[tilespmem:$0x1FC30] =	vst v16;
	v16 =	vor.u32 $0x2E, v8;
	vm7 =	vgt.f32 v19, v0;
	v3 =	vsel vm12, $0xFFFFFFFF, v3  }
0x74: {  	[tilespmem:$0x1FC70] =	vst v3;
	v1 =	vsel vm7, $0xE, v1;
	v3 =	vsel vm12, v37, v7  }
0x75: {  	[tilespmem:$0x1FB20] =	vst v18;
	v0 =	vsel vm7, v19, v0;
	vm13 =	vnez.u8 v2;
	vm7 =	vgt.f32 v4, v3  }
0x76: {  	[tilespmem:$0x1FCB0] =	vst v3;
	v0 =	vsel vm13, v49, v0;
	v49 =	vld.idx.msk [tilespmem:v15+s2+$0x0], $0xffff;
	v3 =	vsel vm7, v4, v3  }
0x77: {  	[tilespmem:$0x1FC60] =	vst v9;
	v1 =	vsel vm13, v60, v1;
	v60 =	vsel vm13, $0xE, v60;
	vm13 =	vgt.f32 v40, v3  }
0x78: {  	v18 =	vimm.s32 $0x0;
	[tilespmem:$0x1FC80] =	vst v7;
	v56 =	vld.idx.msk [tilespmem:v16+s2+$0x0], $0xffff;
	v16 =	vimm.s32 $0x0;
	v15 =	vsel vm13, v40, v3  }
0x79: {  	[tilespmem:$0x1FC90] =	vst v4;
	v19 =	vimm.s32 $0x0;
	v7 =	vsel vm7, $0xFFFFFFFF, v18;
	vm7 =	vgt.f32 v5, v15  }
0x7a: {  	v2 =	vor.u32 $0x2F, v8;
	[tilespmem:$0x1FCE0] =	vst v5;
	v4 =	vsel vm13, $0xFFFFFFFF, v19;
	v9 =	vsel vm7, v5, v15  }
0x7b: {  	[tilespmem:$0x1FCC0] =	vst v4;
	v4 =	vsel vm7, $0xFFFFFFFF, v16;
	vm7 =	vgt.f32 v49, v9  }
0x7c: {  	v36 =	vor.u32 $0x30, v8;
	[tilespmem:$0x1FD10] =	vst v9;
	v5 =	vsel vm7, v49, v9;
	v9 =	vld [tilespmem:$0x1F9F0]  }
0x7d: {  	vm12 =	vgt.f32 v22, v0  }
0x7e: {  	[tilespmem:$0x1FCD0] =	vst v3;
	v1 =	vsel vm12, $0xF, v1;
	v0 =	vsel vm12, v22, v0;
	v3 =	vor.u32 $0x31, v8  }
0x7f: {  	v0 =	vsel vm14, v20, v0;
	v1 =	vsel vm14, v60, v1;
	v18 =	vld.idx.msk [tilespmem:v2+s2+$0x0], $0xffff  }
0x80: {  	v60 =	vsel vm14, $0xF, v60;
	v2 =	vor.u32 $0x32, v8;
	vm12 =	vgt.f32 v23, v0  }
0x81: {  	v19 =	vld.idx.msk [tilespmem:v36+s2+$0x0], $0xffff;
	vm14 =	vgt.f32 v56, v5;
	vm13 =	vnez.u8 v9;
	v9 =	vimm.s32 $0x0  }
0x82: {  	v20 =	vor.u32 $0x33, v8;
	v0 =	vsel vm12, v23, v0;
	v9 =	vsel vm14, $0xFFFFFFFF, v9  }
0x83: {  	v0 =	vsel vm13, v41, v0;
	v41 =	vld.idx.msk [tilespmem:v3+s2+$0x0], $0xffff;
	[tilespmem:$0x1FD30] =	vst v9;
	v9 =	vsel vm14, v56, v5  }
0x84: {  	[tilespmem:$0x1FB60] =	vst v22;
	v1 =	vsel vm12, $0x10, v1;
	vm14 =	vgt.f32 v18, v9  }
0x85: {  	v22 =	vor.u32 $0x34, v8;
	[tilespmem:$0x1FD00] =	vst v15;
	v1 =	vsel vm13, v60, v1;
	v3 =	vld.idx.msk [tilespmem:v2+s2+$0x0], $0xffff;
	v2 =	vsel vm14, v18, v9  }
0x86: {  	v60 =	vsel vm13, $0x10, v60;
	vm0 =	vgt.f32 v25, v0;
	[tilespmem:$0x1FD50] =	vst v9;
	vm13 =	vgt.f32 v19, v2  }
0x87: {  	v15 =	vsel vm15, $0x11, v60;
	v0 =	vsel vm0, v25, v0;
	v9 =	vld.idx.msk [tilespmem:v20+s2+$0x0], $0xffff;
	[tilespmem:$0x1FD70] =	vst v2;
	v2 =	vsel vm13, v19, v2  }
0x88: {  	v1 =	vsel vm0, $0x11, v1;
	v0 =	vsel vm15, v24, v0;
	vm12 =	vgt.f32 v41, v2  }
0x89: {  	v1 =	vsel vm15, v60, v1;
	vm0 =	vgt.f32 v28, v0;
	v24 =	vsel vm12, v41, v2  }
0x8a: {  	v22 =	vld.idx.msk [tilespmem:v22+s2+$0x0], $0xffff;
	v1 =	vsel vm0, $0x12, v1;
	v0 =	vsel vm0, v28, v0;
	vm15 =	vgt.f32 v3, v24  }
0x8b: {  	[tilespmem:$0x1FD80] =	vst v2;
	v0 =	vsel vm4, v27, v0;
	v2 =	vsel vm4, v15, v1;
	v1 =	vsel vm15, v3, v24  }
0x8c: {  	[tilespmem:$0x1FD90] =	vst v3;
	v15 =	vsel vm4, $0x12, v15;
	v3 =	vimm.s32 $0x0;
	vm4 =	vgt.f32 v9, v1  }
0x8d: {  	[tilespmem:$0x1FCF0] =	vst v4;
	v4 =	vor.u32 $0x35, v8;
	vm0 =	vgt.f32 v32, v0;
	v3 =	vsel vm4, $0xFFFFFFFF, v3  }
0x8e: {  	[tilespmem:$0x1FF40] =	vst v3;
	v3 =	vsel vm0, $0x13, v2;
	v2 =	vsel vm0, v32, v0;
	v0 =	vsel vm4, v9, v1  }
0x8f: {  	[tilespmem:$0x1FDC0] =	vst v1;
	v1 =	vsel vm2, v29, v2;
	vm4 =	vgt.f32 v22, v0;
	v2 =	vimm.s32 $0x0  }
0x90: {  	v60 =	vor.u32 $0x36, v8;
	[tilespmem:$0x1FDF0] =	vst v0;
	v2 =	vsel vm4, $0xFFFFFFFF, v2  }
0x91: {  	[tilespmem:$0x1FDE0] =	vst v2;
	v2 =	vsel vm4, v22, v0;
	v0 =	vld [tilespmem:$0x1FBD0];
	_ =	sdelay $0x1  }
0x92: {  	[tilespmem:$0x1FB70] =	vst v25;
	v25 =	vor.u32 $0x37, v8;
	v27 =	vld.idx.msk [tilespmem:v4+s2+$0x0], $0xffff;
	_ =	sdelay $0x1  }
0x93: {  	[tilespmem:$0x1FCA0] =	vst v7;
	v7 =	vld.idx.msk [tilespmem:v60+s2+$0x0], $0xffff  }
0x94: {  	[tilespmem:$0x1FBA0] =	vst v28;
	v28 =	vor.u32 $0x38, v8;
	vm0 =	vgt.f32 v0, v1  }
0x95: {  	[tilespmem:$0x1FDD0] =	vst v22;
	v0 =	vsel vm0, v0, v1;
	v1 =	vld [tilespmem:$0x1FA00]  }
0x96: {  	[tilespmem:$0x1FDB0] =	vst v9;
	v9 =	vld.idx.msk [tilespmem:v25+s2+$0x0], $0xffff;
	v3 =	vsel vm2, v15, v3;
	vm4 =	vgt.f32 v27, v2  }
0x97: {  	[tilespmem:$0x1FDA0] =	vst v24;
	v22 =	vimm.s32 $0x0;
	v24 =	vsel vm0, $0x14, v3;
	v3 =	vsel vm4, v27, v2  }
0x98: {  	[tilespmem:$0x1FD20] =	vst v5;
	v29 =	vor.u32 $0x39, v8;
	v5 =	vsel vm4, $0xFFFFFFFF, v22;
	vm4 =	vgt.f32 v7, v3  }
0x99: {  	[tilespmem:$0x1FD60] =	vst v19;
	v16 =	vld.idx.msk [tilespmem:v28+s2+$0x0], $0xffff;
	v15 =	vsel vm2, $0x13, v15;
	v28 =	vsel vm4, v7, v3  }
0x9a: {  	[tilespmem:$0x1FE50] =	vst v3;
	v3 =	vimm.s32 $0x0;
	vm2 =	vnez.u8 v1;
	v1 =	vimm.s32 $0x0  }
0x9b: {  	[tilespmem:$0x1FE20] =	vst v2;
	v0 =	vsel vm2, v33, v0;
	v1 =	vsel vm4, $0xFFFFFFFF, v1;
	vm4 =	vgt.f32 v9, v28  }
0x9c: {  	[tilespmem:$0x1FFA0] =	vst v1;
	v1 =	vsel vm2, v15, v24;
	vm0 =	vgt.f32 v42, v0;
	v3 =	vsel vm4, $0xFFFFFFFF, v3  }
0x9d: {  	v2 =	vld.idx.msk [tilespmem:v29+s2+$0x0], $0xffff;
	v19 =	vsel vm4, v9, v28;
	[tilespmem:$0x1FE70] =	vst v3;
	v3 =	vsel vm0, $0x15, v1;
	v0 =	vsel vm0, v42, v0  }
0x9e: {  	vm4 =	vgt.f32 v16, v19;
	v1 =	vsel vm3, v6, v0;
	v0 =	vimm.s32 $0x0  }
0x9f: {  	v20 =	vor.u32 $0x3A, v8;
	v0 =	vsel vm4, $0xFFFFFFFF, v0;
	_ =	sdelay $0x1  }
0xa0: {  	v25 =	vor.u32 $0x3B, v8;
	[tilespmem:$0x1FE60] =	vst v16;
	v16 =	vsel vm4, v16, v19  }
0xa1: {  	vm4 =	vgt.f32 v2, v16;
	[tilespmem:$0x1FFE0] =	vst v0;
	v0 =	vmov v2  }
0xa2: {  	[tilespmem:$0x1FE00] =	vst v27;
	v22 =	vsel vm4, v0, v16;
	v0 =	vld [tilespmem:$0x1FA10]  }
0xa3: {  	[tilespmem:$0x1FE40] =	vst v9;
	v29 =	vor.u32 $0x3C, v8;
	v27 =	vsel vm2, $0x14, v15;
	v33 =	vld.idx.msk [tilespmem:v20+s2+$0x0], $0xffff  }
0xa4: {  	[tilespmem:$0x1FE10] =	vst v5;
	v20 =	vor.u32 $0x3D, v8;
	v5 =	vsel vm3, $0x15, v27;
	v9 =	vor.u32 $0x3E, v8  }
0xa5: {  	v60 =	vld.idx.msk [tilespmem:v25+s2+$0x0], $0xffff;
	[tilespmem:$0x1FE90] =	vst v2;
	v24 =	vor.u32 $0x3F, v8;
	v3 =	vsel vm3, v27, v3;
	v2 =	vimm.s32 $0x0  }
0xa6: {  	[tilespmem:$0x1FE80] =	vst v28;
	v28 =	vimm.s32 $0x0;
	vm0 =	vgt.f32 v50, v1;
	v2 =	vsel vm4, $0xFFFFFFFF, v2  }
0xa7: {  	v27 =	vld [tilespmem:$0x1FA20];
	v1 =	vsel vm0, v50, v1;
	[tilespmem:$0x1FEC0] =	vst v2;
	v2 =	vsel vm0, $0x16, v3;
	vm2 =	vnez.u8 v0  }
0xa8: {  	v36 =	vld.idx.msk [tilespmem:v29+s2+$0x0], $0xffff;
	v3 =	vmovc v33;
	vm4 =	vgt.f32 v33, v22;
	v0 =	vsel vm2, v46, v1;
	v1 =	vimm.s32 $0x0  }
0xa9: {  	v6 =	vsel vm4, v3, v22;
	v3 =	vsel vm2, $0x16, v5;
	v1 =	vsel vm4, $0xFFFFFFFF, v1  }
0xaa: {  	vm0 =	vgt.f32 v51, v0;
	vm4 =	vgt.f32 v60, v6;
	[tilespmem:$0x1FEE0] =	vst v1;
	v1 =	vsel vm2, v5, v2  }
0xab: {  	v15 =	vld.idx.msk [tilespmem:v20+s2+$0x0], $0xffff;
	v0 =	vsel vm0, v51, v0;
	v2 =	vimm.s32 $0x0;
	v25 =	vsel vm4, v60, v6  }
0xac: {  	vm2 =	vnez.u8 v27;
	v2 =	vsel vm4, $0xFFFFFFFF, v2;
	v1 =	vsel vm0, $0x17, v1  }
0xad: {  	v9 =	vld.idx.msk [tilespmem:v9+s2+$0x0], $0xffff;
	v0 =	vsel vm5, v47, v0;
	vm1 =	vgt.f32 v36, v25;
	[tilespmem:$0x1FF00] =	vst v2;
	v2 =	vimm.s32 $0x0  }
0xae: {  	[tilespmem:$0x1FE30] =	vst v7;
	v1 =	vsel vm5, v3, v1;
	vm4 =	vgt.f32 v52, v0;
	v2 =	vsel vm1, $0xFFFFFFFF, v2  }
0xaf: {  	v7 =	vld.idx.msk [tilespmem:v24+s2+$0x0], $0xffff;
	v0 =	vsel vm4, v52, v0;
	[tilespmem:$0x1FF20] =	vst v2;
	v2 =	vsel vm5, $0x17, v3;
	v3 =	vsel vm1, v36, v25  }
0xb0: {  	v1 =	vsel vm4, $0x18, v1;
	v0 =	vsel vm2, v10, v0;
	vm4 =	vgt.f32 v15, v3  }
0xb1: {  	vm5 =	vgt.f32 v53, v0;
	v4 =	vsel vm4, $0xFFFFFFFF, v28;
	v29 =	vsel vm4, v15, v3  }
0xb2: {  	[tilespmem:$0x1FF60] =	vst v3;
	v0 =	vsel vm5, v53, v0;
	v3 =	vimm.s32 $0x0;
	vm4 =	vgt.f32 v9, v29  }
0xb3: {  	v0 =	vsel vm6, v11, v0;
	v3 =	vsel vm4, $0xFFFFFFFF, v3;
	v11 =	vsel vm4, v9, v29  }
0xb4: {  	[tilespmem:$0x1FF80] =	vst v3;
	vm1 =	vgt.f32 v7, v11;
	v3 =	vimm.s32 $0x0  }
0xb5: {  	v3 =	vsel vm1, $0xFFFFFFFF, v3  }
0xb6: {  	[tilespmem:$0x1FFB0] =	vst v3;
	v3 =	vld [tilespmem:$0x1FA30];
	_ =	sdelay $0x2  }
0xb7: {  	v1 =	vsel vm2, v2, v1  }
0xb8: {  	v2 =	vsel vm2, $0x18, v2;
	v1 =	vsel vm5, $0x19, v1  }
0xb9: {  	v1 =	vsel vm6, v2, v1;
	v2 =	vsel vm6, $0x19, v2;
	vm6 =	vnez.u8 v3;
	v3 =	vld [tilespmem:$0x1FA40];
	_ =	sdelay $0x3  }
0xba: {  	[tilespmem:$0x1FEA0] =	vst v33;
	v33 =	vld [tilespmem:$0x1FA50];
	v8 =	vsel vm1, v7, v11  }
0xbb: {  	[tilespmem:$0x1FF90] =	vst v29;
	vm5 =	vgt.f32 v54, v0;
	v29 =	vld [tilespmem:$0x1FB10];
	v3 =	vsub.f32 v3, v8  }
0xbc: {  	v0 =	vsel vm5, v54, v0  }
0xbd: {  	v46 =	vsub.f32 v30, v8;
	v47 =	vsub.f32 v55, v8;
	v55 =	vld [tilespmem:$0x1FA60];
	v3 =	vmul.f32 $1.442695020e+00, v3  }
0xbe: {  	v1 =	vsel vm5, $0x1A, v1;
	v58 =	vsub.f32 v58, v8;
	v61 =	vsub.f32 v61, v8  }
0xbf: {  	v62 =	vsub.f32 v62, v8;
	(erf) = vpow2.f32 v3;
	v3 =	vmul.f32 $1.442695020e+00, v46  }
0xc0: {  	[tilespmem:$0x1FF10] =	vst v6;
	vm5 =	vnez.u8 v33;
	v53 =	vsub.f32 v53, v8;
	v6 =	vsub.f32 v29, v8  }
0xc1: {  	v0 =	vsel vm6, v12, v0;
	(erf) = vpow2.f32 v3;
	v3 =	vmul.f32 $1.442695020e+00, v47  }
0xc2: {  	vm2 =	vnez.u8 v55;
	v1 =	vsel vm6, v2, v1;
	vm4 =	vgt.f32 v57, v0  }
0xc3: {  	[tilespmem:$0x1FD40] =	vst v18;
	v18 =	vld [tilespmem:$0x1FA70];
	v0 =	vsel vm4, v57, v0;
	(erf) = vpow2.f32 v3;
	v3 =	vmul.f32 $1.442695020e+00, v58  }
0xc4: {  	v2 =	vsel vm6, $0x1A, v2;
	v1 =	vsel vm4, $0x1B, v1;
	v0 =	vsel vm5, v13, v0  }
0xc5: {  	vm6 =	vgt.f32 v59, v0;
	(erf) = vpow2.f32 v3;
	v3 =	vmul.f32 $1.442695020e+00, v61  }
0xc6: {  	v12 =	vld [tilespmem:$0x1FA80];
	v1 =	vsel vm5, v2, v1;
	v2 =	vsel vm5, $0x1B, v2;
	v0 =	vsel vm6, v59, v0  }
0xc7: {  	v0 =	vsel vm2, v14, v0;
	v14 =	vld [tilespmem:$0x1FA90];
	(erf) = vpow2.f32 v3;
	v3 =	vmul.f32 $1.442695020e+00, v62  }
0xc8: {  	v13 =	vsub.f32 v63, v8;
	v63 =	vsub.f32 v23, v8;
	vm4 =	vgt.f32 v18, v0  }
0xc9: {  	[tilespmem:$0x1FED0] =	vst v16;
	v1 =	vsel vm6, $0x1C, v1;
	v0 =	vsel vm4, v18, v0;
	v16 =	vpop (erf);
	(erf) = vpow2.f32 v3;
	v3 =	vld [tilespmem:$0x1FAA0]  }
0xca: {  	[tilespmem:$0x1FEB0] =	vst v19;
	v5 =	vmul.f32 $1.442695020e+00, v13;
	v1 =	vsel vm2, v2, v1;
	v0 =	vsel vm8, v17, v0  }
0xcb: {  	v19 =	vld [tilespmem:$0x1FAB0];
	[tilespmem:$0x1FF50] =	vst v4;
	v2 =	vsel vm2, $0x1C, v2;
	vm5 =	vgt.f32 v12, v0;
	v4 =	vadd.f32 $0.0e+00, v16  }
0xcc: {  	v1 =	vsel vm4, $0x1D, v1;
	v0 =	vsel vm5, v12, v0;
	vm6 =	vnez.u8 v14;
	v17 =	vpop (erf)  }
0xcd: {  	v1 =	vsel vm8, v2, v1;
	v0 =	vsel vm6, v21, v0;
	v21 =	vld [tilespmem:$0x1FAC0];
	v4 =	vadd.f32 v4, v17  }
0xce: {  	v2 =	vsel vm8, $0x1D, v2;
	(erf) = vpow2.f32 v5;
	v20 =	vpop (erf);
	v3 =	vsub.f32 v3, v8  }
0xcf: {  	v24 =	vld [tilespmem:$0x1FAE0];
	v1 =	vsel vm5, $0x1E, v1;
	vm8 =	vgt.f32 v43, v0;
	v4 =	vadd.f32 v4, v20  }
0xd0: {  	[tilespmem:$0x1FEF0] =	vst v22;
	v27 =	vld [tilespmem:$0x1FB00];
	v0 =	vsel vm8, v43, v0;
	v5 =	vsub.f32 v19, v8;
	v22 =	vpop (erf);
	v3 =	vmul.f32 $1.442695020e+00, v3  }
0xd1: {  	v1 =	vsel vm6, v2, v1;
	v0 =	vsel vm9, v26, v0;
	v26 =	vld [tilespmem:$0x1FAF0];
	v4 =	vadd.f32 v4, v22  }
0xd2: {  	(erf) = vpow2.f32 v3;
	v3 =	vmul.f32 $1.442695020e+00, v5;
	v5 =	vsub.f32 v21, v8;
	v21 =	vld [tilespmem:$0x1FAD0]  }
0xd3: {  	[tilespmem:$0x1FF30] =	vst v25;
	v55 =	vld [tilespmem:$0x1FB40];
	v23 =	vsub.f32 v32, v8;
	v2 =	vsel vm6, $0x1E, v2;
	v1 =	vsel vm8, $0x1F, v1;
	v25 =	vpop (erf)  }
0xd4: {  	v4 =	vadd.f32 v4, v25;
	(erf) = vpow2.f32 v3;
	v3 =	vmul.f32 $1.442695020e+00, v5  }
0xd5: {  	v46 =	vld [tilespmem:$0x1FB30];
	v1 =	vsel vm9, v2, v1;
	v2 =	vsel vm9, $0x1F, v2;
	v28 =	vpop (erf);
	v5 =	vsub.f32 v24, v8  }
0xd6: {  	v14 =	vld [tilespmem:$0x1FB70];
	vm4 =	vnez.u8 v26;
	v4 =	vadd.f32 v4, v28;
	(erf) = vpow2.f32 v3  }
0xd7: {  	v26 =	vld [tilespmem:$0x1FBB0];
	v30 =	vpop (erf);
	v3 =	vmul.f32 $1.442695020e+00, v5;
	v5 =	vsub.f32 v27, v8;
	vm9 =	vgt.f32 v21, v0  }
0xd8: {  	vm8 =	vnez.u8 v55;
	v4 =	vadd.f32 v4, v30;
	v1 =	vsel vm9, $0x20, v1  }
0xd9: {  	v0 =	vsel vm9, v21, v0;
	(erf) = vpow2.f32 v3;
	v3 =	vmul.f32 $1.442695020e+00, v5  }
0xda: {  	v5 =	vsub.f32 v46, v8;
	v0 =	vsel vm4, v31, v0;
	v1 =	vsel vm4, v2, v1  }
0xdb: {  	v2 =	vsel vm4, $0x20, v2;
	v31 =	vmul.f32 $1.442695020e+00, v6;
	(erf) = vpow2.f32 v3;
	v3 =	vld [tilespmem:$0x1FB20]  }
0xdc: {  	v30 =	vld [tilespmem:$0x1FBE0];
	v6 =	vsub.f32 v14, v8;
	vm4 =	vnez.u8 v26;
	vm5 =	vgt.f32 v44, v0  }
0xdd: {  	v1 =	vsel vm5, $0x21, v1;
	v0 =	vsel vm5, v44, v0;
	v33 =	vpop (erf);
	(erf) = vpow2.f32 v31  }
0xde: {  	v58 =	vld [tilespmem:$0x1FB50];
	v17 =	vmul.f32 $1.442695020e+00, v6;
	v0 =	vsel vm10, v35, v0;
	v4 =	vadd.f32 v4, v33  }
0xdf: {  	v61 =	vld [tilespmem:$0x1FB60];
	v1 =	vsel vm10, v2, v1;
	v2 =	vsel vm10, $0x21, v2;
	v33 =	vsub.f32 v50, v8;
	v47 =	vpop (erf)  }
0xe0: {  	vm6 =	vgt.f32 v48, v0;
	v4 =	vadd.f32 v4, v47;
	v3 =	vsub.f32 v3, v8  }
0xe1: {  	v20 =	vld [tilespmem:$0x1FB80];
	v0 =	vsel vm6, v48, v0;
	v1 =	vsel vm6, $0x22, v1;
	vm6 =	vnez.u8 v30  }
0xe2: {  	v47 =	vsub.f32 v51, v8;
	v51 =	vsub.f32 v52, v8;
	v3 =	vmul.f32 $1.442695020e+00, v3  }
0xe3: {  	v30 =	vsub.f32 v43, v8;
	v43 =	vsub.f32 v44, v8;
	v0 =	vsel vm8, v58, v0  }
0xe4: {  	v19 =	vld [tilespmem:$0x1FB90];
	v62 =	vpop (erf);
	(erf) = vpow2.f32 v3;
	v3 =	vmul.f32 $1.442695020e+00, v5;
	v5 =	vsub.f32 v61, v8  }
0xe5: {  	v55 =	vld [tilespmem:$0x1FC20];
	v1 =	vsel vm8, v2, v1;
	v2 =	vsel vm8, $0x22, v2;
	v4 =	vadd.f32 v4, v62  }
0xe6: {  	vm9 =	vgt.f32 v20, v0;
	(erf) = vpow2.f32 v3;
	v3 =	vmul.f32 $1.442695020e+00, v5  }
0xe7: {  	v6 =	vmul.f32 $1.442695020e+00, v30;
	v44 =	vmul.f32 $1.442695020e+00, v43;
	v1 =	vsel vm9, $0x23, v1  }
0xe8: {  	v27 =	vld [tilespmem:$0x1FBC0];
	v13 =	vpop (erf);
	v0 =	vsel vm9, v20, v0;
	(erf) = vpow2.f32 v3;
	v3 =	vmul.f32 $1.442695020e+00, v63  }
0xe9: {  	v28 =	vld [tilespmem:$0x1FBD0];
	v4 =	vadd.f32 v4, v13;
	v0 =	vsel vm11, v19, v0;
	v1 =	vsel vm11, v2, v1  }
0xea: {  	v2 =	vsel vm11, $0x23, v2;
	vm11 =	vnez.u8 v55;
	v16 =	vpop (erf);
	(erf) = vpow2.f32 v3;
	v3 =	vld [tilespmem:$0x1FBA0]  }
0xeb: {  	v19 =	vsub.f32 v59, v8;
	v59 =	vsub.f32 v34, v8;
	vm10 =	vgt.f32 v38, v0  }
0xec: {  	v61 =	vmul.f32 $1.442695020e+00, v53;
	v53 =	vsub.f32 v20, v8;
	v0 =	vsel vm10, v38, v0  }
0xed: {  	v13 =	vld [tilespmem:$0x1FC50];
	v4 =	vadd.f32 v4, v16;
	v1 =	vsel vm10, $0x24, v1;
	v0 =	vsel vm4, v27, v0  }
0xee: {  	v5 =	vsub.f32 v28, v8;
	v1 =	vsel vm4, v2, v1;
	v2 =	vsel vm4, $0x24, v2  }
0xef: {  	v31 =	vld [tilespmem:$0x1FBF0];
	v22 =	vpop (erf);
	v27 =	vsub.f32 v12, v8;
	vm5 =	vgt.f32 v34, v0;
	v3 =	vsub.f32 v3, v8  }
0xf0: {  	v55 =	vmul.f32 $1.442695020e+00, v53;
	v4 =	vadd.f32 v4, v22;
	v0 =	vsel vm5, v34, v0  }
0xf1: {  	v1 =	vsel vm5, $0x25, v1;
	(erf) = vpow2.f32 v17;
	v3 =	vmul.f32 $1.442695020e+00, v3  }
0xf2: {  	v63 =	vsub.f32 v57, v8;
	vm5 =	vnez.u8 v13;
	v57 =	vsub.f32 v38, v8;
	v24 =	vpop (erf)  }
0xf3: {  	v4 =	vadd.f32 v4, v24;
	(erf) = vpow2.f32 v3;
	v3 =	vmul.f32 $1.442695020e+00, v23  }
0xf4: {  	v14 =	vld [tilespmem:$0x1FC40];
	v38 =	vsub.f32 v40, v8;
	v0 =	vsel vm6, v31, v0;
	v1 =	vsel vm6, v2, v1;
	v25 =	vpop (erf)  }
0xf5: {  	v4 =	vadd.f32 v4, v25;
	v25 =	vld [tilespmem:$0x1FC70];
	(erf) = vpow2.f32 v3;
	v3 =	vmul.f32 $1.442695020e+00, v5  }
0xf6: {  	v2 =	vsel vm6, $0x25, v2;
	v31 =	vsub.f32 v21, v8;
	vm8 =	vgt.f32 v45, v0;
	v29 =	vpop (erf)  }
0xf7: {  	v4 =	vadd.f32 v4, v29;
	(erf) = vpow2.f32 v3;
	v3 =	vsub.f32 v42, v8;
	v42 =	vld [tilespmem:$0x1FC00]  }
0xf8: {  	v46 =	vld [tilespmem:$0x1FC10];
	v21 =	vsub.f32 v45, v8;
	v0 =	vsel vm8, v45, v0;
	v1 =	vsel vm8, $0x26, v1;
	v32 =	vpop (erf)  }
0xf9: {  	v29 =	vmul.f32 $1.442695020e+00, v27;
	v23 =	vsub.f32 v18, v8;
	v4 =	vadd.f32 v4, v32  }
0xfa: {  	v27 =	vsub.f32 v14, v8;
	v35 =	vpop (erf);
	vm8 =	vnez.u8 v25;
	v3 =	vmul.f32 $1.442695020e+00, v3  }
0xfb: {  	v5 =	vmul.f32 $1.442695020e+00, v23;
	v23 =	vmul.f32 $1.442695020e+00, v21;
	v4 =	vadd.f32 v4, v35  }
0xfc: {  	v58 =	vld [tilespmem:$0x1FC30];
	(erf) = vpow2.f32 v3;
	v3 =	vmul.f32 $1.442695020e+00, v33;
	vm9 =	vnez.u8 v42;
	v50 =	vpop (erf)  }
0xfd: {  	v33 =	vld [tilespmem:$0x1FCA0];
	v0 =	vsel vm9, v46, v0;
	v1 =	vsel vm9, v2, v1;
	v4 =	vadd.f32 v4, v50  }
0xfe: {  	v2 =	vsel vm9, $0x26, v2;
	(erf) = vpow2.f32 v3;
	v3 =	vmul.f32 $1.442695020e+00, v47;
	v52 =	vpop (erf)  }
0xff: {  	v46 =	vsub.f32 v48, v8;
	vm10 =	vgt.f32 v39, v0;
	v4 =	vadd.f32 v4, v52  }
0x100: {  	v50 =	vld [tilespmem:$0x1FCC0];
	(erf) = vpow2.f32 v3;
	v0 =	vsel vm10, v39, v0;
	v3 =	vmul.f32 $1.442695020e+00, v51  }
0x101: {  	v16 =	vld [tilespmem:$0x1FC60];
	v1 =	vsel vm10, $0x27, v1;
	v48 =	vmul.f32 $1.442695020e+00, v46;
	v0 =	vsel vm11, v58, v0  }
0x102: {  	v1 =	vsel vm11, v2, v1;
	v2 =	vsel vm11, $0x27, v2;
	vm10 =	vnez.u8 v33  }
0x103: {  	v26 =	vld [tilespmem:$0x1FC80];
	v62 =	vpop (erf);
	(erf) = vpow2.f32 v3;
	v3 =	vsub.f32 v54, v8;
	vm4 =	vgt.f32 v14, v0  }
0x104: {  	v58 =	vld [tilespmem:$0x1FCE0];
	v4 =	vadd.f32 v4, v62;
	(erf) = vpow2.f32 v61;
	v0 =	vsel vm4, v14, v0  }
0x105: {  	v62 =	vld [tilespmem:$0x1FCF0];
	v1 =	vsel vm4, $0x28, v1;
	vm3 =	vnez.u8 v50;
	v3 =	vmul.f32 $1.442695020e+00, v3  }
0x106: {  	v12 =	vld [tilespmem:$0x1FC90];
	v0 =	vsel vm5, v16, v0;
	v1 =	vsel vm5, v2, v1;
	v2 =	vsel vm5, $0x28, v2;
	v17 =	vpop (erf)  }
0x107: {  	vm6 =	vgt.f32 v37, v0;
	v4 =	vadd.f32 v4, v17;
	(erf) = vpow2.f32 v3  }
0x108: {  	v33 =	vld [tilespmem:$0x1FD30];
	v3 =	vmul.f32 $1.442695020e+00, v63;
	v0 =	vsel vm6, v37, v0;
	v1 =	vsel vm6, $0x29, v1  }
0x109: {  	v35 =	vld [tilespmem:$0x1FCB0];
	v43 =	vsub.f32 v58, v8;
	v0 =	vsel vm8, v26, v0;
	v1 =	vsel vm8, v2, v1  }
0x10a: {  	v22 =	vpop (erf);
	v2 =	vsel vm8, $0x29, v2;
	vm5 =	vnez.u8 v62;
	v62 =	vsub.f32 v41, v8  }
0x10b: {  	v4 =	vadd.f32 v4, v22;
	(erf) = vpow2.f32 v3;
	vm9 =	vgt.f32 v12, v0  }
0x10c: {  	v3 =	vmul.f32 $1.442695020e+00, v19;
	v46 =	vmul.f32 $1.442695020e+00, v43;
	v24 =	vpop (erf);
	v1 =	vsel vm9, $0x2A, v1  }
0x10d: {  	v51 =	vld [tilespmem:$0x1FCD0];
	v0 =	vsel vm9, v12, v0;
	vm9 =	vnez.u8 v33;
	v4 =	vadd.f32 v4, v24  }
0x10e: {  	(erf) = vpow2.f32 v3;
	v0 =	vsel vm10, v35, v0;
	v1 =	vsel vm10, v2, v1  }
0x10f: {  	v2 =	vsel vm10, $0x2A, v2;
	v24 =	vsub.f32 v39, v8;
	vm11 =	vgt.f32 v40, v0  }
0x110: {  	v3 =	vpop (erf);
	(erf) = vpow2.f32 v5;
	v1 =	vsel vm11, $0x2B, v1;
	v0 =	vsel vm11, v40, v0  }
0x111: {  	v26 =	vmul.f32 $1.442695020e+00, v24;
	v3 =	vadd.f32 v4, v3;
	v28 =	vpop (erf);
	(erf) = vpow2.f32 v29  }
0x112: {  	v63 =	vld [tilespmem:$0x1FD00];
	v4 =	vmul.f32 $1.442695020e+00, v31;
	v1 =	vsel vm3, v2, v1;
	v0 =	vsel vm3, v51, v0  }
0x113: {  	v2 =	vsel vm3, $0x2B, v2;
	v29 =	vmul.f32 $1.442695020e+00, v27;
	v31 =	vsub.f32 v37, v8  }
0x114: {  	v37 =	vsub.f32 v12, v8;
	v51 =	vsub.f32 v56, v8;
	vm4 =	vgt.f32 v58, v0  }
0x115: {  	v24 =	vld [tilespmem:$0x1FDD0];
	v3 =	vadd.f32 v3, v28;
	v32 =	vpop (erf);
	(erf) = vpow2.f32 v6;
	v1 =	vsel vm4, $0x2C, v1  }
0x116: {  	v0 =	vsel vm4, v58, v0;
	v6 =	vmul.f32 $1.442695020e+00, v57;
	v35 =	vmul.f32 $1.442695020e+00, v31  }
0x117: {  	v28 =	vld [tilespmem:$0x1FD10];
	v53 =	vmul.f32 $1.442695020e+00, v51;
	v0 =	vsel vm5, v63, v0;
	v1 =	vsel vm5, v2, v1  }
0x118: {  	v2 =	vsel vm5, $0x2C, v2;
	vm5 =	vmmov vm15;
	v3 =	vadd.f32 v3, v32  }
0x119: {  	v40 =	vld [tilespmem:$0x1FD40];
	v42 =	vpop (erf);
	(erf) = vpow2.f32 v4;
	v4 =	vmul.f32 $1.442695020e+00, v59;
	vm6 =	vgt.f32 v49, v0  }
0x11a: {  	v32 =	vld [tilespmem:$0x1FD20];
	v27 =	vsub.f32 v24, v8;
	v1 =	vsel vm6, $0x2D, v1;
	v3 =	vadd.f32 v3, v42  }
0x11b: {  	v0 =	vsel vm6, v49, v0;
	v47 =	vpop (erf);
	(erf) = vpow2.f32 v44;
	v1 =	vsel vm7, v2, v1  }
0x11c: {  	v2 =	vsel vm7, $0x2D, v2;
	v0 =	vsel vm7, v28, v0;
	v3 =	vadd.f32 v3, v47  }
0x11d: {  	v52 =	vpop (erf);
	(erf) = vpow2.f32 v48;
	vm8 =	vgt.f32 v56, v0;
	v47 =	vsub.f32 v49, v8  }
0x11e: {  	v54 =	vpop (erf);
	(erf) = vpow2.f32 v55;
	v1 =	vsel vm8, $0x2E, v1;
	v0 =	vsel vm8, v56, v0  }
0x11f: {  	v28 =	vld [tilespmem:$0x1FDE0];
	v55 =	vsub.f32 v40, v8;
	v3 =	vadd.f32 v3, v52;
	v0 =	vsel vm9, v32, v0  }
0x120: {  	v44 =	vld [tilespmem:$0x1FD50];
	v1 =	vsel vm9, v2, v1;
	v2 =	vsel vm9, $0x2E, v2;
	v50 =	vmul.f32 $1.442695020e+00, v47  }
0x121: {  	v48 =	vld [tilespmem:$0x1FD60];
	v32 =	vimm.s32 $0x0;
	v61 =	vpop (erf);
	(erf) = vpow2.f32 v6;
	v3 =	vadd.f32 v3, v54  }
0x122: {  	v6 =	vmul.f32 $1.442695020e+00, v37;
	vm10 =	vgt.f32 v40, v0;
	v58 =	vmul.f32 $1.442695020e+00, v55  }
0x123: {  	v16 =	vld [tilespmem:$0x1FDB0];
	v0 =	vsel vm10, v40, v0;
	v1 =	vsel vm10, $0x2F, v1;
	v3 =	vadd.f32 v3, v61  }
0x124: {  	v52 =	vld [tilespmem:$0x1FD70];
	vm1 =	vnez.u8 v28;
	v28 =	vsub.f32 v15, v8;
	v20 =	vpop (erf);
	(erf) = vpow2.f32 v4  }
0x125: {  	v4 =	vmul.f32 $1.442695020e+00, v38;
	v0 =	vsel vm14, v44, v0;
	v3 =	vadd.f32 v3, v20  }
0x126: {  	v1 =	vsel vm14, v2, v1;
	v2 =	vsel vm14, $0x2F, v2;
	v59 =	vsub.f32 v48, v8;
	v22 =	vpop (erf)  }
0x127: {  	v44 =	vld [tilespmem:$0x1FFA0];
	vm11 =	vgt.f32 v48, v0;
	(erf) = vpow2.f32 v23;
	v3 =	vadd.f32 v3, v22  }
0x128: {  	v56 =	vld [tilespmem:$0x1FD80];
	v0 =	vsel vm11, v48, v0;
	v23 =	vsub.f32 v16, v8;
	v1 =	vsel vm11, $0x30, v1;
	v25 =	vpop (erf)  }
0x129: {  	v61 =	vld [tilespmem:$0x1FD90];
	v0 =	vsel vm13, v52, v0;
	(erf) = vpow2.f32 v26;
	v3 =	vadd.f32 v3, v25  }
0x12a: {  	v1 =	vsel vm13, v2, v1;
	v2 =	vsel vm13, $0x30, v2;
	vm7 =	vgt.f32 v41, v0;
	v30 =	vpop (erf)  }
0x12b: {  	v20 =	vld [tilespmem:$0x1FF40];
	v26 =	vmul.f32 $1.442695020e+00, v23;
	(erf) = vpow2.f32 v29;
	v3 =	vadd.f32 v3, v30  }
0x12c: {  	v0 =	vsel vm7, v41, v0;
	vm9 =	vnez.u8 v44;
	v1 =	vsel vm7, $0x31, v1;
	v34 =	vpop (erf)  }
0x12d: {  	v63 =	vld [tilespmem:$0x1FDA0];
	v0 =	vsel vm12, v56, v0;
	(erf) = vpow2.f32 v35;
	v3 =	vadd.f32 v3, v34  }
0x12e: {  	v18 =	vsub.f32 v61, v8;
	v56 =	vimm.s32 $0x0;
	v1 =	vsel vm12, v2, v1;
	v39 =	vpop (erf)  }
0x12f: {  	v23 =	vld [tilespmem:$0x1FEC0];
	vm0 =	vgt.f32 v61, v0;
	(erf) = vpow2.f32 v6;
	v3 =	vadd.f32 v3, v39  }
0x130: {  	v2 =	vsel vm12, $0x31, v2;
	v0 =	vsel vm0, v61, v0;
	vm6 =	vnez.u8 v20;
	v42 =	vpop (erf)  }
0x131: {  	v22 =	vmul.f32 $1.442695020e+00, v18;
	(erf) = vpow2.f32 v4;
	v3 =	vadd.f32 v3, v42  }
0x132: {  	v44 =	vld [tilespmem:$0x1FF40];
	v1 =	vsel vm0, $0x32, v1;
	v0 =	vsel vm15, v63, v0;
	v6 =	vmul.f32 $1.442695020e+00, v59;
	v45 =	vpop (erf)  }
0x133: {  	v19 =	vld [tilespmem:$0x1FDC0];
	v30 =	vmul.f32 $1.442695020e+00, v27;
	(erf) = vpow2.f32 v46;
	v3 =	vadd.f32 v3, v45  }
0x134: {  	v31 =	vld [tilespmem:$0x1FE00];
	vm12 =	vnez.u8 v23;
	v27 =	vsub.f32 v36, v8;
	v1 =	vsel vm5, v2, v1;
	v49 =	vpop (erf)  }
0x135: {  	v29 =	vld [tilespmem:$0x1FDF0];
	vm15 =	vgt.f32 v16, v0;
	(erf) = vpow2.f32 v50;
	v3 =	vadd.f32 v3, v49  }
0x136: {  	v59 =	vld [tilespmem:$0x1FEA0];
	v2 =	vsel vm5, $0x32, v2;
	v0 =	vsel vm15, v16, v0;
	v1 =	vsel vm15, $0x33, v1;
	v54 =	vpop (erf)  }
0x137: {  	v63 =	vld [tilespmem:$0x1FFE0];
	vm15 =	vnez.u8 v44;
	(erf) = vpow2.f32 v53;
	v3 =	vadd.f32 v3, v54  }
0x138: {  	v41 =	vld [tilespmem:$0x1FE40];
	v4 =	vmul.f32 $1.442695020e+00, v62;
	v0 =	vsel vm6, v19, v0;
	v1 =	vsel vm15, v2, v1;
	v57 =	vpop (erf)  }
0x139: {  	v34 =	vld [tilespmem:$0x1FE10];
	vm4 =	vgt.f32 v24, v0;
	(erf) = vpow2.f32 v58;
	v3 =	vadd.f32 v3, v57  }
0x13a: {  	v35 =	vld [tilespmem:$0x1FE20];
	v2 =	vsel vm15, $0x33, v2;
	v46 =	vimm.s32 $0x0;
	v0 =	vsel vm4, v24, v0;
	v14 =	vpop (erf)  }
0x13b: {  	v39 =	vld [tilespmem:$0x1FE30];
	v61 =	vsub.f32 v59, v8;
	(erf) = vpow2.f32 v6;
	v3 =	vadd.f32 v3, v14  }
0x13c: {  	vm13 =	vnez.u8 v63;
	v1 =	vsel vm4, $0x34, v1;
	v0 =	vsel vm1, v29, v0;
	v17 =	vpop (erf)  }
0x13d: {  	vm8 =	vgt.f32 v31, v0;
	(erf) = vpow2.f32 v4;
	v3 =	vadd.f32 v3, v17  }
0x13e: {  	v43 =	vld [tilespmem:$0x1FE50];
	v42 =	vsub.f32 v41, v8;
	vm2 =	vnez.u8 v34;
	v0 =	vsel vm8, v31, v0;
	v21 =	vpop (erf)  }
0x13f: {  	v48 =	vld [tilespmem:$0x1FE60];
	v0 =	vsel vm2, v35, v0;
	(erf) = vpow2.f32 v22;
	v3 =	vadd.f32 v3, v21  }
0x140: {  	v1 =	vsel vm1, v2, v1;
	v2 =	vsel vm1, $0x34, v2;
	vm11 =	vgt.f32 v39, v0;
	v25 =	vpop (erf)  }
0x141: {  	v6 =	vsub.f32 v31, v8;
	(erf) = vpow2.f32 v26;
	v3 =	vadd.f32 v3, v25  }
0x142: {  	v50 =	vld [tilespmem:$0x1FE70];
	v5 =	vsel vm8, $0xFFFFFFFF, v32;
	v40 =	vsub.f32 v39, v8;
	v0 =	vsel vm11, v39, v0;
	v33 =	vpop (erf)  }
0x143: {  	v51 =	vld [tilespmem:$0x1FE80];
	v38 =	vmul.f32 $1.442695020e+00, v6;
	(erf) = vpow2.f32 v30;
	v3 =	vadd.f32 v3, v33  }
0x144: {  	v49 =	vsub.f32 v48, v8;
	v0 =	vsel vm9, v43, v0;
	v54 =	vld [tilespmem:$0x1FE90];
	v6 =	vmul.f32 $1.442695020e+00, v40;
	v37 =	vpop (erf)  }
0x145: {  	v29 =	vld [tilespmem:$0x1FEE0];
	vm3 =	vgt.f32 v41, v0;
	(erf) = vpow2.f32 v38;
	v3 =	vadd.f32 v3, v37  }
0x146: {  	[tilespmem:$0x1FF70] =	vst v5;
	v4 =	vmul.f32 $1.442695020e+00, v42;
	v5 =	vsel vm3, $0xFFFFFFFF, v46;
	v0 =	vsel vm3, v41, v0;
	v45 =	vpop (erf)  }
0x147: {  	v62 =	vld [tilespmem:$0x1FEB0];
	vm3 =	vnez.u8 v50;
	(erf) = vpow2.f32 v6;
	v3 =	vadd.f32 v3, v45  }
0x148: {  	v20 =	vmul.f32 $1.442695020e+00, v61;
	v53 =	vmul.f32 $1.442695020e+00, v49;
	v0 =	vsel vm3, v51, v0;
	v47 =	vpop (erf)  }
0x149: {  	v34 =	vld [tilespmem:$0x1FF00];
	v55 =	vsub.f32 v54, v8;
	(erf) = vpow2.f32 v4;
	v3 =	vadd.f32 v3, v47  }
0x14a: {  	v24 =	vld [tilespmem:$0x1FED0];
	vm7 =	vnez.u8 v29;
	vm10 =	vgt.f32 v48, v0;
	v52 =	vpop (erf);
	(erf) = vpow2.f32 v53  }
0x14b: {  	v0 =	vsel vm10, v48, v0;
	v58 =	vmul.f32 $1.442695020e+00, v55;
	v3 =	vadd.f32 v3, v52  }
0x14c: {  	v39 =	vsub.f32 v7, v8;
	v22 =	vsub.f32 v60, v8;
	v0 =	vsel vm13, v62, v0;
	v57 =	vpop (erf)  }
0x14d: {  	v30 =	vld [tilespmem:$0x1FEF0];
	vm13 =	vgt.f32 v54, v0;
	(erf) = vpow2.f32 v58;
	v3 =	vadd.f32 v3, v57  }
0x14e: {  	vm6 =	vnez.u8 v34;
	v26 =	vmul.f32 $1.442695020e+00, v22;
	v0 =	vsel vm13, v54, v0;
	v21 =	vpop (erf)  }
0x14f: {  	v35 =	vld [tilespmem:$0x1FF10];
	v0 =	vsel vm12, v24, v0;
	(erf) = vpow2.f32 v20;
	v3 =	vadd.f32 v3, v21  }
0x150: {  	v49 =	vld [tilespmem:$0x1FF70];
	v40 =	vmul.f32 $1.442695020e+00, v39;
	vm8 =	vgt.f32 v59, v0;
	v6 =	vmul.f32 $1.442695020e+00, v27;
	v25 =	vpop (erf)  }
0x151: {  	v41 =	vld [tilespmem:$0x1FF20];
	v0 =	vsel vm8, v59, v0;
	(erf) = vpow2.f32 v26;
	v3 =	vadd.f32 v3, v25  }
0x152: {  	v42 =	vld [tilespmem:$0x1FF30];
	v4 =	vmul.f32 $1.442695020e+00, v28;
	v0 =	vsel vm7, v30, v0;
	v33 =	vsub.f32 v9, v8;
	v31 =	vpop (erf)  }
0x153: {  	v46 =	vld [tilespmem:$0x1FF50];
	vm9 =	vgt.f32 v60, v0;
	v32 =	vpop (erf);
	(erf) = vpow2.f32 v6;
	v3 =	vadd.f32 v3, v31  }
0x154: {  	v14 =	vsel vm10, $0xFFFFFFFF, v56;
	v0 =	vsel vm9, v60, v0;
	v38 =	vmul.f32 $1.442695020e+00, v33  }
0x155: {  	v50 =	vld [tilespmem:$0x1FF80];
	v0 =	vsel vm6, v35, v0;
	(erf) = vpow2.f32 v4;
	v3 =	vadd.f32 v3, v32  }
0x156: {  	vm14 =	vnez.u8 v49;
	vm5 =	vnez.u8 v41;
	vm10 =	vgt.f32 v36, v0;
	v47 =	vld [tilespmem:$0x1FF60];
	v37 =	vpop (erf)  }
0x157: {  	v51 =	vld [tilespmem:$0x1FF90];
	v0 =	vsel vm10, v36, v0;
	(erf) = vpow2.f32 v38;
	v3 =	vadd.f32 v3, v37  }
0x158: {  	v56 =	vld [tilespmem:$0x1FFB0];
	v1 =	vsel vm14, $0x35, v1;
	vm15 =	vnez.u8 v46;
	v0 =	vsel vm5, v42, v0;
	v43 =	vpop (erf)  }
0x159: {  	v53 =	vld [tilespmem:$0x1FFA0];
	vm0 =	vgt.f32 v15, v0;
	(erf) = vpow2.f32 v40;
	v3 =	vadd.f32 v3, v43  }
0x15a: {  	[tilespmem:$0x1FFC0] =	vst v5;
	v1 =	vsel vm2, v2, v1;
	v2 =	vsel vm2, $0x35, v2;
	v0 =	vsel vm0, v15, v0;
	v45 =	vpop (erf)  }
0x15b: {  	v55 =	vsub.f32 v8, v8;
	v57 =	vld [tilespmem:$0x1FFC0];
	v0 =	vsel vm15, v47, v0;
	v3 =	vadd.f32 v3, v45  }
0x15c: {  	[tilespmem:$0x1FFD0] =	vst v14;
	vm1 =	vnez.u8 v50;
	v1 =	vsel vm11, $0x36, v1;
	vm4 =	vgt.f32 v9, v0;
	v48 =	vpop (erf)  }
0x15d: {  	v5 =	vmul.f32 $1.442695020e+00, v55;
	v59 =	vld [tilespmem:$0x1FFD0];
	v0 =	vsel vm4, v9, v0;
	v3 =	vadd.f32 v3, v48  }
0x15e: {  	vm11 =	vnez.u8 v56;
	vm14 =	vnez.u8 v53;
	v0 =	vsel vm1, v51, v0;
	v52 =	vpop (erf)  }
0x15f: {  	v60 =	vld [tilespmem:$0x1FFE0];
	v1 =	vsel vm14, v2, v1;
	vm2 =	vgt.f32 v7, v0;
	v3 =	vadd.f32 v3, v52  }
0x160: {  	v2 =	vsel vm14, $0x36, v2;
	vm14 =	vnez.u8 v57;
	v0 =	vsel vm2, v7, v0;
	v54 =	vpop (erf)  }
0x161: {  	v1 =	vsel vm14, $0x37, v1;
	v0 =	vsel vm11, v11, v0;
	v3 =	vadd.f32 v3, v54  }
0x162: {  	vm14 =	vnez.u8 v59;
	(erf) = vpow2.f32 v5;
	v0 =	vsub.f32 v0, v8;
	v58 =	vpop (erf)  }
0x163: {  	v1 =	vsel vm3, v2, v1;
	v2 =	vsel vm3, $0x37, v2;
	v3 =	vadd.f32 v3, v58  }
0x164: {  	v1 =	vsel vm14, $0x38, v1;
	vm14 =	vnez.u8 v60;
	v0 =	vmul.f32 $1.442695020e+00, v0  }
0x165: {  	v1 =	vsel vm14, v2, v1;
	(erf) = vrcp.f32 v3  }
0x166: {  	v2 =	vsel vm14, $0x38, v2;
	v1 =	vsel vm13, $0x39, v1;
	(erf) = vpow2.f32 v0  }
0x167: {  	v0 =	vsel vm12, v2, v1;
	v1 =	vsel vm12, $0x39, v2;
	v2 =	vld [tilespmem:$0x1FFF0]  }
0x168: {  	v0 =	vsel vm8, $0x3A, v0  }
0x169: {  	v0 =	vsel vm7, v1, v0  }
0x16a: {  	v1 =	vsel vm7, $0x3A, v1;
	v0 =	vsel vm9, $0x3B, v0  }
0x16b: {  	v0 =	vsel vm6, v1, v0  }
0x16c: {  	v1 =	vsel vm6, $0x3B, v1;
	v0 =	vsel vm10, $0x3C, v0;
	v2 =	vshll.u32 v2, $0x1  }
0x16d: {  	v3 =	vpop (erf);
	v0 =	vsel vm5, v1, v0;
	v61 =	vor.u32 $0x1, v2  }
0x16e: {  	v1 =	vsel vm5, $0x3C, v1;
	v0 =	vsel vm0, $0x3D, v0;
	v62 =	vpop (erf)  }
0x16f: {  	p0 =	sne.s32 s11, $0x1F0;
	v0 =	vsel vm15, v1, v0;
	v3 =	vmul.f32 v62, v3;
	v63 =	vpop (erf)  }
.Ltmp0:
0x170: {  	v1 =	vsel vm15, $0x3D, v1;
	v0 =	vsel vm4, $0x3E, v0;
	v5 =	vmul.f32 v62, v63;
	(pc) =	sbr.rel @p0 .LBB2_2-.Ltmp0, $4  }
0x171: {  	v0 =	vsel vm1, v1, v0;
	v1 =	vsel vm1, $0x3E, v1;
	[tilespmem:v2+s8+$0x0] =	vst.idx.msk $0xffff, v3  }
0x172: {  	v0 =	vsel vm2, $0x3F, v0;
	v3 =	vsel vm11, $0x3F, v1;
	[tilespmem:v61+s8+$0x0] =	vst.idx.msk $0xffff, v5  }
0x173: {  	v0 =	vsel vm11, v1, v0;
	[tilespmem:v2+s9+$0x0] =	vst.idx.msk $0xffff, v3  }
0x174: {  	s11 =	sadd.s32 $0x10, s11;
	v10 =	vimm.s32 $0x0;
	[tilespmem:v61+s9+$0x0] =	vst.idx.msk $0xffff, v0;
	v0 =	vlaneseq.u32  }
0x175: {  	[hbm4b:s4+s2] =	stream.linear.scatter [tilespmem:s8], [sflag:$0x1], $0x400, $0x38;
	[tilespmem:$0x8800] =	vst v63  }
0x176: {  	s10 =	sadd.s32 $0x1, s10;
	_ =	swait.ge [sflag:s7], $0x400  }
0x177: {  	p0 =	sne.s32 s10, s6;
	[sflag:s7] =	ssyncset.done $0x0  }
.Ltmp1:
0x178: {  	[sflag:s7] =	ssyncadd.s32 $0xFFFFFC00;
	(pc) =	sbr.rel @p0 .LBB2_1-.Ltmp1, $4  }
0x179: {  	[hbm4b:s5+s2] =	stream.linear.scatter [tilespmem:s9], [sflag:$0x1], $0x400, $0x38;
	[tilespmem:$0x8800] =	vst v63  }
0x17a: {  	_ =	swait.ge [sflag:s7], $0x400  }
0x17b: {  	[sflag:s7] =	ssyncset.done $0x0  }
0x17c: {  	[sflag:s7] =	ssyncadd.s32 $0xFFFFFC00  }
0x17d: {  	_ =	sfence.sel $0x180000  }
0x17e: {  	[bflag:$0x0] =	sbarrier.arrive $0xFFFF  }
0x17f: {  	p0 =	sne.s32 s1, $0x0;
	_ =	strace $0x9000004A  }
0x180: {  	s0 =	sadd.s32 @!p0 $0x100000, s0;
	[bflag:$0x2] =	sbarrier.arrive $0xFFFF  }
0x181: {  	[sflag:s0] =	ssyncadd.tile.s32 @!p0 $0x1;
	_ =	shalt  }
.Lfunc_end2:
_tile_overlayer_lowered:
.L_overlay_start_2:
0x182: {  	(tag) =	ssettag $0x2  }
0x183: {  	s0 =	rddreg [dreg:$0x0];
	s2 =	stileid.u32  }
0x184: {  	s1 =	rddreg [dreg:$0x1];
	p0 =	sne.s32 s2, $0x0  }
0x185: {  	s3 =	rddreg [dreg:$0x2];
	[bflag:$0x3] =	sbarrier.arrive $0xFFFF;
	s2 =	simm.s32 @!p0 $0x1C01  }
0x186: {  	[timem:s3], [sflag:s2] =	dma.local @!p0 [hbm:s0], s1  }
0x187: {  	s0 =	simm.s32 @!p0 $0x1  }
0x188: {  	_ =	swait.ge @!p0 [sflag:s0], s1  }
0x189: {  	s1 =	ssub.s32 @!p0 $0x0, s1;
	[sflag:s0] =	ssyncset.done @!p0 $0x0  }
0x18a: {  	[sflag:s0] =	ssyncadd.s32 @!p0 s1  }
0x18b: {  	[bflag:$0x3] =	sbarrier.arrive $0xFFFF  }
0x18c: {  	_ =	shalt  }

</sc_bundles>
